<compile_context>
chip_gen: v7x
topology: tpu7x:2x2x1
jax: 0.10.2.dev20260603
libtpu: 0.0.44.dev20260713+nightly
codegen_flags: <defaults>
</compile_context>

<pallas_src>
import functools

import jax
import jax.numpy as jnp
from jax import lax
from jax.experimental import pallas as pl
from jax.experimental.pallas import tpu as pltpu
from jax.experimental.pallas import tpu_sc as plsc

_B, _T, _D = 4, 4096, 1024
_TOTAL = _B * _T
_NC, _NS = 2, 16
_NW = _NC * _NS
_TW = _T // _NW
_C = 16
_NTC = _TW // _C
_NCHUNK = _NTC * _B
_LANES = 16


def _add_pos(tok_v, pos_v, r0, nr):
    @plsc.parallel_loop(r0, r0 + nr)
    def _rows(r):
        @plsc.parallel_loop(0, _D // _LANES, unroll=8)
        def _vecs(j):
            sl = pl.ds(j * _LANES, _LANES)
            plsc.addupdate(tok_v.at[r, sl], pos_v[r, sl])


_NBUF = 5
_LA = 2


def _emb_body(idx_hbm, tok_hbm, pos_hbm, out_hbm,
              idx_v, tok0, tok1, tok2, tok3, tok4, pos0, pos1,
              sg0, sg1, sg2, sg3, sg4, ss0, ss1, ss2, ss3, ss4, sp0, sp1):
    wid = lax.axis_index("s") * _NC + lax.axis_index("c")
    t_base = wid * _TW

    tok = (tok0, tok1, tok2, tok3, tok4)
    sg = (sg0, sg1, sg2, sg3, sg4)
    ss = (ss0, ss1, ss2, ss3, ss4)
    pos = (pos0, pos1)
    sp = (sp0, sp1)

    pltpu.sync_copy(idx_hbm.at[:, pl.ds(t_base, _TW)], idx_v)

    def start_pos(tc):
        return pltpu.async_copy(
            pos_hbm.at[pl.ds(t_base + tc * _C, _C)], pos[tc % 2], sp[tc % 2])

    def start_gather(g):
        tc, b = g // _B, g % _B
        isl = idx_v.at[b, pl.ds(tc * _C, _C)]
        return pltpu.async_copy(tok_hbm.at[isl], tok[g % _NBUF], sg[g % _NBUF])

    def start_store(g):
        tc, b = g // _B, g % _B
        off = b * _T + t_base + tc * _C
        return pltpu.async_copy(tok[g % _NBUF], out_hbm.at[pl.ds(off, _C)],
                                ss[g % _NBUF])

    gather_d = {}
    store_d = {}
    pos_d = {0: start_pos(0), 1: start_pos(1)}
    for j in range(_LA):
        gather_d[j] = start_gather(j)

    for g in range(_NCHUNK):
        tc, b = g // _B, g % _B
        h = g + _LA
        if h < _NCHUNK:
            if h - _NBUF >= 0:
                for st in store_d[h - _NBUF]:
                    st.wait()
            gather_d[h] = start_gather(h)
        if b == 0:
            pos_d[tc].wait()
        gather_d[g].wait()
        _add_pos(tok[g % _NBUF], pos[tc % 2], 0, _C)
        store_d[g] = (start_store(g),)
        if b == _B - 1 and tc + 2 < _NTC:
            pos_d[tc + 2] = start_pos(tc + 2)

    for g in range(max(0, _NCHUNK - _NBUF), _NCHUNK):
        for st in store_d[g]:
            st.wait()


_emb_kernel = functools.partial(
    pl.kernel,
    out_type=jax.ShapeDtypeStruct((_TOTAL, _D), jnp.float32),
    mesh=plsc.VectorSubcoreMesh(core_axis_name="c", subcore_axis_name="s"),
    scratch_types=[
        pltpu.VMEM((_B, _TW), jnp.int32),
        pltpu.VMEM((_C, _D), jnp.float32),
        pltpu.VMEM((_C, _D), jnp.float32),
        pltpu.VMEM((_C, _D), jnp.float32),
        pltpu.VMEM((_C, _D), jnp.float32),
        pltpu.VMEM((_C, _D), jnp.float32),
        pltpu.VMEM((_C, _D), jnp.float32),
        pltpu.VMEM((_C, _D), jnp.float32),
        pltpu.SemaphoreType.DMA,
        pltpu.SemaphoreType.DMA,
        pltpu.SemaphoreType.DMA,
        pltpu.SemaphoreType.DMA,
        pltpu.SemaphoreType.DMA,
        pltpu.SemaphoreType.DMA,
        pltpu.SemaphoreType.DMA,
        pltpu.SemaphoreType.DMA,
        pltpu.SemaphoreType.DMA,
        pltpu.SemaphoreType.DMA,
        pltpu.SemaphoreType.DMA,
        pltpu.SemaphoreType.DMA,
    ],
)(_emb_body)


@jax.jit
def kernel(idx, tok_table, pos_table):
    out = _emb_kernel(idx.astype(jnp.int32), tok_table, pos_table)
    return out.reshape(_B, _T, _D)

# --- scband reference (transcript-rebuilt; emitter-appended) ---
"""Pipeline reference for scband-starter-node-30940944401030 (READ-ONLY COPY).

The authoritative reference and input builder live on the scoring server;
editing this copy changes nothing except your own understanding.
"""

import jax, jax.numpy as jnp
import numpy as np

VOCAB_SIZE = 50304
N_EMBD = 1024
BLOCK_SIZE = 4096
BATCH = 4
SEQ_LEN = 4096


def setup_inputs(seed: int = 0) -> dict:
    key = jax.random.key(seed)
    k1, k2, k3 = jax.random.split(key, 3)
    idx = jax.random.randint(k1, (BATCH, SEQ_LEN), 0, VOCAB_SIZE, dtype=jnp.int64 if jax.config.jax_enable_x64 else jnp.int32)
    tok_table = jax.random.normal(k2, (VOCAB_SIZE, N_EMBD), dtype=jnp.float32) * 0.02
    pos_table = jax.random.normal(k3, (BLOCK_SIZE, N_EMBD), dtype=jnp.float32) * 0.02
    return {"idx": idx, "tok_table": tok_table, "pos_table": pos_table}


def reference(idx, tok_table, pos_table):
    # StarterNode.forward: tok_emb = token_embedding(idx); pos_emb = position_embedding(arange(t))
    # x = dropout(tok_emb + pos_emb)  (dropout p=0.0 -> identity)
    t = idx.shape[1]
    tok_emb = jnp.take(tok_table, idx, axis=0)          # [B, T, n_embd]
    pos_emb = jnp.take(pos_table, jnp.arange(t), axis=0)  # [T, n_embd]
    x = tok_emb + pos_emb[None, :, :]
    return x

if __name__ == "__main__":
    import jax
    _d = setup_inputs()
    print(jax.jit(kernel)(*tuple(_d.values())))

</pallas_src>

<mosaic_0001>
#map = affine_map<(d0, d1) -> (0, 0)>
module attributes {stable_mosaic.version = 14 : i64} {
  func.func @_emb_body(%arg0: i32, %arg1: i32, %arg2: memref<4x4096xi32, #tpu.memory_space<hbm>>, %arg3: memref<50304x1024xf32, #tpu.memory_space<hbm>>, %arg4: memref<4096x1024xf32, #tpu.memory_space<hbm>>, %arg5: memref<16384x1024xf32, #tpu.memory_space<hbm>>, %arg6: memref<4x128xi32, #tpu.memory_space<vmem>>, %arg7: memref<16x1024xf32, #tpu.memory_space<vmem>>, %arg8: memref<16x1024xf32, #tpu.memory_space<vmem>>, %arg9: memref<16x1024xf32, #tpu.memory_space<vmem>>, %arg10: memref<16x1024xf32, #tpu.memory_space<vmem>>, %arg11: memref<16x1024xf32, #tpu.memory_space<vmem>>, %arg12: memref<16x1024xf32, #tpu.memory_space<vmem>>, %arg13: memref<16x1024xf32, #tpu.memory_space<vmem>>, %arg14: memref<!tpu.dma_semaphore, #tpu.memory_space<semaphore_mem>>, %arg15: memref<!tpu.dma_semaphore, #tpu.memory_space<semaphore_mem>>, %arg16: memref<!tpu.dma_semaphore, #tpu.memory_space<semaphore_mem>>, %arg17: memref<!tpu.dma_semaphore, #tpu.memory_space<semaphore_mem>>, %arg18: memref<!tpu.dma_semaphore, #tpu.memory_space<semaphore_mem>>, %arg19: memref<!tpu.dma_semaphore, #tpu.memory_space<semaphore_mem>>, %arg20: memref<!tpu.dma_semaphore, #tpu.memory_space<semaphore_mem>>, %arg21: memref<!tpu.dma_semaphore, #tpu.memory_space<semaphore_mem>>, %arg22: memref<!tpu.dma_semaphore, #tpu.memory_space<semaphore_mem>>, %arg23: memref<!tpu.dma_semaphore, #tpu.memory_space<semaphore_mem>>, %arg24: memref<!tpu.dma_semaphore, #tpu.memory_space<semaphore_mem>>, %arg25: memref<!tpu.dma_semaphore, #tpu.memory_space<semaphore_mem>>) attributes {dimension_semantics = [#tpu.dimension_semantics<core_parallel>, #tpu.dimension_semantics<subcore_parallel>], iteration_bounds = array<i64: 2, 16>, scalar_prefetch = 0 : i64, scratch_operands = 20 : i64, tpu.core_type = #tpu.core_type<sc_vector_subcore>, window_params = [{transform_indices = #map}, {transform_indices = #map}, {transform_indices = #map}, {transform_indices = #map}]} {
    %mul3A = arith.constant 2 : i32
    %mul3A_0 = arith.muli %arg1, %mul3A : i32
    %add3A = arith.addi %mul3A_0, %arg0 : i32
    %mul3A_1 = arith.constant 128 : i32
    %mul3A_2 = arith.muli %add3A, %mul3A_1 : i32
    "tpu.region"() ({
      %run_scoped3A = tpu.sem_alloc : memref<!tpu.dma_semaphore, #tpu.memory_space<semaphore_mem>>
      %dma_start3A_1008 = arith.constant 0 : i32
      %dma_start3A_1009 = tpu.memref_slice %arg2[%dma_start3A_1008, %mul3A_2] : memref<4x4096xi32, #tpu.memory_space<hbm>> -> memref<4x128xi32, #tpu.memory_space<hbm>>
      %dma_start3A_1010 = arith.constant 0 : i32
      %dma_start3A_1011 = tpu.memref_slice %arg2[%dma_start3A_1010, %mul3A_2] : memref<4x4096xi32, #tpu.memory_space<hbm>> -> memref<4x128xi32, #tpu.memory_space<hbm>>
      tpu.enqueue_dma source(%dma_start3A_1011 : memref<4x128xi32, #tpu.memory_space<hbm>>) target(%arg6 : memref<4x128xi32, #tpu.memory_space<vmem>>) target_semaphore(%run_scoped3A : memref<!tpu.dma_semaphore, #tpu.memory_space<semaphore_mem>>)
      %dma_wait3A_1012 = arith.constant 0 : i32
      %dma_wait3A_1013 = tpu.memref_slice %arg2[%dma_wait3A_1012, %mul3A_2] : memref<4x4096xi32, #tpu.memory_space<hbm>> -> memref<4x128xi32, #tpu.memory_space<hbm>>
      %dma_wait3A_1014 = arith.constant 0 : i32
      %dma_wait3A_1015 = tpu.memref_slice %arg2[%dma_wait3A_1014, %mul3A_2] : memref<4x4096xi32, #tpu.memory_space<hbm>> -> memref<4x128xi32, #tpu.memory_space<hbm>>
      tpu.wait_dma2 semaphore(%run_scoped3A : memref<!tpu.dma_semaphore, #tpu.memory_space<semaphore_mem>>) src(%dma_wait3A_1015 : memref<4x128xi32, #tpu.memory_space<hbm>>) dst(%arg6 : memref<4x128xi32, #tpu.memory_space<vmem>>)
      tpu.yield
    }) : () -> ()
    %add3A_3 = arith.constant 0 : i32
    %add3A_4 = arith.addi %mul3A_2, %add3A_3 : i32
    %dma_start3A = arith.constant 0 : i32
    %dma_start3A_5 = tpu.memref_slice %arg4[%add3A_4, %dma_start3A] : memref<4096x1024xf32, #tpu.memory_space<hbm>> -> memref<16x1024xf32, #tpu.memory_space<hbm>>
    %dma_start3A_6 = arith.constant 0 : i32
    %dma_start3A_7 = tpu.memref_slice %arg4[%add3A_4, %dma_start3A_6] : memref<4096x1024xf32, #tpu.memory_space<hbm>> -> memref<16x1024xf32, #tpu.memory_space<hbm>>
    tpu.enqueue_dma source(%dma_start3A_7 : memref<16x1024xf32, #tpu.memory_space<hbm>>) target(%arg12 : memref<16x1024xf32, #tpu.memory_space<vmem>>) target_semaphore(%arg24 : memref<!tpu.dma_semaphore, #tpu.memory_space<semaphore_mem>>)
    %add3A_8 = arith.constant 16 : i32
    %add3A_9 = arith.addi %mul3A_2, %add3A_8 : i32
    %dma_start3A_10 = arith.constant 0 : i32
    %dma_start3A_11 = tpu.memref_slice %arg4[%add3A_9, %dma_start3A_10] : memref<4096x1024xf32, #tpu.memory_space<hbm>> -> memref<16x1024xf32, #tpu.memory_space<hbm>>
    %dma_start3A_12 = arith.constant 0 : i32
    %dma_start3A_13 = tpu.memref_slice %arg4[%add3A_9, %dma_start3A_12] : memref<4096x1024xf32, #tpu.memory_space<hbm>> -> memref<16x1024xf32, #tpu.memory_space<hbm>>
    tpu.enqueue_dma source(%dma_start3A_13 : memref<16x1024xf32, #tpu.memory_space<hbm>>) target(%arg13 : memref<16x1024xf32, #tpu.memory_space<vmem>>) target_semaphore(%arg25 : memref<!tpu.dma_semaphore, #tpu.memory_space<semaphore_mem>>)
    %dma_start3A_14 = arith.constant 0 : i32
    %dma_start3A_15 = arith.constant 0 : i32
    %dma_start3A_16 = tpu.memref_slice %arg6[%dma_start3A_14, %dma_start3A_15] : memref<4x128xi32, #tpu.memory_space<vmem>> -> memref<1x16xi32, #tpu.memory_space<vmem>>
    %dma_start3A_17 = tpu.memref_squeeze %dma_start3A_16 : memref<1x16xi32, #tpu.memory_space<vmem>> -> memref<16xi32, #tpu.memory_space<vmem>>
    %dma_start3A_18 = arith.constant 0 : i32
    %dma_start3A_19 = arith.constant 0 : i32
    %dma_start3A_20 = tpu.memref_slice %arg3[%dma_start3A_18, %dma_start3A_19] : memref<50304x1024xf32, #tpu.memory_space<hbm>> -> memref<50304x1024xf32, #tpu.memory_space<hbm>>
    tpu.enqueue_indirect_dma source(%dma_start3A_20 : memref<50304x1024xf32, #tpu.memory_space<hbm>>) target(%arg7 : memref<16x1024xf32, #tpu.memory_space<vmem>>) offsets(%dma_start3A_17 : memref<16xi32, #tpu.memory_space<vmem>>) semaphore(%arg14 : memref<!tpu.dma_semaphore, #tpu.memory_space<semaphore_mem>>)
    %dma_start3A_21 = arith.constant 1 : i32
    %dma_start3A_22 = arith.constant 0 : i32
    %dma_start3A_23 = tpu.memref_slice %arg6[%dma_start3A_21, %dma_start3A_22] : memref<4x128xi32, #tpu.memory_space<vmem>> -> memref<1x16xi32, #tpu.memory_space<vmem>>
    %dma_start3A_24 = tpu.memref_squeeze %dma_start3A_23 : memref<1x16xi32, #tpu.memory_space<vmem>> -> memref<16xi32, #tpu.memory_space<vmem>>
    %dma_start3A_25 = arith.constant 0 : i32
    %dma_start3A_26 = arith.constant 0 : i32
    %dma_start3A_27 = tpu.memref_slice %arg3[%dma_start3A_25, %dma_start3A_26] : memref<50304x1024xf32, #tpu.memory_space<hbm>> -> memref<50304x1024xf32, #tpu.memory_space<hbm>>
    tpu.enqueue_indirect_dma source(%dma_start3A_27 : memref<50304x1024xf32, #tpu.memory_space<hbm>>) target(%arg8 : memref<16x1024xf32, #tpu.memory_space<vmem>>) offsets(%dma_start3A_24 : memref<16xi32, #tpu.memory_space<vmem>>) semaphore(%arg15 : memref<!tpu.dma_semaphore, #tpu.memory_space<semaphore_mem>>)
    %dma_start3A_28 = arith.constant 2 : i32
    %dma_start3A_29 = arith.constant 0 : i32
    %dma_start3A_30 = tpu.memref_slice %arg6[%dma_start3A_28, %dma_start3A_29] : memref<4x128xi32, #tpu.memory_space<vmem>> -> memref<1x16xi32, #tpu.memory_space<vmem>>
    %dma_start3A_31 = tpu.memref_squeeze %dma_start3A_30 : memref<1x16xi32, #tpu.memory_space<vmem>> -> memref<16xi32, #tpu.memory_space<vmem>>
    %dma_start3A_32 = arith.constant 0 : i32
    %dma_start3A_33 = arith.constant 0 : i32
    %dma_start3A_34 = tpu.memref_slice %arg3[%dma_start3A_32, %dma_start3A_33] : memref<50304x1024xf32, #tpu.memory_space<hbm>> -> memref<50304x1024xf32, #tpu.memory_space<hbm>>
    tpu.enqueue_indirect_dma source(%dma_start3A_34 : memref<50304x1024xf32, #tpu.memory_space<hbm>>) target(%arg9 : memref<16x1024xf32, #tpu.memory_space<vmem>>) offsets(%dma_start3A_31 : memref<16xi32, #tpu.memory_space<vmem>>) semaphore(%arg16 : memref<!tpu.dma_semaphore, #tpu.memory_space<semaphore_mem>>)
    %dma_wait3A = arith.constant 0 : i32
    %dma_wait3A_35 = tpu.memref_slice %arg4[%add3A_4, %dma_wait3A] : memref<4096x1024xf32, #tpu.memory_space<hbm>> -> memref<16x1024xf32, #tpu.memory_space<hbm>>
    %dma_wait3A_36 = arith.constant 0 : i32
    %dma_wait3A_37 = tpu.memref_slice %arg4[%add3A_4, %dma_wait3A_36] : memref<4096x1024xf32, #tpu.memory_space<hbm>> -> memref<16x1024xf32, #tpu.memory_space<hbm>>
    tpu.wait_dma2 semaphore(%arg24 : memref<!tpu.dma_semaphore, #tpu.memory_space<semaphore_mem>>) src(%dma_wait3A_37 : memref<16x1024xf32, #tpu.memory_space<hbm>>) dst(%arg12 : memref<16x1024xf32, #tpu.memory_space<vmem>>)
    %dma_wait3A_38 = arith.constant 0 : i32
    %dma_wait3A_39 = arith.constant 0 : i32
    %dma_wait3A_40 = tpu.memref_slice %arg6[%dma_wait3A_38, %dma_wait3A_39] : memref<4x128xi32, #tpu.memory_space<vmem>> -> memref<1x16xi32, #tpu.memory_space<vmem>>
    %dma_wait3A_41 = tpu.memref_squeeze %dma_wait3A_40 : memref<1x16xi32, #tpu.memory_space<vmem>> -> memref<16xi32, #tpu.memory_space<vmem>>
    %dma_wait3A_42 = arith.constant 0 : i32
    %dma_wait3A_43 = arith.constant 0 : i32
    %dma_wait3A_44 = tpu.memref_slice %arg3[%dma_wait3A_42, %dma_wait3A_43] : memref<50304x1024xf32, #tpu.memory_space<hbm>> -> memref<50304x1024xf32, #tpu.memory_space<hbm>>
    tpu.wait_indirect_dma semaphore(%arg14 : memref<!tpu.dma_semaphore, #tpu.memory_space<semaphore_mem>>) src(%dma_wait3A_44 : memref<50304x1024xf32, #tpu.memory_space<hbm>>) dst(%arg7 : memref<16x1024xf32, #tpu.memory_space<vmem>>)
    %parallel_loop3A = arith.constant 0 : i32
    %parallel_loop3A_45 = arith.constant 16 : i32
    %parallel_loop3A_46 = arith.constant 1 : i32
    scf.for %parallel_loop3A_1008 = %parallel_loop3A to %parallel_loop3A_45 step %parallel_loop3A_46  : i32 {
      %parallel_loop3A_1009 = arith.constant 0 : i32
      %parallel_loop3A_1010 = arith.constant 64 : i32
      %parallel_loop3A_1011 = arith.constant 1 : i32
      scf.for %parallel_loop3A_1012 = %parallel_loop3A_1009 to %parallel_loop3A_1010 step %parallel_loop3A_1011  : i32 {
        %parallel_loop3A_1013 = arith.constant 16 : i32
        %parallel_loop3A_1014 = arith.muli %parallel_loop3A_1012, %parallel_loop3A_1013 : i32
        %parallel_loop3A_1015 = arith.index_cast %parallel_loop3A_1008 : i32 to index
        %parallel_loop3A_1016 = arith.index_cast %parallel_loop3A_1014 : i32 to index
        %parallel_loop3A_1017 = tpu.vector_load %arg12[%parallel_loop3A_1015, %parallel_loop3A_1016] {strides = array<i32>} : memref<16x1024xf32, #tpu.memory_space<vmem>>, vector<1x16xf32>,
        %parallel_loop3A_1018 = vector.shape_cast %parallel_loop3A_1017 : vector<1x16xf32> to vector<16xf32>
        %parallel_loop3A_1019 = arith.index_cast %parallel_loop3A_1008 : i32 to index
        %parallel_loop3A_1020 = arith.index_cast %parallel_loop3A_1014 : i32 to index
        %parallel_loop3A_1021 = tpu.vector_load %arg7[%parallel_loop3A_1019, %parallel_loop3A_1020] {strides = array<i32>} : memref<16x1024xf32, #tpu.memory_space<vmem>>, vector<1x16xf32>,
        %parallel_loop3A_1022 = vector.shape_cast %parallel_loop3A_1021 : vector<1x16xf32> to vector<16xf32>
        %parallel_loop3A_1023 = vector.shape_cast %parallel_loop3A_1018 : vector<16xf32> to vector<1x16xf32>
        tpu.vector_store %arg7[%parallel_loop3A_1019, %parallel_loop3A_1020], %parallel_loop3A_1023 {add = true, strides = array<i32>} : memref<16x1024xf32, #tpu.memory_space<vmem>>, vector<1x16xf32>,
      } {sc.loop_unroll_factor = 8 : i64, sc.parallel_access}
    } {sc.loop_unroll_factor = 1 : i64, sc.parallel_access}
    %add3A_47 = arith.constant 0 : i32
    %add3A_48 = arith.addi %add3A_47, %mul3A_2 : i32
    %add3A_49 = arith.constant 0 : i32
    %add3A_50 = arith.addi %add3A_48, %add3A_49 : i32
    %dma_start3A_51 = arith.constant 0 : i32
    %dma_start3A_52 = tpu.memref_slice %arg5[%add3A_50, %dma_start3A_51] : memref<16384x1024xf32, #tpu.memory_space<hbm>> -> memref<16x1024xf32, #tpu.memory_space<hbm>>
    %dma_start3A_53 = arith.constant 0 : i32
    %dma_start3A_54 = tpu.memref_slice %arg5[%add3A_50, %dma_start3A_53] : memref<16384x1024xf32, #tpu.memory_space<hbm>> -> memref<16x1024xf32, #tpu.memory_space<hbm>>
    tpu.enqueue_dma source(%arg7 : memref<16x1024xf32, #tpu.memory_space<vmem>>) target(%dma_start3A_54 : memref<16x1024xf32, #tpu.memory_space<hbm>>) target_semaphore(%arg19 : memref<!tpu.dma_semaphore, #tpu.memory_space<semaphore_mem>>)
    %dma_start3A_55 = arith.constant 3 : i32
    %dma_start3A_56 = arith.constant 0 : i32
    %dma_start3A_57 = tpu.memref_slice %arg6[%dma_start3A_55, %dma_start3A_56] : memref<4x128xi32, #tpu.memory_space<vmem>> -> memref<1x16xi32, #tpu.memory_space<vmem>>
    %dma_start3A_58 = tpu.memref_squeeze %dma_start3A_57 : memref<1x16xi32, #tpu.memory_space<vmem>> -> memref<16xi32, #tpu.memory_space<vmem>>
    %dma_start3A_59 = arith.constant 0 : i32
    %dma_start3A_60 = arith.constant 0 : i32
    %dma_start3A_61 = tpu.memref_slice %arg3[%dma_start3A_59, %dma_start3A_60] : memref<50304x1024xf32, #tpu.memory_space<hbm>> -> memref<50304x1024xf32, #tpu.memory_space<hbm>>
    tpu.enqueue_indirect_dma source(%dma_start3A_61 : memref<50304x1024xf32, #tpu.memory_space<hbm>>) target(%arg10 : memref<16x1024xf32, #tpu.memory_space<vmem>>) offsets(%dma_start3A_58 : memref<16xi32, #tpu.memory_space<vmem>>) semaphore(%arg17 : memref<!tpu.dma_semaphore, #tpu.memory_space<semaphore_mem>>)
    %dma_wait3A_62 = arith.constant 1 : i32
    %dma_wait3A_63 = arith.constant 0 : i32
    %dma_wait3A_64 = tpu.memref_slice %arg6[%dma_wait3A_62, %dma_wait3A_63] : memref<4x128xi32, #tpu.memory_space<vmem>> -> memref<1x16xi32, #tpu.memory_space<vmem>>
    %dma_wait3A_65 = tpu.memref_squeeze %dma_wait3A_64 : memref<1x16xi32, #tpu.memory_space<vmem>> -> memref<16xi32, #tpu.memory_space<vmem>>
    %dma_wait3A_66 = arith.constant 0 : i32
    %dma_wait3A_67 = arith.constant 0 : i32
    %dma_wait3A_68 = tpu.memref_slice %arg3[%dma_wait3A_66, %dma_wait3A_67] : memref<50304x1024xf32, #tpu.memory_space<hbm>> -> memref<50304x1024xf32, #tpu.memory_space<hbm>>
    tpu.wait_indirect_dma semaphore(%arg15 : memref<!tpu.dma_semaphore, #tpu.memory_space<semaphore_mem>>) src(%dma_wait3A_68 : memref<50304x1024xf32, #tpu.memory_space<hbm>>) dst(%arg8 : memref<16x1024xf32, #tpu.memory_space<vmem>>)
    %parallel_loop3A_69 = arith.constant 0 : i32
    %parallel_loop3A_70 = arith.constant 16 : i32
    %parallel_loop3A_71 = arith.constant 1 : i32
    scf.for %parallel_loop3A_1008 = %parallel_loop3A_69 to %parallel_loop3A_70 step %parallel_loop3A_71  : i32 {
      %parallel_loop3A_1009 = arith.constant 0 : i32
      %parallel_loop3A_1010 = arith.constant 64 : i32
      %parallel_loop3A_1011 = arith.constant 1 : i32
      scf.for %parallel_loop3A_1012 = %parallel_loop3A_1009 to %parallel_loop3A_1010 step %parallel_loop3A_1011  : i32 {
        %parallel_loop3A_1013 = arith.constant 16 : i32
        %parallel_loop3A_1014 = arith.muli %parallel_loop3A_1012, %parallel_loop3A_1013 : i32
        %parallel_loop3A_1015 = arith.index_cast %parallel_loop3A_1008 : i32 to index
        %parallel_loop3A_1016 = arith.index_cast %parallel_loop3A_1014 : i32 to index
        %parallel_loop3A_1017 = tpu.vector_load %arg12[%parallel_loop3A_1015, %parallel_loop3A_1016] {strides = array<i32>} : memref<16x1024xf32, #tpu.memory_space<vmem>>, vector<1x16xf32>,
        %parallel_loop3A_1018 = vector.shape_cast %parallel_loop3A_1017 : vector<1x16xf32> to vector<16xf32>
        %parallel_loop3A_1019 = arith.index_cast %parallel_loop3A_1008 : i32 to index
        %parallel_loop3A_1020 = arith.index_cast %parallel_loop3A_1014 : i32 to index
        %parallel_loop3A_1021 = tpu.vector_load %arg8[%parallel_loop3A_1019, %parallel_loop3A_1020] {strides = array<i32>} : memref<16x1024xf32, #tpu.memory_space<vmem>>, vector<1x16xf32>,
        %parallel_loop3A_1022 = vector.shape_cast %parallel_loop3A_1021 : vector<1x16xf32> to vector<16xf32>
        %parallel_loop3A_1023 = vector.shape_cast %parallel_loop3A_1018 : vector<16xf32> to vector<1x16xf32>
        tpu.vector_store %arg8[%parallel_loop3A_1019, %parallel_loop3A_1020], %parallel_loop3A_1023 {add = true, strides = array<i32>} : memref<16x1024xf32, #tpu.memory_space<vmem>>, vector<1x16xf32>,
      } {sc.loop_unroll_factor = 8 : i64, sc.parallel_access}
    } {sc.loop_unroll_factor = 1 : i64, sc.parallel_access}
    %add3A_72 = arith.constant 4096 : i32
    %add3A_73 = arith.addi %add3A_72, %mul3A_2 : i32
    %add3A_74 = arith.constant 0 : i32
    %add3A_75 = arith.addi %add3A_73, %add3A_74 : i32
    %dma_start3A_76 = arith.constant 0 : i32
    %dma_start3A_77 = tpu.memref_slice %arg5[%add3A_75, %dma_start3A_76] : memref<16384x1024xf32, #tpu.memory_space<hbm>> -> memref<16x1024xf32, #tpu.memory_space<hbm>>
    %dma_start3A_78 = arith.constant 0 : i32
    %dma_start3A_79 = tpu.memref_slice %arg5[%add3A_75, %dma_start3A_78] : memref<16384x1024xf32, #tpu.memory_space<hbm>> -> memref<16x1024xf32, #tpu.memory_space<hbm>>
    tpu.enqueue_dma source(%arg8 : memref<16x1024xf32, #tpu.memory_space<vmem>>) target(%dma_start3A_79 : memref<16x1024xf32, #tpu.memory_space<hbm>>) target_semaphore(%arg20 : memref<!tpu.dma_semaphore, #tpu.memory_space<semaphore_mem>>)
    %dma_start3A_80 = arith.constant 0 : i32
    %dma_start3A_81 = arith.constant 16 : i32
    %dma_start3A_82 = tpu.memref_slice %arg6[%dma_start3A_80, %dma_start3A_81] : memref<4x128xi32, #tpu.memory_space<vmem>> -> memref<1x16xi32, #tpu.memory_space<vmem>>
    %dma_start3A_83 = tpu.memref_squeeze %dma_start3A_82 : memref<1x16xi32, #tpu.memory_space<vmem>> -> memref<16xi32, #tpu.memory_space<vmem>>
    %dma_start3A_84 = arith.constant 0 : i32
    %dma_start3A_85 = arith.constant 0 : i32
    %dma_start3A_86 = tpu.memref_slice %arg3[%dma_start3A_84, %dma_start3A_85] : memref<50304x1024xf32, #tpu.memory_space<hbm>> -> memref<50304x1024xf32, #tpu.memory_space<hbm>>
    tpu.enqueue_indirect_dma source(%dma_start3A_86 : memref<50304x1024xf32, #tpu.memory_space<hbm>>) target(%arg11 : memref<16x1024xf32, #tpu.memory_space<vmem>>) offsets(%dma_start3A_83 : memref<16xi32, #tpu.memory_space<vmem>>) semaphore(%arg18 : memref<!tpu.dma_semaphore, #tpu.memory_space<semaphore_mem>>)
    %dma_wait3A_87 = arith.constant 2 : i32
    %dma_wait3A_88 = arith.constant 0 : i32
    %dma_wait3A_89 = tpu.memref_slice %arg6[%dma_wait3A_87, %dma_wait3A_88] : memref<4x128xi32, #tpu.memory_space<vmem>> -> memref<1x16xi32, #tpu.memory_space<vmem>>
    %dma_wait3A_90 = tpu.memref_squeeze %dma_wait3A_89 : memref<1x16xi32, #tpu.memory_space<vmem>> -> memref<16xi32, #tpu.memory_space<vmem>>
    %dma_wait3A_91 = arith.constant 0 : i32
    %dma_wait3A_92 = arith.constant 0 : i32
    %dma_wait3A_93 = tpu.memref_slice %arg3[%dma_wait3A_91, %dma_wait3A_92] : memref<50304x1024xf32, #tpu.memory_space<hbm>> -> memref<50304x1024xf32, #tpu.memory_space<hbm>>
    tpu.wait_indirect_dma semaphore(%arg16 : memref<!tpu.dma_semaphore, #tpu.memory_space<semaphore_mem>>) src(%dma_wait3A_93 : memref<50304x1024xf32, #tpu.memory_space<hbm>>) dst(%arg9 : memref<16x1024xf32, #tpu.memory_space<vmem>>)
    %parallel_loop3A_94 = arith.constant 0 : i32
    %parallel_loop3A_95 = arith.constant 16 : i32
    %parallel_loop3A_96 = arith.constant 1 : i32
    scf.for %parallel_loop3A_1008 = %parallel_loop3A_94 to %parallel_loop3A_95 step %parallel_loop3A_96  : i32 {
      %parallel_loop3A_1009 = arith.constant 0 : i32
      %parallel_loop3A_1010 = arith.constant 64 : i32
      %parallel_loop3A_1011 = arith.constant 1 : i32
      scf.for %parallel_loop3A_1012 = %parallel_loop3A_1009 to %parallel_loop3A_1010 step %parallel_loop3A_1011  : i32 {
        %parallel_loop3A_1013 = arith.constant 16 : i32
        %parallel_loop3A_1014 = arith.muli %parallel_loop3A_1012, %parallel_loop3A_1013 : i32
        %parallel_loop3A_1015 = arith.index_cast %parallel_loop3A_1008 : i32 to index
        %parallel_loop3A_1016 = arith.index_cast %parallel_loop3A_1014 : i32 to index
        %parallel_loop3A_1017 = tpu.vector_load %arg12[%parallel_loop3A_1015, %parallel_loop3A_1016] {strides = array<i32>} : memref<16x1024xf32, #tpu.memory_space<vmem>>, vector<1x16xf32>,
        %parallel_loop3A_1018 = vector.shape_cast %parallel_loop3A_1017 : vector<1x16xf32> to vector<16xf32>
        %parallel_loop3A_1019 = arith.index_cast %parallel_loop3A_1008 : i32 to index
        %parallel_loop3A_1020 = arith.index_cast %parallel_loop3A_1014 : i32 to index
        %parallel_loop3A_1021 = tpu.vector_load %arg9[%parallel_loop3A_1019, %parallel_loop3A_1020] {strides = array<i32>} : memref<16x1024xf32, #tpu.memory_space<vmem>>, vector<1x16xf32>,
        %parallel_loop3A_1022 = vector.shape_cast %parallel_loop3A_1021 : vector<1x16xf32> to vector<16xf32>
        %parallel_loop3A_1023 = vector.shape_cast %parallel_loop3A_1018 : vector<16xf32> to vector<1x16xf32>
        tpu.vector_store %arg9[%parallel_loop3A_1019, %parallel_loop3A_1020], %parallel_loop3A_1023 {add = true, strides = array<i32>} : memref<16x1024xf32, #tpu.memory_space<vmem>>, vector<1x16xf32>,
      } {sc.loop_unroll_factor = 8 : i64, sc.parallel_access}
    } {sc.loop_unroll_factor = 1 : i64, sc.parallel_access}
    %add3A_97 = arith.constant 8192 : i32
    %add3A_98 = arith.addi %add3A_97, %mul3A_2 : i32
    %add3A_99 = arith.constant 0 : i32
    %add3A_100 = arith.addi %add3A_98, %add3A_99 : i32
    %dma_start3A_101 = arith.constant 0 : i32
    %dma_start3A_102 = tpu.memref_slice %arg5[%add3A_100, %dma_start3A_101] : memref<16384x1024xf32, #tpu.memory_space<hbm>> -> memref<16x1024xf32, #tpu.memory_space<hbm>>
    %dma_start3A_103 = arith.constant 0 : i32
    %dma_start3A_104 = tpu.memref_slice %arg5[%add3A_100, %dma_start3A_103] : memref<16384x1024xf32, #tpu.memory_space<hbm>> -> memref<16x1024xf32, #tpu.memory_space<hbm>>
    tpu.enqueue_dma source(%arg9 : memref<16x1024xf32, #tpu.memory_space<vmem>>) target(%dma_start3A_104 : memref<16x1024xf32, #tpu.memory_space<hbm>>) target_semaphore(%arg21 : memref<!tpu.dma_semaphore, #tpu.memory_space<semaphore_mem>>)
    %dma_wait3A_105 = arith.constant 0 : i32
    %dma_wait3A_106 = tpu.memref_slice %arg5[%add3A_50, %dma_wait3A_105] : memref<16384x1024xf32, #tpu.memory_space<hbm>> -> memref<16x1024xf32, #tpu.memory_space<hbm>>
    %dma_wait3A_107 = arith.constant 0 : i32
    %dma_wait3A_108 = tpu.memref_slice %arg5[%add3A_50, %dma_wait3A_107] : memref<16384x1024xf32, #tpu.memory_space<hbm>> -> memref<16x1024xf32, #tpu.memory_space<hbm>>
    tpu.wait_dma2 semaphore(%arg19 : memref<!tpu.dma_semaphore, #tpu.memory_space<semaphore_mem>>) src(%arg7 : memref<16x1024xf32, #tpu.memory_space<vmem>>) dst(%dma_wait3A_108 : memref<16x1024xf32, #tpu.memory_space<hbm>>)
    %dma_start3A_109 = arith.constant 1 : i32
    %dma_start3A_110 = arith.constant 16 : i32
    %dma_start3A_111 = tpu.memref_slice %arg6[%dma_start3A_109, %dma_start3A_110] : memref<4x128xi32, #tpu.memory_space<vmem>> -> memref<1x16xi32, #tpu.memory_space<vmem>>
    %dma_start3A_112 = tpu.memref_squeeze %dma_start3A_111 : memref<1x16xi32, #tpu.memory_space<vmem>> -> memref<16xi32, #tpu.memory_space<vmem>>
    %dma_start3A_113 = arith.constant 0 : i32
    %dma_start3A_114 = arith.constant 0 : i32
    %dma_start3A_115 = tpu.memref_slice %arg3[%dma_start3A_113, %dma_start3A_114] : memref<50304x1024xf32, #tpu.memory_space<hbm>> -> memref<50304x1024xf32, #tpu.memory_space<hbm>>
    tpu.enqueue_indirect_dma source(%dma_start3A_115 : memref<50304x1024xf32, #tpu.memory_space<hbm>>) target(%arg7 : memref<16x1024xf32, #tpu.memory_space<vmem>>) offsets(%dma_start3A_112 : memref<16xi32, #tpu.memory_space<vmem>>) semaphore(%arg14 : memref<!tpu.dma_semaphore, #tpu.memory_space<semaphore_mem>>)
    %dma_wait3A_116 = arith.constant 3 : i32
    %dma_wait3A_117 = arith.constant 0 : i32
    %dma_wait3A_118 = tpu.memref_slice %arg6[%dma_wait3A_116, %dma_wait3A_117] : memref<4x128xi32, #tpu.memory_space<vmem>> -> memref<1x16xi32, #tpu.memory_space<vmem>>
    %dma_wait3A_119 = tpu.memref_squeeze %dma_wait3A_118 : memref<1x16xi32, #tpu.memory_space<vmem>> -> memref<16xi32, #tpu.memory_space<vmem>>
    %dma_wait3A_120 = arith.constant 0 : i32
    %dma_wait3A_121 = arith.constant 0 : i32
    %dma_wait3A_122 = tpu.memref_slice %arg3[%dma_wait3A_120, %dma_wait3A_121] : memref<50304x1024xf32, #tpu.memory_space<hbm>> -> memref<50304x1024xf32, #tpu.memory_space<hbm>>
    tpu.wait_indirect_dma semaphore(%arg17 : memref<!tpu.dma_semaphore, #tpu.memory_space<semaphore_mem>>) src(%dma_wait3A_122 : memref<50304x1024xf32, #tpu.memory_space<hbm>>) dst(%arg10 : memref<16x1024xf32, #tpu.memory_space<vmem>>)
    %parallel_loop3A_123 = arith.constant 0 : i32
    %parallel_loop3A_124 = arith.constant 16 : i32
    %parallel_loop3A_125 = arith.constant 1 : i32
    scf.for %parallel_loop3A_1008 = %parallel_loop3A_123 to %parallel_loop3A_124 step %parallel_loop3A_125  : i32 {
      %parallel_loop3A_1009 = arith.constant 0 : i32
      %parallel_loop3A_1010 = arith.constant 64 : i32
      %parallel_loop3A_1011 = arith.constant 1 : i32
      scf.for %parallel_loop3A_1012 = %parallel_loop3A_1009 to %parallel_loop3A_1010 step %parallel_loop3A_1011  : i32 {
        %parallel_loop3A_1013 = arith.constant 16 : i32
        %parallel_loop3A_1014 = arith.muli %parallel_loop3A_1012, %parallel_loop3A_1013 : i32
        %parallel_loop3A_1015 = arith.index_cast %parallel_loop3A_1008 : i32 to index
        %parallel_loop3A_1016 = arith.index_cast %parallel_loop3A_1014 : i32 to index
        %parallel_loop3A_1017 = tpu.vector_load %arg12[%parallel_loop3A_1015, %parallel_loop3A_1016] {strides = array<i32>} : memref<16x1024xf32, #tpu.memory_space<vmem>>, vector<1x16xf32>,
        %parallel_loop3A_1018 = vector.shape_cast %parallel_loop3A_1017 : vector<1x16xf32> to vector<16xf32>
        %parallel_loop3A_1019 = arith.index_cast %parallel_loop3A_1008 : i32 to index
        %parallel_loop3A_1020 = arith.index_cast %parallel_loop3A_1014 : i32 to index
        %parallel_loop3A_1021 = tpu.vector_load %arg10[%parallel_loop3A_1019, %parallel_loop3A_1020] {strides = array<i32>} : memref<16x1024xf32, #tpu.memory_space<vmem>>, vector<1x16xf32>,
        %parallel_loop3A_1022 = vector.shape_cast %parallel_loop3A_1021 : vector<1x16xf32> to vector<16xf32>
        %parallel_loop3A_1023 = vector.shape_cast %parallel_loop3A_1018 : vector<16xf32> to vector<1x16xf32>
        tpu.vector_store %arg10[%parallel_loop3A_1019, %parallel_loop3A_1020], %parallel_loop3A_1023 {add = true, strides = array<i32>} : memref<16x1024xf32, #tpu.memory_space<vmem>>, vector<1x16xf32>,
      } {sc.loop_unroll_factor = 8 : i64, sc.parallel_access}
    } {sc.loop_unroll_factor = 1 : i64, sc.parallel_access}
    %add3A_126 = arith.constant 12288 : i32
    %add3A_127 = arith.addi %add3A_126, %mul3A_2 : i32
    %add3A_128 = arith.constant 0 : i32
    %add3A_129 = arith.addi %add3A_127, %add3A_128 : i32
    %dma_start3A_130 = arith.constant 0 : i32
    %dma_start3A_131 = tpu.memref_slice %arg5[%add3A_129, %dma_start3A_130] : memref<16384x1024xf32, #tpu.memory_space<hbm>> -> memref<16x1024xf32, #tpu.memory_space<hbm>>
    %dma_start3A_132 = arith.constant 0 : i32
    %dma_start3A_133 = tpu.memref_slice %arg5[%add3A_129, %dma_start3A_132] : memref<16384x1024xf32, #tpu.memory_space<hbm>> -> memref<16x1024xf32, #tpu.memory_space<hbm>>
    tpu.enqueue_dma source(%arg10 : memref<16x1024xf32, #tpu.memory_space<vmem>>) target(%dma_start3A_133 : memref<16x1024xf32, #tpu.memory_space<hbm>>) target_semaphore(%arg22 : memref<!tpu.dma_semaphore, #tpu.memory_space<semaphore_mem>>)
    %add3A_134 = arith.constant 32 : i32
    %add3A_135 = arith.addi %mul3A_2, %add3A_134 : i32
    %dma_start3A_136 = arith.constant 0 : i32
    %dma_start3A_137 = tpu.memref_slice %arg4[%add3A_135, %dma_start3A_136] : memref<4096x1024xf32, #tpu.memory_space<hbm>> -> memref<16x1024xf32, #tpu.memory_space<hbm>>
    %dma_start3A_138 = arith.constant 0 : i32
    %dma_start3A_139 = tpu.memref_slice %arg4[%add3A_135, %dma_start3A_138] : memref<4096x1024xf32, #tpu.memory_space<hbm>> -> memref<16x1024xf32, #tpu.memory_space<hbm>>
    tpu.enqueue_dma source(%dma_start3A_139 : memref<16x1024xf32, #tpu.memory_space<hbm>>) target(%arg12 : memref<16x1024xf32, #tpu.memory_space<vmem>>) target_semaphore(%arg24 : memref<!tpu.dma_semaphore, #tpu.memory_space<semaphore_mem>>)
    %dma_wait3A_140 = arith.constant 0 : i32
    %dma_wait3A_141 = tpu.memref_slice %arg5[%add3A_75, %dma_wait3A_140] : memref<16384x1024xf32, #tpu.memory_space<hbm>> -> memref<16x1024xf32, #tpu.memory_space<hbm>>
    %dma_wait3A_142 = arith.constant 0 : i32
    %dma_wait3A_143 = tpu.memref_slice %arg5[%add3A_75, %dma_wait3A_142] : memref<16384x1024xf32, #tpu.memory_space<hbm>> -> memref<16x1024xf32, #tpu.memory_space<hbm>>
    tpu.wait_dma2 semaphore(%arg20 : memref<!tpu.dma_semaphore, #tpu.memory_space<semaphore_mem>>) src(%arg8 : memref<16x1024xf32, #tpu.memory_space<vmem>>) dst(%dma_wait3A_143 : memref<16x1024xf32, #tpu.memory_space<hbm>>)
    %dma_start3A_144 = arith.constant 2 : i32
    %dma_start3A_145 = arith.constant 16 : i32
    %dma_start3A_146 = tpu.memref_slice %arg6[%dma_start3A_144, %dma_start3A_145] : memref<4x128xi32, #tpu.memory_space<vmem>> -> memref<1x16xi32, #tpu.memory_space<vmem>>
    %dma_start3A_147 = tpu.memref_squeeze %dma_start3A_146 : memref<1x16xi32, #tpu.memory_space<vmem>> -> memref<16xi32, #tpu.memory_space<vmem>>
    %dma_start3A_148 = arith.constant 0 : i32
    %dma_start3A_149 = arith.constant 0 : i32
    %dma_start3A_150 = tpu.memref_slice %arg3[%dma_start3A_148, %dma_start3A_149] : memref<50304x1024xf32, #tpu.memory_space<hbm>> -> memref<50304x1024xf32, #tpu.memory_space<hbm>>
    tpu.enqueue_indirect_dma source(%dma_start3A_150 : memref<50304x1024xf32, #tpu.memory_space<hbm>>) target(%arg8 : memref<16x1024xf32, #tpu.memory_space<vmem>>) offsets(%dma_start3A_147 : memref<16xi32, #tpu.memory_space<vmem>>) semaphore(%arg15 : memref<!tpu.dma_semaphore, #tpu.memory_space<semaphore_mem>>)
    %dma_wait3A_151 = arith.constant 0 : i32
    %dma_wait3A_152 = tpu.memref_slice %arg4[%add3A_9, %dma_wait3A_151] : memref<4096x1024xf32, #tpu.memory_space<hbm>> -> memref<16x1024xf32, #tpu.memory_space<hbm>>
    %dma_wait3A_153 = arith.constant 0 : i32
    %dma_wait3A_154 = tpu.memref_slice %arg4[%add3A_9, %dma_wait3A_153] : memref<4096x1024xf32, #tpu.memory_space<hbm>> -> memref<16x1024xf32, #tpu.memory_space<hbm>>
    tpu.wait_dma2 semaphore(%arg25 : memref<!tpu.dma_semaphore, #tpu.memory_space<semaphore_mem>>) src(%dma_wait3A_154 : memref<16x1024xf32, #tpu.memory_space<hbm>>) dst(%arg13 : memref<16x1024xf32, #tpu.memory_space<vmem>>)
    %dma_wait3A_155 = arith.constant 0 : i32
    %dma_wait3A_156 = arith.constant 16 : i32
    %dma_wait3A_157 = tpu.memref_slice %arg6[%dma_wait3A_155, %dma_wait3A_156] : memref<4x128xi32, #tpu.memory_space<vmem>> -> memref<1x16xi32, #tpu.memory_space<vmem>>
    %dma_wait3A_158 = tpu.memref_squeeze %dma_wait3A_157 : memref<1x16xi32, #tpu.memory_space<vmem>> -> memref<16xi32, #tpu.memory_space<vmem>>
    %dma_wait3A_159 = arith.constant 0 : i32
    %dma_wait3A_160 = arith.constant 0 : i32
    %dma_wait3A_161 = tpu.memref_slice %arg3[%dma_wait3A_159, %dma_wait3A_160] : memref<50304x1024xf32, #tpu.memory_space<hbm>> -> memref<50304x1024xf32, #tpu.memory_space<hbm>>
    tpu.wait_indirect_dma semaphore(%arg18 : memref<!tpu.dma_semaphore, #tpu.memory_space<semaphore_mem>>) src(%dma_wait3A_161 : memref<50304x1024xf32, #tpu.memory_space<hbm>>) dst(%arg11 : memref<16x1024xf32, #tpu.memory_space<vmem>>)
    %parallel_loop3A_162 = arith.constant 0 : i32
    %parallel_loop3A_163 = arith.constant 16 : i32
    %parallel_loop3A_164 = arith.constant 1 : i32
    scf.for %parallel_loop3A_1008 = %parallel_loop3A_162 to %parallel_loop3A_163 step %parallel_loop3A_164  : i32 {
      %parallel_loop3A_1009 = arith.constant 0 : i32
      %parallel_loop3A_1010 = arith.constant 64 : i32
      %parallel_loop3A_1011 = arith.constant 1 : i32
      scf.for %parallel_loop3A_1012 = %parallel_loop3A_1009 to %parallel_loop3A_1010 step %parallel_loop3A_1011  : i32 {
        %parallel_loop3A_1013 = arith.constant 16 : i32
        %parallel_loop3A_1014 = arith.muli %parallel_loop3A_1012, %parallel_loop3A_1013 : i32
        %parallel_loop3A_1015 = arith.index_cast %parallel_loop3A_1008 : i32 to index
        %parallel_loop3A_1016 = arith.index_cast %parallel_loop3A_1014 : i32 to index
        %parallel_loop3A_1017 = tpu.vector_load %arg13[%parallel_loop3A_1015, %parallel_loop3A_1016] {strides = array<i32>} : memref<16x1024xf32, #tpu.memory_space<vmem>>, vector<1x16xf32>,
        %parallel_loop3A_1018 = vector.shape_cast %parallel_loop3A_1017 : vector<1x16xf32> to vector<16xf32>
        %parallel_loop3A_1019 = arith.index_cast %parallel_loop3A_1008 : i32 to index
        %parallel_loop3A_1020 = arith.index_cast %parallel_loop3A_1014 : i32 to index
        %parallel_loop3A_1021 = tpu.vector_load %arg11[%parallel_loop3A_1019, %parallel_loop3A_1020] {strides = array<i32>} : memref<16x1024xf32, #tpu.memory_space<vmem>>, vector<1x16xf32>,
        %parallel_loop3A_1022 = vector.shape_cast %parallel_loop3A_1021 : vector<1x16xf32> to vector<16xf32>
        %parallel_loop3A_1023 = vector.shape_cast %parallel_loop3A_1018 : vector<16xf32> to vector<1x16xf32>
        tpu.vector_store %arg11[%parallel_loop3A_1019, %parallel_loop3A_1020], %parallel_loop3A_1023 {add = true, strides = array<i32>} : memref<16x1024xf32, #tpu.memory_space<vmem>>, vector<1x16xf32>,
      } {sc.loop_unroll_factor = 8 : i64, sc.parallel_access}
    } {sc.loop_unroll_factor = 1 : i64, sc.parallel_access}
    %add3A_165 = arith.constant 0 : i32
    %add3A_166 = arith.addi %add3A_165, %mul3A_2 : i32
    %add3A_167 = arith.constant 16 : i32
    %add3A_168 = arith.addi %add3A_166, %add3A_167 : i32
    %dma_start3A_169 = arith.constant 0 : i32
    %dma_start3A_170 = tpu.memref_slice %arg5[%add3A_168, %dma_start3A_169] : memref<16384x1024xf32, #tpu.memory_space<hbm>> -> memref<16x1024xf32, #tpu.memory_space<hbm>>
    %dma_start3A_171 = arith.constant 0 : i32
    %dma_start3A_172 = tpu.memref_slice %arg5[%add3A_168, %dma_start3A_171] : memref<16384x1024xf32, #tpu.memory_space<hbm>> -> memref<16x1024xf32, #tpu.memory_space<hbm>>
    tpu.enqueue_dma source(%arg11 : memref<16x1024xf32, #tpu.memory_space<vmem>>) target(%dma_start3A_172 : memref<16x1024xf32, #tpu.memory_space<hbm>>) target_semaphore(%arg23 : memref<!tpu.dma_semaphore, #tpu.memory_space<semaphore_mem>>)
    %dma_wait3A_173 = arith.constant 0 : i32
    %dma_wait3A_174 = tpu.memref_slice %arg5[%add3A_100, %dma_wait3A_173] : memref<16384x1024xf32, #tpu.memory_space<hbm>> -> memref<16x1024xf32, #tpu.memory_space<hbm>>
    %dma_wait3A_175 = arith.constant 0 : i32
    %dma_wait3A_176 = tpu.memref_slice %arg5[%add3A_100, %dma_wait3A_175] : memref<16384x1024xf32, #tpu.memory_space<hbm>> -> memref<16x1024xf32, #tpu.memory_space<hbm>>
    tpu.wait_dma2 semaphore(%arg21 : memref<!tpu.dma_semaphore, #tpu.memory_space<semaphore_mem>>) src(%arg9 : memref<16x1024xf32, #tpu.memory_space<vmem>>) dst(%dma_wait3A_176 : memref<16x1024xf32, #tpu.memory_space<hbm>>)
    %dma_start3A_177 = arith.constant 3 : i32
    %dma_start3A_178 = arith.constant 16 : i32
    %dma_start3A_179 = tpu.memref_slice %arg6[%dma_start3A_177, %dma_start3A_178] : memref<4x128xi32, #tpu.memory_space<vmem>> -> memref<1x16xi32, #tpu.memory_space<vmem>>
    %dma_start3A_180 = tpu.memref_squeeze %dma_start3A_179 : memref<1x16xi32, #tpu.memory_space<vmem>> -> memref<16xi32, #tpu.memory_space<vmem>>
    %dma_start3A_181 = arith.constant 0 : i32
    %dma_start3A_182 = arith.constant 0 : i32
    %dma_start3A_183 = tpu.memref_slice %arg3[%dma_start3A_181, %dma_start3A_182] : memref<50304x1024xf32, #tpu.memory_space<hbm>> -> memref<50304x1024xf32, #tpu.memory_space<hbm>>
    tpu.enqueue_indirect_dma source(%dma_start3A_183 : memref<50304x1024xf32, #tpu.memory_space<hbm>>) target(%arg9 : memref<16x1024xf32, #tpu.memory_space<vmem>>) offsets(%dma_start3A_180 : memref<16xi32, #tpu.memory_space<vmem>>) semaphore(%arg16 : memref<!tpu.dma_semaphore, #tpu.memory_space<semaphore_mem>>)
    %dma_wait3A_184 = arith.constant 1 : i32
    %dma_wait3A_185 = arith.constant 16 : i32
    %dma_wait3A_186 = tpu.memref_slice %arg6[%dma_wait3A_184, %dma_wait3A_185] : memref<4x128xi32, #tpu.memory_space<vmem>> -> memref<1x16xi32, #tpu.memory_space<vmem>>
    %dma_wait3A_187 = tpu.memref_squeeze %dma_wait3A_186 : memref<1x16xi32, #tpu.memory_space<vmem>> -> memref<16xi32, #tpu.memory_space<vmem>>
    %dma_wait3A_188 = arith.constant 0 : i32
    %dma_wait3A_189 = arith.constant 0 : i32
    %dma_wait3A_190 = tpu.memref_slice %arg3[%dma_wait3A_188, %dma_wait3A_189] : memref<50304x1024xf32, #tpu.memory_space<hbm>> -> memref<50304x1024xf32, #tpu.memory_space<hbm>>
    tpu.wait_indirect_dma semaphore(%arg14 : memref<!tpu.dma_semaphore, #tpu.memory_space<semaphore_mem>>) src(%dma_wait3A_190 : memref<50304x1024xf32, #tpu.memory_space<hbm>>) dst(%arg7 : memref<16x1024xf32, #tpu.memory_space<vmem>>)
    %parallel_loop3A_191 = arith.constant 0 : i32
    %parallel_loop3A_192 = arith.constant 16 : i32
    %parallel_loop3A_193 = arith.constant 1 : i32
    scf.for %parallel_loop3A_1008 = %parallel_loop3A_191 to %parallel_loop3A_192 step %parallel_loop3A_193  : i32 {
      %parallel_loop3A_1009 = arith.constant 0 : i32
      %parallel_loop3A_1010 = arith.constant 64 : i32
      %parallel_loop3A_1011 = arith.constant 1 : i32
      scf.for %parallel_loop3A_1012 = %parallel_loop3A_1009 to %parallel_loop3A_1010 step %parallel_loop3A_1011  : i32 {
        %parallel_loop3A_1013 = arith.constant 16 : i32
        %parallel_loop3A_1014 = arith.muli %parallel_loop3A_1012, %parallel_loop3A_1013 : i32
        %parallel_loop3A_1015 = arith.index_cast %parallel_loop3A_1008 : i32 to index
        %parallel_loop3A_1016 = arith.index_cast %parallel_loop3A_1014 : i32 to index
        %parallel_loop3A_1017 = tpu.vector_load %arg13[%parallel_loop3A_1015, %parallel_loop3A_1016] {strides = array<i32>} : memref<16x1024xf32, #tpu.memory_space<vmem>>, vector<1x16xf32>,
        %parallel_loop3A_1018 = vector.shape_cast %parallel_loop3A_1017 : vector<1x16xf32> to vector<16xf32>
        %parallel_loop3A_1019 = arith.index_cast %parallel_loop3A_1008 : i32 to index
        %parallel_loop3A_1020 = arith.index_cast %parallel_loop3A_1014 : i32 to index
        %parallel_loop3A_1021 = tpu.vector_load %arg7[%parallel_loop3A_1019, %parallel_loop3A_1020] {strides = array<i32>} : memref<16x1024xf32, #tpu.memory_space<vmem>>, vector<1x16xf32>,
        %parallel_loop3A_1022 = vector.shape_cast %parallel_loop3A_1021 : vector<1x16xf32> to vector<16xf32>
        %parallel_loop3A_1023 = vector.shape_cast %parallel_loop3A_1018 : vector<16xf32> to vector<1x16xf32>
        tpu.vector_store %arg7[%parallel_loop3A_1019, %parallel_loop3A_1020], %parallel_loop3A_1023 {add = true, strides = array<i32>} : memref<16x1024xf32, #tpu.memory_space<vmem>>, vector<1x16xf32>,
      } {sc.loop_unroll_factor = 8 : i64, sc.parallel_access}
    } {sc.loop_unroll_factor = 1 : i64, sc.parallel_access}
    %add3A_194 = arith.constant 4096 : i32
    %add3A_195 = arith.addi %add3A_194, %mul3A_2 : i32
    %add3A_196 = arith.constant 16 : i32
    %add3A_197 = arith.addi %add3A_195, %add3A_196 : i32
    %dma_start3A_198 = arith.constant 0 : i32
    %dma_start3A_199 = tpu.memref_slice %arg5[%add3A_197, %dma_start3A_198] : memref<16384x1024xf32, #tpu.memory_space<hbm>> -> memref<16x1024xf32, #tpu.memory_space<hbm>>
    %dma_start3A_200 = arith.constant 0 : i32
    %dma_start3A_201 = tpu.memref_slice %arg5[%add3A_197, %dma_start3A_200] : memref<16384x1024xf32, #tpu.memory_space<hbm>> -> memref<16x1024xf32, #tpu.memory_space<hbm>>
    tpu.enqueue_dma source(%arg7 : memref<16x1024xf32, #tpu.memory_space<vmem>>) target(%dma_start3A_201 : memref<16x1024xf32, #tpu.memory_space<hbm>>) target_semaphore(%arg19 : memref<!tpu.dma_semaphore, #tpu.memory_space<semaphore_mem>>)
    %dma_wait3A_202 = arith.constant 0 : i32
    %dma_wait3A_203 = tpu.memref_slice %arg5[%add3A_129, %dma_wait3A_202] : memref<16384x1024xf32, #tpu.memory_space<hbm>> -> memref<16x1024xf32, #tpu.memory_space<hbm>>
    %dma_wait3A_204 = arith.constant 0 : i32
    %dma_wait3A_205 = tpu.memref_slice %arg5[%add3A_129, %dma_wait3A_204] : memref<16384x1024xf32, #tpu.memory_space<hbm>> -> memref<16x1024xf32, #tpu.memory_space<hbm>>
    tpu.wait_dma2 semaphore(%arg22 : memref<!tpu.dma_semaphore, #tpu.memory_space<semaphore_mem>>) src(%arg10 : memref<16x1024xf32, #tpu.memory_space<vmem>>) dst(%dma_wait3A_205 : memref<16x1024xf32, #tpu.memory_space<hbm>>)
    %dma_start3A_206 = arith.constant 0 : i32
    %dma_start3A_207 = arith.constant 32 : i32
    %dma_start3A_208 = tpu.memref_slice %arg6[%dma_start3A_206, %dma_start3A_207] : memref<4x128xi32, #tpu.memory_space<vmem>> -> memref<1x16xi32, #tpu.memory_space<vmem>>
    %dma_start3A_209 = tpu.memref_squeeze %dma_start3A_208 : memref<1x16xi32, #tpu.memory_space<vmem>> -> memref<16xi32, #tpu.memory_space<vmem>>
    %dma_start3A_210 = arith.constant 0 : i32
    %dma_start3A_211 = arith.constant 0 : i32
    %dma_start3A_212 = tpu.memref_slice %arg3[%dma_start3A_210, %dma_start3A_211] : memref<50304x1024xf32, #tpu.memory_space<hbm>> -> memref<50304x1024xf32, #tpu.memory_space<hbm>>
    tpu.enqueue_indirect_dma source(%dma_start3A_212 : memref<50304x1024xf32, #tpu.memory_space<hbm>>) target(%arg10 : memref<16x1024xf32, #tpu.memory_space<vmem>>) offsets(%dma_start3A_209 : memref<16xi32, #tpu.memory_space<vmem>>) semaphore(%arg17 : memref<!tpu.dma_semaphore, #tpu.memory_space<semaphore_mem>>)
    %dma_wait3A_213 = arith.constant 2 : i32
    %dma_wait3A_214 = arith.constant 16 : i32
    %dma_wait3A_215 = tpu.memref_slice %arg6[%dma_wait3A_213, %dma_wait3A_214] : memref<4x128xi32, #tpu.memory_space<vmem>> -> memref<1x16xi32, #tpu.memory_space<vmem>>
    %dma_wait3A_216 = tpu.memref_squeeze %dma_wait3A_215 : memref<1x16xi32, #tpu.memory_space<vmem>> -> memref<16xi32, #tpu.memory_space<vmem>>
    %dma_wait3A_217 = arith.constant 0 : i32
    %dma_wait3A_218 = arith.constant 0 : i32
    %dma_wait3A_219 = tpu.memref_slice %arg3[%dma_wait3A_217, %dma_wait3A_218] : memref<50304x1024xf32, #tpu.memory_space<hbm>> -> memref<50304x1024xf32, #tpu.memory_space<hbm>>
    tpu.wait_indirect_dma semaphore(%arg15 : memref<!tpu.dma_semaphore, #tpu.memory_space<semaphore_mem>>) src(%dma_wait3A_219 : memref<50304x1024xf32, #tpu.memory_space<hbm>>) dst(%arg8 : memref<16x1024xf32, #tpu.memory_space<vmem>>)
    %parallel_loop3A_220 = arith.constant 0 : i32
    %parallel_loop3A_221 = arith.constant 16 : i32
    %parallel_loop3A_222 = arith.constant 1 : i32
    scf.for %parallel_loop3A_1008 = %parallel_loop3A_220 to %parallel_loop3A_221 step %parallel_loop3A_222  : i32 {
      %parallel_loop3A_1009 = arith.constant 0 : i32
      %parallel_loop3A_1010 = arith.constant 64 : i32
      %parallel_loop3A_1011 = arith.constant 1 : i32
      scf.for %parallel_loop3A_1012 = %parallel_loop3A_1009 to %parallel_loop3A_1010 step %parallel_loop3A_1011  : i32 {
        %parallel_loop3A_1013 = arith.constant 16 : i32
        %parallel_loop3A_1014 = arith.muli %parallel_loop3A_1012, %parallel_loop3A_1013 : i32
        %parallel_loop3A_1015 = arith.index_cast %parallel_loop3A_1008 : i32 to index
        %parallel_loop3A_1016 = arith.index_cast %parallel_loop3A_1014 : i32 to index
        %parallel_loop3A_1017 = tpu.vector_load %arg13[%parallel_loop3A_1015, %parallel_loop3A_1016] {strides = array<i32>} : memref<16x1024xf32, #tpu.memory_space<vmem>>, vector<1x16xf32>,
        %parallel_loop3A_1018 = vector.shape_cast %parallel_loop3A_1017 : vector<1x16xf32> to vector<16xf32>
        %parallel_loop3A_1019 = arith.index_cast %parallel_loop3A_1008 : i32 to index
        %parallel_loop3A_1020 = arith.index_cast %parallel_loop3A_1014 : i32 to index
        %parallel_loop3A_1021 = tpu.vector_load %arg8[%parallel_loop3A_1019, %parallel_loop3A_1020] {strides = array<i32>} : memref<16x1024xf32, #tpu.memory_space<vmem>>, vector<1x16xf32>,
        %parallel_loop3A_1022 = vector.shape_cast %parallel_loop3A_1021 : vector<1x16xf32> to vector<16xf32>
        %parallel_loop3A_1023 = vector.shape_cast %parallel_loop3A_1018 : vector<16xf32> to vector<1x16xf32>
        tpu.vector_store %arg8[%parallel_loop3A_1019, %parallel_loop3A_1020], %parallel_loop3A_1023 {add = true, strides = array<i32>} : memref<16x1024xf32, #tpu.memory_space<vmem>>, vector<1x16xf32>,
      } {sc.loop_unroll_factor = 8 : i64, sc.parallel_access}
    } {sc.loop_unroll_factor = 1 : i64, sc.parallel_access}
    %add3A_223 = arith.constant 8192 : i32
    %add3A_224 = arith.addi %add3A_223, %mul3A_2 : i32
    %add3A_225 = arith.constant 16 : i32
    %add3A_226 = arith.addi %add3A_224, %add3A_225 : i32
    %dma_start3A_227 = arith.constant 0 : i32
    %dma_start3A_228 = tpu.memref_slice %arg5[%add3A_226, %dma_start3A_227] : memref<16384x1024xf32, #tpu.memory_space<hbm>> -> memref<16x1024xf32, #tpu.memory_space<hbm>>
    %dma_start3A_229 = arith.constant 0 : i32
    %dma_start3A_230 = tpu.memref_slice %arg5[%add3A_226, %dma_start3A_229] : memref<16384x1024xf32, #tpu.memory_space<hbm>> -> memref<16x1024xf32, #tpu.memory_space<hbm>>
    tpu.enqueue_dma source(%arg8 : memref<16x1024xf32, #tpu.memory_space<vmem>>) target(%dma_start3A_230 : memref<16x1024xf32, #tpu.memory_space<hbm>>) target_semaphore(%arg20 : memref<!tpu.dma_semaphore, #tpu.memory_space<semaphore_mem>>)
    %dma_wait3A_231 = arith.constant 0 : i32
    %dma_wait3A_232 = tpu.memref_slice %arg5[%add3A_168, %dma_wait3A_231] : memref<16384x1024xf32, #tpu.memory_space<hbm>> -> memref<16x1024xf32, #tpu.memory_space<hbm>>
    %dma_wait3A_233 = arith.constant 0 : i32
    %dma_wait3A_234 = tpu.memref_slice %arg5[%add3A_168, %dma_wait3A_233] : memref<16384x1024xf32, #tpu.memory_space<hbm>> -> memref<16x1024xf32, #tpu.memory_space<hbm>>
    tpu.wait_dma2 semaphore(%arg23 : memref<!tpu.dma_semaphore, #tpu.memory_space<semaphore_mem>>) src(%arg11 : memref<16x1024xf32, #tpu.memory_space<vmem>>) dst(%dma_wait3A_234 : memref<16x1024xf32, #tpu.memory_space<hbm>>)
    %dma_start3A_235 = arith.constant 1 : i32
    %dma_start3A_236 = arith.constant 32 : i32
    %dma_start3A_237 = tpu.memref_slice %arg6[%dma_start3A_235, %dma_start3A_236] : memref<4x128xi32, #tpu.memory_space<vmem>> -> memref<1x16xi32, #tpu.memory_space<vmem>>
    %dma_start3A_238 = tpu.memref_squeeze %dma_start3A_237 : memref<1x16xi32, #tpu.memory_space<vmem>> -> memref<16xi32, #tpu.memory_space<vmem>>
    %dma_start3A_239 = arith.constant 0 : i32
    %dma_start3A_240 = arith.constant 0 : i32
    %dma_start3A_241 = tpu.memref_slice %arg3[%dma_start3A_239, %dma_start3A_240] : memref<50304x1024xf32, #tpu.memory_space<hbm>> -> memref<50304x1024xf32, #tpu.memory_space<hbm>>
    tpu.enqueue_indirect_dma source(%dma_start3A_241 : memref<50304x1024xf32, #tpu.memory_space<hbm>>) target(%arg11 : memref<16x1024xf32, #tpu.memory_space<vmem>>) offsets(%dma_start3A_238 : memref<16xi32, #tpu.memory_space<vmem>>) semaphore(%arg18 : memref<!tpu.dma_semaphore, #tpu.memory_space<semaphore_mem>>)
    %dma_wait3A_242 = arith.constant 3 : i32
    %dma_wait3A_243 = arith.constant 16 : i32
    %dma_wait3A_244 = tpu.memref_slice %arg6[%dma_wait3A_242, %dma_wait3A_243] : memref<4x128xi32, #tpu.memory_space<vmem>> -> memref<1x16xi32, #tpu.memory_space<vmem>>
    %dma_wait3A_245 = tpu.memref_squeeze %dma_wait3A_244 : memref<1x16xi32, #tpu.memory_space<vmem>> -> memref<16xi32, #tpu.memory_space<vmem>>
    %dma_wait3A_246 = arith.constant 0 : i32
    %dma_wait3A_247 = arith.constant 0 : i32
    %dma_wait3A_248 = tpu.memref_slice %arg3[%dma_wait3A_246, %dma_wait3A_247] : memref<50304x1024xf32, #tpu.memory_space<hbm>> -> memref<50304x1024xf32, #tpu.memory_space<hbm>>
    tpu.wait_indirect_dma semaphore(%arg16 : memref<!tpu.dma_semaphore, #tpu.memory_space<semaphore_mem>>) src(%dma_wait3A_248 : memref<50304x1024xf32, #tpu.memory_space<hbm>>) dst(%arg9 : memref<16x1024xf32, #tpu.memory_space<vmem>>)
    %parallel_loop3A_249 = arith.constant 0 : i32
    %parallel_loop3A_250 = arith.constant 16 : i32
    %parallel_loop3A_251 = arith.constant 1 : i32
    scf.for %parallel_loop3A_1008 = %parallel_loop3A_249 to %parallel_loop3A_250 step %parallel_loop3A_251  : i32 {
      %parallel_loop3A_1009 = arith.constant 0 : i32
      %parallel_loop3A_1010 = arith.constant 64 : i32
      %parallel_loop3A_1011 = arith.constant 1 : i32
      scf.for %parallel_loop3A_1012 = %parallel_loop3A_1009 to %parallel_loop3A_1010 step %parallel_loop3A_1011  : i32 {
        %parallel_loop3A_1013 = arith.constant 16 : i32
        %parallel_loop3A_1014 = arith.muli %parallel_loop3A_1012, %parallel_loop3A_1013 : i32
        %parallel_loop3A_1015 = arith.index_cast %parallel_loop3A_1008 : i32 to index
        %parallel_loop3A_1016 = arith.index_cast %parallel_loop3A_1014 : i32 to index
        %parallel_loop3A_1017 = tpu.vector_load %arg13[%parallel_loop3A_1015, %parallel_loop3A_1016] {strides = array<i32>} : memref<16x1024xf32, #tpu.memory_space<vmem>>, vector<1x16xf32>,
        %parallel_loop3A_1018 = vector.shape_cast %parallel_loop3A_1017 : vector<1x16xf32> to vector<16xf32>
        %parallel_loop3A_1019 = arith.index_cast %parallel_loop3A_1008 : i32 to index
        %parallel_loop3A_1020 = arith.index_cast %parallel_loop3A_1014 : i32 to index
        %parallel_loop3A_1021 = tpu.vector_load %arg9[%parallel_loop3A_1019, %parallel_loop3A_1020] {strides = array<i32>} : memref<16x1024xf32, #tpu.memory_space<vmem>>, vector<1x16xf32>,
        %parallel_loop3A_1022 = vector.shape_cast %parallel_loop3A_1021 : vector<1x16xf32> to vector<16xf32>
        %parallel_loop3A_1023 = vector.shape_cast %parallel_loop3A_1018 : vector<16xf32> to vector<1x16xf32>
        tpu.vector_store %arg9[%parallel_loop3A_1019, %parallel_loop3A_1020], %parallel_loop3A_1023 {add = true, strides = array<i32>} : memref<16x1024xf32, #tpu.memory_space<vmem>>, vector<1x16xf32>,
      } {sc.loop_unroll_factor = 8 : i64, sc.parallel_access}
    } {sc.loop_unroll_factor = 1 : i64, sc.parallel_access}
    %add3A_252 = arith.constant 12288 : i32
    %add3A_253 = arith.addi %add3A_252, %mul3A_2 : i32
    %add3A_254 = arith.constant 16 : i32
    %add3A_255 = arith.addi %add3A_253, %add3A_254 : i32
    %dma_start3A_256 = arith.constant 0 : i32
    %dma_start3A_257 = tpu.memref_slice %arg5[%add3A_255, %dma_start3A_256] : memref<16384x1024xf32, #tpu.memory_space<hbm>> -> memref<16x1024xf32, #tpu.memory_space<hbm>>
    %dma_start3A_258 = arith.constant 0 : i32
    %dma_start3A_259 = tpu.memref_slice %arg5[%add3A_255, %dma_start3A_258] : memref<16384x1024xf32, #tpu.memory_space<hbm>> -> memref<16x1024xf32, #tpu.memory_space<hbm>>
    tpu.enqueue_dma source(%arg9 : memref<16x1024xf32, #tpu.memory_space<vmem>>) target(%dma_start3A_259 : memref<16x1024xf32, #tpu.memory_space<hbm>>) target_semaphore(%arg21 : memref<!tpu.dma_semaphore, #tpu.memory_space<semaphore_mem>>)
    %add3A_260 = arith.constant 48 : i32
    %add3A_261 = arith.addi %mul3A_2, %add3A_260 : i32
    %dma_start3A_262 = arith.constant 0 : i32
    %dma_start3A_263 = tpu.memref_slice %arg4[%add3A_261, %dma_start3A_262] : memref<4096x1024xf32, #tpu.memory_space<hbm>> -> memref<16x1024xf32, #tpu.memory_space<hbm>>
    %dma_start3A_264 = arith.constant 0 : i32
    %dma_start3A_265 = tpu.memref_slice %arg4[%add3A_261, %dma_start3A_264] : memref<4096x1024xf32, #tpu.memory_space<hbm>> -> memref<16x1024xf32, #tpu.memory_space<hbm>>
    tpu.enqueue_dma source(%dma_start3A_265 : memref<16x1024xf32, #tpu.memory_space<hbm>>) target(%arg13 : memref<16x1024xf32, #tpu.memory_space<vmem>>) target_semaphore(%arg25 : memref<!tpu.dma_semaphore, #tpu.memory_space<semaphore_mem>>)
    %dma_wait3A_266 = arith.constant 0 : i32
    %dma_wait3A_267 = tpu.memref_slice %arg5[%add3A_197, %dma_wait3A_266] : memref<16384x1024xf32, #tpu.memory_space<hbm>> -> memref<16x1024xf32, #tpu.memory_space<hbm>>
    %dma_wait3A_268 = arith.constant 0 : i32
    %dma_wait3A_269 = tpu.memref_slice %arg5[%add3A_197, %dma_wait3A_268] : memref<16384x1024xf32, #tpu.memory_space<hbm>> -> memref<16x1024xf32, #tpu.memory_space<hbm>>
    tpu.wait_dma2 semaphore(%arg19 : memref<!tpu.dma_semaphore, #tpu.memory_space<semaphore_mem>>) src(%arg7 : memref<16x1024xf32, #tpu.memory_space<vmem>>) dst(%dma_wait3A_269 : memref<16x1024xf32, #tpu.memory_space<hbm>>)
    %dma_start3A_270 = arith.constant 2 : i32
    %dma_start3A_271 = arith.constant 32 : i32
    %dma_start3A_272 = tpu.memref_slice %arg6[%dma_start3A_270, %dma_start3A_271] : memref<4x128xi32, #tpu.memory_space<vmem>> -> memref<1x16xi32, #tpu.memory_space<vmem>>
    %dma_start3A_273 = tpu.memref_squeeze %dma_start3A_272 : memref<1x16xi32, #tpu.memory_space<vmem>> -> memref<16xi32, #tpu.memory_space<vmem>>
    %dma_start3A_274 = arith.constant 0 : i32
    %dma_start3A_275 = arith.constant 0 : i32
    %dma_start3A_276 = tpu.memref_slice %arg3[%dma_start3A_274, %dma_start3A_275] : memref<50304x1024xf32, #tpu.memory_space<hbm>> -> memref<50304x1024xf32, #tpu.memory_space<hbm>>
    tpu.enqueue_indirect_dma source(%dma_start3A_276 : memref<50304x1024xf32, #tpu.memory_space<hbm>>) target(%arg7 : memref<16x1024xf32, #tpu.memory_space<vmem>>) offsets(%dma_start3A_273 : memref<16xi32, #tpu.memory_space<vmem>>) semaphore(%arg14 : memref<!tpu.dma_semaphore, #tpu.memory_space<semaphore_mem>>)
    %dma_wait3A_277 = arith.constant 0 : i32
    %dma_wait3A_278 = tpu.memref_slice %arg4[%add3A_135, %dma_wait3A_277] : memref<4096x1024xf32, #tpu.memory_space<hbm>> -> memref<16x1024xf32, #tpu.memory_space<hbm>>
    %dma_wait3A_279 = arith.constant 0 : i32
    %dma_wait3A_280 = tpu.memref_slice %arg4[%add3A_135, %dma_wait3A_279] : memref<4096x1024xf32, #tpu.memory_space<hbm>> -> memref<16x1024xf32, #tpu.memory_space<hbm>>
    tpu.wait_dma2 semaphore(%arg24 : memref<!tpu.dma_semaphore, #tpu.memory_space<semaphore_mem>>) src(%dma_wait3A_280 : memref<16x1024xf32, #tpu.memory_space<hbm>>) dst(%arg12 : memref<16x1024xf32, #tpu.memory_space<vmem>>)
    %dma_wait3A_281 = arith.constant 0 : i32
    %dma_wait3A_282 = arith.constant 32 : i32
    %dma_wait3A_283 = tpu.memref_slice %arg6[%dma_wait3A_281, %dma_wait3A_282] : memref<4x128xi32, #tpu.memory_space<vmem>> -> memref<1x16xi32, #tpu.memory_space<vmem>>
    %dma_wait3A_284 = tpu.memref_squeeze %dma_wait3A_283 : memref<1x16xi32, #tpu.memory_space<vmem>> -> memref<16xi32, #tpu.memory_space<vmem>>
    %dma_wait3A_285 = arith.constant 0 : i32
    %dma_wait3A_286 = arith.constant 0 : i32
    %dma_wait3A_287 = tpu.memref_slice %arg3[%dma_wait3A_285, %dma_wait3A_286] : memref<50304x1024xf32, #tpu.memory_space<hbm>> -> memref<50304x1024xf32, #tpu.memory_space<hbm>>
    tpu.wait_indirect_dma semaphore(%arg17 : memref<!tpu.dma_semaphore, #tpu.memory_space<semaphore_mem>>) src(%dma_wait3A_287 : memref<50304x1024xf32, #tpu.memory_space<hbm>>) dst(%arg10 : memref<16x1024xf32, #tpu.memory_space<vmem>>)
    %parallel_loop3A_288 = arith.constant 0 : i32
    %parallel_loop3A_289 = arith.constant 16 : i32
    %parallel_loop3A_290 = arith.constant 1 : i32
    scf.for %parallel_loop3A_1008 = %parallel_loop3A_288 to %parallel_loop3A_289 step %parallel_loop3A_290  : i32 {
      %parallel_loop3A_1009 = arith.constant 0 : i32
      %parallel_loop3A_1010 = arith.constant 64 : i32
      %parallel_loop3A_1011 = arith.constant 1 : i32
      scf.for %parallel_loop3A_1012 = %parallel_loop3A_1009 to %parallel_loop3A_1010 step %parallel_loop3A_1011  : i32 {
        %parallel_loop3A_1013 = arith.constant 16 : i32
        %parallel_loop3A_1014 = arith.muli %parallel_loop3A_1012, %parallel_loop3A_1013 : i32
        %parallel_loop3A_1015 = arith.index_cast %parallel_loop3A_1008 : i32 to index
        %parallel_loop3A_1016 = arith.index_cast %parallel_loop3A_1014 : i32 to index
        %parallel_loop3A_1017 = tpu.vector_load %arg12[%parallel_loop3A_1015, %parallel_loop3A_1016] {strides = array<i32>} : memref<16x1024xf32, #tpu.memory_space<vmem>>, vector<1x16xf32>,
        %parallel_loop3A_1018 = vector.shape_cast %parallel_loop3A_1017 : vector<1x16xf32> to vector<16xf32>
        %parallel_loop3A_1019 = arith.index_cast %parallel_loop3A_1008 : i32 to index
        %parallel_loop3A_1020 = arith.index_cast %parallel_loop3A_1014 : i32 to index
        %parallel_loop3A_1021 = tpu.vector_load %arg10[%parallel_loop3A_1019, %parallel_loop3A_1020] {strides = array<i32>} : memref<16x1024xf32, #tpu.memory_space<vmem>>, vector<1x16xf32>,
        %parallel_loop3A_1022 = vector.shape_cast %parallel_loop3A_1021 : vector<1x16xf32> to vector<16xf32>
        %parallel_loop3A_1023 = vector.shape_cast %parallel_loop3A_1018 : vector<16xf32> to vector<1x16xf32>
        tpu.vector_store %arg10[%parallel_loop3A_1019, %parallel_loop3A_1020], %parallel_loop3A_1023 {add = true, strides = array<i32>} : memref<16x1024xf32, #tpu.memory_space<vmem>>, vector<1x16xf32>,
      } {sc.loop_unroll_factor = 8 : i64, sc.parallel_access}
    } {sc.loop_unroll_factor = 1 : i64, sc.parallel_access}
    %add3A_291 = arith.constant 0 : i32
    %add3A_292 = arith.addi %add3A_291, %mul3A_2 : i32
    %add3A_293 = arith.constant 32 : i32
    %add3A_294 = arith.addi %add3A_292, %add3A_293 : i32
    %dma_start3A_295 = arith.constant 0 : i32
    %dma_start3A_296 = tpu.memref_slice %arg5[%add3A_294, %dma_start3A_295] : memref<16384x1024xf32, #tpu.memory_space<hbm>> -> memref<16x1024xf32, #tpu.memory_space<hbm>>
    %dma_start3A_297 = arith.constant 0 : i32
    %dma_start3A_298 = tpu.memref_slice %arg5[%add3A_294, %dma_start3A_297] : memref<16384x1024xf32, #tpu.memory_space<hbm>> -> memref<16x1024xf32, #tpu.memory_space<hbm>>
    tpu.enqueue_dma source(%arg10 : memref<16x1024xf32, #tpu.memory_space<vmem>>) target(%dma_start3A_298 : memref<16x1024xf32, #tpu.memory_space<hbm>>) target_semaphore(%arg22 : memref<!tpu.dma_semaphore, #tpu.memory_space<semaphore_mem>>)
    %dma_wait3A_299 = arith.constant 0 : i32
    %dma_wait3A_300 = tpu.memref_slice %arg5[%add3A_226, %dma_wait3A_299] : memref<16384x1024xf32, #tpu.memory_space<hbm>> -> memref<16x1024xf32, #tpu.memory_space<hbm>>
    %dma_wait3A_301 = arith.constant 0 : i32
    %dma_wait3A_302 = tpu.memref_slice %arg5[%add3A_226, %dma_wait3A_301] : memref<16384x1024xf32, #tpu.memory_space<hbm>> -> memref<16x1024xf32, #tpu.memory_space<hbm>>
    tpu.wait_dma2 semaphore(%arg20 : memref<!tpu.dma_semaphore, #tpu.memory_space<semaphore_mem>>) src(%arg8 : memref<16x1024xf32, #tpu.memory_space<vmem>>) dst(%dma_wait3A_302 : memref<16x1024xf32, #tpu.memory_space<hbm>>)
    %dma_start3A_303 = arith.constant 3 : i32
    %dma_start3A_304 = arith.constant 32 : i32
    %dma_start3A_305 = tpu.memref_slice %arg6[%dma_start3A_303, %dma_start3A_304] : memref<4x128xi32, #tpu.memory_space<vmem>> -> memref<1x16xi32, #tpu.memory_space<vmem>>
    %dma_start3A_306 = tpu.memref_squeeze %dma_start3A_305 : memref<1x16xi32, #tpu.memory_space<vmem>> -> memref<16xi32, #tpu.memory_space<vmem>>
    %dma_start3A_307 = arith.constant 0 : i32
    %dma_start3A_308 = arith.constant 0 : i32
    %dma_start3A_309 = tpu.memref_slice %arg3[%dma_start3A_307, %dma_start3A_308] : memref<50304x1024xf32, #tpu.memory_space<hbm>> -> memref<50304x1024xf32, #tpu.memory_space<hbm>>
    tpu.enqueue_indirect_dma source(%dma_start3A_309 : memref<50304x1024xf32, #tpu.memory_space<hbm>>) target(%arg8 : memref<16x1024xf32, #tpu.memory_space<vmem>>) offsets(%dma_start3A_306 : memref<16xi32, #tpu.memory_space<vmem>>) semaphore(%arg15 : memref<!tpu.dma_semaphore, #tpu.memory_space<semaphore_mem>>)
    %dma_wait3A_310 = arith.constant 1 : i32
    %dma_wait3A_311 = arith.constant 32 : i32
    %dma_wait3A_312 = tpu.memref_slice %arg6[%dma_wait3A_310, %dma_wait3A_311] : memref<4x128xi32, #tpu.memory_space<vmem>> -> memref<1x16xi32, #tpu.memory_space<vmem>>
    %dma_wait3A_313 = tpu.memref_squeeze %dma_wait3A_312 : memref<1x16xi32, #tpu.memory_space<vmem>> -> memref<16xi32, #tpu.memory_space<vmem>>
    %dma_wait3A_314 = arith.constant 0 : i32
    %dma_wait3A_315 = arith.constant 0 : i32
    %dma_wait3A_316 = tpu.memref_slice %arg3[%dma_wait3A_314, %dma_wait3A_315] : memref<50304x1024xf32, #tpu.memory_space<hbm>> -> memref<50304x1024xf32, #tpu.memory_space<hbm>>
    tpu.wait_indirect_dma semaphore(%arg18 : memref<!tpu.dma_semaphore, #tpu.memory_space<semaphore_mem>>) src(%dma_wait3A_316 : memref<50304x1024xf32, #tpu.memory_space<hbm>>) dst(%arg11 : memref<16x1024xf32, #tpu.memory_space<vmem>>)
    %parallel_loop3A_317 = arith.constant 0 : i32
    %parallel_loop3A_318 = arith.constant 16 : i32
    %parallel_loop3A_319 = arith.constant 1 : i32
    scf.for %parallel_loop3A_1008 = %parallel_loop3A_317 to %parallel_loop3A_318 step %parallel_loop3A_319  : i32 {
      %parallel_loop3A_1009 = arith.constant 0 : i32
      %parallel_loop3A_1010 = arith.constant 64 : i32
      %parallel_loop3A_1011 = arith.constant 1 : i32
      scf.for %parallel_loop3A_1012 = %parallel_loop3A_1009 to %parallel_loop3A_1010 step %parallel_loop3A_1011  : i32 {
        %parallel_loop3A_1013 = arith.constant 16 : i32
        %parallel_loop3A_1014 = arith.muli %parallel_loop3A_1012, %parallel_loop3A_1013 : i32
        %parallel_loop3A_1015 = arith.index_cast %parallel_loop3A_1008 : i32 to index
        %parallel_loop3A_1016 = arith.index_cast %parallel_loop3A_1014 : i32 to index
        %parallel_loop3A_1017 = tpu.vector_load %arg12[%parallel_loop3A_1015, %parallel_loop3A_1016] {strides = array<i32>} : memref<16x1024xf32, #tpu.memory_space<vmem>>, vector<1x16xf32>,
        %parallel_loop3A_1018 = vector.shape_cast %parallel_loop3A_1017 : vector<1x16xf32> to vector<16xf32>
        %parallel_loop3A_1019 = arith.index_cast %parallel_loop3A_1008 : i32 to index
        %parallel_loop3A_1020 = arith.index_cast %parallel_loop3A_1014 : i32 to index
        %parallel_loop3A_1021 = tpu.vector_load %arg11[%parallel_loop3A_1019, %parallel_loop3A_1020] {strides = array<i32>} : memref<16x1024xf32, #tpu.memory_space<vmem>>, vector<1x16xf32>,
        %parallel_loop3A_1022 = vector.shape_cast %parallel_loop3A_1021 : vector<1x16xf32> to vector<16xf32>
        %parallel_loop3A_1023 = vector.shape_cast %parallel_loop3A_1018 : vector<16xf32> to vector<1x16xf32>
        tpu.vector_store %arg11[%parallel_loop3A_1019, %parallel_loop3A_1020], %parallel_loop3A_1023 {add = true, strides = array<i32>} : memref<16x1024xf32, #tpu.memory_space<vmem>>, vector<1x16xf32>,
      } {sc.loop_unroll_factor = 8 : i64, sc.parallel_access}
    } {sc.loop_unroll_factor = 1 : i64, sc.parallel_access}
    %add3A_320 = arith.constant 4096 : i32
    %add3A_321 = arith.addi %add3A_320, %mul3A_2 : i32
    %add3A_322 = arith.constant 32 : i32
    %add3A_323 = arith.addi %add3A_321, %add3A_322 : i32
    %dma_start3A_324 = arith.constant 0 : i32
    %dma_start3A_325 = tpu.memref_slice %arg5[%add3A_323, %dma_start3A_324] : memref<16384x1024xf32, #tpu.memory_space<hbm>> -> memref<16x1024xf32, #tpu.memory_space<hbm>>
    %dma_start3A_326 = arith.constant 0 : i32
    %dma_start3A_327 = tpu.memref_slice %arg5[%add3A_323, %dma_start3A_326] : memref<16384x1024xf32, #tpu.memory_space<hbm>> -> memref<16x1024xf32, #tpu.memory_space<hbm>>
    tpu.enqueue_dma source(%arg11 : memref<16x1024xf32, #tpu.memory_space<vmem>>) target(%dma_start3A_327 : memref<16x1024xf32, #tpu.memory_space<hbm>>) target_semaphore(%arg23 : memref<!tpu.dma_semaphore, #tpu.memory_space<semaphore_mem>>)
    %dma_wait3A_328 = arith.constant 0 : i32
    %dma_wait3A_329 = tpu.memref_slice %arg5[%add3A_255, %dma_wait3A_328] : memref<16384x1024xf32, #tpu.memory_space<hbm>> -> memref<16x1024xf32, #tpu.memory_space<hbm>>
    %dma_wait3A_330 = arith.constant 0 : i32
    %dma_wait3A_331 = tpu.memref_slice %arg5[%add3A_255, %dma_wait3A_330] : memref<16384x1024xf32, #tpu.memory_space<hbm>> -> memref<16x1024xf32, #tpu.memory_space<hbm>>
    tpu.wait_dma2 semaphore(%arg21 : memref<!tpu.dma_semaphore, #tpu.memory_space<semaphore_mem>>) src(%arg9 : memref<16x1024xf32, #tpu.memory_space<vmem>>) dst(%dma_wait3A_331 : memref<16x1024xf32, #tpu.memory_space<hbm>>)
    %dma_start3A_332 = arith.constant 0 : i32
    %dma_start3A_333 = arith.constant 48 : i32
    %dma_start3A_334 = tpu.memref_slice %arg6[%dma_start3A_332, %dma_start3A_333] : memref<4x128xi32, #tpu.memory_space<vmem>> -> memref<1x16xi32, #tpu.memory_space<vmem>>
    %dma_start3A_335 = tpu.memref_squeeze %dma_start3A_334 : memref<1x16xi32, #tpu.memory_space<vmem>> -> memref<16xi32, #tpu.memory_space<vmem>>
    %dma_start3A_336 = arith.constant 0 : i32
    %dma_start3A_337 = arith.constant 0 : i32
    %dma_start3A_338 = tpu.memref_slice %arg3[%dma_start3A_336, %dma_start3A_337] : memref<50304x1024xf32, #tpu.memory_space<hbm>> -> memref<50304x1024xf32, #tpu.memory_space<hbm>>
    tpu.enqueue_indirect_dma source(%dma_start3A_338 : memref<50304x1024xf32, #tpu.memory_space<hbm>>) target(%arg9 : memref<16x1024xf32, #tpu.memory_space<vmem>>) offsets(%dma_start3A_335 : memref<16xi32, #tpu.memory_space<vmem>>) semaphore(%arg16 : memref<!tpu.dma_semaphore, #tpu.memory_space<semaphore_mem>>)
    %dma_wait3A_339 = arith.constant 2 : i32
    %dma_wait3A_340 = arith.constant 32 : i32
    %dma_wait3A_341 = tpu.memref_slice %arg6[%dma_wait3A_339, %dma_wait3A_340] : memref<4x128xi32, #tpu.memory_space<vmem>> -> memref<1x16xi32, #tpu.memory_space<vmem>>
    %dma_wait3A_342 = tpu.memref_squeeze %dma_wait3A_341 : memref<1x16xi32, #tpu.memory_space<vmem>> -> memref<16xi32, #tpu.memory_space<vmem>>
    %dma_wait3A_343 = arith.constant 0 : i32
    %dma_wait3A_344 = arith.constant 0 : i32
    %dma_wait3A_345 = tpu.memref_slice %arg3[%dma_wait3A_343, %dma_wait3A_344] : memref<50304x1024xf32, #tpu.memory_space<hbm>> -> memref<50304x1024xf32, #tpu.memory_space<hbm>>
    tpu.wait_indirect_dma semaphore(%arg14 : memref<!tpu.dma_semaphore, #tpu.memory_space<semaphore_mem>>) src(%dma_wait3A_345 : memref<50304x1024xf32, #tpu.memory_space<hbm>>) dst(%arg7 : memref<16x1024xf32, #tpu.memory_space<vmem>>)
    %parallel_loop3A_346 = arith.constant 0 : i32
    %parallel_loop3A_347 = arith.constant 16 : i32
    %parallel_loop3A_348 = arith.constant 1 : i32
    scf.for %parallel_loop3A_1008 = %parallel_loop3A_346 to %parallel_loop3A_347 step %parallel_loop3A_348  : i32 {
      %parallel_loop3A_1009 = arith.constant 0 : i32
      %parallel_loop3A_1010 = arith.constant 64 : i32
      %parallel_loop3A_1011 = arith.constant 1 : i32
      scf.for %parallel_loop3A_1012 = %parallel_loop3A_1009 to %parallel_loop3A_1010 step %parallel_loop3A_1011  : i32 {
        %parallel_loop3A_1013 = arith.constant 16 : i32
        %parallel_loop3A_1014 = arith.muli %parallel_loop3A_1012, %parallel_loop3A_1013 : i32
        %parallel_loop3A_1015 = arith.index_cast %parallel_loop3A_1008 : i32 to index
        %parallel_loop3A_1016 = arith.index_cast %parallel_loop3A_1014 : i32 to index
        %parallel_loop3A_1017 = tpu.vector_load %arg12[%parallel_loop3A_1015, %parallel_loop3A_1016] {strides = array<i32>} : memref<16x1024xf32, #tpu.memory_space<vmem>>, vector<1x16xf32>,
        %parallel_loop3A_1018 = vector.shape_cast %parallel_loop3A_1017 : vector<1x16xf32> to vector<16xf32>
        %parallel_loop3A_1019 = arith.index_cast %parallel_loop3A_1008 : i32 to index
        %parallel_loop3A_1020 = arith.index_cast %parallel_loop3A_1014 : i32 to index
        %parallel_loop3A_1021 = tpu.vector_load %arg7[%parallel_loop3A_1019, %parallel_loop3A_1020] {strides = array<i32>} : memref<16x1024xf32, #tpu.memory_space<vmem>>, vector<1x16xf32>,
        %parallel_loop3A_1022 = vector.shape_cast %parallel_loop3A_1021 : vector<1x16xf32> to vector<16xf32>
        %parallel_loop3A_1023 = vector.shape_cast %parallel_loop3A_1018 : vector<16xf32> to vector<1x16xf32>
        tpu.vector_store %arg7[%parallel_loop3A_1019, %parallel_loop3A_1020], %parallel_loop3A_1023 {add = true, strides = array<i32>} : memref<16x1024xf32, #tpu.memory_space<vmem>>, vector<1x16xf32>,
      } {sc.loop_unroll_factor = 8 : i64, sc.parallel_access}
    } {sc.loop_unroll_factor = 1 : i64, sc.parallel_access}
    %add3A_349 = arith.constant 8192 : i32
    %add3A_350 = arith.addi %add3A_349, %mul3A_2 : i32
    %add3A_351 = arith.constant 32 : i32
    %add3A_352 = arith.addi %add3A_350, %add3A_351 : i32
    %dma_start3A_353 = arith.constant 0 : i32
    %dma_start3A_354 = tpu.memref_slice %arg5[%add3A_352, %dma_start3A_353] : memref<16384x1024xf32, #tpu.memory_space<hbm>> -> memref<16x1024xf32, #tpu.memory_space<hbm>>
    %dma_start3A_355 = arith.constant 0 : i32
    %dma_start3A_356 = tpu.memref_slice %arg5[%add3A_352, %dma_start3A_355] : memref<16384x1024xf32, #tpu.memory_space<hbm>> -> memref<16x1024xf32, #tpu.memory_space<hbm>>
    tpu.enqueue_dma source(%arg7 : memref<16x1024xf32, #tpu.memory_space<vmem>>) target(%dma_start3A_356 : memref<16x1024xf32, #tpu.memory_space<hbm>>) target_semaphore(%arg19 : memref<!tpu.dma_semaphore, #tpu.memory_space<semaphore_mem>>)
    %dma_wait3A_357 = arith.constant 0 : i32
    %dma_wait3A_358 = tpu.memref_slice %arg5[%add3A_294, %dma_wait3A_357] : memref<16384x1024xf32, #tpu.memory_space<hbm>> -> memref<16x1024xf32, #tpu.memory_space<hbm>>
    %dma_wait3A_359 = arith.constant 0 : i32
    %dma_wait3A_360 = tpu.memref_slice %arg5[%add3A_294, %dma_wait3A_359] : memref<16384x1024xf32, #tpu.memory_space<hbm>> -> memref<16x1024xf32, #tpu.memory_space<hbm>>
    tpu.wait_dma2 semaphore(%arg22 : memref<!tpu.dma_semaphore, #tpu.memory_space<semaphore_mem>>) src(%arg10 : memref<16x1024xf32, #tpu.memory_space<vmem>>) dst(%dma_wait3A_360 : memref<16x1024xf32, #tpu.memory_space<hbm>>)
    %dma_start3A_361 = arith.constant 1 : i32
    %dma_start3A_362 = arith.constant 48 : i32
    %dma_start3A_363 = tpu.memref_slice %arg6[%dma_start3A_361, %dma_start3A_362] : memref<4x128xi32, #tpu.memory_space<vmem>> -> memref<1x16xi32, #tpu.memory_space<vmem>>
    %dma_start3A_364 = tpu.memref_squeeze %dma_start3A_363 : memref<1x16xi32, #tpu.memory_space<vmem>> -> memref<16xi32, #tpu.memory_space<vmem>>
    %dma_start3A_365 = arith.constant 0 : i32
    %dma_start3A_366 = arith.constant 0 : i32
    %dma_start3A_367 = tpu.memref_slice %arg3[%dma_start3A_365, %dma_start3A_366] : memref<50304x1024xf32, #tpu.memory_space<hbm>> -> memref<50304x1024xf32, #tpu.memory_space<hbm>>
    tpu.enqueue_indirect_dma source(%dma_start3A_367 : memref<50304x1024xf32, #tpu.memory_space<hbm>>) target(%arg10 : memref<16x1024xf32, #tpu.memory_space<vmem>>) offsets(%dma_start3A_364 : memref<16xi32, #tpu.memory_space<vmem>>) semaphore(%arg17 : memref<!tpu.dma_semaphore, #tpu.memory_space<semaphore_mem>>)
    %dma_wait3A_368 = arith.constant 3 : i32
    %dma_wait3A_369 = arith.constant 32 : i32
    %dma_wait3A_370 = tpu.memref_slice %arg6[%dma_wait3A_368, %dma_wait3A_369] : memref<4x128xi32, #tpu.memory_space<vmem>> -> memref<1x16xi32, #tpu.memory_space<vmem>>
    %dma_wait3A_371 = tpu.memref_squeeze %dma_wait3A_370 : memref<1x16xi32, #tpu.memory_space<vmem>> -> memref<16xi32, #tpu.memory_space<vmem>>
    %dma_wait3A_372 = arith.constant 0 : i32
    %dma_wait3A_373 = arith.constant 0 : i32
    %dma_wait3A_374 = tpu.memref_slice %arg3[%dma_wait3A_372, %dma_wait3A_373] : memref<50304x1024xf32, #tpu.memory_space<hbm>> -> memref<50304x1024xf32, #tpu.memory_space<hbm>>
    tpu.wait_indirect_dma semaphore(%arg15 : memref<!tpu.dma_semaphore, #tpu.memory_space<semaphore_mem>>) src(%dma_wait3A_374 : memref<50304x1024xf32, #tpu.memory_space<hbm>>) dst(%arg8 : memref<16x1024xf32, #tpu.memory_space<vmem>>)
    %parallel_loop3A_375 = arith.constant 0 : i32
    %parallel_loop3A_376 = arith.constant 16 : i32
    %parallel_loop3A_377 = arith.constant 1 : i32
    scf.for %parallel_loop3A_1008 = %parallel_loop3A_375 to %parallel_loop3A_376 step %parallel_loop3A_377  : i32 {
      %parallel_loop3A_1009 = arith.constant 0 : i32
      %parallel_loop3A_1010 = arith.constant 64 : i32
      %parallel_loop3A_1011 = arith.constant 1 : i32
      scf.for %parallel_loop3A_1012 = %parallel_loop3A_1009 to %parallel_loop3A_1010 step %parallel_loop3A_1011  : i32 {
        %parallel_loop3A_1013 = arith.constant 16 : i32
        %parallel_loop3A_1014 = arith.muli %parallel_loop3A_1012, %parallel_loop3A_1013 : i32
        %parallel_loop3A_1015 = arith.index_cast %parallel_loop3A_1008 : i32 to index
        %parallel_loop3A_1016 = arith.index_cast %parallel_loop3A_1014 : i32 to index
        %parallel_loop3A_1017 = tpu.vector_load %arg12[%parallel_loop3A_1015, %parallel_loop3A_1016] {strides = array<i32>} : memref<16x1024xf32, #tpu.memory_space<vmem>>, vector<1x16xf32>,
        %parallel_loop3A_1018 = vector.shape_cast %parallel_loop3A_1017 : vector<1x16xf32> to vector<16xf32>
        %parallel_loop3A_1019 = arith.index_cast %parallel_loop3A_1008 : i32 to index
        %parallel_loop3A_1020 = arith.index_cast %parallel_loop3A_1014 : i32 to index
        %parallel_loop3A_1021 = tpu.vector_load %arg8[%parallel_loop3A_1019, %parallel_loop3A_1020] {strides = array<i32>} : memref<16x1024xf32, #tpu.memory_space<vmem>>, vector<1x16xf32>,
        %parallel_loop3A_1022 = vector.shape_cast %parallel_loop3A_1021 : vector<1x16xf32> to vector<16xf32>
        %parallel_loop3A_1023 = vector.shape_cast %parallel_loop3A_1018 : vector<16xf32> to vector<1x16xf32>
        tpu.vector_store %arg8[%parallel_loop3A_1019, %parallel_loop3A_1020], %parallel_loop3A_1023 {add = true, strides = array<i32>} : memref<16x1024xf32, #tpu.memory_space<vmem>>, vector<1x16xf32>,
      } {sc.loop_unroll_factor = 8 : i64, sc.parallel_access}
    } {sc.loop_unroll_factor = 1 : i64, sc.parallel_access}
    %add3A_378 = arith.constant 12288 : i32
    %add3A_379 = arith.addi %add3A_378, %mul3A_2 : i32
    %add3A_380 = arith.constant 32 : i32
    %add3A_381 = arith.addi %add3A_379, %add3A_380 : i32
    %dma_start3A_382 = arith.constant 0 : i32
    %dma_start3A_383 = tpu.memref_slice %arg5[%add3A_381, %dma_start3A_382] : memref<16384x1024xf32, #tpu.memory_space<hbm>> -> memref<16x1024xf32, #tpu.memory_space<hbm>>
    %dma_start3A_384 = arith.constant 0 : i32
    %dma_start3A_385 = tpu.memref_slice %arg5[%add3A_381, %dma_start3A_384] : memref<16384x1024xf32, #tpu.memory_space<hbm>> -> memref<16x1024xf32, #tpu.memory_space<hbm>>
    tpu.enqueue_dma source(%arg8 : memref<16x1024xf32, #tpu.memory_space<vmem>>) target(%dma_start3A_385 : memref<16x1024xf32, #tpu.memory_space<hbm>>) target_semaphore(%arg20 : memref<!tpu.dma_semaphore, #tpu.memory_space<semaphore_mem>>)
    %add3A_386 = arith.constant 64 : i32
    %add3A_387 = arith.addi %mul3A_2, %add3A_386 : i32
    %dma_start3A_388 = arith.constant 0 : i32
    %dma_start3A_389 = tpu.memref_slice %arg4[%add3A_387, %dma_start3A_388] : memref<4096x1024xf32, #tpu.memory_space<hbm>> -> memref<16x1024xf32, #tpu.memory_space<hbm>>
    %dma_start3A_390 = arith.constant 0 : i32
    %dma_start3A_391 = tpu.memref_slice %arg4[%add3A_387, %dma_start3A_390] : memref<4096x1024xf32, #tpu.memory_space<hbm>> -> memref<16x1024xf32, #tpu.memory_space<hbm>>
    tpu.enqueue_dma source(%dma_start3A_391 : memref<16x1024xf32, #tpu.memory_space<hbm>>) target(%arg12 : memref<16x1024xf32, #tpu.memory_space<vmem>>) target_semaphore(%arg24 : memref<!tpu.dma_semaphore, #tpu.memory_space<semaphore_mem>>)
    %dma_wait3A_392 = arith.constant 0 : i32
    %dma_wait3A_393 = tpu.memref_slice %arg5[%add3A_323, %dma_wait3A_392] : memref<16384x1024xf32, #tpu.memory_space<hbm>> -> memref<16x1024xf32, #tpu.memory_space<hbm>>
    %dma_wait3A_394 = arith.constant 0 : i32
    %dma_wait3A_395 = tpu.memref_slice %arg5[%add3A_323, %dma_wait3A_394] : memref<16384x1024xf32, #tpu.memory_space<hbm>> -> memref<16x1024xf32, #tpu.memory_space<hbm>>
    tpu.wait_dma2 semaphore(%arg23 : memref<!tpu.dma_semaphore, #tpu.memory_space<semaphore_mem>>) src(%arg11 : memref<16x1024xf32, #tpu.memory_space<vmem>>) dst(%dma_wait3A_395 : memref<16x1024xf32, #tpu.memory_space<hbm>>)
    %dma_start3A_396 = arith.constant 2 : i32
    %dma_start3A_397 = arith.constant 48 : i32
    %dma_start3A_398 = tpu.memref_slice %arg6[%dma_start3A_396, %dma_start3A_397] : memref<4x128xi32, #tpu.memory_space<vmem>> -> memref<1x16xi32, #tpu.memory_space<vmem>>
    %dma_start3A_399 = tpu.memref_squeeze %dma_start3A_398 : memref<1x16xi32, #tpu.memory_space<vmem>> -> memref<16xi32, #tpu.memory_space<vmem>>
    %dma_start3A_400 = arith.constant 0 : i32
    %dma_start3A_401 = arith.constant 0 : i32
    %dma_start3A_402 = tpu.memref_slice %arg3[%dma_start3A_400, %dma_start3A_401] : memref<50304x1024xf32, #tpu.memory_space<hbm>> -> memref<50304x1024xf32, #tpu.memory_space<hbm>>
    tpu.enqueue_indirect_dma source(%dma_start3A_402 : memref<50304x1024xf32, #tpu.memory_space<hbm>>) target(%arg11 : memref<16x1024xf32, #tpu.memory_space<vmem>>) offsets(%dma_start3A_399 : memref<16xi32, #tpu.memory_space<vmem>>) semaphore(%arg18 : memref<!tpu.dma_semaphore, #tpu.memory_space<semaphore_mem>>)
    %dma_wait3A_403 = arith.constant 0 : i32
    %dma_wait3A_404 = tpu.memref_slice %arg4[%add3A_261, %dma_wait3A_403] : memref<4096x1024xf32, #tpu.memory_space<hbm>> -> memref<16x1024xf32, #tpu.memory_space<hbm>>
    %dma_wait3A_405 = arith.constant 0 : i32
    %dma_wait3A_406 = tpu.memref_slice %arg4[%add3A_261, %dma_wait3A_405] : memref<4096x1024xf32, #tpu.memory_space<hbm>> -> memref<16x1024xf32, #tpu.memory_space<hbm>>
    tpu.wait_dma2 semaphore(%arg25 : memref<!tpu.dma_semaphore, #tpu.memory_space<semaphore_mem>>) src(%dma_wait3A_406 : memref<16x1024xf32, #tpu.memory_space<hbm>>) dst(%arg13 : memref<16x1024xf32, #tpu.memory_space<vmem>>)
    %dma_wait3A_407 = arith.constant 0 : i32
    %dma_wait3A_408 = arith.constant 48 : i32
    %dma_wait3A_409 = tpu.memref_slice %arg6[%dma_wait3A_407, %dma_wait3A_408] : memref<4x128xi32, #tpu.memory_space<vmem>> -> memref<1x16xi32, #tpu.memory_space<vmem>>
    %dma_wait3A_410 = tpu.memref_squeeze %dma_wait3A_409 : memref<1x16xi32, #tpu.memory_space<vmem>> -> memref<16xi32, #tpu.memory_space<vmem>>
    %dma_wait3A_411 = arith.constant 0 : i32
    %dma_wait3A_412 = arith.constant 0 : i32
    %dma_wait3A_413 = tpu.memref_slice %arg3[%dma_wait3A_411, %dma_wait3A_412] : memref<50304x1024xf32, #tpu.memory_space<hbm>> -> memref<50304x1024xf32, #tpu.memory_space<hbm>>
    tpu.wait_indirect_dma semaphore(%arg16 : memref<!tpu.dma_semaphore, #tpu.memory_space<semaphore_mem>>) src(%dma_wait3A_413 : memref<50304x1024xf32, #tpu.memory_space<hbm>>) dst(%arg9 : memref<16x1024xf32, #tpu.memory_space<vmem>>)
    %parallel_loop3A_414 = arith.constant 0 : i32
    %parallel_loop3A_415 = arith.constant 16 : i32
    %parallel_loop3A_416 = arith.constant 1 : i32
    scf.for %parallel_loop3A_1008 = %parallel_loop3A_414 to %parallel_loop3A_415 step %parallel_loop3A_416  : i32 {
      %parallel_loop3A_1009 = arith.constant 0 : i32
      %parallel_loop3A_1010 = arith.constant 64 : i32
      %parallel_loop3A_1011 = arith.constant 1 : i32
      scf.for %parallel_loop3A_1012 = %parallel_loop3A_1009 to %parallel_loop3A_1010 step %parallel_loop3A_1011  : i32 {
        %parallel_loop3A_1013 = arith.constant 16 : i32
        %parallel_loop3A_1014 = arith.muli %parallel_loop3A_1012, %parallel_loop3A_1013 : i32
        %parallel_loop3A_1015 = arith.index_cast %parallel_loop3A_1008 : i32 to index
        %parallel_loop3A_1016 = arith.index_cast %parallel_loop3A_1014 : i32 to index
        %parallel_loop3A_1017 = tpu.vector_load %arg13[%parallel_loop3A_1015, %parallel_loop3A_1016] {strides = array<i32>} : memref<16x1024xf32, #tpu.memory_space<vmem>>, vector<1x16xf32>,
        %parallel_loop3A_1018 = vector.shape_cast %parallel_loop3A_1017 : vector<1x16xf32> to vector<16xf32>
        %parallel_loop3A_1019 = arith.index_cast %parallel_loop3A_1008 : i32 to index
        %parallel_loop3A_1020 = arith.index_cast %parallel_loop3A_1014 : i32 to index
        %parallel_loop3A_1021 = tpu.vector_load %arg9[%parallel_loop3A_1019, %parallel_loop3A_1020] {strides = array<i32>} : memref<16x1024xf32, #tpu.memory_space<vmem>>, vector<1x16xf32>,
        %parallel_loop3A_1022 = vector.shape_cast %parallel_loop3A_1021 : vector<1x16xf32> to vector<16xf32>
        %parallel_loop3A_1023 = vector.shape_cast %parallel_loop3A_1018 : vector<16xf32> to vector<1x16xf32>
        tpu.vector_store %arg9[%parallel_loop3A_1019, %parallel_loop3A_1020], %parallel_loop3A_1023 {add = true, strides = array<i32>} : memref<16x1024xf32, #tpu.memory_space<vmem>>, vector<1x16xf32>,
      } {sc.loop_unroll_factor = 8 : i64, sc.parallel_access}
    } {sc.loop_unroll_factor = 1 : i64, sc.parallel_access}
    %add3A_417 = arith.constant 0 : i32
    %add3A_418 = arith.addi %add3A_417, %mul3A_2 : i32
    %add3A_419 = arith.constant 48 : i32
    %add3A_420 = arith.addi %add3A_418, %add3A_419 : i32
    %dma_start3A_421 = arith.constant 0 : i32
    %dma_start3A_422 = tpu.memref_slice %arg5[%add3A_420, %dma_start3A_421] : memref<16384x1024xf32, #tpu.memory_space<hbm>> -> memref<16x1024xf32, #tpu.memory_space<hbm>>
    %dma_start3A_423 = arith.constant 0 : i32
    %dma_start3A_424 = tpu.memref_slice %arg5[%add3A_420, %dma_start3A_423] : memref<16384x1024xf32, #tpu.memory_space<hbm>> -> memref<16x1024xf32, #tpu.memory_space<hbm>>
    tpu.enqueue_dma source(%arg9 : memref<16x1024xf32, #tpu.memory_space<vmem>>) target(%dma_start3A_424 : memref<16x1024xf32, #tpu.memory_space<hbm>>) target_semaphore(%arg21 : memref<!tpu.dma_semaphore, #tpu.memory_space<semaphore_mem>>)
    %dma_wait3A_425 = arith.constant 0 : i32
    %dma_wait3A_426 = tpu.memref_slice %arg5[%add3A_352, %dma_wait3A_425] : memref<16384x1024xf32, #tpu.memory_space<hbm>> -> memref<16x1024xf32, #tpu.memory_space<hbm>>
    %dma_wait3A_427 = arith.constant 0 : i32
    %dma_wait3A_428 = tpu.memref_slice %arg5[%add3A_352, %dma_wait3A_427] : memref<16384x1024xf32, #tpu.memory_space<hbm>> -> memref<16x1024xf32, #tpu.memory_space<hbm>>
    tpu.wait_dma2 semaphore(%arg19 : memref<!tpu.dma_semaphore, #tpu.memory_space<semaphore_mem>>) src(%arg7 : memref<16x1024xf32, #tpu.memory_space<vmem>>) dst(%dma_wait3A_428 : memref<16x1024xf32, #tpu.memory_space<hbm>>)
    %dma_start3A_429 = arith.constant 3 : i32
    %dma_start3A_430 = arith.constant 48 : i32
    %dma_start3A_431 = tpu.memref_slice %arg6[%dma_start3A_429, %dma_start3A_430] : memref<4x128xi32, #tpu.memory_space<vmem>> -> memref<1x16xi32, #tpu.memory_space<vmem>>
    %dma_start3A_432 = tpu.memref_squeeze %dma_start3A_431 : memref<1x16xi32, #tpu.memory_space<vmem>> -> memref<16xi32, #tpu.memory_space<vmem>>
    %dma_start3A_433 = arith.constant 0 : i32
    %dma_start3A_434 = arith.constant 0 : i32
    %dma_start3A_435 = tpu.memref_slice %arg3[%dma_start3A_433, %dma_start3A_434] : memref<50304x1024xf32, #tpu.memory_space<hbm>> -> memref<50304x1024xf32, #tpu.memory_space<hbm>>
    tpu.enqueue_indirect_dma source(%dma_start3A_435 : memref<50304x1024xf32, #tpu.memory_space<hbm>>) target(%arg7 : memref<16x1024xf32, #tpu.memory_space<vmem>>) offsets(%dma_start3A_432 : memref<16xi32, #tpu.memory_space<vmem>>) semaphore(%arg14 : memref<!tpu.dma_semaphore, #tpu.memory_space<semaphore_mem>>)
    %dma_wait3A_436 = arith.constant 1 : i32
    %dma_wait3A_437 = arith.constant 48 : i32
    %dma_wait3A_438 = tpu.memref_slice %arg6[%dma_wait3A_436, %dma_wait3A_437] : memref<4x128xi32, #tpu.memory_space<vmem>> -> memref<1x16xi32, #tpu.memory_space<vmem>>
    %dma_wait3A_439 = tpu.memref_squeeze %dma_wait3A_438 : memref<1x16xi32, #tpu.memory_space<vmem>> -> memref<16xi32, #tpu.memory_space<vmem>>
    %dma_wait3A_440 = arith.constant 0 : i32
    %dma_wait3A_441 = arith.constant 0 : i32
    %dma_wait3A_442 = tpu.memref_slice %arg3[%dma_wait3A_440, %dma_wait3A_441] : memref<50304x1024xf32, #tpu.memory_space<hbm>> -> memref<50304x1024xf32, #tpu.memory_space<hbm>>
    tpu.wait_indirect_dma semaphore(%arg17 : memref<!tpu.dma_semaphore, #tpu.memory_space<semaphore_mem>>) src(%dma_wait3A_442 : memref<50304x1024xf32, #tpu.memory_space<hbm>>) dst(%arg10 : memref<16x1024xf32, #tpu.memory_space<vmem>>)
    %parallel_loop3A_443 = arith.constant 0 : i32
    %parallel_loop3A_444 = arith.constant 16 : i32
    %parallel_loop3A_445 = arith.constant 1 : i32
    scf.for %parallel_loop3A_1008 = %parallel_loop3A_443 to %parallel_loop3A_444 step %parallel_loop3A_445  : i32 {
      %parallel_loop3A_1009 = arith.constant 0 : i32
      %parallel_loop3A_1010 = arith.constant 64 : i32
      %parallel_loop3A_1011 = arith.constant 1 : i32
      scf.for %parallel_loop3A_1012 = %parallel_loop3A_1009 to %parallel_loop3A_1010 step %parallel_loop3A_1011  : i32 {
        %parallel_loop3A_1013 = arith.constant 16 : i32
        %parallel_loop3A_1014 = arith.muli %parallel_loop3A_1012, %parallel_loop3A_1013 : i32
        %parallel_loop3A_1015 = arith.index_cast %parallel_loop3A_1008 : i32 to index
        %parallel_loop3A_1016 = arith.index_cast %parallel_loop3A_1014 : i32 to index
        %parallel_loop3A_1017 = tpu.vector_load %arg13[%parallel_loop3A_1015, %parallel_loop3A_1016] {strides = array<i32>} : memref<16x1024xf32, #tpu.memory_space<vmem>>, vector<1x16xf32>,
        %parallel_loop3A_1018 = vector.shape_cast %parallel_loop3A_1017 : vector<1x16xf32> to vector<16xf32>
        %parallel_loop3A_1019 = arith.index_cast %parallel_loop3A_1008 : i32 to index
        %parallel_loop3A_1020 = arith.index_cast %parallel_loop3A_1014 : i32 to index
        %parallel_loop3A_1021 = tpu.vector_load %arg10[%parallel_loop3A_1019, %parallel_loop3A_1020] {strides = array<i32>} : memref<16x1024xf32, #tpu.memory_space<vmem>>, vector<1x16xf32>,
        %parallel_loop3A_1022 = vector.shape_cast %parallel_loop3A_1021 : vector<1x16xf32> to vector<16xf32>
        %parallel_loop3A_1023 = vector.shape_cast %parallel_loop3A_1018 : vector<16xf32> to vector<1x16xf32>
        tpu.vector_store %arg10[%parallel_loop3A_1019, %parallel_loop3A_1020], %parallel_loop3A_1023 {add = true, strides = array<i32>} : memref<16x1024xf32, #tpu.memory_space<vmem>>, vector<1x16xf32>,
      } {sc.loop_unroll_factor = 8 : i64, sc.parallel_access}
    } {sc.loop_unroll_factor = 1 : i64, sc.parallel_access}
    %add3A_446 = arith.constant 4096 : i32
    %add3A_447 = arith.addi %add3A_446, %mul3A_2 : i32
    %add3A_448 = arith.constant 48 : i32
    %add3A_449 = arith.addi %add3A_447, %add3A_448 : i32
    %dma_start3A_450 = arith.constant 0 : i32
    %dma_start3A_451 = tpu.memref_slice %arg5[%add3A_449, %dma_start3A_450] : memref<16384x1024xf32, #tpu.memory_space<hbm>> -> memref<16x1024xf32, #tpu.memory_space<hbm>>
    %dma_start3A_452 = arith.constant 0 : i32
    %dma_start3A_453 = tpu.memref_slice %arg5[%add3A_449, %dma_start3A_452] : memref<16384x1024xf32, #tpu.memory_space<hbm>> -> memref<16x1024xf32, #tpu.memory_space<hbm>>
    tpu.enqueue_dma source(%arg10 : memref<16x1024xf32, #tpu.memory_space<vmem>>) target(%dma_start3A_453 : memref<16x1024xf32, #tpu.memory_space<hbm>>) target_semaphore(%arg22 : memref<!tpu.dma_semaphore, #tpu.memory_space<semaphore_mem>>)
    %dma_wait3A_454 = arith.constant 0 : i32
    %dma_wait3A_455 = tpu.memref_slice %arg5[%add3A_381, %dma_wait3A_454] : memref<16384x1024xf32, #tpu.memory_space<hbm>> -> memref<16x1024xf32, #tpu.memory_space<hbm>>
    %dma_wait3A_456 = arith.constant 0 : i32
    %dma_wait3A_457 = tpu.memref_slice %arg5[%add3A_381, %dma_wait3A_456] : memref<16384x1024xf32, #tpu.memory_space<hbm>> -> memref<16x1024xf32, #tpu.memory_space<hbm>>
    tpu.wait_dma2 semaphore(%arg20 : memref<!tpu.dma_semaphore, #tpu.memory_space<semaphore_mem>>) src(%arg8 : memref<16x1024xf32, #tpu.memory_space<vmem>>) dst(%dma_wait3A_457 : memref<16x1024xf32, #tpu.memory_space<hbm>>)
    %dma_start3A_458 = arith.constant 0 : i32
    %dma_start3A_459 = arith.constant 64 : i32
    %dma_start3A_460 = tpu.memref_slice %arg6[%dma_start3A_458, %dma_start3A_459] : memref<4x128xi32, #tpu.memory_space<vmem>> -> memref<1x16xi32, #tpu.memory_space<vmem>>
    %dma_start3A_461 = tpu.memref_squeeze %dma_start3A_460 : memref<1x16xi32, #tpu.memory_space<vmem>> -> memref<16xi32, #tpu.memory_space<vmem>>
    %dma_start3A_462 = arith.constant 0 : i32
    %dma_start3A_463 = arith.constant 0 : i32
    %dma_start3A_464 = tpu.memref_slice %arg3[%dma_start3A_462, %dma_start3A_463] : memref<50304x1024xf32, #tpu.memory_space<hbm>> -> memref<50304x1024xf32, #tpu.memory_space<hbm>>
    tpu.enqueue_indirect_dma source(%dma_start3A_464 : memref<50304x1024xf32, #tpu.memory_space<hbm>>) target(%arg8 : memref<16x1024xf32, #tpu.memory_space<vmem>>) offsets(%dma_start3A_461 : memref<16xi32, #tpu.memory_space<vmem>>) semaphore(%arg15 : memref<!tpu.dma_semaphore, #tpu.memory_space<semaphore_mem>>)
    %dma_wait3A_465 = arith.constant 2 : i32
    %dma_wait3A_466 = arith.constant 48 : i32
    %dma_wait3A_467 = tpu.memref_slice %arg6[%dma_wait3A_465, %dma_wait3A_466] : memref<4x128xi32, #tpu.memory_space<vmem>> -> memref<1x16xi32, #tpu.memory_space<vmem>>
    %dma_wait3A_468 = tpu.memref_squeeze %dma_wait3A_467 : memref<1x16xi32, #tpu.memory_space<vmem>> -> memref<16xi32, #tpu.memory_space<vmem>>
    %dma_wait3A_469 = arith.constant 0 : i32
    %dma_wait3A_470 = arith.constant 0 : i32
    %dma_wait3A_471 = tpu.memref_slice %arg3[%dma_wait3A_469, %dma_wait3A_470] : memref<50304x1024xf32, #tpu.memory_space<hbm>> -> memref<50304x1024xf32, #tpu.memory_space<hbm>>
    tpu.wait_indirect_dma semaphore(%arg18 : memref<!tpu.dma_semaphore, #tpu.memory_space<semaphore_mem>>) src(%dma_wait3A_471 : memref<50304x1024xf32, #tpu.memory_space<hbm>>) dst(%arg11 : memref<16x1024xf32, #tpu.memory_space<vmem>>)
    %parallel_loop3A_472 = arith.constant 0 : i32
    %parallel_loop3A_473 = arith.constant 16 : i32
    %parallel_loop3A_474 = arith.constant 1 : i32
    scf.for %parallel_loop3A_1008 = %parallel_loop3A_472 to %parallel_loop3A_473 step %parallel_loop3A_474  : i32 {
      %parallel_loop3A_1009 = arith.constant 0 : i32
      %parallel_loop3A_1010 = arith.constant 64 : i32
      %parallel_loop3A_1011 = arith.constant 1 : i32
      scf.for %parallel_loop3A_1012 = %parallel_loop3A_1009 to %parallel_loop3A_1010 step %parallel_loop3A_1011  : i32 {
        %parallel_loop3A_1013 = arith.constant 16 : i32
        %parallel_loop3A_1014 = arith.muli %parallel_loop3A_1012, %parallel_loop3A_1013 : i32
        %parallel_loop3A_1015 = arith.index_cast %parallel_loop3A_1008 : i32 to index
        %parallel_loop3A_1016 = arith.index_cast %parallel_loop3A_1014 : i32 to index
        %parallel_loop3A_1017 = tpu.vector_load %arg13[%parallel_loop3A_1015, %parallel_loop3A_1016] {strides = array<i32>} : memref<16x1024xf32, #tpu.memory_space<vmem>>, vector<1x16xf32>,
        %parallel_loop3A_1018 = vector.shape_cast %parallel_loop3A_1017 : vector<1x16xf32> to vector<16xf32>
        %parallel_loop3A_1019 = arith.index_cast %parallel_loop3A_1008 : i32 to index
        %parallel_loop3A_1020 = arith.index_cast %parallel_loop3A_1014 : i32 to index
        %parallel_loop3A_1021 = tpu.vector_load %arg11[%parallel_loop3A_1019, %parallel_loop3A_1020] {strides = array<i32>} : memref<16x1024xf32, #tpu.memory_space<vmem>>, vector<1x16xf32>,
        %parallel_loop3A_1022 = vector.shape_cast %parallel_loop3A_1021 : vector<1x16xf32> to vector<16xf32>
        %parallel_loop3A_1023 = vector.shape_cast %parallel_loop3A_1018 : vector<16xf32> to vector<1x16xf32>
        tpu.vector_store %arg11[%parallel_loop3A_1019, %parallel_loop3A_1020], %parallel_loop3A_1023 {add = true, strides = array<i32>} : memref<16x1024xf32, #tpu.memory_space<vmem>>, vector<1x16xf32>,
      } {sc.loop_unroll_factor = 8 : i64, sc.parallel_access}
    } {sc.loop_unroll_factor = 1 : i64, sc.parallel_access}
    %add3A_475 = arith.constant 8192 : i32
    %add3A_476 = arith.addi %add3A_475, %mul3A_2 : i32
    %add3A_477 = arith.constant 48 : i32
    %add3A_478 = arith.addi %add3A_476, %add3A_477 : i32
    %dma_start3A_479 = arith.constant 0 : i32
    %dma_start3A_480 = tpu.memref_slice %arg5[%add3A_478, %dma_start3A_479] : memref<16384x1024xf32, #tpu.memory_space<hbm>> -> memref<16x1024xf32, #tpu.memory_space<hbm>>
    %dma_start3A_481 = arith.constant 0 : i32
    %dma_start3A_482 = tpu.memref_slice %arg5[%add3A_478, %dma_start3A_481] : memref<16384x1024xf32, #tpu.memory_space<hbm>> -> memref<16x1024xf32, #tpu.memory_space<hbm>>
    tpu.enqueue_dma source(%arg11 : memref<16x1024xf32, #tpu.memory_space<vmem>>) target(%dma_start3A_482 : memref<16x1024xf32, #tpu.memory_space<hbm>>) target_semaphore(%arg23 : memref<!tpu.dma_semaphore, #tpu.memory_space<semaphore_mem>>)
    %dma_wait3A_483 = arith.constant 0 : i32
    %dma_wait3A_484 = tpu.memref_slice %arg5[%add3A_420, %dma_wait3A_483] : memref<16384x1024xf32, #tpu.memory_space<hbm>> -> memref<16x1024xf32, #tpu.memory_space<hbm>>
    %dma_wait3A_485 = arith.constant 0 : i32
    %dma_wait3A_486 = tpu.memref_slice %arg5[%add3A_420, %dma_wait3A_485] : memref<16384x1024xf32, #tpu.memory_space<hbm>> -> memref<16x1024xf32, #tpu.memory_space<hbm>>
    tpu.wait_dma2 semaphore(%arg21 : memref<!tpu.dma_semaphore, #tpu.memory_space<semaphore_mem>>) src(%arg9 : memref<16x1024xf32, #tpu.memory_space<vmem>>) dst(%dma_wait3A_486 : memref<16x1024xf32, #tpu.memory_space<hbm>>)
    %dma_start3A_487 = arith.constant 1 : i32
    %dma_start3A_488 = arith.constant 64 : i32
    %dma_start3A_489 = tpu.memref_slice %arg6[%dma_start3A_487, %dma_start3A_488] : memref<4x128xi32, #tpu.memory_space<vmem>> -> memref<1x16xi32, #tpu.memory_space<vmem>>
    %dma_start3A_490 = tpu.memref_squeeze %dma_start3A_489 : memref<1x16xi32, #tpu.memory_space<vmem>> -> memref<16xi32, #tpu.memory_space<vmem>>
    %dma_start3A_491 = arith.constant 0 : i32
    %dma_start3A_492 = arith.constant 0 : i32
    %dma_start3A_493 = tpu.memref_slice %arg3[%dma_start3A_491, %dma_start3A_492] : memref<50304x1024xf32, #tpu.memory_space<hbm>> -> memref<50304x1024xf32, #tpu.memory_space<hbm>>
    tpu.enqueue_indirect_dma source(%dma_start3A_493 : memref<50304x1024xf32, #tpu.memory_space<hbm>>) target(%arg9 : memref<16x1024xf32, #tpu.memory_space<vmem>>) offsets(%dma_start3A_490 : memref<16xi32, #tpu.memory_space<vmem>>) semaphore(%arg16 : memref<!tpu.dma_semaphore, #tpu.memory_space<semaphore_mem>>)
    %dma_wait3A_494 = arith.constant 3 : i32
    %dma_wait3A_495 = arith.constant 48 : i32
    %dma_wait3A_496 = tpu.memref_slice %arg6[%dma_wait3A_494, %dma_wait3A_495] : memref<4x128xi32, #tpu.memory_space<vmem>> -> memref<1x16xi32, #tpu.memory_space<vmem>>
    %dma_wait3A_497 = tpu.memref_squeeze %dma_wait3A_496 : memref<1x16xi32, #tpu.memory_space<vmem>> -> memref<16xi32, #tpu.memory_space<vmem>>
    %dma_wait3A_498 = arith.constant 0 : i32
    %dma_wait3A_499 = arith.constant 0 : i32
    %dma_wait3A_500 = tpu.memref_slice %arg3[%dma_wait3A_498, %dma_wait3A_499] : memref<50304x1024xf32, #tpu.memory_space<hbm>> -> memref<50304x1024xf32, #tpu.memory_space<hbm>>
    tpu.wait_indirect_dma semaphore(%arg14 : memref<!tpu.dma_semaphore, #tpu.memory_space<semaphore_mem>>) src(%dma_wait3A_500 : memref<50304x1024xf32, #tpu.memory_space<hbm>>) dst(%arg7 : memref<16x1024xf32, #tpu.memory_space<vmem>>)
    %parallel_loop3A_501 = arith.constant 0 : i32
    %parallel_loop3A_502 = arith.constant 16 : i32
    %parallel_loop3A_503 = arith.constant 1 : i32
    scf.for %parallel_loop3A_1008 = %parallel_loop3A_501 to %parallel_loop3A_502 step %parallel_loop3A_503  : i32 {
      %parallel_loop3A_1009 = arith.constant 0 : i32
      %parallel_loop3A_1010 = arith.constant 64 : i32
      %parallel_loop3A_1011 = arith.constant 1 : i32
      scf.for %parallel_loop3A_1012 = %parallel_loop3A_1009 to %parallel_loop3A_1010 step %parallel_loop3A_1011  : i32 {
        %parallel_loop3A_1013 = arith.constant 16 : i32
        %parallel_loop3A_1014 = arith.muli %parallel_loop3A_1012, %parallel_loop3A_1013 : i32
        %parallel_loop3A_1015 = arith.index_cast %parallel_loop3A_1008 : i32 to index
        %parallel_loop3A_1016 = arith.index_cast %parallel_loop3A_1014 : i32 to index
        %parallel_loop3A_1017 = tpu.vector_load %arg13[%parallel_loop3A_1015, %parallel_loop3A_1016] {strides = array<i32>} : memref<16x1024xf32, #tpu.memory_space<vmem>>, vector<1x16xf32>,
        %parallel_loop3A_1018 = vector.shape_cast %parallel_loop3A_1017 : vector<1x16xf32> to vector<16xf32>
        %parallel_loop3A_1019 = arith.index_cast %parallel_loop3A_1008 : i32 to index
        %parallel_loop3A_1020 = arith.index_cast %parallel_loop3A_1014 : i32 to index
        %parallel_loop3A_1021 = tpu.vector_load %arg7[%parallel_loop3A_1019, %parallel_loop3A_1020] {strides = array<i32>} : memref<16x1024xf32, #tpu.memory_space<vmem>>, vector<1x16xf32>,
        %parallel_loop3A_1022 = vector.shape_cast %parallel_loop3A_1021 : vector<1x16xf32> to vector<16xf32>
        %parallel_loop3A_1023 = vector.shape_cast %parallel_loop3A_1018 : vector<16xf32> to vector<1x16xf32>
        tpu.vector_store %arg7[%parallel_loop3A_1019, %parallel_loop3A_1020], %parallel_loop3A_1023 {add = true, strides = array<i32>} : memref<16x1024xf32, #tpu.memory_space<vmem>>, vector<1x16xf32>,
      } {sc.loop_unroll_factor = 8 : i64, sc.parallel_access}
    } {sc.loop_unroll_factor = 1 : i64, sc.parallel_access}
    %add3A_504 = arith.constant 12288 : i32
    %add3A_505 = arith.addi %add3A_504, %mul3A_2 : i32
    %add3A_506 = arith.constant 48 : i32
    %add3A_507 = arith.addi %add3A_505, %add3A_506 : i32
    %dma_start3A_508 = arith.constant 0 : i32
    %dma_start3A_509 = tpu.memref_slice %arg5[%add3A_507, %dma_start3A_508] : memref<16384x1024xf32, #tpu.memory_space<hbm>> -> memref<16x1024xf32, #tpu.memory_space<hbm>>
    %dma_start3A_510 = arith.constant 0 : i32
    %dma_start3A_511 = tpu.memref_slice %arg5[%add3A_507, %dma_start3A_510] : memref<16384x1024xf32, #tpu.memory_space<hbm>> -> memref<16x1024xf32, #tpu.memory_space<hbm>>
    tpu.enqueue_dma source(%arg7 : memref<16x1024xf32, #tpu.memory_space<vmem>>) target(%dma_start3A_511 : memref<16x1024xf32, #tpu.memory_space<hbm>>) target_semaphore(%arg19 : memref<!tpu.dma_semaphore, #tpu.memory_space<semaphore_mem>>)
    %add3A_512 = arith.constant 80 : i32
    %add3A_513 = arith.addi %mul3A_2, %add3A_512 : i32
    %dma_start3A_514 = arith.constant 0 : i32
    %dma_start3A_515 = tpu.memref_slice %arg4[%add3A_513, %dma_start3A_514] : memref<4096x1024xf32, #tpu.memory_space<hbm>> -> memref<16x1024xf32, #tpu.memory_space<hbm>>
    %dma_start3A_516 = arith.constant 0 : i32
    %dma_start3A_517 = tpu.memref_slice %arg4[%add3A_513, %dma_start3A_516] : memref<4096x1024xf32, #tpu.memory_space<hbm>> -> memref<16x1024xf32, #tpu.memory_space<hbm>>
    tpu.enqueue_dma source(%dma_start3A_517 : memref<16x1024xf32, #tpu.memory_space<hbm>>) target(%arg13 : memref<16x1024xf32, #tpu.memory_space<vmem>>) target_semaphore(%arg25 : memref<!tpu.dma_semaphore, #tpu.memory_space<semaphore_mem>>)
    %dma_wait3A_518 = arith.constant 0 : i32
    %dma_wait3A_519 = tpu.memref_slice %arg5[%add3A_449, %dma_wait3A_518] : memref<16384x1024xf32, #tpu.memory_space<hbm>> -> memref<16x1024xf32, #tpu.memory_space<hbm>>
    %dma_wait3A_520 = arith.constant 0 : i32
    %dma_wait3A_521 = tpu.memref_slice %arg5[%add3A_449, %dma_wait3A_520] : memref<16384x1024xf32, #tpu.memory_space<hbm>> -> memref<16x1024xf32, #tpu.memory_space<hbm>>
    tpu.wait_dma2 semaphore(%arg22 : memref<!tpu.dma_semaphore, #tpu.memory_space<semaphore_mem>>) src(%arg10 : memref<16x1024xf32, #tpu.memory_space<vmem>>) dst(%dma_wait3A_521 : memref<16x1024xf32, #tpu.memory_space<hbm>>)
    %dma_start3A_522 = arith.constant 2 : i32
    %dma_start3A_523 = arith.constant 64 : i32
    %dma_start3A_524 = tpu.memref_slice %arg6[%dma_start3A_522, %dma_start3A_523] : memref<4x128xi32, #tpu.memory_space<vmem>> -> memref<1x16xi32, #tpu.memory_space<vmem>>
    %dma_start3A_525 = tpu.memref_squeeze %dma_start3A_524 : memref<1x16xi32, #tpu.memory_space<vmem>> -> memref<16xi32, #tpu.memory_space<vmem>>
    %dma_start3A_526 = arith.constant 0 : i32
    %dma_start3A_527 = arith.constant 0 : i32
    %dma_start3A_528 = tpu.memref_slice %arg3[%dma_start3A_526, %dma_start3A_527] : memref<50304x1024xf32, #tpu.memory_space<hbm>> -> memref<50304x1024xf32, #tpu.memory_space<hbm>>
    tpu.enqueue_indirect_dma source(%dma_start3A_528 : memref<50304x1024xf32, #tpu.memory_space<hbm>>) target(%arg10 : memref<16x1024xf32, #tpu.memory_space<vmem>>) offsets(%dma_start3A_525 : memref<16xi32, #tpu.memory_space<vmem>>) semaphore(%arg17 : memref<!tpu.dma_semaphore, #tpu.memory_space<semaphore_mem>>)
    %dma_wait3A_529 = arith.constant 0 : i32
    %dma_wait3A_530 = tpu.memref_slice %arg4[%add3A_387, %dma_wait3A_529] : memref<4096x1024xf32, #tpu.memory_space<hbm>> -> memref<16x1024xf32, #tpu.memory_space<hbm>>
    %dma_wait3A_531 = arith.constant 0 : i32
    %dma_wait3A_532 = tpu.memref_slice %arg4[%add3A_387, %dma_wait3A_531] : memref<4096x1024xf32, #tpu.memory_space<hbm>> -> memref<16x1024xf32, #tpu.memory_space<hbm>>
    tpu.wait_dma2 semaphore(%arg24 : memref<!tpu.dma_semaphore, #tpu.memory_space<semaphore_mem>>) src(%dma_wait3A_532 : memref<16x1024xf32, #tpu.memory_space<hbm>>) dst(%arg12 : memref<16x1024xf32, #tpu.memory_space<vmem>>)
    %dma_wait3A_533 = arith.constant 0 : i32
    %dma_wait3A_534 = arith.constant 64 : i32
    %dma_wait3A_535 = tpu.memref_slice %arg6[%dma_wait3A_533, %dma_wait3A_534] : memref<4x128xi32, #tpu.memory_space<vmem>> -> memref<1x16xi32, #tpu.memory_space<vmem>>
    %dma_wait3A_536 = tpu.memref_squeeze %dma_wait3A_535 : memref<1x16xi32, #tpu.memory_space<vmem>> -> memref<16xi32, #tpu.memory_space<vmem>>
    %dma_wait3A_537 = arith.constant 0 : i32
    %dma_wait3A_538 = arith.constant 0 : i32
    %dma_wait3A_539 = tpu.memref_slice %arg3[%dma_wait3A_537, %dma_wait3A_538] : memref<50304x1024xf32, #tpu.memory_space<hbm>> -> memref<50304x1024xf32, #tpu.memory_space<hbm>>
    tpu.wait_indirect_dma semaphore(%arg15 : memref<!tpu.dma_semaphore, #tpu.memory_space<semaphore_mem>>) src(%dma_wait3A_539 : memref<50304x1024xf32, #tpu.memory_space<hbm>>) dst(%arg8 : memref<16x1024xf32, #tpu.memory_space<vmem>>)
    %parallel_loop3A_540 = arith.constant 0 : i32
    %parallel_loop3A_541 = arith.constant 16 : i32
    %parallel_loop3A_542 = arith.constant 1 : i32
    scf.for %parallel_loop3A_1008 = %parallel_loop3A_540 to %parallel_loop3A_541 step %parallel_loop3A_542  : i32 {
      %parallel_loop3A_1009 = arith.constant 0 : i32
      %parallel_loop3A_1010 = arith.constant 64 : i32
      %parallel_loop3A_1011 = arith.constant 1 : i32
      scf.for %parallel_loop3A_1012 = %parallel_loop3A_1009 to %parallel_loop3A_1010 step %parallel_loop3A_1011  : i32 {
        %parallel_loop3A_1013 = arith.constant 16 : i32
        %parallel_loop3A_1014 = arith.muli %parallel_loop3A_1012, %parallel_loop3A_1013 : i32
        %parallel_loop3A_1015 = arith.index_cast %parallel_loop3A_1008 : i32 to index
        %parallel_loop3A_1016 = arith.index_cast %parallel_loop3A_1014 : i32 to index
        %parallel_loop3A_1017 = tpu.vector_load %arg12[%parallel_loop3A_1015, %parallel_loop3A_1016] {strides = array<i32>} : memref<16x1024xf32, #tpu.memory_space<vmem>>, vector<1x16xf32>,
        %parallel_loop3A_1018 = vector.shape_cast %parallel_loop3A_1017 : vector<1x16xf32> to vector<16xf32>
        %parallel_loop3A_1019 = arith.index_cast %parallel_loop3A_1008 : i32 to index
        %parallel_loop3A_1020 = arith.index_cast %parallel_loop3A_1014 : i32 to index
        %parallel_loop3A_1021 = tpu.vector_load %arg8[%parallel_loop3A_1019, %parallel_loop3A_1020] {strides = array<i32>} : memref<16x1024xf32, #tpu.memory_space<vmem>>, vector<1x16xf32>,
        %parallel_loop3A_1022 = vector.shape_cast %parallel_loop3A_1021 : vector<1x16xf32> to vector<16xf32>
        %parallel_loop3A_1023 = vector.shape_cast %parallel_loop3A_1018 : vector<16xf32> to vector<1x16xf32>
        tpu.vector_store %arg8[%parallel_loop3A_1019, %parallel_loop3A_1020], %parallel_loop3A_1023 {add = true, strides = array<i32>} : memref<16x1024xf32, #tpu.memory_space<vmem>>, vector<1x16xf32>,
      } {sc.loop_unroll_factor = 8 : i64, sc.parallel_access}
    } {sc.loop_unroll_factor = 1 : i64, sc.parallel_access}
    %add3A_543 = arith.constant 0 : i32
    %add3A_544 = arith.addi %add3A_543, %mul3A_2 : i32
    %add3A_545 = arith.constant 64 : i32
    %add3A_546 = arith.addi %add3A_544, %add3A_545 : i32
    %dma_start3A_547 = arith.constant 0 : i32
    %dma_start3A_548 = tpu.memref_slice %arg5[%add3A_546, %dma_start3A_547] : memref<16384x1024xf32, #tpu.memory_space<hbm>> -> memref<16x1024xf32, #tpu.memory_space<hbm>>
    %dma_start3A_549 = arith.constant 0 : i32
    %dma_start3A_550 = tpu.memref_slice %arg5[%add3A_546, %dma_start3A_549] : memref<16384x1024xf32, #tpu.memory_space<hbm>> -> memref<16x1024xf32, #tpu.memory_space<hbm>>
    tpu.enqueue_dma source(%arg8 : memref<16x1024xf32, #tpu.memory_space<vmem>>) target(%dma_start3A_550 : memref<16x1024xf32, #tpu.memory_space<hbm>>) target_semaphore(%arg20 : memref<!tpu.dma_semaphore, #tpu.memory_space<semaphore_mem>>)
    %dma_wait3A_551 = arith.constant 0 : i32
    %dma_wait3A_552 = tpu.memref_slice %arg5[%add3A_478, %dma_wait3A_551] : memref<16384x1024xf32, #tpu.memory_space<hbm>> -> memref<16x1024xf32, #tpu.memory_space<hbm>>
    %dma_wait3A_553 = arith.constant 0 : i32
    %dma_wait3A_554 = tpu.memref_slice %arg5[%add3A_478, %dma_wait3A_553] : memref<16384x1024xf32, #tpu.memory_space<hbm>> -> memref<16x1024xf32, #tpu.memory_space<hbm>>
    tpu.wait_dma2 semaphore(%arg23 : memref<!tpu.dma_semaphore, #tpu.memory_space<semaphore_mem>>) src(%arg11 : memref<16x1024xf32, #tpu.memory_space<vmem>>) dst(%dma_wait3A_554 : memref<16x1024xf32, #tpu.memory_space<hbm>>)
    %dma_start3A_555 = arith.constant 3 : i32
    %dma_start3A_556 = arith.constant 64 : i32
    %dma_start3A_557 = tpu.memref_slice %arg6[%dma_start3A_555, %dma_start3A_556] : memref<4x128xi32, #tpu.memory_space<vmem>> -> memref<1x16xi32, #tpu.memory_space<vmem>>
    %dma_start3A_558 = tpu.memref_squeeze %dma_start3A_557 : memref<1x16xi32, #tpu.memory_space<vmem>> -> memref<16xi32, #tpu.memory_space<vmem>>
    %dma_start3A_559 = arith.constant 0 : i32
    %dma_start3A_560 = arith.constant 0 : i32
    %dma_start3A_561 = tpu.memref_slice %arg3[%dma_start3A_559, %dma_start3A_560] : memref<50304x1024xf32, #tpu.memory_space<hbm>> -> memref<50304x1024xf32, #tpu.memory_space<hbm>>
    tpu.enqueue_indirect_dma source(%dma_start3A_561 : memref<50304x1024xf32, #tpu.memory_space<hbm>>) target(%arg11 : memref<16x1024xf32, #tpu.memory_space<vmem>>) offsets(%dma_start3A_558 : memref<16xi32, #tpu.memory_space<vmem>>) semaphore(%arg18 : memref<!tpu.dma_semaphore, #tpu.memory_space<semaphore_mem>>)
    %dma_wait3A_562 = arith.constant 1 : i32
    %dma_wait3A_563 = arith.constant 64 : i32
    %dma_wait3A_564 = tpu.memref_slice %arg6[%dma_wait3A_562, %dma_wait3A_563] : memref<4x128xi32, #tpu.memory_space<vmem>> -> memref<1x16xi32, #tpu.memory_space<vmem>>
    %dma_wait3A_565 = tpu.memref_squeeze %dma_wait3A_564 : memref<1x16xi32, #tpu.memory_space<vmem>> -> memref<16xi32, #tpu.memory_space<vmem>>
    %dma_wait3A_566 = arith.constant 0 : i32
    %dma_wait3A_567 = arith.constant 0 : i32
    %dma_wait3A_568 = tpu.memref_slice %arg3[%dma_wait3A_566, %dma_wait3A_567] : memref<50304x1024xf32, #tpu.memory_space<hbm>> -> memref<50304x1024xf32, #tpu.memory_space<hbm>>
    tpu.wait_indirect_dma semaphore(%arg16 : memref<!tpu.dma_semaphore, #tpu.memory_space<semaphore_mem>>) src(%dma_wait3A_568 : memref<50304x1024xf32, #tpu.memory_space<hbm>>) dst(%arg9 : memref<16x1024xf32, #tpu.memory_space<vmem>>)
    %parallel_loop3A_569 = arith.constant 0 : i32
    %parallel_loop3A_570 = arith.constant 16 : i32
    %parallel_loop3A_571 = arith.constant 1 : i32
    scf.for %parallel_loop3A_1008 = %parallel_loop3A_569 to %parallel_loop3A_570 step %parallel_loop3A_571  : i32 {
      %parallel_loop3A_1009 = arith.constant 0 : i32
      %parallel_loop3A_1010 = arith.constant 64 : i32
      %parallel_loop3A_1011 = arith.constant 1 : i32
      scf.for %parallel_loop3A_1012 = %parallel_loop3A_1009 to %parallel_loop3A_1010 step %parallel_loop3A_1011  : i32 {
        %parallel_loop3A_1013 = arith.constant 16 : i32
        %parallel_loop3A_1014 = arith.muli %parallel_loop3A_1012, %parallel_loop3A_1013 : i32
        %parallel_loop3A_1015 = arith.index_cast %parallel_loop3A_1008 : i32 to index
        %parallel_loop3A_1016 = arith.index_cast %parallel_loop3A_1014 : i32 to index
        %parallel_loop3A_1017 = tpu.vector_load %arg12[%parallel_loop3A_1015, %parallel_loop3A_1016] {strides = array<i32>} : memref<16x1024xf32, #tpu.memory_space<vmem>>, vector<1x16xf32>,
        %parallel_loop3A_1018 = vector.shape_cast %parallel_loop3A_1017 : vector<1x16xf32> to vector<16xf32>
        %parallel_loop3A_1019 = arith.index_cast %parallel_loop3A_1008 : i32 to index
        %parallel_loop3A_1020 = arith.index_cast %parallel_loop3A_1014 : i32 to index
        %parallel_loop3A_1021 = tpu.vector_load %arg9[%parallel_loop3A_1019, %parallel_loop3A_1020] {strides = array<i32>} : memref<16x1024xf32, #tpu.memory_space<vmem>>, vector<1x16xf32>,
        %parallel_loop3A_1022 = vector.shape_cast %parallel_loop3A_1021 : vector<1x16xf32> to vector<16xf32>
        %parallel_loop3A_1023 = vector.shape_cast %parallel_loop3A_1018 : vector<16xf32> to vector<1x16xf32>
        tpu.vector_store %arg9[%parallel_loop3A_1019, %parallel_loop3A_1020], %parallel_loop3A_1023 {add = true, strides = array<i32>} : memref<16x1024xf32, #tpu.memory_space<vmem>>, vector<1x16xf32>,
      } {sc.loop_unroll_factor = 8 : i64, sc.parallel_access}
    } {sc.loop_unroll_factor = 1 : i64, sc.parallel_access}
    %add3A_572 = arith.constant 4096 : i32
    %add3A_573 = arith.addi %add3A_572, %mul3A_2 : i32
    %add3A_574 = arith.constant 64 : i32
    %add3A_575 = arith.addi %add3A_573, %add3A_574 : i32
    %dma_start3A_576 = arith.constant 0 : i32
    %dma_start3A_577 = tpu.memref_slice %arg5[%add3A_575, %dma_start3A_576] : memref<16384x1024xf32, #tpu.memory_space<hbm>> -> memref<16x1024xf32, #tpu.memory_space<hbm>>
    %dma_start3A_578 = arith.constant 0 : i32
    %dma_start3A_579 = tpu.memref_slice %arg5[%add3A_575, %dma_start3A_578] : memref<16384x1024xf32, #tpu.memory_space<hbm>> -> memref<16x1024xf32, #tpu.memory_space<hbm>>
    tpu.enqueue_dma source(%arg9 : memref<16x1024xf32, #tpu.memory_space<vmem>>) target(%dma_start3A_579 : memref<16x1024xf32, #tpu.memory_space<hbm>>) target_semaphore(%arg21 : memref<!tpu.dma_semaphore, #tpu.memory_space<semaphore_mem>>)
    %dma_wait3A_580 = arith.constant 0 : i32
    %dma_wait3A_581 = tpu.memref_slice %arg5[%add3A_507, %dma_wait3A_580] : memref<16384x1024xf32, #tpu.memory_space<hbm>> -> memref<16x1024xf32, #tpu.memory_space<hbm>>
    %dma_wait3A_582 = arith.constant 0 : i32
    %dma_wait3A_583 = tpu.memref_slice %arg5[%add3A_507, %dma_wait3A_582] : memref<16384x1024xf32, #tpu.memory_space<hbm>> -> memref<16x1024xf32, #tpu.memory_space<hbm>>
    tpu.wait_dma2 semaphore(%arg19 : memref<!tpu.dma_semaphore, #tpu.memory_space<semaphore_mem>>) src(%arg7 : memref<16x1024xf32, #tpu.memory_space<vmem>>) dst(%dma_wait3A_583 : memref<16x1024xf32, #tpu.memory_space<hbm>>)
    %dma_start3A_584 = arith.constant 0 : i32
    %dma_start3A_585 = arith.constant 80 : i32
    %dma_start3A_586 = tpu.memref_slice %arg6[%dma_start3A_584, %dma_start3A_585] : memref<4x128xi32, #tpu.memory_space<vmem>> -> memref<1x16xi32, #tpu.memory_space<vmem>>
    %dma_start3A_587 = tpu.memref_squeeze %dma_start3A_586 : memref<1x16xi32, #tpu.memory_space<vmem>> -> memref<16xi32, #tpu.memory_space<vmem>>
    %dma_start3A_588 = arith.constant 0 : i32
    %dma_start3A_589 = arith.constant 0 : i32
    %dma_start3A_590 = tpu.memref_slice %arg3[%dma_start3A_588, %dma_start3A_589] : memref<50304x1024xf32, #tpu.memory_space<hbm>> -> memref<50304x1024xf32, #tpu.memory_space<hbm>>
    tpu.enqueue_indirect_dma source(%dma_start3A_590 : memref<50304x1024xf32, #tpu.memory_space<hbm>>) target(%arg7 : memref<16x1024xf32, #tpu.memory_space<vmem>>) offsets(%dma_start3A_587 : memref<16xi32, #tpu.memory_space<vmem>>) semaphore(%arg14 : memref<!tpu.dma_semaphore, #tpu.memory_space<semaphore_mem>>)
    %dma_wait3A_591 = arith.constant 2 : i32
    %dma_wait3A_592 = arith.constant 64 : i32
    %dma_wait3A_593 = tpu.memref_slice %arg6[%dma_wait3A_591, %dma_wait3A_592] : memref<4x128xi32, #tpu.memory_space<vmem>> -> memref<1x16xi32, #tpu.memory_space<vmem>>
    %dma_wait3A_594 = tpu.memref_squeeze %dma_wait3A_593 : memref<1x16xi32, #tpu.memory_space<vmem>> -> memref<16xi32, #tpu.memory_space<vmem>>
    %dma_wait3A_595 = arith.constant 0 : i32
    %dma_wait3A_596 = arith.constant 0 : i32
    %dma_wait3A_597 = tpu.memref_slice %arg3[%dma_wait3A_595, %dma_wait3A_596] : memref<50304x1024xf32, #tpu.memory_space<hbm>> -> memref<50304x1024xf32, #tpu.memory_space<hbm>>
    tpu.wait_indirect_dma semaphore(%arg17 : memref<!tpu.dma_semaphore, #tpu.memory_space<semaphore_mem>>) src(%dma_wait3A_597 : memref<50304x1024xf32, #tpu.memory_space<hbm>>) dst(%arg10 : memref<16x1024xf32, #tpu.memory_space<vmem>>)
    %parallel_loop3A_598 = arith.constant 0 : i32
    %parallel_loop3A_599 = arith.constant 16 : i32
    %parallel_loop3A_600 = arith.constant 1 : i32
    scf.for %parallel_loop3A_1008 = %parallel_loop3A_598 to %parallel_loop3A_599 step %parallel_loop3A_600  : i32 {
      %parallel_loop3A_1009 = arith.constant 0 : i32
      %parallel_loop3A_1010 = arith.constant 64 : i32
      %parallel_loop3A_1011 = arith.constant 1 : i32
      scf.for %parallel_loop3A_1012 = %parallel_loop3A_1009 to %parallel_loop3A_1010 step %parallel_loop3A_1011  : i32 {
        %parallel_loop3A_1013 = arith.constant 16 : i32
        %parallel_loop3A_1014 = arith.muli %parallel_loop3A_1012, %parallel_loop3A_1013 : i32
        %parallel_loop3A_1015 = arith.index_cast %parallel_loop3A_1008 : i32 to index
        %parallel_loop3A_1016 = arith.index_cast %parallel_loop3A_1014 : i32 to index
        %parallel_loop3A_1017 = tpu.vector_load %arg12[%parallel_loop3A_1015, %parallel_loop3A_1016] {strides = array<i32>} : memref<16x1024xf32, #tpu.memory_space<vmem>>, vector<1x16xf32>,
        %parallel_loop3A_1018 = vector.shape_cast %parallel_loop3A_1017 : vector<1x16xf32> to vector<16xf32>
        %parallel_loop3A_1019 = arith.index_cast %parallel_loop3A_1008 : i32 to index
        %parallel_loop3A_1020 = arith.index_cast %parallel_loop3A_1014 : i32 to index
        %parallel_loop3A_1021 = tpu.vector_load %arg10[%parallel_loop3A_1019, %parallel_loop3A_1020] {strides = array<i32>} : memref<16x1024xf32, #tpu.memory_space<vmem>>, vector<1x16xf32>,
        %parallel_loop3A_1022 = vector.shape_cast %parallel_loop3A_1021 : vector<1x16xf32> to vector<16xf32>
        %parallel_loop3A_1023 = vector.shape_cast %parallel_loop3A_1018 : vector<16xf32> to vector<1x16xf32>
        tpu.vector_store %arg10[%parallel_loop3A_1019, %parallel_loop3A_1020], %parallel_loop3A_1023 {add = true, strides = array<i32>} : memref<16x1024xf32, #tpu.memory_space<vmem>>, vector<1x16xf32>,
      } {sc.loop_unroll_factor = 8 : i64, sc.parallel_access}
    } {sc.loop_unroll_factor = 1 : i64, sc.parallel_access}
    %add3A_601 = arith.constant 8192 : i32
    %add3A_602 = arith.addi %add3A_601, %mul3A_2 : i32
    %add3A_603 = arith.constant 64 : i32
    %add3A_604 = arith.addi %add3A_602, %add3A_603 : i32
    %dma_start3A_605 = arith.constant 0 : i32
    %dma_start3A_606 = tpu.memref_slice %arg5[%add3A_604, %dma_start3A_605] : memref<16384x1024xf32, #tpu.memory_space<hbm>> -> memref<16x1024xf32, #tpu.memory_space<hbm>>
    %dma_start3A_607 = arith.constant 0 : i32
    %dma_start3A_608 = tpu.memref_slice %arg5[%add3A_604, %dma_start3A_607] : memref<16384x1024xf32, #tpu.memory_space<hbm>> -> memref<16x1024xf32, #tpu.memory_space<hbm>>
    tpu.enqueue_dma source(%arg10 : memref<16x1024xf32, #tpu.memory_space<vmem>>) target(%dma_start3A_608 : memref<16x1024xf32, #tpu.memory_space<hbm>>) target_semaphore(%arg22 : memref<!tpu.dma_semaphore, #tpu.memory_space<semaphore_mem>>)
    %dma_wait3A_609 = arith.constant 0 : i32
    %dma_wait3A_610 = tpu.memref_slice %arg5[%add3A_546, %dma_wait3A_609] : memref<16384x1024xf32, #tpu.memory_space<hbm>> -> memref<16x1024xf32, #tpu.memory_space<hbm>>
    %dma_wait3A_611 = arith.constant 0 : i32
    %dma_wait3A_612 = tpu.memref_slice %arg5[%add3A_546, %dma_wait3A_611] : memref<16384x1024xf32, #tpu.memory_space<hbm>> -> memref<16x1024xf32, #tpu.memory_space<hbm>>
    tpu.wait_dma2 semaphore(%arg20 : memref<!tpu.dma_semaphore, #tpu.memory_space<semaphore_mem>>) src(%arg8 : memref<16x1024xf32, #tpu.memory_space<vmem>>) dst(%dma_wait3A_612 : memref<16x1024xf32, #tpu.memory_space<hbm>>)
    %dma_start3A_613 = arith.constant 1 : i32
    %dma_start3A_614 = arith.constant 80 : i32
    %dma_start3A_615 = tpu.memref_slice %arg6[%dma_start3A_613, %dma_start3A_614] : memref<4x128xi32, #tpu.memory_space<vmem>> -> memref<1x16xi32, #tpu.memory_space<vmem>>
    %dma_start3A_616 = tpu.memref_squeeze %dma_start3A_615 : memref<1x16xi32, #tpu.memory_space<vmem>> -> memref<16xi32, #tpu.memory_space<vmem>>
    %dma_start3A_617 = arith.constant 0 : i32
    %dma_start3A_618 = arith.constant 0 : i32
    %dma_start3A_619 = tpu.memref_slice %arg3[%dma_start3A_617, %dma_start3A_618] : memref<50304x1024xf32, #tpu.memory_space<hbm>> -> memref<50304x1024xf32, #tpu.memory_space<hbm>>
    tpu.enqueue_indirect_dma source(%dma_start3A_619 : memref<50304x1024xf32, #tpu.memory_space<hbm>>) target(%arg8 : memref<16x1024xf32, #tpu.memory_space<vmem>>) offsets(%dma_start3A_616 : memref<16xi32, #tpu.memory_space<vmem>>) semaphore(%arg15 : memref<!tpu.dma_semaphore, #tpu.memory_space<semaphore_mem>>)
    %dma_wait3A_620 = arith.constant 3 : i32
    %dma_wait3A_621 = arith.constant 64 : i32
    %dma_wait3A_622 = tpu.memref_slice %arg6[%dma_wait3A_620, %dma_wait3A_621] : memref<4x128xi32, #tpu.memory_space<vmem>> -> memref<1x16xi32, #tpu.memory_space<vmem>>
    %dma_wait3A_623 = tpu.memref_squeeze %dma_wait3A_622 : memref<1x16xi32, #tpu.memory_space<vmem>> -> memref<16xi32, #tpu.memory_space<vmem>>
    %dma_wait3A_624 = arith.constant 0 : i32
    %dma_wait3A_625 = arith.constant 0 : i32
    %dma_wait3A_626 = tpu.memref_slice %arg3[%dma_wait3A_624, %dma_wait3A_625] : memref<50304x1024xf32, #tpu.memory_space<hbm>> -> memref<50304x1024xf32, #tpu.memory_space<hbm>>
    tpu.wait_indirect_dma semaphore(%arg18 : memref<!tpu.dma_semaphore, #tpu.memory_space<semaphore_mem>>) src(%dma_wait3A_626 : memref<50304x1024xf32, #tpu.memory_space<hbm>>) dst(%arg11 : memref<16x1024xf32, #tpu.memory_space<vmem>>)
    %parallel_loop3A_627 = arith.constant 0 : i32
    %parallel_loop3A_628 = arith.constant 16 : i32
    %parallel_loop3A_629 = arith.constant 1 : i32
    scf.for %parallel_loop3A_1008 = %parallel_loop3A_627 to %parallel_loop3A_628 step %parallel_loop3A_629  : i32 {
      %parallel_loop3A_1009 = arith.constant 0 : i32
      %parallel_loop3A_1010 = arith.constant 64 : i32
      %parallel_loop3A_1011 = arith.constant 1 : i32
      scf.for %parallel_loop3A_1012 = %parallel_loop3A_1009 to %parallel_loop3A_1010 step %parallel_loop3A_1011  : i32 {
        %parallel_loop3A_1013 = arith.constant 16 : i32
        %parallel_loop3A_1014 = arith.muli %parallel_loop3A_1012, %parallel_loop3A_1013 : i32
        %parallel_loop3A_1015 = arith.index_cast %parallel_loop3A_1008 : i32 to index
        %parallel_loop3A_1016 = arith.index_cast %parallel_loop3A_1014 : i32 to index
        %parallel_loop3A_1017 = tpu.vector_load %arg12[%parallel_loop3A_1015, %parallel_loop3A_1016] {strides = array<i32>} : memref<16x1024xf32, #tpu.memory_space<vmem>>, vector<1x16xf32>,
        %parallel_loop3A_1018 = vector.shape_cast %parallel_loop3A_1017 : vector<1x16xf32> to vector<16xf32>
        %parallel_loop3A_1019 = arith.index_cast %parallel_loop3A_1008 : i32 to index
        %parallel_loop3A_1020 = arith.index_cast %parallel_loop3A_1014 : i32 to index
        %parallel_loop3A_1021 = tpu.vector_load %arg11[%parallel_loop3A_1019, %parallel_loop3A_1020] {strides = array<i32>} : memref<16x1024xf32, #tpu.memory_space<vmem>>, vector<1x16xf32>,
        %parallel_loop3A_1022 = vector.shape_cast %parallel_loop3A_1021 : vector<1x16xf32> to vector<16xf32>
        %parallel_loop3A_1023 = vector.shape_cast %parallel_loop3A_1018 : vector<16xf32> to vector<1x16xf32>
        tpu.vector_store %arg11[%parallel_loop3A_1019, %parallel_loop3A_1020], %parallel_loop3A_1023 {add = true, strides = array<i32>} : memref<16x1024xf32, #tpu.memory_space<vmem>>, vector<1x16xf32>,
      } {sc.loop_unroll_factor = 8 : i64, sc.parallel_access}
    } {sc.loop_unroll_factor = 1 : i64, sc.parallel_access}
    %add3A_630 = arith.constant 12288 : i32
    %add3A_631 = arith.addi %add3A_630, %mul3A_2 : i32
    %add3A_632 = arith.constant 64 : i32
    %add3A_633 = arith.addi %add3A_631, %add3A_632 : i32
    %dma_start3A_634 = arith.constant 0 : i32
    %dma_start3A_635 = tpu.memref_slice %arg5[%add3A_633, %dma_start3A_634] : memref<16384x1024xf32, #tpu.memory_space<hbm>> -> memref<16x1024xf32, #tpu.memory_space<hbm>>
    %dma_start3A_636 = arith.constant 0 : i32
    %dma_start3A_637 = tpu.memref_slice %arg5[%add3A_633, %dma_start3A_636] : memref<16384x1024xf32, #tpu.memory_space<hbm>> -> memref<16x1024xf32, #tpu.memory_space<hbm>>
    tpu.enqueue_dma source(%arg11 : memref<16x1024xf32, #tpu.memory_space<vmem>>) target(%dma_start3A_637 : memref<16x1024xf32, #tpu.memory_space<hbm>>) target_semaphore(%arg23 : memref<!tpu.dma_semaphore, #tpu.memory_space<semaphore_mem>>)
    %add3A_638 = arith.constant 96 : i32
    %add3A_639 = arith.addi %mul3A_2, %add3A_638 : i32
    %dma_start3A_640 = arith.constant 0 : i32
    %dma_start3A_641 = tpu.memref_slice %arg4[%add3A_639, %dma_start3A_640] : memref<4096x1024xf32, #tpu.memory_space<hbm>> -> memref<16x1024xf32, #tpu.memory_space<hbm>>
    %dma_start3A_642 = arith.constant 0 : i32
    %dma_start3A_643 = tpu.memref_slice %arg4[%add3A_639, %dma_start3A_642] : memref<4096x1024xf32, #tpu.memory_space<hbm>> -> memref<16x1024xf32, #tpu.memory_space<hbm>>
    tpu.enqueue_dma source(%dma_start3A_643 : memref<16x1024xf32, #tpu.memory_space<hbm>>) target(%arg12 : memref<16x1024xf32, #tpu.memory_space<vmem>>) target_semaphore(%arg24 : memref<!tpu.dma_semaphore, #tpu.memory_space<semaphore_mem>>)
    %dma_wait3A_644 = arith.constant 0 : i32
    %dma_wait3A_645 = tpu.memref_slice %arg5[%add3A_575, %dma_wait3A_644] : memref<16384x1024xf32, #tpu.memory_space<hbm>> -> memref<16x1024xf32, #tpu.memory_space<hbm>>
    %dma_wait3A_646 = arith.constant 0 : i32
    %dma_wait3A_647 = tpu.memref_slice %arg5[%add3A_575, %dma_wait3A_646] : memref<16384x1024xf32, #tpu.memory_space<hbm>> -> memref<16x1024xf32, #tpu.memory_space<hbm>>
    tpu.wait_dma2 semaphore(%arg21 : memref<!tpu.dma_semaphore, #tpu.memory_space<semaphore_mem>>) src(%arg9 : memref<16x1024xf32, #tpu.memory_space<vmem>>) dst(%dma_wait3A_647 : memref<16x1024xf32, #tpu.memory_space<hbm>>)
    %dma_start3A_648 = arith.constant 2 : i32
    %dma_start3A_649 = arith.constant 80 : i32
    %dma_start3A_650 = tpu.memref_slice %arg6[%dma_start3A_648, %dma_start3A_649] : memref<4x128xi32, #tpu.memory_space<vmem>> -> memref<1x16xi32, #tpu.memory_space<vmem>>
    %dma_start3A_651 = tpu.memref_squeeze %dma_start3A_650 : memref<1x16xi32, #tpu.memory_space<vmem>> -> memref<16xi32, #tpu.memory_space<vmem>>
    %dma_start3A_652 = arith.constant 0 : i32
    %dma_start3A_653 = arith.constant 0 : i32
    %dma_start3A_654 = tpu.memref_slice %arg3[%dma_start3A_652, %dma_start3A_653] : memref<50304x1024xf32, #tpu.memory_space<hbm>> -> memref<50304x1024xf32, #tpu.memory_space<hbm>>
    tpu.enqueue_indirect_dma source(%dma_start3A_654 : memref<50304x1024xf32, #tpu.memory_space<hbm>>) target(%arg9 : memref<16x1024xf32, #tpu.memory_space<vmem>>) offsets(%dma_start3A_651 : memref<16xi32, #tpu.memory_space<vmem>>) semaphore(%arg16 : memref<!tpu.dma_semaphore, #tpu.memory_space<semaphore_mem>>)
    %dma_wait3A_655 = arith.constant 0 : i32
    %dma_wait3A_656 = tpu.memref_slice %arg4[%add3A_513, %dma_wait3A_655] : memref<4096x1024xf32, #tpu.memory_space<hbm>> -> memref<16x1024xf32, #tpu.memory_space<hbm>>
    %dma_wait3A_657 = arith.constant 0 : i32
    %dma_wait3A_658 = tpu.memref_slice %arg4[%add3A_513, %dma_wait3A_657] : memref<4096x1024xf32, #tpu.memory_space<hbm>> -> memref<16x1024xf32, #tpu.memory_space<hbm>>
    tpu.wait_dma2 semaphore(%arg25 : memref<!tpu.dma_semaphore, #tpu.memory_space<semaphore_mem>>) src(%dma_wait3A_658 : memref<16x1024xf32, #tpu.memory_space<hbm>>) dst(%arg13 : memref<16x1024xf32, #tpu.memory_space<vmem>>)
    %dma_wait3A_659 = arith.constant 0 : i32
    %dma_wait3A_660 = arith.constant 80 : i32
    %dma_wait3A_661 = tpu.memref_slice %arg6[%dma_wait3A_659, %dma_wait3A_660] : memref<4x128xi32, #tpu.memory_space<vmem>> -> memref<1x16xi32, #tpu.memory_space<vmem>>
    %dma_wait3A_662 = tpu.memref_squeeze %dma_wait3A_661 : memref<1x16xi32, #tpu.memory_space<vmem>> -> memref<16xi32, #tpu.memory_space<vmem>>
    %dma_wait3A_663 = arith.constant 0 : i32
    %dma_wait3A_664 = arith.constant 0 : i32
    %dma_wait3A_665 = tpu.memref_slice %arg3[%dma_wait3A_663, %dma_wait3A_664] : memref<50304x1024xf32, #tpu.memory_space<hbm>> -> memref<50304x1024xf32, #tpu.memory_space<hbm>>
    tpu.wait_indirect_dma semaphore(%arg14 : memref<!tpu.dma_semaphore, #tpu.memory_space<semaphore_mem>>) src(%dma_wait3A_665 : memref<50304x1024xf32, #tpu.memory_space<hbm>>) dst(%arg7 : memref<16x1024xf32, #tpu.memory_space<vmem>>)
    %parallel_loop3A_666 = arith.constant 0 : i32
    %parallel_loop3A_667 = arith.constant 16 : i32
    %parallel_loop3A_668 = arith.constant 1 : i32
    scf.for %parallel_loop3A_1008 = %parallel_loop3A_666 to %parallel_loop3A_667 step %parallel_loop3A_668  : i32 {
      %parallel_loop3A_1009 = arith.constant 0 : i32
      %parallel_loop3A_1010 = arith.constant 64 : i32
      %parallel_loop3A_1011 = arith.constant 1 : i32
      scf.for %parallel_loop3A_1012 = %parallel_loop3A_1009 to %parallel_loop3A_1010 step %parallel_loop3A_1011  : i32 {
        %parallel_loop3A_1013 = arith.constant 16 : i32
        %parallel_loop3A_1014 = arith.muli %parallel_loop3A_1012, %parallel_loop3A_1013 : i32
        %parallel_loop3A_1015 = arith.index_cast %parallel_loop3A_1008 : i32 to index
        %parallel_loop3A_1016 = arith.index_cast %parallel_loop3A_1014 : i32 to index
        %parallel_loop3A_1017 = tpu.vector_load %arg13[%parallel_loop3A_1015, %parallel_loop3A_1016] {strides = array<i32>} : memref<16x1024xf32, #tpu.memory_space<vmem>>, vector<1x16xf32>,
        %parallel_loop3A_1018 = vector.shape_cast %parallel_loop3A_1017 : vector<1x16xf32> to vector<16xf32>
        %parallel_loop3A_1019 = arith.index_cast %parallel_loop3A_1008 : i32 to index
        %parallel_loop3A_1020 = arith.index_cast %parallel_loop3A_1014 : i32 to index
        %parallel_loop3A_1021 = tpu.vector_load %arg7[%parallel_loop3A_1019, %parallel_loop3A_1020] {strides = array<i32>} : memref<16x1024xf32, #tpu.memory_space<vmem>>, vector<1x16xf32>,
        %parallel_loop3A_1022 = vector.shape_cast %parallel_loop3A_1021 : vector<1x16xf32> to vector<16xf32>
        %parallel_loop3A_1023 = vector.shape_cast %parallel_loop3A_1018 : vector<16xf32> to vector<1x16xf32>
        tpu.vector_store %arg7[%parallel_loop3A_1019, %parallel_loop3A_1020], %parallel_loop3A_1023 {add = true, strides = array<i32>} : memref<16x1024xf32, #tpu.memory_space<vmem>>, vector<1x16xf32>,
      } {sc.loop_unroll_factor = 8 : i64, sc.parallel_access}
    } {sc.loop_unroll_factor = 1 : i64, sc.parallel_access}
    %add3A_669 = arith.constant 0 : i32
    %add3A_670 = arith.addi %add3A_669, %mul3A_2 : i32
    %add3A_671 = arith.constant 80 : i32
    %add3A_672 = arith.addi %add3A_670, %add3A_671 : i32
    %dma_start3A_673 = arith.constant 0 : i32
    %dma_start3A_674 = tpu.memref_slice %arg5[%add3A_672, %dma_start3A_673] : memref<16384x1024xf32, #tpu.memory_space<hbm>> -> memref<16x1024xf32, #tpu.memory_space<hbm>>
    %dma_start3A_675 = arith.constant 0 : i32
    %dma_start3A_676 = tpu.memref_slice %arg5[%add3A_672, %dma_start3A_675] : memref<16384x1024xf32, #tpu.memory_space<hbm>> -> memref<16x1024xf32, #tpu.memory_space<hbm>>
    tpu.enqueue_dma source(%arg7 : memref<16x1024xf32, #tpu.memory_space<vmem>>) target(%dma_start3A_676 : memref<16x1024xf32, #tpu.memory_space<hbm>>) target_semaphore(%arg19 : memref<!tpu.dma_semaphore, #tpu.memory_space<semaphore_mem>>)
    %dma_wait3A_677 = arith.constant 0 : i32
    %dma_wait3A_678 = tpu.memref_slice %arg5[%add3A_604, %dma_wait3A_677] : memref<16384x1024xf32, #tpu.memory_space<hbm>> -> memref<16x1024xf32, #tpu.memory_space<hbm>>
    %dma_wait3A_679 = arith.constant 0 : i32
    %dma_wait3A_680 = tpu.memref_slice %arg5[%add3A_604, %dma_wait3A_679] : memref<16384x1024xf32, #tpu.memory_space<hbm>> -> memref<16x1024xf32, #tpu.memory_space<hbm>>
    tpu.wait_dma2 semaphore(%arg22 : memref<!tpu.dma_semaphore, #tpu.memory_space<semaphore_mem>>) src(%arg10 : memref<16x1024xf32, #tpu.memory_space<vmem>>) dst(%dma_wait3A_680 : memref<16x1024xf32, #tpu.memory_space<hbm>>)
    %dma_start3A_681 = arith.constant 3 : i32
    %dma_start3A_682 = arith.constant 80 : i32
    %dma_start3A_683 = tpu.memref_slice %arg6[%dma_start3A_681, %dma_start3A_682] : memref<4x128xi32, #tpu.memory_space<vmem>> -> memref<1x16xi32, #tpu.memory_space<vmem>>
    %dma_start3A_684 = tpu.memref_squeeze %dma_start3A_683 : memref<1x16xi32, #tpu.memory_space<vmem>> -> memref<16xi32, #tpu.memory_space<vmem>>
    %dma_start3A_685 = arith.constant 0 : i32
    %dma_start3A_686 = arith.constant 0 : i32
    %dma_start3A_687 = tpu.memref_slice %arg3[%dma_start3A_685, %dma_start3A_686] : memref<50304x1024xf32, #tpu.memory_space<hbm>> -> memref<50304x1024xf32, #tpu.memory_space<hbm>>
    tpu.enqueue_indirect_dma source(%dma_start3A_687 : memref<50304x1024xf32, #tpu.memory_space<hbm>>) target(%arg10 : memref<16x1024xf32, #tpu.memory_space<vmem>>) offsets(%dma_start3A_684 : memref<16xi32, #tpu.memory_space<vmem>>) semaphore(%arg17 : memref<!tpu.dma_semaphore, #tpu.memory_space<semaphore_mem>>)
    %dma_wait3A_688 = arith.constant 1 : i32
    %dma_wait3A_689 = arith.constant 80 : i32
    %dma_wait3A_690 = tpu.memref_slice %arg6[%dma_wait3A_688, %dma_wait3A_689] : memref<4x128xi32, #tpu.memory_space<vmem>> -> memref<1x16xi32, #tpu.memory_space<vmem>>
    %dma_wait3A_691 = tpu.memref_squeeze %dma_wait3A_690 : memref<1x16xi32, #tpu.memory_space<vmem>> -> memref<16xi32, #tpu.memory_space<vmem>>
    %dma_wait3A_692 = arith.constant 0 : i32
    %dma_wait3A_693 = arith.constant 0 : i32
    %dma_wait3A_694 = tpu.memref_slice %arg3[%dma_wait3A_692, %dma_wait3A_693] : memref<50304x1024xf32, #tpu.memory_space<hbm>> -> memref<50304x1024xf32, #tpu.memory_space<hbm>>
    tpu.wait_indirect_dma semaphore(%arg15 : memref<!tpu.dma_semaphore, #tpu.memory_space<semaphore_mem>>) src(%dma_wait3A_694 : memref<50304x1024xf32, #tpu.memory_space<hbm>>) dst(%arg8 : memref<16x1024xf32, #tpu.memory_space<vmem>>)
    %parallel_loop3A_695 = arith.constant 0 : i32
    %parallel_loop3A_696 = arith.constant 16 : i32
    %parallel_loop3A_697 = arith.constant 1 : i32
    scf.for %parallel_loop3A_1008 = %parallel_loop3A_695 to %parallel_loop3A_696 step %parallel_loop3A_697  : i32 {
      %parallel_loop3A_1009 = arith.constant 0 : i32
      %parallel_loop3A_1010 = arith.constant 64 : i32
      %parallel_loop3A_1011 = arith.constant 1 : i32
      scf.for %parallel_loop3A_1012 = %parallel_loop3A_1009 to %parallel_loop3A_1010 step %parallel_loop3A_1011  : i32 {
        %parallel_loop3A_1013 = arith.constant 16 : i32
        %parallel_loop3A_1014 = arith.muli %parallel_loop3A_1012, %parallel_loop3A_1013 : i32
        %parallel_loop3A_1015 = arith.index_cast %parallel_loop3A_1008 : i32 to index
        %parallel_loop3A_1016 = arith.index_cast %parallel_loop3A_1014 : i32 to index
        %parallel_loop3A_1017 = tpu.vector_load %arg13[%parallel_loop3A_1015, %parallel_loop3A_1016] {strides = array<i32>} : memref<16x1024xf32, #tpu.memory_space<vmem>>, vector<1x16xf32>,
        %parallel_loop3A_1018 = vector.shape_cast %parallel_loop3A_1017 : vector<1x16xf32> to vector<16xf32>
        %parallel_loop3A_1019 = arith.index_cast %parallel_loop3A_1008 : i32 to index
        %parallel_loop3A_1020 = arith.index_cast %parallel_loop3A_1014 : i32 to index
        %parallel_loop3A_1021 = tpu.vector_load %arg8[%parallel_loop3A_1019, %parallel_loop3A_1020] {strides = array<i32>} : memref<16x1024xf32, #tpu.memory_space<vmem>>, vector<1x16xf32>,
        %parallel_loop3A_1022 = vector.shape_cast %parallel_loop3A_1021 : vector<1x16xf32> to vector<16xf32>
        %parallel_loop3A_1023 = vector.shape_cast %parallel_loop3A_1018 : vector<16xf32> to vector<1x16xf32>
        tpu.vector_store %arg8[%parallel_loop3A_1019, %parallel_loop3A_1020], %parallel_loop3A_1023 {add = true, strides = array<i32>} : memref<16x1024xf32, #tpu.memory_space<vmem>>, vector<1x16xf32>,
      } {sc.loop_unroll_factor = 8 : i64, sc.parallel_access}
    } {sc.loop_unroll_factor = 1 : i64, sc.parallel_access}
    %add3A_698 = arith.constant 4096 : i32
    %add3A_699 = arith.addi %add3A_698, %mul3A_2 : i32
    %add3A_700 = arith.constant 80 : i32
    %add3A_701 = arith.addi %add3A_699, %add3A_700 : i32
    %dma_start3A_702 = arith.constant 0 : i32
    %dma_start3A_703 = tpu.memref_slice %arg5[%add3A_701, %dma_start3A_702] : memref<16384x1024xf32, #tpu.memory_space<hbm>> -> memref<16x1024xf32, #tpu.memory_space<hbm>>
    %dma_start3A_704 = arith.constant 0 : i32
    %dma_start3A_705 = tpu.memref_slice %arg5[%add3A_701, %dma_start3A_704] : memref<16384x1024xf32, #tpu.memory_space<hbm>> -> memref<16x1024xf32, #tpu.memory_space<hbm>>
    tpu.enqueue_dma source(%arg8 : memref<16x1024xf32, #tpu.memory_space<vmem>>) target(%dma_start3A_705 : memref<16x1024xf32, #tpu.memory_space<hbm>>) target_semaphore(%arg20 : memref<!tpu.dma_semaphore, #tpu.memory_space<semaphore_mem>>)
    %dma_wait3A_706 = arith.constant 0 : i32
    %dma_wait3A_707 = tpu.memref_slice %arg5[%add3A_633, %dma_wait3A_706] : memref<16384x1024xf32, #tpu.memory_space<hbm>> -> memref<16x1024xf32, #tpu.memory_space<hbm>>
    %dma_wait3A_708 = arith.constant 0 : i32
    %dma_wait3A_709 = tpu.memref_slice %arg5[%add3A_633, %dma_wait3A_708] : memref<16384x1024xf32, #tpu.memory_space<hbm>> -> memref<16x1024xf32, #tpu.memory_space<hbm>>
    tpu.wait_dma2 semaphore(%arg23 : memref<!tpu.dma_semaphore, #tpu.memory_space<semaphore_mem>>) src(%arg11 : memref<16x1024xf32, #tpu.memory_space<vmem>>) dst(%dma_wait3A_709 : memref<16x1024xf32, #tpu.memory_space<hbm>>)
    %dma_start3A_710 = arith.constant 0 : i32
    %dma_start3A_711 = arith.constant 96 : i32
    %dma_start3A_712 = tpu.memref_slice %arg6[%dma_start3A_710, %dma_start3A_711] : memref<4x128xi32, #tpu.memory_space<vmem>> -> memref<1x16xi32, #tpu.memory_space<vmem>>
    %dma_start3A_713 = tpu.memref_squeeze %dma_start3A_712 : memref<1x16xi32, #tpu.memory_space<vmem>> -> memref<16xi32, #tpu.memory_space<vmem>>
    %dma_start3A_714 = arith.constant 0 : i32
    %dma_start3A_715 = arith.constant 0 : i32
    %dma_start3A_716 = tpu.memref_slice %arg3[%dma_start3A_714, %dma_start3A_715] : memref<50304x1024xf32, #tpu.memory_space<hbm>> -> memref<50304x1024xf32, #tpu.memory_space<hbm>>
    tpu.enqueue_indirect_dma source(%dma_start3A_716 : memref<50304x1024xf32, #tpu.memory_space<hbm>>) target(%arg11 : memref<16x1024xf32, #tpu.memory_space<vmem>>) offsets(%dma_start3A_713 : memref<16xi32, #tpu.memory_space<vmem>>) semaphore(%arg18 : memref<!tpu.dma_semaphore, #tpu.memory_space<semaphore_mem>>)
    %dma_wait3A_717 = arith.constant 2 : i32
    %dma_wait3A_718 = arith.constant 80 : i32
    %dma_wait3A_719 = tpu.memref_slice %arg6[%dma_wait3A_717, %dma_wait3A_718] : memref<4x128xi32, #tpu.memory_space<vmem>> -> memref<1x16xi32, #tpu.memory_space<vmem>>
    %dma_wait3A_720 = tpu.memref_squeeze %dma_wait3A_719 : memref<1x16xi32, #tpu.memory_space<vmem>> -> memref<16xi32, #tpu.memory_space<vmem>>
    %dma_wait3A_721 = arith.constant 0 : i32
    %dma_wait3A_722 = arith.constant 0 : i32
    %dma_wait3A_723 = tpu.memref_slice %arg3[%dma_wait3A_721, %dma_wait3A_722] : memref<50304x1024xf32, #tpu.memory_space<hbm>> -> memref<50304x1024xf32, #tpu.memory_space<hbm>>
    tpu.wait_indirect_dma semaphore(%arg16 : memref<!tpu.dma_semaphore, #tpu.memory_space<semaphore_mem>>) src(%dma_wait3A_723 : memref<50304x1024xf32, #tpu.memory_space<hbm>>) dst(%arg9 : memref<16x1024xf32, #tpu.memory_space<vmem>>)
    %parallel_loop3A_724 = arith.constant 0 : i32
    %parallel_loop3A_725 = arith.constant 16 : i32
    %parallel_loop3A_726 = arith.constant 1 : i32
    scf.for %parallel_loop3A_1008 = %parallel_loop3A_724 to %parallel_loop3A_725 step %parallel_loop3A_726  : i32 {
      %parallel_loop3A_1009 = arith.constant 0 : i32
      %parallel_loop3A_1010 = arith.constant 64 : i32
      %parallel_loop3A_1011 = arith.constant 1 : i32
      scf.for %parallel_loop3A_1012 = %parallel_loop3A_1009 to %parallel_loop3A_1010 step %parallel_loop3A_1011  : i32 {
        %parallel_loop3A_1013 = arith.constant 16 : i32
        %parallel_loop3A_1014 = arith.muli %parallel_loop3A_1012, %parallel_loop3A_1013 : i32
        %parallel_loop3A_1015 = arith.index_cast %parallel_loop3A_1008 : i32 to index
        %parallel_loop3A_1016 = arith.index_cast %parallel_loop3A_1014 : i32 to index
        %parallel_loop3A_1017 = tpu.vector_load %arg13[%parallel_loop3A_1015, %parallel_loop3A_1016] {strides = array<i32>} : memref<16x1024xf32, #tpu.memory_space<vmem>>, vector<1x16xf32>,
        %parallel_loop3A_1018 = vector.shape_cast %parallel_loop3A_1017 : vector<1x16xf32> to vector<16xf32>
        %parallel_loop3A_1019 = arith.index_cast %parallel_loop3A_1008 : i32 to index
        %parallel_loop3A_1020 = arith.index_cast %parallel_loop3A_1014 : i32 to index
        %parallel_loop3A_1021 = tpu.vector_load %arg9[%parallel_loop3A_1019, %parallel_loop3A_1020] {strides = array<i32>} : memref<16x1024xf32, #tpu.memory_space<vmem>>, vector<1x16xf32>,
        %parallel_loop3A_1022 = vector.shape_cast %parallel_loop3A_1021 : vector<1x16xf32> to vector<16xf32>
        %parallel_loop3A_1023 = vector.shape_cast %parallel_loop3A_1018 : vector<16xf32> to vector<1x16xf32>
        tpu.vector_store %arg9[%parallel_loop3A_1019, %parallel_loop3A_1020], %parallel_loop3A_1023 {add = true, strides = array<i32>} : memref<16x1024xf32, #tpu.memory_space<vmem>>, vector<1x16xf32>,
      } {sc.loop_unroll_factor = 8 : i64, sc.parallel_access}
    } {sc.loop_unroll_factor = 1 : i64, sc.parallel_access}
    %add3A_727 = arith.constant 8192 : i32
    %add3A_728 = arith.addi %add3A_727, %mul3A_2 : i32
    %add3A_729 = arith.constant 80 : i32
    %add3A_730 = arith.addi %add3A_728, %add3A_729 : i32
    %dma_start3A_731 = arith.constant 0 : i32
    %dma_start3A_732 = tpu.memref_slice %arg5[%add3A_730, %dma_start3A_731] : memref<16384x1024xf32, #tpu.memory_space<hbm>> -> memref<16x1024xf32, #tpu.memory_space<hbm>>
    %dma_start3A_733 = arith.constant 0 : i32
    %dma_start3A_734 = tpu.memref_slice %arg5[%add3A_730, %dma_start3A_733] : memref<16384x1024xf32, #tpu.memory_space<hbm>> -> memref<16x1024xf32, #tpu.memory_space<hbm>>
    tpu.enqueue_dma source(%arg9 : memref<16x1024xf32, #tpu.memory_space<vmem>>) target(%dma_start3A_734 : memref<16x1024xf32, #tpu.memory_space<hbm>>) target_semaphore(%arg21 : memref<!tpu.dma_semaphore, #tpu.memory_space<semaphore_mem>>)
    %dma_wait3A_735 = arith.constant 0 : i32
    %dma_wait3A_736 = tpu.memref_slice %arg5[%add3A_672, %dma_wait3A_735] : memref<16384x1024xf32, #tpu.memory_space<hbm>> -> memref<16x1024xf32, #tpu.memory_space<hbm>>
    %dma_wait3A_737 = arith.constant 0 : i32
    %dma_wait3A_738 = tpu.memref_slice %arg5[%add3A_672, %dma_wait3A_737] : memref<16384x1024xf32, #tpu.memory_space<hbm>> -> memref<16x1024xf32, #tpu.memory_space<hbm>>
    tpu.wait_dma2 semaphore(%arg19 : memref<!tpu.dma_semaphore, #tpu.memory_space<semaphore_mem>>) src(%arg7 : memref<16x1024xf32, #tpu.memory_space<vmem>>) dst(%dma_wait3A_738 : memref<16x1024xf32, #tpu.memory_space<hbm>>)
    %dma_start3A_739 = arith.constant 1 : i32
    %dma_start3A_740 = arith.constant 96 : i32
    %dma_start3A_741 = tpu.memref_slice %arg6[%dma_start3A_739, %dma_start3A_740] : memref<4x128xi32, #tpu.memory_space<vmem>> -> memref<1x16xi32, #tpu.memory_space<vmem>>
    %dma_start3A_742 = tpu.memref_squeeze %dma_start3A_741 : memref<1x16xi32, #tpu.memory_space<vmem>> -> memref<16xi32, #tpu.memory_space<vmem>>
    %dma_start3A_743 = arith.constant 0 : i32
    %dma_start3A_744 = arith.constant 0 : i32
    %dma_start3A_745 = tpu.memref_slice %arg3[%dma_start3A_743, %dma_start3A_744] : memref<50304x1024xf32, #tpu.memory_space<hbm>> -> memref<50304x1024xf32, #tpu.memory_space<hbm>>
    tpu.enqueue_indirect_dma source(%dma_start3A_745 : memref<50304x1024xf32, #tpu.memory_space<hbm>>) target(%arg7 : memref<16x1024xf32, #tpu.memory_space<vmem>>) offsets(%dma_start3A_742 : memref<16xi32, #tpu.memory_space<vmem>>) semaphore(%arg14 : memref<!tpu.dma_semaphore, #tpu.memory_space<semaphore_mem>>)
    %dma_wait3A_746 = arith.constant 3 : i32
    %dma_wait3A_747 = arith.constant 80 : i32
    %dma_wait3A_748 = tpu.memref_slice %arg6[%dma_wait3A_746, %dma_wait3A_747] : memref<4x128xi32, #tpu.memory_space<vmem>> -> memref<1x16xi32, #tpu.memory_space<vmem>>
    %dma_wait3A_749 = tpu.memref_squeeze %dma_wait3A_748 : memref<1x16xi32, #tpu.memory_space<vmem>> -> memref<16xi32, #tpu.memory_space<vmem>>
    %dma_wait3A_750 = arith.constant 0 : i32
    %dma_wait3A_751 = arith.constant 0 : i32
    %dma_wait3A_752 = tpu.memref_slice %arg3[%dma_wait3A_750, %dma_wait3A_751] : memref<50304x1024xf32, #tpu.memory_space<hbm>> -> memref<50304x1024xf32, #tpu.memory_space<hbm>>
    tpu.wait_indirect_dma semaphore(%arg17 : memref<!tpu.dma_semaphore, #tpu.memory_space<semaphore_mem>>) src(%dma_wait3A_752 : memref<50304x1024xf32, #tpu.memory_space<hbm>>) dst(%arg10 : memref<16x1024xf32, #tpu.memory_space<vmem>>)
    %parallel_loop3A_753 = arith.constant 0 : i32
    %parallel_loop3A_754 = arith.constant 16 : i32
    %parallel_loop3A_755 = arith.constant 1 : i32
    scf.for %parallel_loop3A_1008 = %parallel_loop3A_753 to %parallel_loop3A_754 step %parallel_loop3A_755  : i32 {
      %parallel_loop3A_1009 = arith.constant 0 : i32
      %parallel_loop3A_1010 = arith.constant 64 : i32
      %parallel_loop3A_1011 = arith.constant 1 : i32
      scf.for %parallel_loop3A_1012 = %parallel_loop3A_1009 to %parallel_loop3A_1010 step %parallel_loop3A_1011  : i32 {
        %parallel_loop3A_1013 = arith.constant 16 : i32
        %parallel_loop3A_1014 = arith.muli %parallel_loop3A_1012, %parallel_loop3A_1013 : i32
        %parallel_loop3A_1015 = arith.index_cast %parallel_loop3A_1008 : i32 to index
        %parallel_loop3A_1016 = arith.index_cast %parallel_loop3A_1014 : i32 to index
        %parallel_loop3A_1017 = tpu.vector_load %arg13[%parallel_loop3A_1015, %parallel_loop3A_1016] {strides = array<i32>} : memref<16x1024xf32, #tpu.memory_space<vmem>>, vector<1x16xf32>,
        %parallel_loop3A_1018 = vector.shape_cast %parallel_loop3A_1017 : vector<1x16xf32> to vector<16xf32>
        %parallel_loop3A_1019 = arith.index_cast %parallel_loop3A_1008 : i32 to index
        %parallel_loop3A_1020 = arith.index_cast %parallel_loop3A_1014 : i32 to index
        %parallel_loop3A_1021 = tpu.vector_load %arg10[%parallel_loop3A_1019, %parallel_loop3A_1020] {strides = array<i32>} : memref<16x1024xf32, #tpu.memory_space<vmem>>, vector<1x16xf32>,
        %parallel_loop3A_1022 = vector.shape_cast %parallel_loop3A_1021 : vector<1x16xf32> to vector<16xf32>
        %parallel_loop3A_1023 = vector.shape_cast %parallel_loop3A_1018 : vector<16xf32> to vector<1x16xf32>
        tpu.vector_store %arg10[%parallel_loop3A_1019, %parallel_loop3A_1020], %parallel_loop3A_1023 {add = true, strides = array<i32>} : memref<16x1024xf32, #tpu.memory_space<vmem>>, vector<1x16xf32>,
      } {sc.loop_unroll_factor = 8 : i64, sc.parallel_access}
    } {sc.loop_unroll_factor = 1 : i64, sc.parallel_access}
    %add3A_756 = arith.constant 12288 : i32
    %add3A_757 = arith.addi %add3A_756, %mul3A_2 : i32
    %add3A_758 = arith.constant 80 : i32
    %add3A_759 = arith.addi %add3A_757, %add3A_758 : i32
    %dma_start3A_760 = arith.constant 0 : i32
    %dma_start3A_761 = tpu.memref_slice %arg5[%add3A_759, %dma_start3A_760] : memref<16384x1024xf32, #tpu.memory_space<hbm>> -> memref<16x1024xf32, #tpu.memory_space<hbm>>
    %dma_start3A_762 = arith.constant 0 : i32
    %dma_start3A_763 = tpu.memref_slice %arg5[%add3A_759, %dma_start3A_762] : memref<16384x1024xf32, #tpu.memory_space<hbm>> -> memref<16x1024xf32, #tpu.memory_space<hbm>>
    tpu.enqueue_dma source(%arg10 : memref<16x1024xf32, #tpu.memory_space<vmem>>) target(%dma_start3A_763 : memref<16x1024xf32, #tpu.memory_space<hbm>>) target_semaphore(%arg22 : memref<!tpu.dma_semaphore, #tpu.memory_space<semaphore_mem>>)
    %add3A_764 = arith.constant 112 : i32
    %add3A_765 = arith.addi %mul3A_2, %add3A_764 : i32
    %dma_start3A_766 = arith.constant 0 : i32
    %dma_start3A_767 = tpu.memref_slice %arg4[%add3A_765, %dma_start3A_766] : memref<4096x1024xf32, #tpu.memory_space<hbm>> -> memref<16x1024xf32, #tpu.memory_space<hbm>>
    %dma_start3A_768 = arith.constant 0 : i32
    %dma_start3A_769 = tpu.memref_slice %arg4[%add3A_765, %dma_start3A_768] : memref<4096x1024xf32, #tpu.memory_space<hbm>> -> memref<16x1024xf32, #tpu.memory_space<hbm>>
    tpu.enqueue_dma source(%dma_start3A_769 : memref<16x1024xf32, #tpu.memory_space<hbm>>) target(%arg13 : memref<16x1024xf32, #tpu.memory_space<vmem>>) target_semaphore(%arg25 : memref<!tpu.dma_semaphore, #tpu.memory_space<semaphore_mem>>)
    %dma_wait3A_770 = arith.constant 0 : i32
    %dma_wait3A_771 = tpu.memref_slice %arg5[%add3A_701, %dma_wait3A_770] : memref<16384x1024xf32, #tpu.memory_space<hbm>> -> memref<16x1024xf32, #tpu.memory_space<hbm>>
    %dma_wait3A_772 = arith.constant 0 : i32
    %dma_wait3A_773 = tpu.memref_slice %arg5[%add3A_701, %dma_wait3A_772] : memref<16384x1024xf32, #tpu.memory_space<hbm>> -> memref<16x1024xf32, #tpu.memory_space<hbm>>
    tpu.wait_dma2 semaphore(%arg20 : memref<!tpu.dma_semaphore, #tpu.memory_space<semaphore_mem>>) src(%arg8 : memref<16x1024xf32, #tpu.memory_space<vmem>>) dst(%dma_wait3A_773 : memref<16x1024xf32, #tpu.memory_space<hbm>>)
    %dma_start3A_774 = arith.constant 2 : i32
    %dma_start3A_775 = arith.constant 96 : i32
    %dma_start3A_776 = tpu.memref_slice %arg6[%dma_start3A_774, %dma_start3A_775] : memref<4x128xi32, #tpu.memory_space<vmem>> -> memref<1x16xi32, #tpu.memory_space<vmem>>
    %dma_start3A_777 = tpu.memref_squeeze %dma_start3A_776 : memref<1x16xi32, #tpu.memory_space<vmem>> -> memref<16xi32, #tpu.memory_space<vmem>>
    %dma_start3A_778 = arith.constant 0 : i32
    %dma_start3A_779 = arith.constant 0 : i32
    %dma_start3A_780 = tpu.memref_slice %arg3[%dma_start3A_778, %dma_start3A_779] : memref<50304x1024xf32, #tpu.memory_space<hbm>> -> memref<50304x1024xf32, #tpu.memory_space<hbm>>
    tpu.enqueue_indirect_dma source(%dma_start3A_780 : memref<50304x1024xf32, #tpu.memory_space<hbm>>) target(%arg8 : memref<16x1024xf32, #tpu.memory_space<vmem>>) offsets(%dma_start3A_777 : memref<16xi32, #tpu.memory_space<vmem>>) semaphore(%arg15 : memref<!tpu.dma_semaphore, #tpu.memory_space<semaphore_mem>>)
    %dma_wait3A_781 = arith.constant 0 : i32
    %dma_wait3A_782 = tpu.memref_slice %arg4[%add3A_639, %dma_wait3A_781] : memref<4096x1024xf32, #tpu.memory_space<hbm>> -> memref<16x1024xf32, #tpu.memory_space<hbm>>
    %dma_wait3A_783 = arith.constant 0 : i32
    %dma_wait3A_784 = tpu.memref_slice %arg4[%add3A_639, %dma_wait3A_783] : memref<4096x1024xf32, #tpu.memory_space<hbm>> -> memref<16x1024xf32, #tpu.memory_space<hbm>>
    tpu.wait_dma2 semaphore(%arg24 : memref<!tpu.dma_semaphore, #tpu.memory_space<semaphore_mem>>) src(%dma_wait3A_784 : memref<16x1024xf32, #tpu.memory_space<hbm>>) dst(%arg12 : memref<16x1024xf32, #tpu.memory_space<vmem>>)
    %dma_wait3A_785 = arith.constant 0 : i32
    %dma_wait3A_786 = arith.constant 96 : i32
    %dma_wait3A_787 = tpu.memref_slice %arg6[%dma_wait3A_785, %dma_wait3A_786] : memref<4x128xi32, #tpu.memory_space<vmem>> -> memref<1x16xi32, #tpu.memory_space<vmem>>
    %dma_wait3A_788 = tpu.memref_squeeze %dma_wait3A_787 : memref<1x16xi32, #tpu.memory_space<vmem>> -> memref<16xi32, #tpu.memory_space<vmem>>
    %dma_wait3A_789 = arith.constant 0 : i32
    %dma_wait3A_790 = arith.constant 0 : i32
    %dma_wait3A_791 = tpu.memref_slice %arg3[%dma_wait3A_789, %dma_wait3A_790] : memref<50304x1024xf32, #tpu.memory_space<hbm>> -> memref<50304x1024xf32, #tpu.memory_space<hbm>>
    tpu.wait_indirect_dma semaphore(%arg18 : memref<!tpu.dma_semaphore, #tpu.memory_space<semaphore_mem>>) src(%dma_wait3A_791 : memref<50304x1024xf32, #tpu.memory_space<hbm>>) dst(%arg11 : memref<16x1024xf32, #tpu.memory_space<vmem>>)
    %parallel_loop3A_792 = arith.constant 0 : i32
    %parallel_loop3A_793 = arith.constant 16 : i32
    %parallel_loop3A_794 = arith.constant 1 : i32
    scf.for %parallel_loop3A_1008 = %parallel_loop3A_792 to %parallel_loop3A_793 step %parallel_loop3A_794  : i32 {
      %parallel_loop3A_1009 = arith.constant 0 : i32
      %parallel_loop3A_1010 = arith.constant 64 : i32
      %parallel_loop3A_1011 = arith.constant 1 : i32
      scf.for %parallel_loop3A_1012 = %parallel_loop3A_1009 to %parallel_loop3A_1010 step %parallel_loop3A_1011  : i32 {
        %parallel_loop3A_1013 = arith.constant 16 : i32
        %parallel_loop3A_1014 = arith.muli %parallel_loop3A_1012, %parallel_loop3A_1013 : i32
        %parallel_loop3A_1015 = arith.index_cast %parallel_loop3A_1008 : i32 to index
        %parallel_loop3A_1016 = arith.index_cast %parallel_loop3A_1014 : i32 to index
        %parallel_loop3A_1017 = tpu.vector_load %arg12[%parallel_loop3A_1015, %parallel_loop3A_1016] {strides = array<i32>} : memref<16x1024xf32, #tpu.memory_space<vmem>>, vector<1x16xf32>,
        %parallel_loop3A_1018 = vector.shape_cast %parallel_loop3A_1017 : vector<1x16xf32> to vector<16xf32>
        %parallel_loop3A_1019 = arith.index_cast %parallel_loop3A_1008 : i32 to index
        %parallel_loop3A_1020 = arith.index_cast %parallel_loop3A_1014 : i32 to index
        %parallel_loop3A_1021 = tpu.vector_load %arg11[%parallel_loop3A_1019, %parallel_loop3A_1020] {strides = array<i32>} : memref<16x1024xf32, #tpu.memory_space<vmem>>, vector<1x16xf32>,
        %parallel_loop3A_1022 = vector.shape_cast %parallel_loop3A_1021 : vector<1x16xf32> to vector<16xf32>
        %parallel_loop3A_1023 = vector.shape_cast %parallel_loop3A_1018 : vector<16xf32> to vector<1x16xf32>
        tpu.vector_store %arg11[%parallel_loop3A_1019, %parallel_loop3A_1020], %parallel_loop3A_1023 {add = true, strides = array<i32>} : memref<16x1024xf32, #tpu.memory_space<vmem>>, vector<1x16xf32>,
      } {sc.loop_unroll_factor = 8 : i64, sc.parallel_access}
    } {sc.loop_unroll_factor = 1 : i64, sc.parallel_access}
    %add3A_795 = arith.constant 0 : i32
    %add3A_796 = arith.addi %add3A_795, %mul3A_2 : i32
    %add3A_797 = arith.constant 96 : i32
    %add3A_798 = arith.addi %add3A_796, %add3A_797 : i32
    %dma_start3A_799 = arith.constant 0 : i32
    %dma_start3A_800 = tpu.memref_slice %arg5[%add3A_798, %dma_start3A_799] : memref<16384x1024xf32, #tpu.memory_space<hbm>> -> memref<16x1024xf32, #tpu.memory_space<hbm>>
    %dma_start3A_801 = arith.constant 0 : i32
    %dma_start3A_802 = tpu.memref_slice %arg5[%add3A_798, %dma_start3A_801] : memref<16384x1024xf32, #tpu.memory_space<hbm>> -> memref<16x1024xf32, #tpu.memory_space<hbm>>
    tpu.enqueue_dma source(%arg11 : memref<16x1024xf32, #tpu.memory_space<vmem>>) target(%dma_start3A_802 : memref<16x1024xf32, #tpu.memory_space<hbm>>) target_semaphore(%arg23 : memref<!tpu.dma_semaphore, #tpu.memory_space<semaphore_mem>>)
    %dma_wait3A_803 = arith.constant 0 : i32
    %dma_wait3A_804 = tpu.memref_slice %arg5[%add3A_730, %dma_wait3A_803] : memref<16384x1024xf32, #tpu.memory_space<hbm>> -> memref<16x1024xf32, #tpu.memory_space<hbm>>
    %dma_wait3A_805 = arith.constant 0 : i32
    %dma_wait3A_806 = tpu.memref_slice %arg5[%add3A_730, %dma_wait3A_805] : memref<16384x1024xf32, #tpu.memory_space<hbm>> -> memref<16x1024xf32, #tpu.memory_space<hbm>>
    tpu.wait_dma2 semaphore(%arg21 : memref<!tpu.dma_semaphore, #tpu.memory_space<semaphore_mem>>) src(%arg9 : memref<16x1024xf32, #tpu.memory_space<vmem>>) dst(%dma_wait3A_806 : memref<16x1024xf32, #tpu.memory_space<hbm>>)
    %dma_start3A_807 = arith.constant 3 : i32
    %dma_start3A_808 = arith.constant 96 : i32
    %dma_start3A_809 = tpu.memref_slice %arg6[%dma_start3A_807, %dma_start3A_808] : memref<4x128xi32, #tpu.memory_space<vmem>> -> memref<1x16xi32, #tpu.memory_space<vmem>>
    %dma_start3A_810 = tpu.memref_squeeze %dma_start3A_809 : memref<1x16xi32, #tpu.memory_space<vmem>> -> memref<16xi32, #tpu.memory_space<vmem>>
    %dma_start3A_811 = arith.constant 0 : i32
    %dma_start3A_812 = arith.constant 0 : i32
    %dma_start3A_813 = tpu.memref_slice %arg3[%dma_start3A_811, %dma_start3A_812] : memref<50304x1024xf32, #tpu.memory_space<hbm>> -> memref<50304x1024xf32, #tpu.memory_space<hbm>>
    tpu.enqueue_indirect_dma source(%dma_start3A_813 : memref<50304x1024xf32, #tpu.memory_space<hbm>>) target(%arg9 : memref<16x1024xf32, #tpu.memory_space<vmem>>) offsets(%dma_start3A_810 : memref<16xi32, #tpu.memory_space<vmem>>) semaphore(%arg16 : memref<!tpu.dma_semaphore, #tpu.memory_space<semaphore_mem>>)
    %dma_wait3A_814 = arith.constant 1 : i32
    %dma_wait3A_815 = arith.constant 96 : i32
    %dma_wait3A_816 = tpu.memref_slice %arg6[%dma_wait3A_814, %dma_wait3A_815] : memref<4x128xi32, #tpu.memory_space<vmem>> -> memref<1x16xi32, #tpu.memory_space<vmem>>
    %dma_wait3A_817 = tpu.memref_squeeze %dma_wait3A_816 : memref<1x16xi32, #tpu.memory_space<vmem>> -> memref<16xi32, #tpu.memory_space<vmem>>
    %dma_wait3A_818 = arith.constant 0 : i32
    %dma_wait3A_819 = arith.constant 0 : i32
    %dma_wait3A_820 = tpu.memref_slice %arg3[%dma_wait3A_818, %dma_wait3A_819] : memref<50304x1024xf32, #tpu.memory_space<hbm>> -> memref<50304x1024xf32, #tpu.memory_space<hbm>>
    tpu.wait_indirect_dma semaphore(%arg14 : memref<!tpu.dma_semaphore, #tpu.memory_space<semaphore_mem>>) src(%dma_wait3A_820 : memref<50304x1024xf32, #tpu.memory_space<hbm>>) dst(%arg7 : memref<16x1024xf32, #tpu.memory_space<vmem>>)
    %parallel_loop3A_821 = arith.constant 0 : i32
    %parallel_loop3A_822 = arith.constant 16 : i32
    %parallel_loop3A_823 = arith.constant 1 : i32
    scf.for %parallel_loop3A_1008 = %parallel_loop3A_821 to %parallel_loop3A_822 step %parallel_loop3A_823  : i32 {
      %parallel_loop3A_1009 = arith.constant 0 : i32
      %parallel_loop3A_1010 = arith.constant 64 : i32
      %parallel_loop3A_1011 = arith.constant 1 : i32
      scf.for %parallel_loop3A_1012 = %parallel_loop3A_1009 to %parallel_loop3A_1010 step %parallel_loop3A_1011  : i32 {
        %parallel_loop3A_1013 = arith.constant 16 : i32
        %parallel_loop3A_1014 = arith.muli %parallel_loop3A_1012, %parallel_loop3A_1013 : i32
        %parallel_loop3A_1015 = arith.index_cast %parallel_loop3A_1008 : i32 to index
        %parallel_loop3A_1016 = arith.index_cast %parallel_loop3A_1014 : i32 to index
        %parallel_loop3A_1017 = tpu.vector_load %arg12[%parallel_loop3A_1015, %parallel_loop3A_1016] {strides = array<i32>} : memref<16x1024xf32, #tpu.memory_space<vmem>>, vector<1x16xf32>,
        %parallel_loop3A_1018 = vector.shape_cast %parallel_loop3A_1017 : vector<1x16xf32> to vector<16xf32>
        %parallel_loop3A_1019 = arith.index_cast %parallel_loop3A_1008 : i32 to index
        %parallel_loop3A_1020 = arith.index_cast %parallel_loop3A_1014 : i32 to index
        %parallel_loop3A_1021 = tpu.vector_load %arg7[%parallel_loop3A_1019, %parallel_loop3A_1020] {strides = array<i32>} : memref<16x1024xf32, #tpu.memory_space<vmem>>, vector<1x16xf32>,
        %parallel_loop3A_1022 = vector.shape_cast %parallel_loop3A_1021 : vector<1x16xf32> to vector<16xf32>
        %parallel_loop3A_1023 = vector.shape_cast %parallel_loop3A_1018 : vector<16xf32> to vector<1x16xf32>
        tpu.vector_store %arg7[%parallel_loop3A_1019, %parallel_loop3A_1020], %parallel_loop3A_1023 {add = true, strides = array<i32>} : memref<16x1024xf32, #tpu.memory_space<vmem>>, vector<1x16xf32>,
      } {sc.loop_unroll_factor = 8 : i64, sc.parallel_access}
    } {sc.loop_unroll_factor = 1 : i64, sc.parallel_access}
    %add3A_824 = arith.constant 4096 : i32
    %add3A_825 = arith.addi %add3A_824, %mul3A_2 : i32
    %add3A_826 = arith.constant 96 : i32
    %add3A_827 = arith.addi %add3A_825, %add3A_826 : i32
    %dma_start3A_828 = arith.constant 0 : i32
    %dma_start3A_829 = tpu.memref_slice %arg5[%add3A_827, %dma_start3A_828] : memref<16384x1024xf32, #tpu.memory_space<hbm>> -> memref<16x1024xf32, #tpu.memory_space<hbm>>
    %dma_start3A_830 = arith.constant 0 : i32
    %dma_start3A_831 = tpu.memref_slice %arg5[%add3A_827, %dma_start3A_830] : memref<16384x1024xf32, #tpu.memory_space<hbm>> -> memref<16x1024xf32, #tpu.memory_space<hbm>>
    tpu.enqueue_dma source(%arg7 : memref<16x1024xf32, #tpu.memory_space<vmem>>) target(%dma_start3A_831 : memref<16x1024xf32, #tpu.memory_space<hbm>>) target_semaphore(%arg19 : memref<!tpu.dma_semaphore, #tpu.memory_space<semaphore_mem>>)
    %dma_wait3A_832 = arith.constant 0 : i32
    %dma_wait3A_833 = tpu.memref_slice %arg5[%add3A_759, %dma_wait3A_832] : memref<16384x1024xf32, #tpu.memory_space<hbm>> -> memref<16x1024xf32, #tpu.memory_space<hbm>>
    %dma_wait3A_834 = arith.constant 0 : i32
    %dma_wait3A_835 = tpu.memref_slice %arg5[%add3A_759, %dma_wait3A_834] : memref<16384x1024xf32, #tpu.memory_space<hbm>> -> memref<16x1024xf32, #tpu.memory_space<hbm>>
    tpu.wait_dma2 semaphore(%arg22 : memref<!tpu.dma_semaphore, #tpu.memory_space<semaphore_mem>>) src(%arg10 : memref<16x1024xf32, #tpu.memory_space<vmem>>) dst(%dma_wait3A_835 : memref<16x1024xf32, #tpu.memory_space<hbm>>)
    %dma_start3A_836 = arith.constant 0 : i32
    %dma_start3A_837 = arith.constant 112 : i32
    %dma_start3A_838 = tpu.memref_slice %arg6[%dma_start3A_836, %dma_start3A_837] : memref<4x128xi32, #tpu.memory_space<vmem>> -> memref<1x16xi32, #tpu.memory_space<vmem>>
    %dma_start3A_839 = tpu.memref_squeeze %dma_start3A_838 : memref<1x16xi32, #tpu.memory_space<vmem>> -> memref<16xi32, #tpu.memory_space<vmem>>
    %dma_start3A_840 = arith.constant 0 : i32
    %dma_start3A_841 = arith.constant 0 : i32
    %dma_start3A_842 = tpu.memref_slice %arg3[%dma_start3A_840, %dma_start3A_841] : memref<50304x1024xf32, #tpu.memory_space<hbm>> -> memref<50304x1024xf32, #tpu.memory_space<hbm>>
    tpu.enqueue_indirect_dma source(%dma_start3A_842 : memref<50304x1024xf32, #tpu.memory_space<hbm>>) target(%arg10 : memref<16x1024xf32, #tpu.memory_space<vmem>>) offsets(%dma_start3A_839 : memref<16xi32, #tpu.memory_space<vmem>>) semaphore(%arg17 : memref<!tpu.dma_semaphore, #tpu.memory_space<semaphore_mem>>)
    %dma_wait3A_843 = arith.constant 2 : i32
    %dma_wait3A_844 = arith.constant 96 : i32
    %dma_wait3A_845 = tpu.memref_slice %arg6[%dma_wait3A_843, %dma_wait3A_844] : memref<4x128xi32, #tpu.memory_space<vmem>> -> memref<1x16xi32, #tpu.memory_space<vmem>>
    %dma_wait3A_846 = tpu.memref_squeeze %dma_wait3A_845 : memref<1x16xi32, #tpu.memory_space<vmem>> -> memref<16xi32, #tpu.memory_space<vmem>>
    %dma_wait3A_847 = arith.constant 0 : i32
    %dma_wait3A_848 = arith.constant 0 : i32
    %dma_wait3A_849 = tpu.memref_slice %arg3[%dma_wait3A_847, %dma_wait3A_848] : memref<50304x1024xf32, #tpu.memory_space<hbm>> -> memref<50304x1024xf32, #tpu.memory_space<hbm>>
    tpu.wait_indirect_dma semaphore(%arg15 : memref<!tpu.dma_semaphore, #tpu.memory_space<semaphore_mem>>) src(%dma_wait3A_849 : memref<50304x1024xf32, #tpu.memory_space<hbm>>) dst(%arg8 : memref<16x1024xf32, #tpu.memory_space<vmem>>)
    %parallel_loop3A_850 = arith.constant 0 : i32
    %parallel_loop3A_851 = arith.constant 16 : i32
    %parallel_loop3A_852 = arith.constant 1 : i32
    scf.for %parallel_loop3A_1008 = %parallel_loop3A_850 to %parallel_loop3A_851 step %parallel_loop3A_852  : i32 {
      %parallel_loop3A_1009 = arith.constant 0 : i32
      %parallel_loop3A_1010 = arith.constant 64 : i32
      %parallel_loop3A_1011 = arith.constant 1 : i32
      scf.for %parallel_loop3A_1012 = %parallel_loop3A_1009 to %parallel_loop3A_1010 step %parallel_loop3A_1011  : i32 {
        %parallel_loop3A_1013 = arith.constant 16 : i32
        %parallel_loop3A_1014 = arith.muli %parallel_loop3A_1012, %parallel_loop3A_1013 : i32
        %parallel_loop3A_1015 = arith.index_cast %parallel_loop3A_1008 : i32 to index
        %parallel_loop3A_1016 = arith.index_cast %parallel_loop3A_1014 : i32 to index
        %parallel_loop3A_1017 = tpu.vector_load %arg12[%parallel_loop3A_1015, %parallel_loop3A_1016] {strides = array<i32>} : memref<16x1024xf32, #tpu.memory_space<vmem>>, vector<1x16xf32>,
        %parallel_loop3A_1018 = vector.shape_cast %parallel_loop3A_1017 : vector<1x16xf32> to vector<16xf32>
        %parallel_loop3A_1019 = arith.index_cast %parallel_loop3A_1008 : i32 to index
        %parallel_loop3A_1020 = arith.index_cast %parallel_loop3A_1014 : i32 to index
        %parallel_loop3A_1021 = tpu.vector_load %arg8[%parallel_loop3A_1019, %parallel_loop3A_1020] {strides = array<i32>} : memref<16x1024xf32, #tpu.memory_space<vmem>>, vector<1x16xf32>,
        %parallel_loop3A_1022 = vector.shape_cast %parallel_loop3A_1021 : vector<1x16xf32> to vector<16xf32>
        %parallel_loop3A_1023 = vector.shape_cast %parallel_loop3A_1018 : vector<16xf32> to vector<1x16xf32>
        tpu.vector_store %arg8[%parallel_loop3A_1019, %parallel_loop3A_1020], %parallel_loop3A_1023 {add = true, strides = array<i32>} : memref<16x1024xf32, #tpu.memory_space<vmem>>, vector<1x16xf32>,
      } {sc.loop_unroll_factor = 8 : i64, sc.parallel_access}
    } {sc.loop_unroll_factor = 1 : i64, sc.parallel_access}
    %add3A_853 = arith.constant 8192 : i32
    %add3A_854 = arith.addi %add3A_853, %mul3A_2 : i32
    %add3A_855 = arith.constant 96 : i32
    %add3A_856 = arith.addi %add3A_854, %add3A_855 : i32
    %dma_start3A_857 = arith.constant 0 : i32
    %dma_start3A_858 = tpu.memref_slice %arg5[%add3A_856, %dma_start3A_857] : memref<16384x1024xf32, #tpu.memory_space<hbm>> -> memref<16x1024xf32, #tpu.memory_space<hbm>>
    %dma_start3A_859 = arith.constant 0 : i32
    %dma_start3A_860 = tpu.memref_slice %arg5[%add3A_856, %dma_start3A_859] : memref<16384x1024xf32, #tpu.memory_space<hbm>> -> memref<16x1024xf32, #tpu.memory_space<hbm>>
    tpu.enqueue_dma source(%arg8 : memref<16x1024xf32, #tpu.memory_space<vmem>>) target(%dma_start3A_860 : memref<16x1024xf32, #tpu.memory_space<hbm>>) target_semaphore(%arg20 : memref<!tpu.dma_semaphore, #tpu.memory_space<semaphore_mem>>)
    %dma_wait3A_861 = arith.constant 0 : i32
    %dma_wait3A_862 = tpu.memref_slice %arg5[%add3A_798, %dma_wait3A_861] : memref<16384x1024xf32, #tpu.memory_space<hbm>> -> memref<16x1024xf32, #tpu.memory_space<hbm>>
    %dma_wait3A_863 = arith.constant 0 : i32
    %dma_wait3A_864 = tpu.memref_slice %arg5[%add3A_798, %dma_wait3A_863] : memref<16384x1024xf32, #tpu.memory_space<hbm>> -> memref<16x1024xf32, #tpu.memory_space<hbm>>
    tpu.wait_dma2 semaphore(%arg23 : memref<!tpu.dma_semaphore, #tpu.memory_space<semaphore_mem>>) src(%arg11 : memref<16x1024xf32, #tpu.memory_space<vmem>>) dst(%dma_wait3A_864 : memref<16x1024xf32, #tpu.memory_space<hbm>>)
    %dma_start3A_865 = arith.constant 1 : i32
    %dma_start3A_866 = arith.constant 112 : i32
    %dma_start3A_867 = tpu.memref_slice %arg6[%dma_start3A_865, %dma_start3A_866] : memref<4x128xi32, #tpu.memory_space<vmem>> -> memref<1x16xi32, #tpu.memory_space<vmem>>
    %dma_start3A_868 = tpu.memref_squeeze %dma_start3A_867 : memref<1x16xi32, #tpu.memory_space<vmem>> -> memref<16xi32, #tpu.memory_space<vmem>>
    %dma_start3A_869 = arith.constant 0 : i32
    %dma_start3A_870 = arith.constant 0 : i32
    %dma_start3A_871 = tpu.memref_slice %arg3[%dma_start3A_869, %dma_start3A_870] : memref<50304x1024xf32, #tpu.memory_space<hbm>> -> memref<50304x1024xf32, #tpu.memory_space<hbm>>
    tpu.enqueue_indirect_dma source(%dma_start3A_871 : memref<50304x1024xf32, #tpu.memory_space<hbm>>) target(%arg11 : memref<16x1024xf32, #tpu.memory_space<vmem>>) offsets(%dma_start3A_868 : memref<16xi32, #tpu.memory_space<vmem>>) semaphore(%arg18 : memref<!tpu.dma_semaphore, #tpu.memory_space<semaphore_mem>>)
    %dma_wait3A_872 = arith.constant 3 : i32
    %dma_wait3A_873 = arith.constant 96 : i32
    %dma_wait3A_874 = tpu.memref_slice %arg6[%dma_wait3A_872, %dma_wait3A_873] : memref<4x128xi32, #tpu.memory_space<vmem>> -> memref<1x16xi32, #tpu.memory_space<vmem>>
    %dma_wait3A_875 = tpu.memref_squeeze %dma_wait3A_874 : memref<1x16xi32, #tpu.memory_space<vmem>> -> memref<16xi32, #tpu.memory_space<vmem>>
    %dma_wait3A_876 = arith.constant 0 : i32
    %dma_wait3A_877 = arith.constant 0 : i32
    %dma_wait3A_878 = tpu.memref_slice %arg3[%dma_wait3A_876, %dma_wait3A_877] : memref<50304x1024xf32, #tpu.memory_space<hbm>> -> memref<50304x1024xf32, #tpu.memory_space<hbm>>
    tpu.wait_indirect_dma semaphore(%arg16 : memref<!tpu.dma_semaphore, #tpu.memory_space<semaphore_mem>>) src(%dma_wait3A_878 : memref<50304x1024xf32, #tpu.memory_space<hbm>>) dst(%arg9 : memref<16x1024xf32, #tpu.memory_space<vmem>>)
    %parallel_loop3A_879 = arith.constant 0 : i32
    %parallel_loop3A_880 = arith.constant 16 : i32
    %parallel_loop3A_881 = arith.constant 1 : i32
    scf.for %parallel_loop3A_1008 = %parallel_loop3A_879 to %parallel_loop3A_880 step %parallel_loop3A_881  : i32 {
      %parallel_loop3A_1009 = arith.constant 0 : i32
      %parallel_loop3A_1010 = arith.constant 64 : i32
      %parallel_loop3A_1011 = arith.constant 1 : i32
      scf.for %parallel_loop3A_1012 = %parallel_loop3A_1009 to %parallel_loop3A_1010 step %parallel_loop3A_1011  : i32 {
        %parallel_loop3A_1013 = arith.constant 16 : i32
        %parallel_loop3A_1014 = arith.muli %parallel_loop3A_1012, %parallel_loop3A_1013 : i32
        %parallel_loop3A_1015 = arith.index_cast %parallel_loop3A_1008 : i32 to index
        %parallel_loop3A_1016 = arith.index_cast %parallel_loop3A_1014 : i32 to index
        %parallel_loop3A_1017 = tpu.vector_load %arg12[%parallel_loop3A_1015, %parallel_loop3A_1016] {strides = array<i32>} : memref<16x1024xf32, #tpu.memory_space<vmem>>, vector<1x16xf32>,
        %parallel_loop3A_1018 = vector.shape_cast %parallel_loop3A_1017 : vector<1x16xf32> to vector<16xf32>
        %parallel_loop3A_1019 = arith.index_cast %parallel_loop3A_1008 : i32 to index
        %parallel_loop3A_1020 = arith.index_cast %parallel_loop3A_1014 : i32 to index
        %parallel_loop3A_1021 = tpu.vector_load %arg9[%parallel_loop3A_1019, %parallel_loop3A_1020] {strides = array<i32>} : memref<16x1024xf32, #tpu.memory_space<vmem>>, vector<1x16xf32>,
        %parallel_loop3A_1022 = vector.shape_cast %parallel_loop3A_1021 : vector<1x16xf32> to vector<16xf32>
        %parallel_loop3A_1023 = vector.shape_cast %parallel_loop3A_1018 : vector<16xf32> to vector<1x16xf32>
        tpu.vector_store %arg9[%parallel_loop3A_1019, %parallel_loop3A_1020], %parallel_loop3A_1023 {add = true, strides = array<i32>} : memref<16x1024xf32, #tpu.memory_space<vmem>>, vector<1x16xf32>,
      } {sc.loop_unroll_factor = 8 : i64, sc.parallel_access}
    } {sc.loop_unroll_factor = 1 : i64, sc.parallel_access}
    %add3A_882 = arith.constant 12288 : i32
    %add3A_883 = arith.addi %add3A_882, %mul3A_2 : i32
    %add3A_884 = arith.constant 96 : i32
    %add3A_885 = arith.addi %add3A_883, %add3A_884 : i32
    %dma_start3A_886 = arith.constant 0 : i32
    %dma_start3A_887 = tpu.memref_slice %arg5[%add3A_885, %dma_start3A_886] : memref<16384x1024xf32, #tpu.memory_space<hbm>> -> memref<16x1024xf32, #tpu.memory_space<hbm>>
    %dma_start3A_888 = arith.constant 0 : i32
    %dma_start3A_889 = tpu.memref_slice %arg5[%add3A_885, %dma_start3A_888] : memref<16384x1024xf32, #tpu.memory_space<hbm>> -> memref<16x1024xf32, #tpu.memory_space<hbm>>
    tpu.enqueue_dma source(%arg9 : memref<16x1024xf32, #tpu.memory_space<vmem>>) target(%dma_start3A_889 : memref<16x1024xf32, #tpu.memory_space<hbm>>) target_semaphore(%arg21 : memref<!tpu.dma_semaphore, #tpu.memory_space<semaphore_mem>>)
    %dma_wait3A_890 = arith.constant 0 : i32
    %dma_wait3A_891 = tpu.memref_slice %arg5[%add3A_827, %dma_wait3A_890] : memref<16384x1024xf32, #tpu.memory_space<hbm>> -> memref<16x1024xf32, #tpu.memory_space<hbm>>
    %dma_wait3A_892 = arith.constant 0 : i32
    %dma_wait3A_893 = tpu.memref_slice %arg5[%add3A_827, %dma_wait3A_892] : memref<16384x1024xf32, #tpu.memory_space<hbm>> -> memref<16x1024xf32, #tpu.memory_space<hbm>>
    tpu.wait_dma2 semaphore(%arg19 : memref<!tpu.dma_semaphore, #tpu.memory_space<semaphore_mem>>) src(%arg7 : memref<16x1024xf32, #tpu.memory_space<vmem>>) dst(%dma_wait3A_893 : memref<16x1024xf32, #tpu.memory_space<hbm>>)
    %dma_start3A_894 = arith.constant 2 : i32
    %dma_start3A_895 = arith.constant 112 : i32
    %dma_start3A_896 = tpu.memref_slice %arg6[%dma_start3A_894, %dma_start3A_895] : memref<4x128xi32, #tpu.memory_space<vmem>> -> memref<1x16xi32, #tpu.memory_space<vmem>>
    %dma_start3A_897 = tpu.memref_squeeze %dma_start3A_896 : memref<1x16xi32, #tpu.memory_space<vmem>> -> memref<16xi32, #tpu.memory_space<vmem>>
    %dma_start3A_898 = arith.constant 0 : i32
    %dma_start3A_899 = arith.constant 0 : i32
    %dma_start3A_900 = tpu.memref_slice %arg3[%dma_start3A_898, %dma_start3A_899] : memref<50304x1024xf32, #tpu.memory_space<hbm>> -> memref<50304x1024xf32, #tpu.memory_space<hbm>>
    tpu.enqueue_indirect_dma source(%dma_start3A_900 : memref<50304x1024xf32, #tpu.memory_space<hbm>>) target(%arg7 : memref<16x1024xf32, #tpu.memory_space<vmem>>) offsets(%dma_start3A_897 : memref<16xi32, #tpu.memory_space<vmem>>) semaphore(%arg14 : memref<!tpu.dma_semaphore, #tpu.memory_space<semaphore_mem>>)
    %dma_wait3A_901 = arith.constant 0 : i32
    %dma_wait3A_902 = tpu.memref_slice %arg4[%add3A_765, %dma_wait3A_901] : memref<4096x1024xf32, #tpu.memory_space<hbm>> -> memref<16x1024xf32, #tpu.memory_space<hbm>>
    %dma_wait3A_903 = arith.constant 0 : i32
    %dma_wait3A_904 = tpu.memref_slice %arg4[%add3A_765, %dma_wait3A_903] : memref<4096x1024xf32, #tpu.memory_space<hbm>> -> memref<16x1024xf32, #tpu.memory_space<hbm>>
    tpu.wait_dma2 semaphore(%arg25 : memref<!tpu.dma_semaphore, #tpu.memory_space<semaphore_mem>>) src(%dma_wait3A_904 : memref<16x1024xf32, #tpu.memory_space<hbm>>) dst(%arg13 : memref<16x1024xf32, #tpu.memory_space<vmem>>)
    %dma_wait3A_905 = arith.constant 0 : i32
    %dma_wait3A_906 = arith.constant 112 : i32
    %dma_wait3A_907 = tpu.memref_slice %arg6[%dma_wait3A_905, %dma_wait3A_906] : memref<4x128xi32, #tpu.memory_space<vmem>> -> memref<1x16xi32, #tpu.memory_space<vmem>>
    %dma_wait3A_908 = tpu.memref_squeeze %dma_wait3A_907 : memref<1x16xi32, #tpu.memory_space<vmem>> -> memref<16xi32, #tpu.memory_space<vmem>>
    %dma_wait3A_909 = arith.constant 0 : i32
    %dma_wait3A_910 = arith.constant 0 : i32
    %dma_wait3A_911 = tpu.memref_slice %arg3[%dma_wait3A_909, %dma_wait3A_910] : memref<50304x1024xf32, #tpu.memory_space<hbm>> -> memref<50304x1024xf32, #tpu.memory_space<hbm>>
    tpu.wait_indirect_dma semaphore(%arg17 : memref<!tpu.dma_semaphore, #tpu.memory_space<semaphore_mem>>) src(%dma_wait3A_911 : memref<50304x1024xf32, #tpu.memory_space<hbm>>) dst(%arg10 : memref<16x1024xf32, #tpu.memory_space<vmem>>)
    %parallel_loop3A_912 = arith.constant 0 : i32
    %parallel_loop3A_913 = arith.constant 16 : i32
    %parallel_loop3A_914 = arith.constant 1 : i32
    scf.for %parallel_loop3A_1008 = %parallel_loop3A_912 to %parallel_loop3A_913 step %parallel_loop3A_914  : i32 {
      %parallel_loop3A_1009 = arith.constant 0 : i32
      %parallel_loop3A_1010 = arith.constant 64 : i32
      %parallel_loop3A_1011 = arith.constant 1 : i32
      scf.for %parallel_loop3A_1012 = %parallel_loop3A_1009 to %parallel_loop3A_1010 step %parallel_loop3A_1011  : i32 {
        %parallel_loop3A_1013 = arith.constant 16 : i32
        %parallel_loop3A_1014 = arith.muli %parallel_loop3A_1012, %parallel_loop3A_1013 : i32
        %parallel_loop3A_1015 = arith.index_cast %parallel_loop3A_1008 : i32 to index
        %parallel_loop3A_1016 = arith.index_cast %parallel_loop3A_1014 : i32 to index
        %parallel_loop3A_1017 = tpu.vector_load %arg13[%parallel_loop3A_1015, %parallel_loop3A_1016] {strides = array<i32>} : memref<16x1024xf32, #tpu.memory_space<vmem>>, vector<1x16xf32>,
        %parallel_loop3A_1018 = vector.shape_cast %parallel_loop3A_1017 : vector<1x16xf32> to vector<16xf32>
        %parallel_loop3A_1019 = arith.index_cast %parallel_loop3A_1008 : i32 to index
        %parallel_loop3A_1020 = arith.index_cast %parallel_loop3A_1014 : i32 to index
        %parallel_loop3A_1021 = tpu.vector_load %arg10[%parallel_loop3A_1019, %parallel_loop3A_1020] {strides = array<i32>} : memref<16x1024xf32, #tpu.memory_space<vmem>>, vector<1x16xf32>,
        %parallel_loop3A_1022 = vector.shape_cast %parallel_loop3A_1021 : vector<1x16xf32> to vector<16xf32>
        %parallel_loop3A_1023 = vector.shape_cast %parallel_loop3A_1018 : vector<16xf32> to vector<1x16xf32>
        tpu.vector_store %arg10[%parallel_loop3A_1019, %parallel_loop3A_1020], %parallel_loop3A_1023 {add = true, strides = array<i32>} : memref<16x1024xf32, #tpu.memory_space<vmem>>, vector<1x16xf32>,
      } {sc.loop_unroll_factor = 8 : i64, sc.parallel_access}
    } {sc.loop_unroll_factor = 1 : i64, sc.parallel_access}
    %add3A_915 = arith.constant 0 : i32
    %add3A_916 = arith.addi %add3A_915, %mul3A_2 : i32
    %add3A_917 = arith.constant 112 : i32
    %add3A_918 = arith.addi %add3A_916, %add3A_917 : i32
    %dma_start3A_919 = arith.constant 0 : i32
    %dma_start3A_920 = tpu.memref_slice %arg5[%add3A_918, %dma_start3A_919] : memref<16384x1024xf32, #tpu.memory_space<hbm>> -> memref<16x1024xf32, #tpu.memory_space<hbm>>
    %dma_start3A_921 = arith.constant 0 : i32
    %dma_start3A_922 = tpu.memref_slice %arg5[%add3A_918, %dma_start3A_921] : memref<16384x1024xf32, #tpu.memory_space<hbm>> -> memref<16x1024xf32, #tpu.memory_space<hbm>>
    tpu.enqueue_dma source(%arg10 : memref<16x1024xf32, #tpu.memory_space<vmem>>) target(%dma_start3A_922 : memref<16x1024xf32, #tpu.memory_space<hbm>>) target_semaphore(%arg22 : memref<!tpu.dma_semaphore, #tpu.memory_space<semaphore_mem>>)
    %dma_wait3A_923 = arith.constant 0 : i32
    %dma_wait3A_924 = tpu.memref_slice %arg5[%add3A_856, %dma_wait3A_923] : memref<16384x1024xf32, #tpu.memory_space<hbm>> -> memref<16x1024xf32, #tpu.memory_space<hbm>>
    %dma_wait3A_925 = arith.constant 0 : i32
    %dma_wait3A_926 = tpu.memref_slice %arg5[%add3A_856, %dma_wait3A_925] : memref<16384x1024xf32, #tpu.memory_space<hbm>> -> memref<16x1024xf32, #tpu.memory_space<hbm>>
    tpu.wait_dma2 semaphore(%arg20 : memref<!tpu.dma_semaphore, #tpu.memory_space<semaphore_mem>>) src(%arg8 : memref<16x1024xf32, #tpu.memory_space<vmem>>) dst(%dma_wait3A_926 : memref<16x1024xf32, #tpu.memory_space<hbm>>)
    %dma_start3A_927 = arith.constant 3 : i32
    %dma_start3A_928 = arith.constant 112 : i32
    %dma_start3A_929 = tpu.memref_slice %arg6[%dma_start3A_927, %dma_start3A_928] : memref<4x128xi32, #tpu.memory_space<vmem>> -> memref<1x16xi32, #tpu.memory_space<vmem>>
    %dma_start3A_930 = tpu.memref_squeeze %dma_start3A_929 : memref<1x16xi32, #tpu.memory_space<vmem>> -> memref<16xi32, #tpu.memory_space<vmem>>
    %dma_start3A_931 = arith.constant 0 : i32
    %dma_start3A_932 = arith.constant 0 : i32
    %dma_start3A_933 = tpu.memref_slice %arg3[%dma_start3A_931, %dma_start3A_932] : memref<50304x1024xf32, #tpu.memory_space<hbm>> -> memref<50304x1024xf32, #tpu.memory_space<hbm>>
    tpu.enqueue_indirect_dma source(%dma_start3A_933 : memref<50304x1024xf32, #tpu.memory_space<hbm>>) target(%arg8 : memref<16x1024xf32, #tpu.memory_space<vmem>>) offsets(%dma_start3A_930 : memref<16xi32, #tpu.memory_space<vmem>>) semaphore(%arg15 : memref<!tpu.dma_semaphore, #tpu.memory_space<semaphore_mem>>)
    %dma_wait3A_934 = arith.constant 1 : i32
    %dma_wait3A_935 = arith.constant 112 : i32
    %dma_wait3A_936 = tpu.memref_slice %arg6[%dma_wait3A_934, %dma_wait3A_935] : memref<4x128xi32, #tpu.memory_space<vmem>> -> memref<1x16xi32, #tpu.memory_space<vmem>>
    %dma_wait3A_937 = tpu.memref_squeeze %dma_wait3A_936 : memref<1x16xi32, #tpu.memory_space<vmem>> -> memref<16xi32, #tpu.memory_space<vmem>>
    %dma_wait3A_938 = arith.constant 0 : i32
    %dma_wait3A_939 = arith.constant 0 : i32
    %dma_wait3A_940 = tpu.memref_slice %arg3[%dma_wait3A_938, %dma_wait3A_939] : memref<50304x1024xf32, #tpu.memory_space<hbm>> -> memref<50304x1024xf32, #tpu.memory_space<hbm>>
    tpu.wait_indirect_dma semaphore(%arg18 : memref<!tpu.dma_semaphore, #tpu.memory_space<semaphore_mem>>) src(%dma_wait3A_940 : memref<50304x1024xf32, #tpu.memory_space<hbm>>) dst(%arg11 : memref<16x1024xf32, #tpu.memory_space<vmem>>)
    %parallel_loop3A_941 = arith.constant 0 : i32
    %parallel_loop3A_942 = arith.constant 16 : i32
    %parallel_loop3A_943 = arith.constant 1 : i32
    scf.for %parallel_loop3A_1008 = %parallel_loop3A_941 to %parallel_loop3A_942 step %parallel_loop3A_943  : i32 {
      %parallel_loop3A_1009 = arith.constant 0 : i32
      %parallel_loop3A_1010 = arith.constant 64 : i32
      %parallel_loop3A_1011 = arith.constant 1 : i32
      scf.for %parallel_loop3A_1012 = %parallel_loop3A_1009 to %parallel_loop3A_1010 step %parallel_loop3A_1011  : i32 {
        %parallel_loop3A_1013 = arith.constant 16 : i32
        %parallel_loop3A_1014 = arith.muli %parallel_loop3A_1012, %parallel_loop3A_1013 : i32
        %parallel_loop3A_1015 = arith.index_cast %parallel_loop3A_1008 : i32 to index
        %parallel_loop3A_1016 = arith.index_cast %parallel_loop3A_1014 : i32 to index
        %parallel_loop3A_1017 = tpu.vector_load %arg13[%parallel_loop3A_1015, %parallel_loop3A_1016] {strides = array<i32>} : memref<16x1024xf32, #tpu.memory_space<vmem>>, vector<1x16xf32>,
        %parallel_loop3A_1018 = vector.shape_cast %parallel_loop3A_1017 : vector<1x16xf32> to vector<16xf32>
        %parallel_loop3A_1019 = arith.index_cast %parallel_loop3A_1008 : i32 to index
        %parallel_loop3A_1020 = arith.index_cast %parallel_loop3A_1014 : i32 to index
        %parallel_loop3A_1021 = tpu.vector_load %arg11[%parallel_loop3A_1019, %parallel_loop3A_1020] {strides = array<i32>} : memref<16x1024xf32, #tpu.memory_space<vmem>>, vector<1x16xf32>,
        %parallel_loop3A_1022 = vector.shape_cast %parallel_loop3A_1021 : vector<1x16xf32> to vector<16xf32>
        %parallel_loop3A_1023 = vector.shape_cast %parallel_loop3A_1018 : vector<16xf32> to vector<1x16xf32>
        tpu.vector_store %arg11[%parallel_loop3A_1019, %parallel_loop3A_1020], %parallel_loop3A_1023 {add = true, strides = array<i32>} : memref<16x1024xf32, #tpu.memory_space<vmem>>, vector<1x16xf32>,
      } {sc.loop_unroll_factor = 8 : i64, sc.parallel_access}
    } {sc.loop_unroll_factor = 1 : i64, sc.parallel_access}
    %add3A_944 = arith.constant 4096 : i32
    %add3A_945 = arith.addi %add3A_944, %mul3A_2 : i32
    %add3A_946 = arith.constant 112 : i32
    %add3A_947 = arith.addi %add3A_945, %add3A_946 : i32
    %dma_start3A_948 = arith.constant 0 : i32
    %dma_start3A_949 = tpu.memref_slice %arg5[%add3A_947, %dma_start3A_948] : memref<16384x1024xf32, #tpu.memory_space<hbm>> -> memref<16x1024xf32, #tpu.memory_space<hbm>>
    %dma_start3A_950 = arith.constant 0 : i32
    %dma_start3A_951 = tpu.memref_slice %arg5[%add3A_947, %dma_start3A_950] : memref<16384x1024xf32, #tpu.memory_space<hbm>> -> memref<16x1024xf32, #tpu.memory_space<hbm>>
    tpu.enqueue_dma source(%arg11 : memref<16x1024xf32, #tpu.memory_space<vmem>>) target(%dma_start3A_951 : memref<16x1024xf32, #tpu.memory_space<hbm>>) target_semaphore(%arg23 : memref<!tpu.dma_semaphore, #tpu.memory_space<semaphore_mem>>)
    %dma_wait3A_952 = arith.constant 2 : i32
    %dma_wait3A_953 = arith.constant 112 : i32
    %dma_wait3A_954 = tpu.memref_slice %arg6[%dma_wait3A_952, %dma_wait3A_953] : memref<4x128xi32, #tpu.memory_space<vmem>> -> memref<1x16xi32, #tpu.memory_space<vmem>>
    %dma_wait3A_955 = tpu.memref_squeeze %dma_wait3A_954 : memref<1x16xi32, #tpu.memory_space<vmem>> -> memref<16xi32, #tpu.memory_space<vmem>>
    %dma_wait3A_956 = arith.constant 0 : i32
    %dma_wait3A_957 = arith.constant 0 : i32
    %dma_wait3A_958 = tpu.memref_slice %arg3[%dma_wait3A_956, %dma_wait3A_957] : memref<50304x1024xf32, #tpu.memory_space<hbm>> -> memref<50304x1024xf32, #tpu.memory_space<hbm>>
    tpu.wait_indirect_dma semaphore(%arg14 : memref<!tpu.dma_semaphore, #tpu.memory_space<semaphore_mem>>) src(%dma_wait3A_958 : memref<50304x1024xf32, #tpu.memory_space<hbm>>) dst(%arg7 : memref<16x1024xf32, #tpu.memory_space<vmem>>)
    %parallel_loop3A_959 = arith.constant 0 : i32
    %parallel_loop3A_960 = arith.constant 16 : i32
    %parallel_loop3A_961 = arith.constant 1 : i32
    scf.for %parallel_loop3A_1008 = %parallel_loop3A_959 to %parallel_loop3A_960 step %parallel_loop3A_961  : i32 {
      %parallel_loop3A_1009 = arith.constant 0 : i32
      %parallel_loop3A_1010 = arith.constant 64 : i32
      %parallel_loop3A_1011 = arith.constant 1 : i32
      scf.for %parallel_loop3A_1012 = %parallel_loop3A_1009 to %parallel_loop3A_1010 step %parallel_loop3A_1011  : i32 {
        %parallel_loop3A_1013 = arith.constant 16 : i32
        %parallel_loop3A_1014 = arith.muli %parallel_loop3A_1012, %parallel_loop3A_1013 : i32
        %parallel_loop3A_1015 = arith.index_cast %parallel_loop3A_1008 : i32 to index
        %parallel_loop3A_1016 = arith.index_cast %parallel_loop3A_1014 : i32 to index
        %parallel_loop3A_1017 = tpu.vector_load %arg13[%parallel_loop3A_1015, %parallel_loop3A_1016] {strides = array<i32>} : memref<16x1024xf32, #tpu.memory_space<vmem>>, vector<1x16xf32>,
        %parallel_loop3A_1018 = vector.shape_cast %parallel_loop3A_1017 : vector<1x16xf32> to vector<16xf32>
        %parallel_loop3A_1019 = arith.index_cast %parallel_loop3A_1008 : i32 to index
        %parallel_loop3A_1020 = arith.index_cast %parallel_loop3A_1014 : i32 to index
        %parallel_loop3A_1021 = tpu.vector_load %arg7[%parallel_loop3A_1019, %parallel_loop3A_1020] {strides = array<i32>} : memref<16x1024xf32, #tpu.memory_space<vmem>>, vector<1x16xf32>,
        %parallel_loop3A_1022 = vector.shape_cast %parallel_loop3A_1021 : vector<1x16xf32> to vector<16xf32>
        %parallel_loop3A_1023 = vector.shape_cast %parallel_loop3A_1018 : vector<16xf32> to vector<1x16xf32>
        tpu.vector_store %arg7[%parallel_loop3A_1019, %parallel_loop3A_1020], %parallel_loop3A_1023 {add = true, strides = array<i32>} : memref<16x1024xf32, #tpu.memory_space<vmem>>, vector<1x16xf32>,
      } {sc.loop_unroll_factor = 8 : i64, sc.parallel_access}
    } {sc.loop_unroll_factor = 1 : i64, sc.parallel_access}
    %add3A_962 = arith.constant 8192 : i32
    %add3A_963 = arith.addi %add3A_962, %mul3A_2 : i32
    %add3A_964 = arith.constant 112 : i32
    %add3A_965 = arith.addi %add3A_963, %add3A_964 : i32
    %dma_start3A_966 = arith.constant 0 : i32
    %dma_start3A_967 = tpu.memref_slice %arg5[%add3A_965, %dma_start3A_966] : memref<16384x1024xf32, #tpu.memory_space<hbm>> -> memref<16x1024xf32, #tpu.memory_space<hbm>>
    %dma_start3A_968 = arith.constant 0 : i32
    %dma_start3A_969 = tpu.memref_slice %arg5[%add3A_965, %dma_start3A_968] : memref<16384x1024xf32, #tpu.memory_space<hbm>> -> memref<16x1024xf32, #tpu.memory_space<hbm>>
    tpu.enqueue_dma source(%arg7 : memref<16x1024xf32, #tpu.memory_space<vmem>>) target(%dma_start3A_969 : memref<16x1024xf32, #tpu.memory_space<hbm>>) target_semaphore(%arg19 : memref<!tpu.dma_semaphore, #tpu.memory_space<semaphore_mem>>)
    %dma_wait3A_970 = arith.constant 3 : i32
    %dma_wait3A_971 = arith.constant 112 : i32
    %dma_wait3A_972 = tpu.memref_slice %arg6[%dma_wait3A_970, %dma_wait3A_971] : memref<4x128xi32, #tpu.memory_space<vmem>> -> memref<1x16xi32, #tpu.memory_space<vmem>>
    %dma_wait3A_973 = tpu.memref_squeeze %dma_wait3A_972 : memref<1x16xi32, #tpu.memory_space<vmem>> -> memref<16xi32, #tpu.memory_space<vmem>>
    %dma_wait3A_974 = arith.constant 0 : i32
    %dma_wait3A_975 = arith.constant 0 : i32
    %dma_wait3A_976 = tpu.memref_slice %arg3[%dma_wait3A_974, %dma_wait3A_975] : memref<50304x1024xf32, #tpu.memory_space<hbm>> -> memref<50304x1024xf32, #tpu.memory_space<hbm>>
    tpu.wait_indirect_dma semaphore(%arg15 : memref<!tpu.dma_semaphore, #tpu.memory_space<semaphore_mem>>) src(%dma_wait3A_976 : memref<50304x1024xf32, #tpu.memory_space<hbm>>) dst(%arg8 : memref<16x1024xf32, #tpu.memory_space<vmem>>)
    %parallel_loop3A_977 = arith.constant 0 : i32
    %parallel_loop3A_978 = arith.constant 16 : i32
    %parallel_loop3A_979 = arith.constant 1 : i32
    scf.for %parallel_loop3A_1008 = %parallel_loop3A_977 to %parallel_loop3A_978 step %parallel_loop3A_979  : i32 {
      %parallel_loop3A_1009 = arith.constant 0 : i32
      %parallel_loop3A_1010 = arith.constant 64 : i32
      %parallel_loop3A_1011 = arith.constant 1 : i32
      scf.for %parallel_loop3A_1012 = %parallel_loop3A_1009 to %parallel_loop3A_1010 step %parallel_loop3A_1011  : i32 {
        %parallel_loop3A_1013 = arith.constant 16 : i32
        %parallel_loop3A_1014 = arith.muli %parallel_loop3A_1012, %parallel_loop3A_1013 : i32
        %parallel_loop3A_1015 = arith.index_cast %parallel_loop3A_1008 : i32 to index
        %parallel_loop3A_1016 = arith.index_cast %parallel_loop3A_1014 : i32 to index
        %parallel_loop3A_1017 = tpu.vector_load %arg13[%parallel_loop3A_1015, %parallel_loop3A_1016] {strides = array<i32>} : memref<16x1024xf32, #tpu.memory_space<vmem>>, vector<1x16xf32>,
        %parallel_loop3A_1018 = vector.shape_cast %parallel_loop3A_1017 : vector<1x16xf32> to vector<16xf32>
        %parallel_loop3A_1019 = arith.index_cast %parallel_loop3A_1008 : i32 to index
        %parallel_loop3A_1020 = arith.index_cast %parallel_loop3A_1014 : i32 to index
        %parallel_loop3A_1021 = tpu.vector_load %arg8[%parallel_loop3A_1019, %parallel_loop3A_1020] {strides = array<i32>} : memref<16x1024xf32, #tpu.memory_space<vmem>>, vector<1x16xf32>,
        %parallel_loop3A_1022 = vector.shape_cast %parallel_loop3A_1021 : vector<1x16xf32> to vector<16xf32>
        %parallel_loop3A_1023 = vector.shape_cast %parallel_loop3A_1018 : vector<16xf32> to vector<1x16xf32>
        tpu.vector_store %arg8[%parallel_loop3A_1019, %parallel_loop3A_1020], %parallel_loop3A_1023 {add = true, strides = array<i32>} : memref<16x1024xf32, #tpu.memory_space<vmem>>, vector<1x16xf32>,
      } {sc.loop_unroll_factor = 8 : i64, sc.parallel_access}
    } {sc.loop_unroll_factor = 1 : i64, sc.parallel_access}
    %add3A_980 = arith.constant 12288 : i32
    %add3A_981 = arith.addi %add3A_980, %mul3A_2 : i32
    %add3A_982 = arith.constant 112 : i32
    %add3A_983 = arith.addi %add3A_981, %add3A_982 : i32
    %dma_start3A_984 = arith.constant 0 : i32
    %dma_start3A_985 = tpu.memref_slice %arg5[%add3A_983, %dma_start3A_984] : memref<16384x1024xf32, #tpu.memory_space<hbm>> -> memref<16x1024xf32, #tpu.memory_space<hbm>>
    %dma_start3A_986 = arith.constant 0 : i32
    %dma_start3A_987 = tpu.memref_slice %arg5[%add3A_983, %dma_start3A_986] : memref<16384x1024xf32, #tpu.memory_space<hbm>> -> memref<16x1024xf32, #tpu.memory_space<hbm>>
    tpu.enqueue_dma source(%arg8 : memref<16x1024xf32, #tpu.memory_space<vmem>>) target(%dma_start3A_987 : memref<16x1024xf32, #tpu.memory_space<hbm>>) target_semaphore(%arg20 : memref<!tpu.dma_semaphore, #tpu.memory_space<semaphore_mem>>)
    %dma_wait3A_988 = arith.constant 0 : i32
    %dma_wait3A_989 = tpu.memref_slice %arg5[%add3A_885, %dma_wait3A_988] : memref<16384x1024xf32, #tpu.memory_space<hbm>> -> memref<16x1024xf32, #tpu.memory_space<hbm>>
    %dma_wait3A_990 = arith.constant 0 : i32
    %dma_wait3A_991 = tpu.memref_slice %arg5[%add3A_885, %dma_wait3A_990] : memref<16384x1024xf32, #tpu.memory_space<hbm>> -> memref<16x1024xf32, #tpu.memory_space<hbm>>
    tpu.wait_dma2 semaphore(%arg21 : memref<!tpu.dma_semaphore, #tpu.memory_space<semaphore_mem>>) src(%arg9 : memref<16x1024xf32, #tpu.memory_space<vmem>>) dst(%dma_wait3A_991 : memref<16x1024xf32, #tpu.memory_space<hbm>>)
    %dma_wait3A_992 = arith.constant 0 : i32
    %dma_wait3A_993 = tpu.memref_slice %arg5[%add3A_918, %dma_wait3A_992] : memref<16384x1024xf32, #tpu.memory_space<hbm>> -> memref<16x1024xf32, #tpu.memory_space<hbm>>
    %dma_wait3A_994 = arith.constant 0 : i32
    %dma_wait3A_995 = tpu.memref_slice %arg5[%add3A_918, %dma_wait3A_994] : memref<16384x1024xf32, #tpu.memory_space<hbm>> -> memref<16x1024xf32, #tpu.memory_space<hbm>>
    tpu.wait_dma2 semaphore(%arg22 : memref<!tpu.dma_semaphore, #tpu.memory_space<semaphore_mem>>) src(%arg10 : memref<16x1024xf32, #tpu.memory_space<vmem>>) dst(%dma_wait3A_995 : memref<16x1024xf32, #tpu.memory_space<hbm>>)
    %dma_wait3A_996 = arith.constant 0 : i32
    %dma_wait3A_997 = tpu.memref_slice %arg5[%add3A_947, %dma_wait3A_996] : memref<16384x1024xf32, #tpu.memory_space<hbm>> -> memref<16x1024xf32, #tpu.memory_space<hbm>>
    %dma_wait3A_998 = arith.constant 0 : i32
    %dma_wait3A_999 = tpu.memref_slice %arg5[%add3A_947, %dma_wait3A_998] : memref<16384x1024xf32, #tpu.memory_space<hbm>> -> memref<16x1024xf32, #tpu.memory_space<hbm>>
    tpu.wait_dma2 semaphore(%arg23 : memref<!tpu.dma_semaphore, #tpu.memory_space<semaphore_mem>>) src(%arg11 : memref<16x1024xf32, #tpu.memory_space<vmem>>) dst(%dma_wait3A_999 : memref<16x1024xf32, #tpu.memory_space<hbm>>)
    %dma_wait3A_1000 = arith.constant 0 : i32
    %dma_wait3A_1001 = tpu.memref_slice %arg5[%add3A_965, %dma_wait3A_1000] : memref<16384x1024xf32, #tpu.memory_space<hbm>> -> memref<16x1024xf32, #tpu.memory_space<hbm>>
    %dma_wait3A_1002 = arith.constant 0 : i32
    %dma_wait3A_1003 = tpu.memref_slice %arg5[%add3A_965, %dma_wait3A_1002] : memref<16384x1024xf32, #tpu.memory_space<hbm>> -> memref<16x1024xf32, #tpu.memory_space<hbm>>
    tpu.wait_dma2 semaphore(%arg19 : memref<!tpu.dma_semaphore, #tpu.memory_space<semaphore_mem>>) src(%arg7 : memref<16x1024xf32, #tpu.memory_space<vmem>>) dst(%dma_wait3A_1003 : memref<16x1024xf32, #tpu.memory_space<hbm>>)
    %dma_wait3A_1004 = arith.constant 0 : i32
    %dma_wait3A_1005 = tpu.memref_slice %arg5[%add3A_983, %dma_wait3A_1004] : memref<16384x1024xf32, #tpu.memory_space<hbm>> -> memref<16x1024xf32, #tpu.memory_space<hbm>>
    %dma_wait3A_1006 = arith.constant 0 : i32
    %dma_wait3A_1007 = tpu.memref_slice %arg5[%add3A_983, %dma_wait3A_1006] : memref<16384x1024xf32, #tpu.memory_space<hbm>> -> memref<16x1024xf32, #tpu.memory_space<hbm>>
    tpu.wait_dma2 semaphore(%arg20 : memref<!tpu.dma_semaphore, #tpu.memory_space<semaphore_mem>>) src(%arg8 : memref<16x1024xf32, #tpu.memory_space<vmem>>) dst(%dma_wait3A_1007 : memref<16x1024xf32, #tpu.memory_space<hbm>>)
    return
  }
}

</mosaic_0001>

<sc_bundles>
// kernel: kernel.3.cloned.1.call-start
scs
__scs_entry_jumppad:
0x0: {  	(pc) =	sbr.rel $0x88, $3  }
0x1: {  	(tag) =	ssettag $0x0;
	lr =	simm.s32 $0x1  }
0x2: {  	[smem:$0x3F9E] =	sst lr;
	_ =	strace $0xD0000000  }
0x3: {  	_ = 	snop  }
0x4: {  	_ = 	snop  }
0x5: {  	_ = 	snop  }
0x6: {  	_ = 	snop  }
0x7: {  	_ = 	snop  }
__scs_overlays_trampoline_lowered:
0x8: {  	[smem:$0x3FAD] =	sst s0  }
0x9: {  	[smem:$0x3FAE] =	sst s1  }
0xa: {  	[smem:$0x3FAF] =	sst s2  }
0xb: {  	[smem:$0x3FB0] =	sst s3  }
0xc: {  	[smem:$0x3FB1] =	sst s4  }
0xd: {  	[smem:$0x3FB2] =	sst s5  }
0xe: {  	[smem:$0x3FB3] =	sst s6  }
0xf: {  	[smem:$0x3FB4] =	sst s7  }
0x10: {  	[smem:$0x3FB5] =	sst s8  }
0x11: {  	[smem:$0x3FB6] =	sst s9;
	s0 =	simm.s32 @!p0 $0x0  }
0x12: {  	s1 =	sld [smem:$0x3F9C];
	s0 =	simm.s32 @p0 $0x1  }
0x13: {  	[smem:$0x3FB7] =	sst s0;
	s0 =	simm.s32 @!p1 $0x0  }
0x14: {  	s2 =	sld [smem:$0x3F9B];
	s0 =	simm.s32 @p1 $0x1  }
0x15: {  	[smem:$0x3FB8] =	sst s0;
	s0 =	simm.s32 @!p2 $0x0  }
0x16: {  	s3 =	sld [smem:$0x3FDB];
	s0 =	simm.s32 @p2 $0x1  }
0x17: {  	s4 =	simm.s32 $0x1BF5;
	[smem:$0x3FBA] =	sst s0  }
0x18: {  	s0 =	sld [smem:$0x3F9D];
	_ =	swait.ge [sflag:s4], $0x0  }
0x19: {  	s7 =	sld [smem:$0x3F9E]  }
0x1a: {  	s8 =	sadd.s32 $0xFFFFE003, lr  }
0x1b: {  	s9 =	sadd.s32 $0xFFFFFEF7, lr;
	s5 =	simm.s32 $0xFFFFFFFF;
	p2 =	slt.u32 s8, $0xFFFFF086  }
0x1c: {  	p1 =	slt.u32 s9, $0xF7A;
	s5 =	simm.s32 @!p2 $0x0  }
0x1d: {  	s5 =	simm.s32 @p1 $0x1;
	p0 =	seq.s32 s7, s2  }
0x1e: {  	s7 =	smul.u32 @!p0 $0xF7A, s2;
	p2 =	seq.s32 @!p0 s5, $0x0  }
0x1f: {  	s9 =	smul.u32 $0xF7A, s1;
	s8 =	simm.s32 @!p0 $0x1BF5;
	p2 =	por !p2, p0  }
0x20: {  	[sflag:s8] =	ssyncset.s32 @!p0 $0xFFFFF086;
	s6 =	sadd.s32 @!p0 s3, s7;
	s7 =	simm.s32 @!p0 $0x108  }
0x21: {  	s3 =	sadd.s32 s3, s9;
	s6 =	sadd.s32 @!p0 $0x88, s6;
	s7 =	simm.s32 @p2 $0x1082  }
0x22: {  	[simem:s7], [sflag:s8] =	dma.local @!p0 [hbm:s6], $0xF7A  }
0x23: {  	s9 =	sor.u32 $0xD0000000, s2;
	s6 =	simm.s32 $0x108;
	_ =	swait.ge @!p0 [sflag:s8], $0x0  }
0x24: {  	s3 =	sadd.s32 $0x88, s3;
	s6 =	simm.s32 @!p1 $0x1082;
	[sflag:s4] =	ssyncset.s32 $0xFFFFF086  }
0x25: {  	[simem:s6], [sflag:s4] =	dma.local [hbm:s3], $0xF7A  }
0x26: {  	[smem:$0x3F9E] =	sst s1;
	(tag) =	ssettag s2;
	_ =	strace s9  }
0x27: {  	s1 =	sld [smem:$0x3FAE]  }
0x28: {  	s2 =	sld [smem:$0x3FAF]  }
0x29: {  	s4 =	sld [smem:$0x3FB1]  }
0x2a: {  	p0 =	seq.s32 s5, $0x0;
	s5 =	sld [smem:$0x3FB2]  }
0x2b: {  	s6 =	sld [smem:$0x3FB3]  }
0x2c: {  	s7 =	sld [smem:$0x3FB4]  }
0x2d: {  	s3 =	simm.s32 $0x108;
	s8 =	sld [smem:$0x3FB5]  }
0x2e: {  	s3 =	simm.s32 @!p0 $0x1082;
	s9 =	sld [smem:$0x3FB6]  }
0x2f: {  	lr =	sadd.s32 s0, s3;
	s0 =	sld [smem:$0x3FAD]  }
0x30: {  	s3 =	sld [smem:$0x3FB0]  }
0x31: {  	[smem:$0x3FB9] =	sst s10  }
0x32: {  	s10 =	sld [smem:$0x3FB7];
	_ =	sdelay $0x3  }
0x33: {  	p0 =	seq.s32 s10, $0x1;
	s10 =	sld [smem:$0x3FB9];
	_ =	sdelay $0x3  }
0x34: {  	[smem:$0x3FB9] =	sst s10  }
0x35: {  	s10 =	sld [smem:$0x3FB8];
	_ =	sdelay $0x3  }
0x36: {  	p1 =	seq.s32 s10, $0x1;
	s10 =	sld [smem:$0x3FB9];
	_ =	sdelay $0x3  }
0x37: {  	[smem:$0x3FB9] =	sst s10  }
0x38: {  	s10 =	sld [smem:$0x3FBA]  }
0x39: {  	_ = 	snop;
	(pc) =	sbr.ind lr, $3  }
0x3a: {  	_ = 	snop  }
0x3b: {  	_ = 	snop  }
0x3c: {  	p2 =	seq.s32 s10, $0x1;
	s10 =	sld [smem:$0x3FB9]  }
0x3d: {  	_ =	shalt  }
0x3e: {  	_ =	shalt  }
0x3f: {  	_ =	shalt  }
0x40: {  	_ =	shalt  }
0x41: {  	_ =	shalt  }
0x42: {  	_ =	shalt  }
0x43: {  	_ =	shalt  }
0x44: {  	_ =	shalt  }
0x45: {  	_ =	shalt  }
0x46: {  	_ =	shalt  }
0x47: {  	_ =	shalt  }
0x48: {  	_ =	shalt  }
0x49: {  	_ =	shalt  }
0x4a: {  	_ =	shalt  }
0x4b: {  	_ =	shalt  }
0x4c: {  	_ =	shalt  }
0x4d: {  	_ =	shalt  }
0x4e: {  	_ =	shalt  }
0x4f: {  	_ =	shalt  }
0x50: {  	_ =	shalt  }
0x51: {  	_ =	shalt  }
0x52: {  	_ =	shalt  }
0x53: {  	_ =	shalt  }
0x54: {  	_ =	shalt  }
0x55: {  	_ =	shalt  }
0x56: {  	_ =	shalt  }
0x57: {  	_ =	shalt  }
0x58: {  	_ =	shalt  }
0x59: {  	_ =	shalt  }
0x5a: {  	_ =	shalt  }
0x5b: {  	_ =	shalt  }
0x5c: {  	_ =	shalt  }
0x5d: {  	_ =	shalt  }
0x5e: {  	_ =	shalt  }
0x5f: {  	_ =	shalt  }
0x60: {  	_ =	shalt  }
0x61: {  	_ =	shalt  }
0x62: {  	_ =	shalt  }
0x63: {  	_ =	shalt  }
0x64: {  	_ =	shalt  }
0x65: {  	_ =	shalt  }
0x66: {  	_ =	shalt  }
0x67: {  	_ =	shalt  }
0x68: {  	_ =	shalt  }
0x69: {  	_ =	shalt  }
0x6a: {  	_ =	shalt  }
0x6b: {  	_ =	shalt  }
0x6c: {  	_ =	shalt  }
0x6d: {  	_ =	shalt  }
0x6e: {  	_ =	shalt  }
0x6f: {  	_ =	shalt  }
0x70: {  	_ =	shalt  }
0x71: {  	_ =	shalt  }
0x72: {  	_ =	shalt  }
0x73: {  	_ =	shalt  }
0x74: {  	_ =	shalt  }
0x75: {  	_ =	shalt  }
0x76: {  	_ =	shalt  }
0x77: {  	_ =	shalt  }
0x78: {  	_ =	shalt  }
0x79: {  	_ =	shalt  }
0x7a: {  	_ =	shalt  }
0x7b: {  	_ =	shalt  }
0x7c: {  	_ =	shalt  }
0x7d: {  	_ =	shalt  }
0x7e: {  	_ =	shalt  }
0x7f: {  	_ =	shalt  }
0x80: {  	_ =	shalt  }
0x81: {  	_ =	shalt  }
0x82: {  	_ =	shalt  }
0x83: {  	_ =	shalt  }
0x84: {  	_ =	shalt  }
0x85: {  	_ =	shalt  }
0x86: {  	_ =	shalt  }
0x87: {  	_ =	shalt  }
.Lfunc_end0:
.L_simem_size_0:
called_computation_lowered:
.L_overlay_start_0:
0x88: {  	s2 =	sld [smem:$0x3FD9]  }
0x89: {  	s3 =	sld [smem:$0x3FFE];
	_ =	sdelay $0x1  }
0x8a: {  	s1 =	srdreg.scid  }
0x8b: {  	s0 =	sand.u32 $0x1, s1  }
0x8c: {  	s18 =	sshll.u32 s0, $0xA;
	s2 =	sadd.s32 s3, s2  }
0x8d: {  	s2 =	sadd.s32 s2, s18  }
0x8e: {  	[smem:$0x3FC5] =	sst s2  }
0x8f: {  	_ = 	snop  }
0x90: {  	s2 =	sld [smem:$0x3FC9]  }
0x91: {  	s19 =	sld [smem:$0x3FC8]  }
0x92: {  	s4 =	sld [smem:$0x3FC7]  }
0x93: {  	s5 =	sld [smem:$0x3FD0];
	(tm) =	ssettm $0x1  }
0x94: {  	s6 =	sld [smem:$0x3FFB];
	_ =	sdelay $0x3  }
0x95: {  	_ =	strace s6  }
0x96: {  	s6 =	sld [smem:$0x3FFC];
	_ =	sdelay $0x3  }
0x97: {  	_ =	strace s6  }
0x98: {  	s6 =	sld [smem:$0x3FFD];
	_ =	sdelay $0x3  }
0x99: {  	_ =	strace s6  }
0x9a: {  	_ =	strace $0x8FFFFFFF  }
0x9b: {  	s20 =	sld [smem:$0x3FDB];
	_ =	sdelay $0x1  }
0x9c: {  	s7 =	simm.s32 $_scs_section_size  }
0x9d: {  	s8 =	simm.s32 $_size__tile_overlayer_lowered;
	s9 =	simm.s32 $_tile_overlayer_lowered  }
0x9e: {  	s23 =	simm.s32 $0x1BFF;
	s22 =	sshll.u32 s9, $0x1;
	s6 =	sadd.s32 s7, s20  }
0x9f: {  	s10 =	simm.s32 $0x0;
	s21 =	sshll.u32 s8, $0x1;
	s8 =	sadd.s32 s22, s6  }
0xa0: {  	[timem:s10], [sflag:s23] =	dma.local [hbm:s8], s21  }
0xa1: {  	_ =	swait.ge [sflag:s23], s21  }
0xa2: {  	s7 =	ssub.s32 $0x0, s21;
	[sflag:s23] =	ssyncset.done $0x0  }
0xa3: {  	[sflag:s23] =	ssyncadd.s32 s7;
	_ =	sdelay $0x1  }
0xa4: {  	s24 =	simm.s32 $0x1B8B  }
0xa5: {  	_ =	swait.ge [sflag:s24], $0x1  }
0xa6: {  	[sflag:s24] =	ssyncset.done $0x0  }
0xa7: {  	s25 =	simm.s32 $0x1B8E;
	[sflag:s24] =	ssyncadd.s32 $0xFFFFFFFF  }
0xa8: {  	s26 =	simm.s32 $execute0_lowered;
	[smem:$0x3FD2] =	sst s25  }
0xa9: {  	s7 =	sshll.u32 s26, $0x1;
	_ =	strace $0x80000046;
	[dreg:$0x1] =	wrdreg $0xFFFFFFFF  }
0xaa: {  	s28 =	simm.s32 $_size_execute0_lowered;
	s6 =	sadd.s32 s6, s7;
	[dreg:$0x0] =	wrdreg $0x0  }
0xab: {  	s7 =	sshll.u32 s28, $0x1;
	[dreg:$0x2] =	wrdreg s6  }
0xac: {  	[dreg:$0x3] =	wrdreg s7  }
0xad: {  	[dreg:$0x4] =	wrdreg $0xC0  }
0xae: {  	_ =	task [dreg:s10], $0x5FFFF  }
0xaf: {  	[dreg:$0x1] =	wrdreg $0xFFFFFFFF  }
0xb0: {  	[dreg:$0x0] =	wrdreg $0x60  }
0xb1: {  	[dreg:$0x2] =	wrdreg s2  }
0xb2: {  	[dreg:$0x3] =	wrdreg s19  }
0xb3: {  	[dreg:$0x4] =	wrdreg s4  }
0xb4: {  	[dreg:$0x5] =	wrdreg s5  }
0xb5: {  	[dreg:$0x6] =	wrdreg $0x9  }
0xb6: {  	_ =	task.clear_ibuf [dreg:s10], $0x7FFFF;
	_ =	strace $0x90000046  }
0xb7: {  	s29 =	simm.s32 $0x9;
	_ =	strace $0x80000048  }
0xb8: {  	_ =	swait.ge [sflag:s29], $0x1  }
0xb9: {  	[sflag:s29] =	ssyncadd.s32 $0xFFFFFFFF  }
0xba: {  	_ =	strace $0x90000048  }
0xbb: {  	_ =	sfence  }
0xbc: {  	s30 =	sld [smem:$0x0];
	_ =	sdelay $0x2  }
0xbd: {  	s31 =	sshll.u32 s1, $0xD;
	s1 =	sshrl.u32 s1, $0x2  }
0xbe: {  	s3 =	sand.u32 $0x4000, s31;
	s1 =	sadd.s32 s1, s30  }
0xbf: {  	s0 =	sor.u32 s3, s0;
	s1 =	sshll.u32 s1, $0x11  }
0xc0: {  	s0 =	sor.u32 s1, s0  }
0xc1: {  	s0 =	sadd.s32 $0x8F2B, s0  }
0xc2: {  	[sflag:s0] =	ssyncadd.remote.s32 $0x1  }
0xc3: {  	_ =	sfence.sel $0xFFFF  }
0xc4: {  	[dreg:$0x0] =	wrdreg $0xFFFFFFFF;
	(pc) =	sbr.abs _section_cstart, $3  }
0xc5: {  	[dreg:$0x1] =	wrdreg $0xFFFFFFFF  }
0xc6: {  	_ =	task.clear_ibuf [dreg:s10], $0x2FFFF;
	_ =	strace $0x9FFFFFFF  }
0xc7: {  	(tm) =	ssettm $0x7FFFFFFF  }
tec
execute0_lowered:
.L_overlay_start_1:
0x0: {  	(tag) =	ssettag $0x1  }
0x1: {  	s0 =	rddreg [dreg:$0x0];
	s5 =	srdreg.scid  }
0x2: {  	s1 =	rddreg [dreg:$0x1];
	s7 =	stileid.u32;
	s5 =	sand.u32 $0x1, s5  }
0x3: {  	s7 =	sshll.u32 s7, $0x8;
	s6 =	ssub.s32 $0x2, s5;
	s5 =	sshll.u32 s5, $0x7  }
0x4: {  	s2 =	rddreg [dreg:$0x2];
	s5 =	sor.u32 s5, s7  }
0x5: {  	s4 =	rddreg [dreg:$0x3];
	s3 =	simm.s32 $0x0;
	s7 =	sshrl.u32 s5, $0x1  }
0x6: {  	[smem:$0x7FF] =	sst s3;
	s5 =	sshll.u32 s5, $0x7;
	s0 =	sadd.s32 s0, s7  }
0x7: {  	_ =	strace $0x80000047;
	s23 =	sadd.s32 s2, s5;
	[dreg:$0x5] =	wrdreg s0  }
0x8: {  	s24 =	sor.u32 $0x800, s5;
	s11 =	sadd.s32 s4, s5;
	[dreg:$0x6] =	wrdreg s23  }
0x9: {  	s10 =	sor.u32 $0x1000, s5;
	s25 =	sadd.s32 s2, s24;
	[dreg:$0x8] =	wrdreg s11  }
0xa: {  	s12 =	sadd.s32 s2, s10;
	[dreg:$0x7] =	wrdreg s25  }
0xb: {  	s26 =	sor.u32 $0x1800, s5;
	s0 =	sadd.s32 s4, s24;
	[dreg:$0x9] =	wrdreg s12  }
0xc: {  	s13 =	sadd.s32 s2, s26;
	[dreg:$0xa] =	wrdreg s0  }
0xd: {  	s14 =	sor.u32 $0x2000, s5;
	s10 =	sadd.s32 s4, s10;
	[dreg:$0xb] =	wrdreg s13  }
0xe: {  	s16 =	sor.u32 $0x2800, s5;
	s15 =	sadd.s32 s2, s14;
	[dreg:$0xc] =	wrdreg s10  }
0xf: {  	s18 =	sor.u32 $0x3000, s5;
	s17 =	sadd.s32 s2, s16;
	[dreg:$0xd] =	wrdreg s15  }
0x10: {  	s20 =	sor.u32 $0x3800, s5;
	s19 =	sadd.s32 s2, s18;
	[dreg:$0xf] =	wrdreg s17  }
0x11: {  	s2 =	sadd.s32 s2, s20;
	[dreg:$0x11] =	wrdreg s19  }
0x12: {  	s8 =	sshrl.u32 s6, $0x1;
	s21 =	sadd.s32 s4, s18;
	[dreg:$0x13] =	wrdreg s2  }
0x13: {  	s6 =	ssub.s32 s6, s8;
	s22 =	sadd.s32 $0x80000, s11;
	[dreg:$0x14] =	wrdreg s21  }
0x14: {  	s23 =	smax.u32 s6, $0x1;
	[dreg:$0x16] =	wrdreg s22  }
0x15: {  	s24 =	sadd.s32 $0x100000, s11;
	[dreg:$0x17] =	wrdreg s23  }
0x16: {  	s5 =	sadd.s32 $0x81000, s11;
	[dreg:$0x18] =	wrdreg s24  }
0x17: {  	s6 =	sadd.s32 $0x101000, s11;
	[dreg:$0x1d] =	wrdreg s5  }
0x18: {  	s18 =	sadd.s32 $0x82800, s11;
	[dreg:$0x1e] =	wrdreg s6  }
0x19: {  	s0 =	sadd.s32 s4, s26;
	[smem:$0x7F5] =	sst s18  }
0x1a: {  	s10 =	sadd.s32 s4, s14;
	[dreg:$0xe] =	wrdreg s0  }
0x1b: {  	s25 =	sadd.s32 $0x180000, s11;
	[dreg:$0x10] =	wrdreg s10  }
0x1c: {  	s26 =	sadd.s32 $0x80800, s11;
	[dreg:$0x19] =	wrdreg s25  }
0x1d: {  	s2 =	sadd.s32 $0x100800, s11;
	[dreg:$0x1a] =	wrdreg s26  }
0x1e: {  	s12 =	sadd.s32 $0x81800, s11;
	[dreg:$0x1b] =	wrdreg s2  }
0x1f: {  	s13 =	sadd.s32 $0x101800, s11;
	[smem:$0x7EF] =	sst s12  }
0x20: {  	s28 =	simm.s32 $0x200;
	s14 =	sadd.s32 $0x181800, s11;
	[smem:$0x7F0] =	sst s13  }
0x21: {  	s29 =	simm.s32 $0xC;
	s15 =	sadd.s32 $0x82000, s11;
	[smem:$0x7F1] =	sst s14  }
0x22: {  	s30 =	simm.s32 $0x5;
	s17 =	sadd.s32 $0x182000, s11;
	[smem:$0x7F2] =	sst s15  }
0x23: {  	s31 =	simm.s32 $0x8;
	s19 =	sadd.s32 $0x102800, s11;
	[smem:$0x7F4] =	sst s17  }
0x24: {  	s9 =	sadd.s32 $0x300, s1;
	s21 =	sadd.s32 $0x83000, s11;
	[smem:$0x7F6] =	sst s19  }
0x25: {  	s8 =	sadd.s32 $0x200, s1;
	s22 =	sadd.s32 $0x103000, s11;
	[smem:$0x7F8] =	sst s21  }
0x26: {  	s7 =	sadd.s32 $0x100, s1;
	s23 =	sadd.s32 $0x183000, s11;
	[smem:$0x7F9] =	sst s22  }
0x27: {  	s24 =	sadd.s32 $0x83800, s11;
	s6 =	simm.s32 $0x4200;
	[smem:$0x7FA] =	sst s23  }
0x28: {  	s18 =	simm.s32 $0x8200;
	s0 =	sadd.s32 s4, s16;
	[smem:$0x7FB] =	sst s24  }
0x29: {  	s10 =	sadd.s32 $0x181000, s11;
	s16 =	sadd.s32 $0x102000, s11;
	[dreg:$0x12] =	wrdreg s0  }
0x2a: {  	s25 =	sadd.s32 $0x103800, s11;
	s26 =	sadd.s32 $0x183800, s11;
	[dreg:$0x1f] =	wrdreg s10  }
0x2b: {  	s19 =	simm.s32 $0xC200;
	s21 =	simm.s32 $0x2;
	[smem:$0x7F3] =	sst s16  }
0x2c: {  	s22 =	simm.s32 $0x10200;
	s23 =	simm.s32 $0x6;
	[smem:$0x7FC] =	sst s25  }
0x2d: {  	s24 =	simm.s32 $0x4;
	s0 =	sadd.s32 s4, s20;
	[smem:$0x7FD] =	sst s26  }
0x2e: {  	s2 =	simm.s32 $0xA;
	s4 =	sadd.s32 $0x180800, s11;
	[dreg:$0x15] =	wrdreg s0  }
0x2f: {  	v2 =	vlaneseq.u32;
	s20 =	sadd.s32 $0x182800, s11;
	s25 =	simm.s32 $0xB;
	[dreg:$0x1c] =	wrdreg s4  }
0x30: {  	vm0 =	vmmov $0xffff;
	v1 =	vshrl.u32 v2, $0x3;
	s26 =	simm.s32 $0x1;
	s10 =	simm.s32 $0x7;
	[smem:$0x7F7] =	sst s20  }
0x31: {  	v0 =	vand.u32 $0x7, v2;
	v2 =	vor.u32 $0x8, v2;
	v1 =	vmul.u32 $0x8, v1;
	s20 =	simm.s32 $0x3;
	s0 =	simm.s32 $0x9;
	s4 =	simm.s32 $0x0  }
.LBB2_1:
0x32: {  	s5 =	rddreg [dreg:$0x5];
	s14 =	simm.s32 $0xD  }
0x33: {  	[tilespmem:s3], [sflag:$0xD] =	stream.linear.gather [hbm4b:s5+s3], $0x200, $0x38;
	[tilespmem:$0x1C200] =	vst v63  }
0x34: {  	_ =	swait.ge [sflag:s14], $0x200  }
0x35: {  	[sflag:s14] =	ssyncset.done $0x0  }
0x36: {  	s11 =	simm.s32 $0x14200;
	s15 =	rddreg [dreg:$0x6];
	[sflag:s14] =	ssyncadd.s32 $0xFFFFFE00  }
0x37: {  	[tilespmem:s11], [sflag:$0xB] =	stream.linear.gather [hbm4b:s15+s3], $0x4000, $0x38;
	[tilespmem:$0x1C200] =	vst v63  }
0x38: {  	s17 =	simm.s32 $0x18200;
	s16 =	rddreg [dreg:$0x7]  }
0x39: {  	[tilespmem:s17], [sflag:$0xC] =	stream.linear.gather [hbm4b:s16+s3], $0x4000, $0x38;
	[tilespmem:$0x1C200] =	vst v63  }
0x3a: {  	v3 =	vld [tilespmem:$0x0];
	_ =	sdelay $0x4  }
0x3b: {  	v4 =	vshll.u32 v3, $0x3  }
0x3c: {  	v3 =	vand.u32 $0x7, v3;
	v4 =	vand.u32 $0xFFFFFFC0, v4  }
0x3d: {  	v3 =	vor.u32 v3, v4  }
0x3e: {  	v4 =	vperm.xlane v3, v0;
	_ =	sdelay $0x1  }
0x3f: {  	v4 =	vadd.s32 v1, v4;
	_ =	sdelay $0x4  }
0x40: {  	[tilespmem:s28], [sflag:$0x1] =	stream.indirect_vreg.gather [hbm4b:s1+s3], $0x80, v4, vm0, $0xb8;
	[tilespmem:$0x1C200] =	vst v63  }
0x41: {  	s11 =	simm.s32 $0xA00;
	v3 =	vperm.xlane v3, v2  }
0x42: {  	[tilespmem:s11], [sflag:$0x1] =	stream.indirect_vreg.gather [hbm4b:s7+s3], $0x80, v4, vm0, $0xb8;
	[tilespmem:$0x1C200] =	vst v63  }
0x43: {  	s12 =	simm.s32 $0x1200;
	v3 =	vadd.s32 v1, v3  }
0x44: {  	[tilespmem:s12], [sflag:$0x1] =	stream.indirect_vreg.gather [hbm4b:s8+s3], $0x80, v4, vm0, $0xb8;
	[tilespmem:$0x1C200] =	vst v63  }
0x45: {  	s13 =	simm.s32 $0x1A00  }
0x46: {  	[tilespmem:s13], [sflag:$0x1] =	stream.indirect_vreg.gather [hbm4b:s9+s3], $0x80, v4, vm0, $0xb8;
	[tilespmem:$0x1C200] =	vst v63  }
0x47: {  	s14 =	simm.s32 $0x2200  }
0x48: {  	[tilespmem:s14], [sflag:$0x1] =	stream.indirect_vreg.gather [hbm4b:s1+s3], $0x80, v3, vm0, $0xb8;
	[tilespmem:$0x1C200] =	vst v63  }
0x49: {  	s15 =	simm.s32 $0x2A00  }
0x4a: {  	[tilespmem:s15], [sflag:$0x1] =	stream.indirect_vreg.gather [hbm4b:s7+s3], $0x80, v3, vm0, $0xb8;
	[tilespmem:$0x1C200] =	vst v63  }
0x4b: {  	s16 =	simm.s32 $0x3200  }
0x4c: {  	[tilespmem:s16], [sflag:$0x1] =	stream.indirect_vreg.gather [hbm4b:s8+s3], $0x80, v3, vm0, $0xb8;
	[tilespmem:$0x1C200] =	vst v63  }
0x4d: {  	s17 =	simm.s32 $0x3A00  }
0x4e: {  	[tilespmem:s17], [sflag:$0x1] =	stream.indirect_vreg.gather [hbm4b:s9+s3], $0x80, v3, vm0, $0xb8;
	[tilespmem:$0x1C200] =	vst v63  }
0x4f: {  	v3 =	vld [tilespmem:$0x80];
	_ =	sdelay $0x4  }
0x50: {  	v62 =	vshll.u32 v3, $0x3  }
0x51: {  	v3 =	vand.u32 $0x7, v3;
	v4 =	vand.u32 $0xFFFFFFC0, v62  }
0x52: {  	v3 =	vor.u32 v3, v4  }
0x53: {  	v4 =	vperm.xlane v3, v0;
	_ =	sdelay $0x1  }
0x54: {  	v4 =	vadd.s32 v1, v4;
	_ =	sdelay $0x4  }
0x55: {  	[tilespmem:s6], [sflag:$0x2] =	stream.indirect_vreg.gather [hbm4b:s1+s3], $0x80, v4, vm0, $0xb8;
	[tilespmem:$0x1C200] =	vst v63  }
0x56: {  	s11 =	simm.s32 $0x4A00;
	v3 =	vperm.xlane v3, v2  }
0x57: {  	[tilespmem:s11], [sflag:$0x2] =	stream.indirect_vreg.gather [hbm4b:s7+s3], $0x80, v4, vm0, $0xb8;
	[tilespmem:$0x1C200] =	vst v63  }
0x58: {  	s12 =	simm.s32 $0x5200;
	v3 =	vadd.s32 v1, v3  }
0x59: {  	[tilespmem:s12], [sflag:$0x2] =	stream.indirect_vreg.gather [hbm4b:s8+s3], $0x80, v4, vm0, $0xb8;
	[tilespmem:$0x1C200] =	vst v63  }
0x5a: {  	s13 =	simm.s32 $0x5A00  }
0x5b: {  	[tilespmem:s13], [sflag:$0x2] =	stream.indirect_vreg.gather [hbm4b:s9+s3], $0x80, v4, vm0, $0xb8;
	[tilespmem:$0x1C200] =	vst v63  }
0x5c: {  	s14 =	simm.s32 $0x6200  }
0x5d: {  	[tilespmem:s14], [sflag:$0x2] =	stream.indirect_vreg.gather [hbm4b:s1+s3], $0x80, v3, vm0, $0xb8;
	[tilespmem:$0x1C200] =	vst v63  }
0x5e: {  	s15 =	simm.s32 $0x6A00  }
0x5f: {  	[tilespmem:s15], [sflag:$0x2] =	stream.indirect_vreg.gather [hbm4b:s7+s3], $0x80, v3, vm0, $0xb8;
	[tilespmem:$0x1C200] =	vst v63  }
0x60: {  	s16 =	simm.s32 $0x7200  }
0x61: {  	[tilespmem:s16], [sflag:$0x2] =	stream.indirect_vreg.gather [hbm4b:s8+s3], $0x80, v3, vm0, $0xb8;
	[tilespmem:$0x1C200] =	vst v63  }
0x62: {  	s17 =	simm.s32 $0x7A00  }
0x63: {  	[tilespmem:s17], [sflag:$0x2] =	stream.indirect_vreg.gather [hbm4b:s9+s3], $0x80, v3, vm0, $0xb8;
	[tilespmem:$0x1C200] =	vst v63  }
0x64: {  	v3 =	vld [tilespmem:$0x100];
	_ =	sdelay $0x4  }
0x65: {  	v63 =	vshll.u32 v3, $0x3  }
0x66: {  	v3 =	vand.u32 $0x7, v3;
	v4 =	vand.u32 $0xFFFFFFC0, v63  }
0x67: {  	v3 =	vor.u32 v3, v4  }
0x68: {  	v4 =	vperm.xlane v3, v0;
	_ =	sdelay $0x1  }
0x69: {  	v4 =	vadd.s32 v1, v4;
	_ =	sdelay $0x4  }
0x6a: {  	[tilespmem:s18], [sflag:$0x3] =	stream.indirect_vreg.gather [hbm4b:s1+s3], $0x80, v4, vm0, $0xb8;
	[tilespmem:$0x1C200] =	vst v63  }
0x6b: {  	s11 =	simm.s32 $0x8A00;
	v3 =	vperm.xlane v3, v2  }
0x6c: {  	[tilespmem:s11], [sflag:$0x3] =	stream.indirect_vreg.gather [hbm4b:s7+s3], $0x80, v4, vm0, $0xb8;
	[tilespmem:$0x1C200] =	vst v63  }
0x6d: {  	s12 =	simm.s32 $0x9200;
	v3 =	vadd.s32 v1, v3  }
0x6e: {  	[tilespmem:s12], [sflag:$0x3] =	stream.indirect_vreg.gather [hbm4b:s8+s3], $0x80, v4, vm0, $0xb8;
	[tilespmem:$0x1C200] =	vst v63  }
0x6f: {  	s13 =	simm.s32 $0x9A00  }
0x70: {  	[tilespmem:s13], [sflag:$0x3] =	stream.indirect_vreg.gather [hbm4b:s9+s3], $0x80, v4, vm0, $0xb8;
	[tilespmem:$0x1C200] =	vst v63  }
0x71: {  	s14 =	simm.s32 $0xA200  }
0x72: {  	[tilespmem:s14], [sflag:$0x3] =	stream.indirect_vreg.gather [hbm4b:s1+s3], $0x80, v3, vm0, $0xb8;
	[tilespmem:$0x1C200] =	vst v63  }
0x73: {  	s15 =	simm.s32 $0xAA00  }
0x74: {  	[tilespmem:s15], [sflag:$0x3] =	stream.indirect_vreg.gather [hbm4b:s7+s3], $0x80, v3, vm0, $0xb8;
	[tilespmem:$0x1C200] =	vst v63  }
0x75: {  	s16 =	simm.s32 $0xB200  }
0x76: {  	[tilespmem:s16], [sflag:$0x3] =	stream.indirect_vreg.gather [hbm4b:s8+s3], $0x80, v3, vm0, $0xb8;
	[tilespmem:$0x1C200] =	vst v63  }
0x77: {  	s17 =	simm.s32 $0xBA00  }
0x78: {  	[tilespmem:s17], [sflag:$0x3] =	stream.indirect_vreg.gather [hbm4b:s9+s3], $0x80, v3, vm0, $0xb8;
	[tilespmem:$0x1C200] =	vst v63  }
0x79: {  	_ =	swait.ge [sflag:s25], $0x4000  }
0x7a: {  	[sflag:s25] =	ssyncset.done $0x0  }
0x7b: {  	[sflag:s25] =	ssyncadd.s32 $0xFFFFC000  }
0x7c: {  	_ =	swait.ge [sflag:s26], $0x4000  }
0x7d: {  	s5 =	simm.s32 $0x0;
	[sflag:s26] =	ssyncset.done $0x0  }
0x7e: {  	s11 =	simm.s32 $0x0;
	s12 =	simm.s32 $0x0;
	[sflag:s26] =	ssyncadd.s32 $0xFFFFC000  }
.LBB2_2:
0x7f: {  	s13 =	sand.u32 $0x7, s11  }
0x80: {  	s13 =	sshll.u32 s13, $0x9  }
0x81: {  	s13 =	sshrl.u32 s13, $0x2  }
0x82: {  	v3 =	vmov s13;
	_ =	sdelay $0x2  }
0x83: {  	s14 =	sand.u32 $0x3FFFE000, s5  }
0x84: {  	s16 =	sadd.s32 $0x14240, s14  }
0x85: {  	v4 =	vld.idx.msk [tilespmem:v3+s16+$0x30 ss:$0x1], $0xffff  }
0x86: {  	v5 =	vld.idx.msk [tilespmem:v3+s16+$0xFFFFFFD0 ss:$0x1], $0xffff  }
0x87: {  	v6 =	vld.idx.msk [tilespmem:v3+s16+$0xFFFFFFE0 ss:$0x1], $0xffff  }
0x88: {  	v7 =	vld.idx.msk [tilespmem:v3+s16+$0xFFFFFFF0 ss:$0x1], $0xffff  }
0x89: {  	v8 =	vld.idx.msk [tilespmem:v3+s16+$0x0 ss:$0x1], $0xffff  }
0x8a: {  	s14 =	sor.u32 $0x200, s14;
	v9 =	vld.idx.msk [tilespmem:v3+s16+$0x10 ss:$0x1], $0xffff  }
0x8b: {  	s17 =	sadd.s32 s13, s14;
	v10 =	vld.idx.msk [tilespmem:v3+s16+$0xFFFFFFC0 ss:$0x1], $0xffff  }
0x8c: {  	[tilespmem:s17+$0x70] =	vst.add.f32.msk $0xffff, v4  }
0x8d: {  	v4 =	vld.idx.msk [tilespmem:v3+s16+$0x20 ss:$0x1], $0xffff  }
0x8e: {  	[tilespmem:s17+$0x10] =	vst.add.f32.msk $0xffff, v5  }
0x8f: {  	[tilespmem:s17+$0x20] =	vst.add.f32.msk $0xffff, v6  }
0x90: {  	[tilespmem:s17+$0x30] =	vst.add.f32.msk $0xffff, v7  }
0x91: {  	[tilespmem:s17+$0x40] =	vst.add.f32.msk $0xffff, v8  }
0x92: {  	[tilespmem:s17+$0x50] =	vst.add.f32.msk $0xffff, v9  }
0x93: {  	[tilespmem:s17+$0x0] =	vst.add.f32.msk $0xffff, v10  }
0x94: {  	s15 =	simm.s32 $0x0;
	s16 =	sadd.s32 $0x400, s16;
	[tilespmem:s17+$0x60] =	vst.add.f32.msk $0xffff, v4  }
.LBB2_3:
0x95: {  	v4 =	vld.idx.msk [tilespmem:v3+s16+$0x30 ss:$0x1], $0xffff;
	s15 =	sadd.s32 $0x8, s15  }
0x96: {  	v5 =	vld.idx.msk [tilespmem:v3+s16+$0xFFFFFFD0 ss:$0x1], $0xffff;
	p0 =	slt.u32 s15, $0x38  }
0x97: {  	v6 =	vld.idx.msk [tilespmem:v3+s16+$0xFFFFFFE0 ss:$0x1], $0xffff  }
0x98: {  	v7 =	vld.idx.msk [tilespmem:v3+s16+$0xFFFFFFF0 ss:$0x1], $0xffff  }
0x99: {  	s14 =	sadd.s32 $0x400, s14;
	v8 =	vld.idx.msk [tilespmem:v3+s16+$0x0 ss:$0x1], $0xffff  }
0x9a: {  	s17 =	sadd.s32 s13, s14;
	v9 =	vld.idx.msk [tilespmem:v3+s16+$0x10 ss:$0x1], $0xffff  }
0x9b: {  	[tilespmem:s17+$0x70] =	vst.add.f32.msk $0xffff, v4  }
0x9c: {  	v4 =	vld.idx.msk [tilespmem:v3+s16+$0x20 ss:$0x1], $0xffff  }
0x9d: {  	v10 =	vld.idx.msk [tilespmem:v3+s16+$0xFFFFFFC0 ss:$0x1], $0xffff  }
0x9e: {  	[tilespmem:s17+$0x10] =	vst.add.f32.msk $0xffff, v5  }
0x9f: {  	[tilespmem:s17+$0x20] =	vst.add.f32.msk $0xffff, v6  }
.Ltmp0:
0xa0: {  	[tilespmem:s17+$0x30] =	vst.add.f32.msk $0xffff, v7;
	(pc) =	sbr.rel @p0 .LBB2_3-.Ltmp0, $4  }
0xa1: {  	[tilespmem:s17+$0x40] =	vst.add.f32.msk $0xffff, v8  }
0xa2: {  	[tilespmem:s17+$0x50] =	vst.add.f32.msk $0xffff, v9  }
0xa3: {  	[tilespmem:s17+$0x0] =	vst.add.f32.msk $0xffff, v10  }
0xa4: {  	s16 =	sadd.s32 $0x400, s16;
	[tilespmem:s17+$0x60] =	vst.add.f32.msk $0xffff, v4  }
0xa5: {  	s12 =	sadd.s32 $0x1, s12  }
0xa6: {  	p0 =	sne.s32 s12, $0x10  }
.Ltmp1:
0xa7: {  	_ = 	snop;
	(pc) =	sbr.rel @p0 .LBB2_2-.Ltmp1, $2  }
0xa8: {  	_ =	sdelay $0x2  }
0xa9: {  	s11 =	sadd.s32 $0x1, s11;
	s5 =	sadd.s32 $0x400, s5  }
0xaa: {  	s5 =	simm.s32 $0x0;
	s11 =	rddreg [dreg:$0x8]  }
0xab: {  	[hbm4b:s11+s5] =	stream.linear.scatter [tilespmem:s28], [sflag:$0x6], $0x4000, $0x38;
	[tilespmem:$0x1C200] =	vst v63  }
0xac: {  	v3 =	vld [tilespmem:$0x180];
	_ =	sdelay $0x4  }
0xad: {  	v4 =	vshll.u32 v3, $0x3  }
0xae: {  	v3 =	vand.u32 $0x7, v3;
	v4 =	vand.u32 $0xFFFFFFC0, v4  }
0xaf: {  	v3 =	vor.u32 v3, v4  }
0xb0: {  	v4 =	vperm.xlane v3, v0;
	_ =	sdelay $0x1  }
0xb1: {  	v4 =	vadd.s32 v1, v4;
	_ =	sdelay $0x4  }
0xb2: {  	[tilespmem:s19], [sflag:$0x4] =	stream.indirect_vreg.gather [hbm4b:s1+s5], $0x80, v4, vm0, $0xb8;
	[tilespmem:$0x1C200] =	vst v63  }
0xb3: {  	s17 =	simm.s32 $0xCA00;
	v3 =	vperm.xlane v3, v2  }
0xb4: {  	[tilespmem:s17], [sflag:$0x4] =	stream.indirect_vreg.gather [hbm4b:s7+s5], $0x80, v4, vm0, $0xb8;
	[tilespmem:$0x1C200] =	vst v63  }
0xb5: {  	s12 =	simm.s32 $0xD200;
	v3 =	vadd.s32 v1, v3  }
0xb6: {  	[tilespmem:s12], [sflag:$0x4] =	stream.indirect_vreg.gather [hbm4b:s8+s5], $0x80, v4, vm0, $0xb8;
	[tilespmem:$0x1C200] =	vst v63  }
0xb7: {  	s13 =	simm.s32 $0xDA00  }
0xb8: {  	[tilespmem:s13], [sflag:$0x4] =	stream.indirect_vreg.gather [hbm4b:s9+s5], $0x80, v4, vm0, $0xb8;
	[tilespmem:$0x1C200] =	vst v63  }
0xb9: {  	s14 =	simm.s32 $0xE200  }
0xba: {  	[tilespmem:s14], [sflag:$0x4] =	stream.indirect_vreg.gather [hbm4b:s1+s5], $0x80, v3, vm0, $0xb8;
	[tilespmem:$0x1C200] =	vst v63  }
0xbb: {  	s15 =	simm.s32 $0xEA00  }
0xbc: {  	[tilespmem:s15], [sflag:$0x4] =	stream.indirect_vreg.gather [hbm4b:s7+s5], $0x80, v3, vm0, $0xb8;
	[tilespmem:$0x1C200] =	vst v63  }
0xbd: {  	s16 =	simm.s32 $0xF200  }
0xbe: {  	[tilespmem:s16], [sflag:$0x4] =	stream.indirect_vreg.gather [hbm4b:s8+s5], $0x80, v3, vm0, $0xb8;
	[tilespmem:$0x1C200] =	vst v63  }
0xbf: {  	s17 =	simm.s32 $0xFA00  }
0xc0: {  	[tilespmem:s17], [sflag:$0x4] =	stream.indirect_vreg.gather [hbm4b:s9+s5], $0x80, v3, vm0, $0xb8;
	[tilespmem:$0x1C200] =	vst v63  }
0xc1: {  	_ =	swait.ge [sflag:s21], $0x4000  }
0xc2: {  	[sflag:s21] =	ssyncset.done $0x0  }
0xc3: {  	s11 =	simm.s32 $0x0;
	s12 =	simm.s32 $0x0;
	[sflag:s21] =	ssyncadd.s32 $0xFFFFC000  }
.LBB2_6:
0xc4: {  	s13 =	sand.u32 $0x7, s11  }
0xc5: {  	s13 =	sshll.u32 s13, $0x9  }
0xc6: {  	s13 =	sshrl.u32 s13, $0x2  }
0xc7: {  	v3 =	vmov s13;
	_ =	sdelay $0x2  }
0xc8: {  	s14 =	sand.u32 $0x3FFFE000, s5  }
0xc9: {  	s16 =	sadd.s32 $0x14240, s14  }
0xca: {  	v4 =	vld.idx.msk [tilespmem:v3+s16+$0x30 ss:$0x1], $0xffff  }
0xcb: {  	v5 =	vld.idx.msk [tilespmem:v3+s16+$0xFFFFFFD0 ss:$0x1], $0xffff  }
0xcc: {  	v6 =	vld.idx.msk [tilespmem:v3+s16+$0xFFFFFFE0 ss:$0x1], $0xffff  }
0xcd: {  	v7 =	vld.idx.msk [tilespmem:v3+s16+$0xFFFFFFF0 ss:$0x1], $0xffff  }
0xce: {  	v8 =	vld.idx.msk [tilespmem:v3+s16+$0x0 ss:$0x1], $0xffff  }
0xcf: {  	s14 =	sadd.s32 $0x4200, s14;
	v9 =	vld.idx.msk [tilespmem:v3+s16+$0x10 ss:$0x1], $0xffff  }
0xd0: {  	s17 =	sadd.s32 s13, s14;
	v10 =	vld.idx.msk [tilespmem:v3+s16+$0xFFFFFFC0 ss:$0x1], $0xffff  }
0xd1: {  	[tilespmem:s17+$0x70] =	vst.add.f32.msk $0xffff, v4  }
0xd2: {  	v4 =	vld.idx.msk [tilespmem:v3+s16+$0x20 ss:$0x1], $0xffff  }
0xd3: {  	[tilespmem:s17+$0x10] =	vst.add.f32.msk $0xffff, v5  }
0xd4: {  	[tilespmem:s17+$0x20] =	vst.add.f32.msk $0xffff, v6  }
0xd5: {  	[tilespmem:s17+$0x30] =	vst.add.f32.msk $0xffff, v7  }
0xd6: {  	[tilespmem:s17+$0x40] =	vst.add.f32.msk $0xffff, v8  }
0xd7: {  	[tilespmem:s17+$0x50] =	vst.add.f32.msk $0xffff, v9  }
0xd8: {  	[tilespmem:s17+$0x0] =	vst.add.f32.msk $0xffff, v10  }
0xd9: {  	s15 =	simm.s32 $0x0;
	s16 =	sadd.s32 $0x400, s16;
	[tilespmem:s17+$0x60] =	vst.add.f32.msk $0xffff, v4  }
.LBB2_7:
0xda: {  	v4 =	vld.idx.msk [tilespmem:v3+s16+$0x30 ss:$0x1], $0xffff;
	s15 =	sadd.s32 $0x8, s15  }
0xdb: {  	v5 =	vld.idx.msk [tilespmem:v3+s16+$0xFFFFFFD0 ss:$0x1], $0xffff;
	p0 =	slt.u32 s15, $0x38  }
0xdc: {  	v6 =	vld.idx.msk [tilespmem:v3+s16+$0xFFFFFFE0 ss:$0x1], $0xffff  }
0xdd: {  	v7 =	vld.idx.msk [tilespmem:v3+s16+$0xFFFFFFF0 ss:$0x1], $0xffff  }
0xde: {  	s14 =	sadd.s32 $0x400, s14;
	v8 =	vld.idx.msk [tilespmem:v3+s16+$0x0 ss:$0x1], $0xffff  }
0xdf: {  	s17 =	sadd.s32 s13, s14;
	v9 =	vld.idx.msk [tilespmem:v3+s16+$0x10 ss:$0x1], $0xffff  }
0xe0: {  	[tilespmem:s17+$0x70] =	vst.add.f32.msk $0xffff, v4  }
0xe1: {  	v4 =	vld.idx.msk [tilespmem:v3+s16+$0x20 ss:$0x1], $0xffff  }
0xe2: {  	v10 =	vld.idx.msk [tilespmem:v3+s16+$0xFFFFFFC0 ss:$0x1], $0xffff  }
0xe3: {  	[tilespmem:s17+$0x10] =	vst.add.f32.msk $0xffff, v5  }
0xe4: {  	[tilespmem:s17+$0x20] =	vst.add.f32.msk $0xffff, v6  }
.Ltmp2:
0xe5: {  	[tilespmem:s17+$0x30] =	vst.add.f32.msk $0xffff, v7;
	(pc) =	sbr.rel @p0 .LBB2_7-.Ltmp2, $4  }
0xe6: {  	[tilespmem:s17+$0x40] =	vst.add.f32.msk $0xffff, v8  }
0xe7: {  	[tilespmem:s17+$0x50] =	vst.add.f32.msk $0xffff, v9  }
0xe8: {  	[tilespmem:s17+$0x0] =	vst.add.f32.msk $0xffff, v10  }
0xe9: {  	s16 =	sadd.s32 $0x400, s16;
	[tilespmem:s17+$0x60] =	vst.add.f32.msk $0xffff, v4  }
0xea: {  	s12 =	sadd.s32 $0x1, s12  }
0xeb: {  	p0 =	sne.s32 s12, $0x10  }
.Ltmp3:
0xec: {  	_ = 	snop;
	(pc) =	sbr.rel @p0 .LBB2_6-.Ltmp3, $2  }
0xed: {  	_ =	sdelay $0x2  }
0xee: {  	s11 =	sadd.s32 $0x1, s11;
	s5 =	sadd.s32 $0x400, s5  }
0xef: {  	s5 =	simm.s32 $0x0;
	s11 =	rddreg [dreg:$0x16]  }
0xf0: {  	[hbm4b:s11+s5] =	stream.linear.scatter [tilespmem:s6], [sflag:$0x7], $0x4000, $0x38;
	[tilespmem:$0x1C200] =	vst v63  }
0xf1: {  	v3 =	vld [tilespmem:$0x10];
	_ =	sdelay $0x4  }
0xf2: {  	v4 =	vshll.u32 v3, $0x3  }
0xf3: {  	v3 =	vand.u32 $0x7, v3;
	v4 =	vand.u32 $0xFFFFFFC0, v4  }
0xf4: {  	v3 =	vor.u32 v3, v4  }
0xf5: {  	v4 =	vperm.xlane v3, v0;
	_ =	sdelay $0x1  }
0xf6: {  	v4 =	vadd.s32 v1, v4;
	_ =	sdelay $0x4  }
0xf7: {  	[tilespmem:s22], [sflag:$0x5] =	stream.indirect_vreg.gather [hbm4b:s1+s5], $0x80, v4, vm0, $0xb8;
	[tilespmem:$0x1C200] =	vst v63  }
0xf8: {  	s17 =	simm.s32 $0x10A00;
	v3 =	vperm.xlane v3, v2  }
0xf9: {  	[tilespmem:s17], [sflag:$0x5] =	stream.indirect_vreg.gather [hbm4b:s7+s5], $0x80, v4, vm0, $0xb8;
	[tilespmem:$0x1C200] =	vst v63  }
0xfa: {  	s12 =	simm.s32 $0x11200;
	v3 =	vadd.s32 v1, v3  }
0xfb: {  	[tilespmem:s12], [sflag:$0x5] =	stream.indirect_vreg.gather [hbm4b:s8+s5], $0x80, v4, vm0, $0xb8;
	[tilespmem:$0x1C200] =	vst v63  }
0xfc: {  	s13 =	simm.s32 $0x11A00  }
0xfd: {  	[tilespmem:s13], [sflag:$0x5] =	stream.indirect_vreg.gather [hbm4b:s9+s5], $0x80, v4, vm0, $0xb8;
	[tilespmem:$0x1C200] =	vst v63  }
0xfe: {  	s14 =	simm.s32 $0x12200  }
0xff: {  	[tilespmem:s14], [sflag:$0x5] =	stream.indirect_vreg.gather [hbm4b:s1+s5], $0x80, v3, vm0, $0xb8;
	[tilespmem:$0x1C200] =	vst v63  }
0x100: {  	s15 =	simm.s32 $0x12A00  }
0x101: {  	[tilespmem:s15], [sflag:$0x5] =	stream.indirect_vreg.gather [hbm4b:s7+s5], $0x80, v3, vm0, $0xb8;
	[tilespmem:$0x1C200] =	vst v63  }
0x102: {  	s16 =	simm.s32 $0x13200  }
0x103: {  	[tilespmem:s16], [sflag:$0x5] =	stream.indirect_vreg.gather [hbm4b:s8+s5], $0x80, v3, vm0, $0xb8;
	[tilespmem:$0x1C200] =	vst v63  }
0x104: {  	s17 =	simm.s32 $0x13A00  }
0x105: {  	[tilespmem:s17], [sflag:$0x5] =	stream.indirect_vreg.gather [hbm4b:s9+s5], $0x80, v3, vm0, $0xb8;
	[tilespmem:$0x1C200] =	vst v63  }
0x106: {  	_ =	swait.ge [sflag:s20], $0x4000  }
0x107: {  	[sflag:s20] =	ssyncset.done $0x0  }
0x108: {  	s11 =	simm.s32 $0x0;
	s12 =	simm.s32 $0x0;
	[sflag:s20] =	ssyncadd.s32 $0xFFFFC000  }
.LBB2_10:
0x109: {  	s13 =	sand.u32 $0x7, s11  }
0x10a: {  	s13 =	sshll.u32 s13, $0x9  }
0x10b: {  	s13 =	sshrl.u32 s13, $0x2  }
0x10c: {  	v3 =	vmov s13;
	_ =	sdelay $0x2  }
0x10d: {  	s14 =	sand.u32 $0x3FFFE000, s5  }
0x10e: {  	s16 =	sadd.s32 $0x14240, s14  }
0x10f: {  	v4 =	vld.idx.msk [tilespmem:v3+s16+$0x30 ss:$0x1], $0xffff  }
0x110: {  	v5 =	vld.idx.msk [tilespmem:v3+s16+$0xFFFFFFD0 ss:$0x1], $0xffff  }
0x111: {  	v6 =	vld.idx.msk [tilespmem:v3+s16+$0xFFFFFFE0 ss:$0x1], $0xffff  }
0x112: {  	v7 =	vld.idx.msk [tilespmem:v3+s16+$0xFFFFFFF0 ss:$0x1], $0xffff  }
0x113: {  	v8 =	vld.idx.msk [tilespmem:v3+s16+$0x0 ss:$0x1], $0xffff  }
0x114: {  	s14 =	sadd.s32 $0x8200, s14;
	v9 =	vld.idx.msk [tilespmem:v3+s16+$0x10 ss:$0x1], $0xffff  }
0x115: {  	s17 =	sadd.s32 s13, s14;
	v10 =	vld.idx.msk [tilespmem:v3+s16+$0xFFFFFFC0 ss:$0x1], $0xffff  }
0x116: {  	[tilespmem:s17+$0x70] =	vst.add.f32.msk $0xffff, v4  }
0x117: {  	v4 =	vld.idx.msk [tilespmem:v3+s16+$0x20 ss:$0x1], $0xffff  }
0x118: {  	[tilespmem:s17+$0x10] =	vst.add.f32.msk $0xffff, v5  }
0x119: {  	[tilespmem:s17+$0x20] =	vst.add.f32.msk $0xffff, v6  }
0x11a: {  	[tilespmem:s17+$0x30] =	vst.add.f32.msk $0xffff, v7  }
0x11b: {  	[tilespmem:s17+$0x40] =	vst.add.f32.msk $0xffff, v8  }
0x11c: {  	[tilespmem:s17+$0x50] =	vst.add.f32.msk $0xffff, v9  }
0x11d: {  	[tilespmem:s17+$0x0] =	vst.add.f32.msk $0xffff, v10  }
0x11e: {  	s15 =	simm.s32 $0x0;
	s16 =	sadd.s32 $0x400, s16;
	[tilespmem:s17+$0x60] =	vst.add.f32.msk $0xffff, v4  }
.LBB2_11:
0x11f: {  	v4 =	vld.idx.msk [tilespmem:v3+s16+$0x30 ss:$0x1], $0xffff;
	s15 =	sadd.s32 $0x8, s15  }
0x120: {  	v5 =	vld.idx.msk [tilespmem:v3+s16+$0xFFFFFFD0 ss:$0x1], $0xffff;
	p0 =	slt.u32 s15, $0x38  }
0x121: {  	v6 =	vld.idx.msk [tilespmem:v3+s16+$0xFFFFFFE0 ss:$0x1], $0xffff  }
0x122: {  	v7 =	vld.idx.msk [tilespmem:v3+s16+$0xFFFFFFF0 ss:$0x1], $0xffff  }
0x123: {  	s14 =	sadd.s32 $0x400, s14;
	v8 =	vld.idx.msk [tilespmem:v3+s16+$0x0 ss:$0x1], $0xffff  }
0x124: {  	s17 =	sadd.s32 s13, s14;
	v9 =	vld.idx.msk [tilespmem:v3+s16+$0x10 ss:$0x1], $0xffff  }
0x125: {  	[tilespmem:s17+$0x70] =	vst.add.f32.msk $0xffff, v4  }
0x126: {  	v4 =	vld.idx.msk [tilespmem:v3+s16+$0x20 ss:$0x1], $0xffff  }
0x127: {  	v10 =	vld.idx.msk [tilespmem:v3+s16+$0xFFFFFFC0 ss:$0x1], $0xffff  }
0x128: {  	[tilespmem:s17+$0x10] =	vst.add.f32.msk $0xffff, v5  }
0x129: {  	[tilespmem:s17+$0x20] =	vst.add.f32.msk $0xffff, v6  }
.Ltmp4:
0x12a: {  	[tilespmem:s17+$0x30] =	vst.add.f32.msk $0xffff, v7;
	(pc) =	sbr.rel @p0 .LBB2_11-.Ltmp4, $4  }
0x12b: {  	[tilespmem:s17+$0x40] =	vst.add.f32.msk $0xffff, v8  }
0x12c: {  	[tilespmem:s17+$0x50] =	vst.add.f32.msk $0xffff, v9  }
0x12d: {  	[tilespmem:s17+$0x0] =	vst.add.f32.msk $0xffff, v10  }
0x12e: {  	s16 =	sadd.s32 $0x400, s16;
	[tilespmem:s17+$0x60] =	vst.add.f32.msk $0xffff, v4  }
0x12f: {  	s12 =	sadd.s32 $0x1, s12  }
0x130: {  	p0 =	sne.s32 s12, $0x10  }
.Ltmp5:
0x131: {  	_ = 	snop;
	(pc) =	sbr.rel @p0 .LBB2_10-.Ltmp5, $2  }
0x132: {  	_ =	sdelay $0x2  }
0x133: {  	s11 =	sadd.s32 $0x1, s11;
	s5 =	sadd.s32 $0x400, s5  }
0x134: {  	s5 =	simm.s32 $0x0;
	s11 =	rddreg [dreg:$0x18]  }
0x135: {  	[hbm4b:s11+s5] =	stream.linear.scatter [tilespmem:s18], [sflag:$0x8], $0x4000, $0x38;
	[tilespmem:$0x1C200] =	vst v63  }
0x136: {  	_ =	swait.ge [sflag:s23], $0x4000  }
0x137: {  	[sflag:s23] =	ssyncset.done $0x0  }
0x138: {  	[sflag:s23] =	ssyncadd.s32 $0xFFFFC000  }
0x139: {  	v3 =	vld [tilespmem:$0x90];
	_ =	sdelay $0x4  }
0x13a: {  	v4 =	vshll.u32 v3, $0x3  }
0x13b: {  	v3 =	vand.u32 $0x7, v3;
	v4 =	vand.u32 $0xFFFFFFC0, v4  }
0x13c: {  	v3 =	vor.u32 v3, v4  }
0x13d: {  	v4 =	vperm.xlane v3, v0;
	_ =	sdelay $0x1  }
0x13e: {  	v4 =	vadd.s32 v1, v4;
	_ =	sdelay $0x4  }
0x13f: {  	[tilespmem:s28], [sflag:$0x1] =	stream.indirect_vreg.gather [hbm4b:s1+s5], $0x80, v4, vm0, $0xb8;
	[tilespmem:$0x1C200] =	vst v63  }
0x140: {  	s17 =	simm.s32 $0xA00;
	v3 =	vperm.xlane v3, v2  }
0x141: {  	[tilespmem:s17], [sflag:$0x1] =	stream.indirect_vreg.gather [hbm4b:s7+s5], $0x80, v4, vm0, $0xb8;
	[tilespmem:$0x1C200] =	vst v63  }
0x142: {  	s12 =	simm.s32 $0x1200;
	v3 =	vadd.s32 v1, v3  }
0x143: {  	[tilespmem:s12], [sflag:$0x1] =	stream.indirect_vreg.gather [hbm4b:s8+s5], $0x80, v4, vm0, $0xb8;
	[tilespmem:$0x1C200] =	vst v63  }
0x144: {  	s13 =	simm.s32 $0x1A00  }
0x145: {  	[tilespmem:s13], [sflag:$0x1] =	stream.indirect_vreg.gather [hbm4b:s9+s5], $0x80, v4, vm0, $0xb8;
	[tilespmem:$0x1C200] =	vst v63  }
0x146: {  	s14 =	simm.s32 $0x2200  }
0x147: {  	[tilespmem:s14], [sflag:$0x1] =	stream.indirect_vreg.gather [hbm4b:s1+s5], $0x80, v3, vm0, $0xb8;
	[tilespmem:$0x1C200] =	vst v63  }
0x148: {  	s15 =	simm.s32 $0x2A00  }
0x149: {  	[tilespmem:s15], [sflag:$0x1] =	stream.indirect_vreg.gather [hbm4b:s7+s5], $0x80, v3, vm0, $0xb8;
	[tilespmem:$0x1C200] =	vst v63  }
0x14a: {  	s16 =	simm.s32 $0x3200  }
0x14b: {  	[tilespmem:s16], [sflag:$0x1] =	stream.indirect_vreg.gather [hbm4b:s8+s5], $0x80, v3, vm0, $0xb8;
	[tilespmem:$0x1C200] =	vst v63  }
0x14c: {  	s17 =	simm.s32 $0x3A00  }
0x14d: {  	[tilespmem:s17], [sflag:$0x1] =	stream.indirect_vreg.gather [hbm4b:s9+s5], $0x80, v3, vm0, $0xb8;
	[tilespmem:$0x1C200] =	vst v63  }
0x14e: {  	_ =	swait.ge [sflag:s24], $0x4000  }
0x14f: {  	[sflag:s24] =	ssyncset.done $0x0  }
0x150: {  	s11 =	simm.s32 $0x0;
	s12 =	simm.s32 $0x0;
	[sflag:s24] =	ssyncadd.s32 $0xFFFFC000  }
.LBB2_14:
0x151: {  	s13 =	sand.u32 $0x7, s11  }
0x152: {  	s13 =	sshll.u32 s13, $0x9  }
0x153: {  	s13 =	sshrl.u32 s13, $0x2  }
0x154: {  	v3 =	vmov s13;
	_ =	sdelay $0x2  }
0x155: {  	s14 =	sand.u32 $0x3FFFE000, s5  }
0x156: {  	s16 =	sadd.s32 $0x14240, s14  }
0x157: {  	v4 =	vld.idx.msk [tilespmem:v3+s16+$0x30 ss:$0x1], $0xffff  }
0x158: {  	v5 =	vld.idx.msk [tilespmem:v3+s16+$0xFFFFFFD0 ss:$0x1], $0xffff  }
0x159: {  	v6 =	vld.idx.msk [tilespmem:v3+s16+$0xFFFFFFE0 ss:$0x1], $0xffff  }
0x15a: {  	v7 =	vld.idx.msk [tilespmem:v3+s16+$0xFFFFFFF0 ss:$0x1], $0xffff  }
0x15b: {  	v8 =	vld.idx.msk [tilespmem:v3+s16+$0x0 ss:$0x1], $0xffff  }
0x15c: {  	s14 =	sadd.s32 $0xC200, s14;
	v9 =	vld.idx.msk [tilespmem:v3+s16+$0x10 ss:$0x1], $0xffff  }
0x15d: {  	s17 =	sadd.s32 s13, s14;
	v10 =	vld.idx.msk [tilespmem:v3+s16+$0xFFFFFFC0 ss:$0x1], $0xffff  }
0x15e: {  	[tilespmem:s17+$0x70] =	vst.add.f32.msk $0xffff, v4  }
0x15f: {  	v4 =	vld.idx.msk [tilespmem:v3+s16+$0x20 ss:$0x1], $0xffff  }
0x160: {  	[tilespmem:s17+$0x10] =	vst.add.f32.msk $0xffff, v5  }
0x161: {  	[tilespmem:s17+$0x20] =	vst.add.f32.msk $0xffff, v6  }
0x162: {  	[tilespmem:s17+$0x30] =	vst.add.f32.msk $0xffff, v7  }
0x163: {  	[tilespmem:s17+$0x40] =	vst.add.f32.msk $0xffff, v8  }
0x164: {  	[tilespmem:s17+$0x50] =	vst.add.f32.msk $0xffff, v9  }
0x165: {  	[tilespmem:s17+$0x0] =	vst.add.f32.msk $0xffff, v10  }
0x166: {  	s15 =	simm.s32 $0x0;
	s16 =	sadd.s32 $0x400, s16;
	[tilespmem:s17+$0x60] =	vst.add.f32.msk $0xffff, v4  }
.LBB2_15:
0x167: {  	v4 =	vld.idx.msk [tilespmem:v3+s16+$0x30 ss:$0x1], $0xffff;
	s15 =	sadd.s32 $0x8, s15  }
0x168: {  	v5 =	vld.idx.msk [tilespmem:v3+s16+$0xFFFFFFD0 ss:$0x1], $0xffff;
	p0 =	slt.u32 s15, $0x38  }
0x169: {  	v6 =	vld.idx.msk [tilespmem:v3+s16+$0xFFFFFFE0 ss:$0x1], $0xffff  }
0x16a: {  	v7 =	vld.idx.msk [tilespmem:v3+s16+$0xFFFFFFF0 ss:$0x1], $0xffff  }
0x16b: {  	s14 =	sadd.s32 $0x400, s14;
	v8 =	vld.idx.msk [tilespmem:v3+s16+$0x0 ss:$0x1], $0xffff  }
0x16c: {  	s17 =	sadd.s32 s13, s14;
	v9 =	vld.idx.msk [tilespmem:v3+s16+$0x10 ss:$0x1], $0xffff  }
0x16d: {  	[tilespmem:s17+$0x70] =	vst.add.f32.msk $0xffff, v4  }
0x16e: {  	v4 =	vld.idx.msk [tilespmem:v3+s16+$0x20 ss:$0x1], $0xffff  }
0x16f: {  	v10 =	vld.idx.msk [tilespmem:v3+s16+$0xFFFFFFC0 ss:$0x1], $0xffff  }
0x170: {  	[tilespmem:s17+$0x10] =	vst.add.f32.msk $0xffff, v5  }
0x171: {  	[tilespmem:s17+$0x20] =	vst.add.f32.msk $0xffff, v6  }
.Ltmp6:
0x172: {  	[tilespmem:s17+$0x30] =	vst.add.f32.msk $0xffff, v7;
	(pc) =	sbr.rel @p0 .LBB2_15-.Ltmp6, $4  }
0x173: {  	[tilespmem:s17+$0x40] =	vst.add.f32.msk $0xffff, v8  }
0x174: {  	[tilespmem:s17+$0x50] =	vst.add.f32.msk $0xffff, v9  }
0x175: {  	[tilespmem:s17+$0x0] =	vst.add.f32.msk $0xffff, v10  }
0x176: {  	s16 =	sadd.s32 $0x400, s16;
	[tilespmem:s17+$0x60] =	vst.add.f32.msk $0xffff, v4  }
0x177: {  	s12 =	sadd.s32 $0x1, s12  }
0x178: {  	p0 =	sne.s32 s12, $0x10  }
.Ltmp7:
0x179: {  	_ = 	snop;
	(pc) =	sbr.rel @p0 .LBB2_14-.Ltmp7, $2  }
0x17a: {  	_ =	sdelay $0x2  }
0x17b: {  	s11 =	sadd.s32 $0x1, s11;
	s5 =	sadd.s32 $0x400, s5  }
0x17c: {  	s5 =	simm.s32 $0x0;
	s11 =	rddreg [dreg:$0x19]  }
0x17d: {  	[hbm4b:s11+s5] =	stream.linear.scatter [tilespmem:s19], [sflag:$0x9], $0x4000, $0x38;
	[tilespmem:$0x1C200] =	vst v63  }
0x17e: {  	s16 =	rddreg [dreg:$0x9];
	s12 =	simm.s32 $0x14200  }
0x17f: {  	[tilespmem:s12], [sflag:$0xB] =	stream.linear.gather [hbm4b:s16+s5], $0x4000, $0x38;
	[tilespmem:$0x1C200] =	vst v63  }
0x180: {  	_ =	swait.ge [sflag:s10], $0x4000  }
0x181: {  	[sflag:s10] =	ssyncset.done $0x0  }
0x182: {  	[sflag:s10] =	ssyncadd.s32 $0xFFFFC000  }
0x183: {  	v3 =	vld [tilespmem:$0x110];
	_ =	sdelay $0x4  }
0x184: {  	v4 =	vshll.u32 v3, $0x3  }
0x185: {  	v3 =	vand.u32 $0x7, v3;
	v4 =	vand.u32 $0xFFFFFFC0, v4  }
0x186: {  	v3 =	vor.u32 v3, v4  }
0x187: {  	v4 =	vperm.xlane v3, v0;
	_ =	sdelay $0x1  }
0x188: {  	v4 =	vadd.s32 v1, v4;
	_ =	sdelay $0x4  }
0x189: {  	[tilespmem:s6], [sflag:$0x2] =	stream.indirect_vreg.gather [hbm4b:s1+s5], $0x80, v4, vm0, $0xb8;
	[tilespmem:$0x1C200] =	vst v63  }
0x18a: {  	s17 =	simm.s32 $0x4A00;
	v3 =	vperm.xlane v3, v2  }
0x18b: {  	[tilespmem:s17], [sflag:$0x2] =	stream.indirect_vreg.gather [hbm4b:s7+s5], $0x80, v4, vm0, $0xb8;
	[tilespmem:$0x1C200] =	vst v63  }
0x18c: {  	s12 =	simm.s32 $0x5200;
	v3 =	vadd.s32 v1, v3  }
0x18d: {  	[tilespmem:s12], [sflag:$0x2] =	stream.indirect_vreg.gather [hbm4b:s8+s5], $0x80, v4, vm0, $0xb8;
	[tilespmem:$0x1C200] =	vst v63  }
0x18e: {  	s13 =	simm.s32 $0x5A00  }
0x18f: {  	[tilespmem:s13], [sflag:$0x2] =	stream.indirect_vreg.gather [hbm4b:s9+s5], $0x80, v4, vm0, $0xb8;
	[tilespmem:$0x1C200] =	vst v63  }
0x190: {  	s14 =	simm.s32 $0x6200  }
0x191: {  	[tilespmem:s14], [sflag:$0x2] =	stream.indirect_vreg.gather [hbm4b:s1+s5], $0x80, v3, vm0, $0xb8;
	[tilespmem:$0x1C200] =	vst v63  }
0x192: {  	s15 =	simm.s32 $0x6A00  }
0x193: {  	[tilespmem:s15], [sflag:$0x2] =	stream.indirect_vreg.gather [hbm4b:s7+s5], $0x80, v3, vm0, $0xb8;
	[tilespmem:$0x1C200] =	vst v63  }
0x194: {  	s16 =	simm.s32 $0x7200  }
0x195: {  	[tilespmem:s16], [sflag:$0x2] =	stream.indirect_vreg.gather [hbm4b:s8+s5], $0x80, v3, vm0, $0xb8;
	[tilespmem:$0x1C200] =	vst v63  }
0x196: {  	s17 =	simm.s32 $0x7A00  }
0x197: {  	[tilespmem:s17], [sflag:$0x2] =	stream.indirect_vreg.gather [hbm4b:s9+s5], $0x80, v3, vm0, $0xb8;
	[tilespmem:$0x1C200] =	vst v63  }
0x198: {  	_ =	swait.ge [sflag:s29], $0x4000  }
0x199: {  	[sflag:s29] =	ssyncset.done $0x0  }
0x19a: {  	[sflag:s29] =	ssyncadd.s32 $0xFFFFC000  }
0x19b: {  	_ =	swait.ge [sflag:s30], $0x4000  }
0x19c: {  	[sflag:s30] =	ssyncset.done $0x0  }
0x19d: {  	s11 =	simm.s32 $0x0;
	s12 =	simm.s32 $0x0;
	[sflag:s30] =	ssyncadd.s32 $0xFFFFC000  }
.LBB2_18:
0x19e: {  	s13 =	sand.u32 $0x7, s11  }
0x19f: {  	s13 =	sshll.u32 s13, $0x9  }
0x1a0: {  	s13 =	sshrl.u32 s13, $0x2  }
0x1a1: {  	v3 =	vmov s13;
	_ =	sdelay $0x2  }
0x1a2: {  	s14 =	sand.u32 $0x3FFFE000, s5  }
0x1a3: {  	s16 =	sadd.s32 $0x18240, s14  }
0x1a4: {  	v4 =	vld.idx.msk [tilespmem:v3+s16+$0x30 ss:$0x1], $0xffff  }
0x1a5: {  	v5 =	vld.idx.msk [tilespmem:v3+s16+$0xFFFFFFD0 ss:$0x1], $0xffff  }
0x1a6: {  	v6 =	vld.idx.msk [tilespmem:v3+s16+$0xFFFFFFE0 ss:$0x1], $0xffff  }
0x1a7: {  	v7 =	vld.idx.msk [tilespmem:v3+s16+$0xFFFFFFF0 ss:$0x1], $0xffff  }
0x1a8: {  	v8 =	vld.idx.msk [tilespmem:v3+s16+$0x0 ss:$0x1], $0xffff  }
0x1a9: {  	s14 =	sadd.s32 $0x10200, s14;
	v9 =	vld.idx.msk [tilespmem:v3+s16+$0x10 ss:$0x1], $0xffff  }
0x1aa: {  	s17 =	sadd.s32 s13, s14;
	v10 =	vld.idx.msk [tilespmem:v3+s16+$0xFFFFFFC0 ss:$0x1], $0xffff  }
0x1ab: {  	[tilespmem:s17+$0x70] =	vst.add.f32.msk $0xffff, v4  }
0x1ac: {  	v4 =	vld.idx.msk [tilespmem:v3+s16+$0x20 ss:$0x1], $0xffff  }
0x1ad: {  	[tilespmem:s17+$0x10] =	vst.add.f32.msk $0xffff, v5  }
0x1ae: {  	[tilespmem:s17+$0x20] =	vst.add.f32.msk $0xffff, v6  }
0x1af: {  	[tilespmem:s17+$0x30] =	vst.add.f32.msk $0xffff, v7  }
0x1b0: {  	[tilespmem:s17+$0x40] =	vst.add.f32.msk $0xffff, v8  }
0x1b1: {  	[tilespmem:s17+$0x50] =	vst.add.f32.msk $0xffff, v9  }
0x1b2: {  	[tilespmem:s17+$0x0] =	vst.add.f32.msk $0xffff, v10  }
0x1b3: {  	s15 =	simm.s32 $0x0;
	s16 =	sadd.s32 $0x400, s16;
	[tilespmem:s17+$0x60] =	vst.add.f32.msk $0xffff, v4  }
.LBB2_19:
0x1b4: {  	v4 =	vld.idx.msk [tilespmem:v3+s16+$0x30 ss:$0x1], $0xffff;
	s15 =	sadd.s32 $0x8, s15  }
0x1b5: {  	v5 =	vld.idx.msk [tilespmem:v3+s16+$0xFFFFFFD0 ss:$0x1], $0xffff;
	p0 =	slt.u32 s15, $0x38  }
0x1b6: {  	v6 =	vld.idx.msk [tilespmem:v3+s16+$0xFFFFFFE0 ss:$0x1], $0xffff  }
0x1b7: {  	v7 =	vld.idx.msk [tilespmem:v3+s16+$0xFFFFFFF0 ss:$0x1], $0xffff  }
0x1b8: {  	s14 =	sadd.s32 $0x400, s14;
	v8 =	vld.idx.msk [tilespmem:v3+s16+$0x0 ss:$0x1], $0xffff  }
0x1b9: {  	s17 =	sadd.s32 s13, s14;
	v9 =	vld.idx.msk [tilespmem:v3+s16+$0x10 ss:$0x1], $0xffff  }
0x1ba: {  	[tilespmem:s17+$0x70] =	vst.add.f32.msk $0xffff, v4  }
0x1bb: {  	v4 =	vld.idx.msk [tilespmem:v3+s16+$0x20 ss:$0x1], $0xffff  }
0x1bc: {  	v10 =	vld.idx.msk [tilespmem:v3+s16+$0xFFFFFFC0 ss:$0x1], $0xffff  }
0x1bd: {  	[tilespmem:s17+$0x10] =	vst.add.f32.msk $0xffff, v5  }
0x1be: {  	[tilespmem:s17+$0x20] =	vst.add.f32.msk $0xffff, v6  }
.Ltmp8:
0x1bf: {  	[tilespmem:s17+$0x30] =	vst.add.f32.msk $0xffff, v7;
	(pc) =	sbr.rel @p0 .LBB2_19-.Ltmp8, $4  }
0x1c0: {  	[tilespmem:s17+$0x40] =	vst.add.f32.msk $0xffff, v8  }
0x1c1: {  	[tilespmem:s17+$0x50] =	vst.add.f32.msk $0xffff, v9  }
0x1c2: {  	[tilespmem:s17+$0x0] =	vst.add.f32.msk $0xffff, v10  }
0x1c3: {  	s16 =	sadd.s32 $0x400, s16;
	[tilespmem:s17+$0x60] =	vst.add.f32.msk $0xffff, v4  }
0x1c4: {  	s12 =	sadd.s32 $0x1, s12  }
0x1c5: {  	p0 =	sne.s32 s12, $0x10  }
.Ltmp9:
0x1c6: {  	_ = 	snop;
	(pc) =	sbr.rel @p0 .LBB2_18-.Ltmp9, $2  }
0x1c7: {  	_ =	sdelay $0x2  }
0x1c8: {  	s11 =	sadd.s32 $0x1, s11;
	s5 =	sadd.s32 $0x400, s5  }
0x1c9: {  	s5 =	simm.s32 $0x0;
	s11 =	rddreg [dreg:$0xa]  }
0x1ca: {  	[hbm4b:s11+s5] =	stream.linear.scatter [tilespmem:s22], [sflag:$0xA], $0x4000, $0x38;
	[tilespmem:$0x1C200] =	vst v63  }
0x1cb: {  	_ =	swait.ge [sflag:s31], $0x4000  }
0x1cc: {  	[sflag:s31] =	ssyncset.done $0x0  }
0x1cd: {  	[sflag:s31] =	ssyncadd.s32 $0xFFFFC000  }
0x1ce: {  	v3 =	vld [tilespmem:$0x190];
	_ =	sdelay $0x4  }
0x1cf: {  	v4 =	vshll.u32 v3, $0x3  }
0x1d0: {  	v3 =	vand.u32 $0x7, v3;
	v4 =	vand.u32 $0xFFFFFFC0, v4  }
0x1d1: {  	v3 =	vor.u32 v3, v4  }
0x1d2: {  	v4 =	vperm.xlane v3, v0;
	_ =	sdelay $0x1  }
0x1d3: {  	v4 =	vadd.s32 v1, v4;
	_ =	sdelay $0x4  }
0x1d4: {  	[tilespmem:s18], [sflag:$0x3] =	stream.indirect_vreg.gather [hbm4b:s1+s5], $0x80, v4, vm0, $0xb8;
	[tilespmem:$0x1C200] =	vst v63  }
0x1d5: {  	s17 =	simm.s32 $0x8A00;
	v3 =	vperm.xlane v3, v2  }
0x1d6: {  	[tilespmem:s17], [sflag:$0x3] =	stream.indirect_vreg.gather [hbm4b:s7+s5], $0x80, v4, vm0, $0xb8;
	[tilespmem:$0x1C200] =	vst v63  }
0x1d7: {  	s12 =	simm.s32 $0x9200;
	v3 =	vadd.s32 v1, v3  }
0x1d8: {  	[tilespmem:s12], [sflag:$0x3] =	stream.indirect_vreg.gather [hbm4b:s8+s5], $0x80, v4, vm0, $0xb8;
	[tilespmem:$0x1C200] =	vst v63  }
0x1d9: {  	s13 =	simm.s32 $0x9A00  }
0x1da: {  	[tilespmem:s13], [sflag:$0x3] =	stream.indirect_vreg.gather [hbm4b:s9+s5], $0x80, v4, vm0, $0xb8;
	[tilespmem:$0x1C200] =	vst v63  }
0x1db: {  	s14 =	simm.s32 $0xA200  }
0x1dc: {  	[tilespmem:s14], [sflag:$0x3] =	stream.indirect_vreg.gather [hbm4b:s1+s5], $0x80, v3, vm0, $0xb8;
	[tilespmem:$0x1C200] =	vst v63  }
0x1dd: {  	s15 =	simm.s32 $0xAA00  }
0x1de: {  	[tilespmem:s15], [sflag:$0x3] =	stream.indirect_vreg.gather [hbm4b:s7+s5], $0x80, v3, vm0, $0xb8;
	[tilespmem:$0x1C200] =	vst v63  }
0x1df: {  	s16 =	simm.s32 $0xB200  }
0x1e0: {  	[tilespmem:s16], [sflag:$0x3] =	stream.indirect_vreg.gather [hbm4b:s8+s5], $0x80, v3, vm0, $0xb8;
	[tilespmem:$0x1C200] =	vst v63  }
0x1e1: {  	s17 =	simm.s32 $0xBA00  }
0x1e2: {  	[tilespmem:s17], [sflag:$0x3] =	stream.indirect_vreg.gather [hbm4b:s9+s5], $0x80, v3, vm0, $0xb8;
	[tilespmem:$0x1C200] =	vst v63  }
0x1e3: {  	_ =	swait.ge [sflag:s26], $0x4000  }
0x1e4: {  	[sflag:s26] =	ssyncset.done $0x0  }
0x1e5: {  	s11 =	simm.s32 $0x0;
	s12 =	simm.s32 $0x0;
	[sflag:s26] =	ssyncadd.s32 $0xFFFFC000  }
.LBB2_22:
0x1e6: {  	s13 =	sand.u32 $0x7, s11  }
0x1e7: {  	s13 =	sshll.u32 s13, $0x9  }
0x1e8: {  	s13 =	sshrl.u32 s13, $0x2  }
0x1e9: {  	v3 =	vmov s13;
	_ =	sdelay $0x2  }
0x1ea: {  	s14 =	sand.u32 $0x3FFFE000, s5  }
0x1eb: {  	s16 =	sadd.s32 $0x18240, s14  }
0x1ec: {  	v4 =	vld.idx.msk [tilespmem:v3+s16+$0x30 ss:$0x1], $0xffff  }
0x1ed: {  	v5 =	vld.idx.msk [tilespmem:v3+s16+$0xFFFFFFD0 ss:$0x1], $0xffff  }
0x1ee: {  	v6 =	vld.idx.msk [tilespmem:v3+s16+$0xFFFFFFE0 ss:$0x1], $0xffff  }
0x1ef: {  	v7 =	vld.idx.msk [tilespmem:v3+s16+$0xFFFFFFF0 ss:$0x1], $0xffff  }
0x1f0: {  	v8 =	vld.idx.msk [tilespmem:v3+s16+$0x0 ss:$0x1], $0xffff  }
0x1f1: {  	s14 =	sor.u32 $0x200, s14;
	v9 =	vld.idx.msk [tilespmem:v3+s16+$0x10 ss:$0x1], $0xffff  }
0x1f2: {  	s17 =	sadd.s32 s13, s14;
	v10 =	vld.idx.msk [tilespmem:v3+s16+$0xFFFFFFC0 ss:$0x1], $0xffff  }
0x1f3: {  	[tilespmem:s17+$0x70] =	vst.add.f32.msk $0xffff, v4  }
0x1f4: {  	v4 =	vld.idx.msk [tilespmem:v3+s16+$0x20 ss:$0x1], $0xffff  }
0x1f5: {  	[tilespmem:s17+$0x10] =	vst.add.f32.msk $0xffff, v5  }
0x1f6: {  	[tilespmem:s17+$0x20] =	vst.add.f32.msk $0xffff, v6  }
0x1f7: {  	[tilespmem:s17+$0x30] =	vst.add.f32.msk $0xffff, v7  }
0x1f8: {  	[tilespmem:s17+$0x40] =	vst.add.f32.msk $0xffff, v8  }
0x1f9: {  	[tilespmem:s17+$0x50] =	vst.add.f32.msk $0xffff, v9  }
0x1fa: {  	[tilespmem:s17+$0x0] =	vst.add.f32.msk $0xffff, v10  }
0x1fb: {  	s15 =	simm.s32 $0x0;
	s16 =	sadd.s32 $0x400, s16;
	[tilespmem:s17+$0x60] =	vst.add.f32.msk $0xffff, v4  }
.LBB2_23:
0x1fc: {  	v4 =	vld.idx.msk [tilespmem:v3+s16+$0x30 ss:$0x1], $0xffff;
	s15 =	sadd.s32 $0x8, s15  }
0x1fd: {  	v5 =	vld.idx.msk [tilespmem:v3+s16+$0xFFFFFFD0 ss:$0x1], $0xffff;
	p0 =	slt.u32 s15, $0x38  }
0x1fe: {  	v6 =	vld.idx.msk [tilespmem:v3+s16+$0xFFFFFFE0 ss:$0x1], $0xffff  }
0x1ff: {  	v7 =	vld.idx.msk [tilespmem:v3+s16+$0xFFFFFFF0 ss:$0x1], $0xffff  }
0x200: {  	s14 =	sadd.s32 $0x400, s14;
	v8 =	vld.idx.msk [tilespmem:v3+s16+$0x0 ss:$0x1], $0xffff  }
0x201: {  	s17 =	sadd.s32 s13, s14;
	v9 =	vld.idx.msk [tilespmem:v3+s16+$0x10 ss:$0x1], $0xffff  }
0x202: {  	[tilespmem:s17+$0x70] =	vst.add.f32.msk $0xffff, v4  }
0x203: {  	v4 =	vld.idx.msk [tilespmem:v3+s16+$0x20 ss:$0x1], $0xffff  }
0x204: {  	v10 =	vld.idx.msk [tilespmem:v3+s16+$0xFFFFFFC0 ss:$0x1], $0xffff  }
0x205: {  	[tilespmem:s17+$0x10] =	vst.add.f32.msk $0xffff, v5  }
0x206: {  	[tilespmem:s17+$0x20] =	vst.add.f32.msk $0xffff, v6  }
.Ltmp10:
0x207: {  	[tilespmem:s17+$0x30] =	vst.add.f32.msk $0xffff, v7;
	(pc) =	sbr.rel @p0 .LBB2_23-.Ltmp10, $4  }
0x208: {  	[tilespmem:s17+$0x40] =	vst.add.f32.msk $0xffff, v8  }
0x209: {  	[tilespmem:s17+$0x50] =	vst.add.f32.msk $0xffff, v9  }
0x20a: {  	[tilespmem:s17+$0x0] =	vst.add.f32.msk $0xffff, v10  }
0x20b: {  	s16 =	sadd.s32 $0x400, s16;
	[tilespmem:s17+$0x60] =	vst.add.f32.msk $0xffff, v4  }
0x20c: {  	s12 =	sadd.s32 $0x1, s12  }
0x20d: {  	p0 =	sne.s32 s12, $0x10  }
.Ltmp11:
0x20e: {  	_ = 	snop;
	(pc) =	sbr.rel @p0 .LBB2_22-.Ltmp11, $2  }
0x20f: {  	_ =	sdelay $0x2  }
0x210: {  	s11 =	sadd.s32 $0x1, s11;
	s5 =	sadd.s32 $0x400, s5  }
0x211: {  	s5 =	simm.s32 $0x0;
	s11 =	rddreg [dreg:$0x1a]  }
0x212: {  	[hbm4b:s11+s5] =	stream.linear.scatter [tilespmem:s28], [sflag:$0x6], $0x4000, $0x38;
	[tilespmem:$0x1C200] =	vst v63  }
0x213: {  	_ =	swait.ge [sflag:s0], $0x4000  }
0x214: {  	[sflag:s0] =	ssyncset.done $0x0  }
0x215: {  	[sflag:s0] =	ssyncadd.s32 $0xFFFFC000  }
0x216: {  	v3 =	vld [tilespmem:$0x20];
	_ =	sdelay $0x4  }
0x217: {  	v4 =	vshll.u32 v3, $0x3  }
0x218: {  	v3 =	vand.u32 $0x7, v3;
	v4 =	vand.u32 $0xFFFFFFC0, v4  }
0x219: {  	v3 =	vor.u32 v3, v4  }
0x21a: {  	v4 =	vperm.xlane v3, v0;
	_ =	sdelay $0x1  }
0x21b: {  	v4 =	vadd.s32 v1, v4;
	_ =	sdelay $0x4  }
0x21c: {  	[tilespmem:s19], [sflag:$0x4] =	stream.indirect_vreg.gather [hbm4b:s1+s5], $0x80, v4, vm0, $0xb8;
	[tilespmem:$0x1C200] =	vst v63  }
0x21d: {  	s17 =	simm.s32 $0xCA00;
	v3 =	vperm.xlane v3, v2  }
0x21e: {  	[tilespmem:s17], [sflag:$0x4] =	stream.indirect_vreg.gather [hbm4b:s7+s5], $0x80, v4, vm0, $0xb8;
	[tilespmem:$0x1C200] =	vst v63  }
0x21f: {  	s12 =	simm.s32 $0xD200;
	v3 =	vadd.s32 v1, v3  }
0x220: {  	[tilespmem:s12], [sflag:$0x4] =	stream.indirect_vreg.gather [hbm4b:s8+s5], $0x80, v4, vm0, $0xb8;
	[tilespmem:$0x1C200] =	vst v63  }
0x221: {  	s13 =	simm.s32 $0xDA00  }
0x222: {  	[tilespmem:s13], [sflag:$0x4] =	stream.indirect_vreg.gather [hbm4b:s9+s5], $0x80, v4, vm0, $0xb8;
	[tilespmem:$0x1C200] =	vst v63  }
0x223: {  	s14 =	simm.s32 $0xE200  }
0x224: {  	[tilespmem:s14], [sflag:$0x4] =	stream.indirect_vreg.gather [hbm4b:s1+s5], $0x80, v3, vm0, $0xb8;
	[tilespmem:$0x1C200] =	vst v63  }
0x225: {  	s15 =	simm.s32 $0xEA00  }
0x226: {  	[tilespmem:s15], [sflag:$0x4] =	stream.indirect_vreg.gather [hbm4b:s7+s5], $0x80, v3, vm0, $0xb8;
	[tilespmem:$0x1C200] =	vst v63  }
0x227: {  	s16 =	simm.s32 $0xF200  }
0x228: {  	[tilespmem:s16], [sflag:$0x4] =	stream.indirect_vreg.gather [hbm4b:s8+s5], $0x80, v3, vm0, $0xb8;
	[tilespmem:$0x1C200] =	vst v63  }
0x229: {  	s17 =	simm.s32 $0xFA00  }
0x22a: {  	[tilespmem:s17], [sflag:$0x4] =	stream.indirect_vreg.gather [hbm4b:s9+s5], $0x80, v3, vm0, $0xb8;
	[tilespmem:$0x1C200] =	vst v63  }
0x22b: {  	_ =	swait.ge [sflag:s21], $0x4000  }
0x22c: {  	[sflag:s21] =	ssyncset.done $0x0  }
0x22d: {  	s11 =	simm.s32 $0x0;
	s12 =	simm.s32 $0x0;
	[sflag:s21] =	ssyncadd.s32 $0xFFFFC000  }
.LBB2_26:
0x22e: {  	s13 =	sand.u32 $0x7, s11  }
0x22f: {  	s13 =	sshll.u32 s13, $0x9  }
0x230: {  	s13 =	sshrl.u32 s13, $0x2  }
0x231: {  	v3 =	vmov s13;
	_ =	sdelay $0x2  }
0x232: {  	s14 =	sand.u32 $0x3FFFE000, s5  }
0x233: {  	s16 =	sadd.s32 $0x18240, s14  }
0x234: {  	v4 =	vld.idx.msk [tilespmem:v3+s16+$0x30 ss:$0x1], $0xffff  }
0x235: {  	v5 =	vld.idx.msk [tilespmem:v3+s16+$0xFFFFFFD0 ss:$0x1], $0xffff  }
0x236: {  	v6 =	vld.idx.msk [tilespmem:v3+s16+$0xFFFFFFE0 ss:$0x1], $0xffff  }
0x237: {  	v7 =	vld.idx.msk [tilespmem:v3+s16+$0xFFFFFFF0 ss:$0x1], $0xffff  }
0x238: {  	v8 =	vld.idx.msk [tilespmem:v3+s16+$0x0 ss:$0x1], $0xffff  }
0x239: {  	s14 =	sadd.s32 $0x4200, s14;
	v9 =	vld.idx.msk [tilespmem:v3+s16+$0x10 ss:$0x1], $0xffff  }
0x23a: {  	s17 =	sadd.s32 s13, s14;
	v10 =	vld.idx.msk [tilespmem:v3+s16+$0xFFFFFFC0 ss:$0x1], $0xffff  }
0x23b: {  	[tilespmem:s17+$0x70] =	vst.add.f32.msk $0xffff, v4  }
0x23c: {  	v4 =	vld.idx.msk [tilespmem:v3+s16+$0x20 ss:$0x1], $0xffff  }
0x23d: {  	[tilespmem:s17+$0x10] =	vst.add.f32.msk $0xffff, v5  }
0x23e: {  	[tilespmem:s17+$0x20] =	vst.add.f32.msk $0xffff, v6  }
0x23f: {  	[tilespmem:s17+$0x30] =	vst.add.f32.msk $0xffff, v7  }
0x240: {  	[tilespmem:s17+$0x40] =	vst.add.f32.msk $0xffff, v8  }
0x241: {  	[tilespmem:s17+$0x50] =	vst.add.f32.msk $0xffff, v9  }
0x242: {  	[tilespmem:s17+$0x0] =	vst.add.f32.msk $0xffff, v10  }
0x243: {  	s15 =	simm.s32 $0x0;
	s16 =	sadd.s32 $0x400, s16;
	[tilespmem:s17+$0x60] =	vst.add.f32.msk $0xffff, v4  }
.LBB2_27:
0x244: {  	v4 =	vld.idx.msk [tilespmem:v3+s16+$0x30 ss:$0x1], $0xffff;
	s15 =	sadd.s32 $0x8, s15  }
0x245: {  	v5 =	vld.idx.msk [tilespmem:v3+s16+$0xFFFFFFD0 ss:$0x1], $0xffff;
	p0 =	slt.u32 s15, $0x38  }
0x246: {  	v6 =	vld.idx.msk [tilespmem:v3+s16+$0xFFFFFFE0 ss:$0x1], $0xffff  }
0x247: {  	v7 =	vld.idx.msk [tilespmem:v3+s16+$0xFFFFFFF0 ss:$0x1], $0xffff  }
0x248: {  	s14 =	sadd.s32 $0x400, s14;
	v8 =	vld.idx.msk [tilespmem:v3+s16+$0x0 ss:$0x1], $0xffff  }
0x249: {  	s17 =	sadd.s32 s13, s14;
	v9 =	vld.idx.msk [tilespmem:v3+s16+$0x10 ss:$0x1], $0xffff  }
0x24a: {  	[tilespmem:s17+$0x70] =	vst.add.f32.msk $0xffff, v4  }
0x24b: {  	v4 =	vld.idx.msk [tilespmem:v3+s16+$0x20 ss:$0x1], $0xffff  }
0x24c: {  	v10 =	vld.idx.msk [tilespmem:v3+s16+$0xFFFFFFC0 ss:$0x1], $0xffff  }
0x24d: {  	[tilespmem:s17+$0x10] =	vst.add.f32.msk $0xffff, v5  }
0x24e: {  	[tilespmem:s17+$0x20] =	vst.add.f32.msk $0xffff, v6  }
.Ltmp12:
0x24f: {  	[tilespmem:s17+$0x30] =	vst.add.f32.msk $0xffff, v7;
	(pc) =	sbr.rel @p0 .LBB2_27-.Ltmp12, $4  }
0x250: {  	[tilespmem:s17+$0x40] =	vst.add.f32.msk $0xffff, v8  }
0x251: {  	[tilespmem:s17+$0x50] =	vst.add.f32.msk $0xffff, v9  }
0x252: {  	[tilespmem:s17+$0x0] =	vst.add.f32.msk $0xffff, v10  }
0x253: {  	s16 =	sadd.s32 $0x400, s16;
	[tilespmem:s17+$0x60] =	vst.add.f32.msk $0xffff, v4  }
0x254: {  	s12 =	sadd.s32 $0x1, s12  }
0x255: {  	p0 =	sne.s32 s12, $0x10  }
.Ltmp13:
0x256: {  	_ = 	snop;
	(pc) =	sbr.rel @p0 .LBB2_26-.Ltmp13, $2  }
0x257: {  	_ =	sdelay $0x2  }
0x258: {  	s11 =	sadd.s32 $0x1, s11;
	s5 =	sadd.s32 $0x400, s5  }
0x259: {  	s5 =	simm.s32 $0x0;
	s11 =	rddreg [dreg:$0x1b]  }
0x25a: {  	[hbm4b:s11+s5] =	stream.linear.scatter [tilespmem:s6], [sflag:$0x7], $0x4000, $0x38;
	[tilespmem:$0x1C200] =	vst v63  }
0x25b: {  	_ =	swait.ge [sflag:s2], $0x4000  }
0x25c: {  	[sflag:s2] =	ssyncset.done $0x0  }
0x25d: {  	[sflag:s2] =	ssyncadd.s32 $0xFFFFC000  }
0x25e: {  	v3 =	vld [tilespmem:$0xA0];
	_ =	sdelay $0x4  }
0x25f: {  	v4 =	vshll.u32 v3, $0x3  }
0x260: {  	v3 =	vand.u32 $0x7, v3;
	v4 =	vand.u32 $0xFFFFFFC0, v4  }
0x261: {  	v3 =	vor.u32 v3, v4  }
0x262: {  	v4 =	vperm.xlane v3, v0;
	_ =	sdelay $0x1  }
0x263: {  	v4 =	vadd.s32 v1, v4;
	_ =	sdelay $0x4  }
0x264: {  	[tilespmem:s22], [sflag:$0x5] =	stream.indirect_vreg.gather [hbm4b:s1+s5], $0x80, v4, vm0, $0xb8;
	[tilespmem:$0x1C200] =	vst v63  }
0x265: {  	s17 =	simm.s32 $0x10A00;
	v3 =	vperm.xlane v3, v2  }
0x266: {  	[tilespmem:s17], [sflag:$0x5] =	stream.indirect_vreg.gather [hbm4b:s7+s5], $0x80, v4, vm0, $0xb8;
	[tilespmem:$0x1C200] =	vst v63  }
0x267: {  	s12 =	simm.s32 $0x11200;
	v3 =	vadd.s32 v1, v3  }
0x268: {  	[tilespmem:s12], [sflag:$0x5] =	stream.indirect_vreg.gather [hbm4b:s8+s5], $0x80, v4, vm0, $0xb8;
	[tilespmem:$0x1C200] =	vst v63  }
0x269: {  	s13 =	simm.s32 $0x11A00  }
0x26a: {  	[tilespmem:s13], [sflag:$0x5] =	stream.indirect_vreg.gather [hbm4b:s9+s5], $0x80, v4, vm0, $0xb8;
	[tilespmem:$0x1C200] =	vst v63  }
0x26b: {  	s14 =	simm.s32 $0x12200  }
0x26c: {  	[tilespmem:s14], [sflag:$0x5] =	stream.indirect_vreg.gather [hbm4b:s1+s5], $0x80, v3, vm0, $0xb8;
	[tilespmem:$0x1C200] =	vst v63  }
0x26d: {  	s15 =	simm.s32 $0x12A00  }
0x26e: {  	[tilespmem:s15], [sflag:$0x5] =	stream.indirect_vreg.gather [hbm4b:s7+s5], $0x80, v3, vm0, $0xb8;
	[tilespmem:$0x1C200] =	vst v63  }
0x26f: {  	s16 =	simm.s32 $0x13200  }
0x270: {  	[tilespmem:s16], [sflag:$0x5] =	stream.indirect_vreg.gather [hbm4b:s8+s5], $0x80, v3, vm0, $0xb8;
	[tilespmem:$0x1C200] =	vst v63  }
0x271: {  	s17 =	simm.s32 $0x13A00  }
0x272: {  	[tilespmem:s17], [sflag:$0x5] =	stream.indirect_vreg.gather [hbm4b:s9+s5], $0x80, v3, vm0, $0xb8;
	[tilespmem:$0x1C200] =	vst v63  }
0x273: {  	_ =	swait.ge [sflag:s20], $0x4000  }
0x274: {  	[sflag:s20] =	ssyncset.done $0x0  }
0x275: {  	s11 =	simm.s32 $0x0;
	s12 =	simm.s32 $0x0;
	[sflag:s20] =	ssyncadd.s32 $0xFFFFC000  }
.LBB2_30:
0x276: {  	s13 =	sand.u32 $0x7, s11  }
0x277: {  	s13 =	sshll.u32 s13, $0x9  }
0x278: {  	s13 =	sshrl.u32 s13, $0x2  }
0x279: {  	v3 =	vmov s13;
	_ =	sdelay $0x2  }
0x27a: {  	s14 =	sand.u32 $0x3FFFE000, s5  }
0x27b: {  	s16 =	sadd.s32 $0x18240, s14  }
0x27c: {  	v4 =	vld.idx.msk [tilespmem:v3+s16+$0x30 ss:$0x1], $0xffff  }
0x27d: {  	v5 =	vld.idx.msk [tilespmem:v3+s16+$0xFFFFFFD0 ss:$0x1], $0xffff  }
0x27e: {  	v6 =	vld.idx.msk [tilespmem:v3+s16+$0xFFFFFFE0 ss:$0x1], $0xffff  }
0x27f: {  	v7 =	vld.idx.msk [tilespmem:v3+s16+$0xFFFFFFF0 ss:$0x1], $0xffff  }
0x280: {  	v8 =	vld.idx.msk [tilespmem:v3+s16+$0x0 ss:$0x1], $0xffff  }
0x281: {  	s14 =	sadd.s32 $0x8200, s14;
	v9 =	vld.idx.msk [tilespmem:v3+s16+$0x10 ss:$0x1], $0xffff  }
0x282: {  	s17 =	sadd.s32 s13, s14;
	v10 =	vld.idx.msk [tilespmem:v3+s16+$0xFFFFFFC0 ss:$0x1], $0xffff  }
0x283: {  	[tilespmem:s17+$0x70] =	vst.add.f32.msk $0xffff, v4  }
0x284: {  	v4 =	vld.idx.msk [tilespmem:v3+s16+$0x20 ss:$0x1], $0xffff  }
0x285: {  	[tilespmem:s17+$0x10] =	vst.add.f32.msk $0xffff, v5  }
0x286: {  	[tilespmem:s17+$0x20] =	vst.add.f32.msk $0xffff, v6  }
0x287: {  	[tilespmem:s17+$0x30] =	vst.add.f32.msk $0xffff, v7  }
0x288: {  	[tilespmem:s17+$0x40] =	vst.add.f32.msk $0xffff, v8  }
0x289: {  	[tilespmem:s17+$0x50] =	vst.add.f32.msk $0xffff, v9  }
0x28a: {  	[tilespmem:s17+$0x0] =	vst.add.f32.msk $0xffff, v10  }
0x28b: {  	s15 =	simm.s32 $0x0;
	s16 =	sadd.s32 $0x400, s16;
	[tilespmem:s17+$0x60] =	vst.add.f32.msk $0xffff, v4  }
.LBB2_31:
0x28c: {  	v4 =	vld.idx.msk [tilespmem:v3+s16+$0x30 ss:$0x1], $0xffff;
	s15 =	sadd.s32 $0x8, s15  }
0x28d: {  	v5 =	vld.idx.msk [tilespmem:v3+s16+$0xFFFFFFD0 ss:$0x1], $0xffff;
	p0 =	slt.u32 s15, $0x38  }
0x28e: {  	v6 =	vld.idx.msk [tilespmem:v3+s16+$0xFFFFFFE0 ss:$0x1], $0xffff  }
0x28f: {  	v7 =	vld.idx.msk [tilespmem:v3+s16+$0xFFFFFFF0 ss:$0x1], $0xffff  }
0x290: {  	s14 =	sadd.s32 $0x400, s14;
	v8 =	vld.idx.msk [tilespmem:v3+s16+$0x0 ss:$0x1], $0xffff  }
0x291: {  	s17 =	sadd.s32 s13, s14;
	v9 =	vld.idx.msk [tilespmem:v3+s16+$0x10 ss:$0x1], $0xffff  }
0x292: {  	[tilespmem:s17+$0x70] =	vst.add.f32.msk $0xffff, v4  }
0x293: {  	v4 =	vld.idx.msk [tilespmem:v3+s16+$0x20 ss:$0x1], $0xffff  }
0x294: {  	v10 =	vld.idx.msk [tilespmem:v3+s16+$0xFFFFFFC0 ss:$0x1], $0xffff  }
0x295: {  	[tilespmem:s17+$0x10] =	vst.add.f32.msk $0xffff, v5  }
0x296: {  	[tilespmem:s17+$0x20] =	vst.add.f32.msk $0xffff, v6  }
.Ltmp14:
0x297: {  	[tilespmem:s17+$0x30] =	vst.add.f32.msk $0xffff, v7;
	(pc) =	sbr.rel @p0 .LBB2_31-.Ltmp14, $4  }
0x298: {  	[tilespmem:s17+$0x40] =	vst.add.f32.msk $0xffff, v8  }
0x299: {  	[tilespmem:s17+$0x50] =	vst.add.f32.msk $0xffff, v9  }
0x29a: {  	[tilespmem:s17+$0x0] =	vst.add.f32.msk $0xffff, v10  }
0x29b: {  	s16 =	sadd.s32 $0x400, s16;
	[tilespmem:s17+$0x60] =	vst.add.f32.msk $0xffff, v4  }
0x29c: {  	s12 =	sadd.s32 $0x1, s12  }
0x29d: {  	p0 =	sne.s32 s12, $0x10  }
.Ltmp15:
0x29e: {  	_ = 	snop;
	(pc) =	sbr.rel @p0 .LBB2_30-.Ltmp15, $2  }
0x29f: {  	_ =	sdelay $0x2  }
0x2a0: {  	s11 =	sadd.s32 $0x1, s11;
	s5 =	sadd.s32 $0x400, s5  }
0x2a1: {  	s5 =	simm.s32 $0x0;
	s11 =	rddreg [dreg:$0x1c]  }
0x2a2: {  	[hbm4b:s11+s5] =	stream.linear.scatter [tilespmem:s18], [sflag:$0x8], $0x4000, $0x38;
	[tilespmem:$0x1C200] =	vst v63  }
0x2a3: {  	s16 =	rddreg [dreg:$0xb];
	s12 =	simm.s32 $0x18200  }
0x2a4: {  	[tilespmem:s12], [sflag:$0xC] =	stream.linear.gather [hbm4b:s16+s5], $0x4000, $0x38;
	[tilespmem:$0x1C200] =	vst v63  }
0x2a5: {  	_ =	swait.ge [sflag:s23], $0x4000  }
0x2a6: {  	[sflag:s23] =	ssyncset.done $0x0  }
0x2a7: {  	[sflag:s23] =	ssyncadd.s32 $0xFFFFC000  }
0x2a8: {  	v3 =	vld [tilespmem:$0x120];
	_ =	sdelay $0x4  }
0x2a9: {  	v4 =	vshll.u32 v3, $0x3  }
0x2aa: {  	v3 =	vand.u32 $0x7, v3;
	v4 =	vand.u32 $0xFFFFFFC0, v4  }
0x2ab: {  	v3 =	vor.u32 v3, v4  }
0x2ac: {  	v4 =	vperm.xlane v3, v0;
	_ =	sdelay $0x1  }
0x2ad: {  	v4 =	vadd.s32 v1, v4;
	_ =	sdelay $0x4  }
0x2ae: {  	[tilespmem:s28], [sflag:$0x1] =	stream.indirect_vreg.gather [hbm4b:s1+s5], $0x80, v4, vm0, $0xb8;
	[tilespmem:$0x1C200] =	vst v63  }
0x2af: {  	s17 =	simm.s32 $0xA00;
	v3 =	vperm.xlane v3, v2  }
0x2b0: {  	[tilespmem:s17], [sflag:$0x1] =	stream.indirect_vreg.gather [hbm4b:s7+s5], $0x80, v4, vm0, $0xb8;
	[tilespmem:$0x1C200] =	vst v63  }
0x2b1: {  	s12 =	simm.s32 $0x1200;
	v3 =	vadd.s32 v1, v3  }
0x2b2: {  	[tilespmem:s12], [sflag:$0x1] =	stream.indirect_vreg.gather [hbm4b:s8+s5], $0x80, v4, vm0, $0xb8;
	[tilespmem:$0x1C200] =	vst v63  }
0x2b3: {  	s13 =	simm.s32 $0x1A00  }
0x2b4: {  	[tilespmem:s13], [sflag:$0x1] =	stream.indirect_vreg.gather [hbm4b:s9+s5], $0x80, v4, vm0, $0xb8;
	[tilespmem:$0x1C200] =	vst v63  }
0x2b5: {  	s14 =	simm.s32 $0x2200  }
0x2b6: {  	[tilespmem:s14], [sflag:$0x1] =	stream.indirect_vreg.gather [hbm4b:s1+s5], $0x80, v3, vm0, $0xb8;
	[tilespmem:$0x1C200] =	vst v63  }
0x2b7: {  	s15 =	simm.s32 $0x2A00  }
0x2b8: {  	[tilespmem:s15], [sflag:$0x1] =	stream.indirect_vreg.gather [hbm4b:s7+s5], $0x80, v3, vm0, $0xb8;
	[tilespmem:$0x1C200] =	vst v63  }
0x2b9: {  	s16 =	simm.s32 $0x3200  }
0x2ba: {  	[tilespmem:s16], [sflag:$0x1] =	stream.indirect_vreg.gather [hbm4b:s8+s5], $0x80, v3, vm0, $0xb8;
	[tilespmem:$0x1C200] =	vst v63  }
0x2bb: {  	s17 =	simm.s32 $0x3A00  }
0x2bc: {  	[tilespmem:s17], [sflag:$0x1] =	stream.indirect_vreg.gather [hbm4b:s9+s5], $0x80, v3, vm0, $0xb8;
	[tilespmem:$0x1C200] =	vst v63  }
0x2bd: {  	_ =	swait.ge [sflag:s25], $0x4000  }
0x2be: {  	[sflag:s25] =	ssyncset.done $0x0  }
0x2bf: {  	[sflag:s25] =	ssyncadd.s32 $0xFFFFC000  }
0x2c0: {  	_ =	swait.ge [sflag:s24], $0x4000  }
0x2c1: {  	[sflag:s24] =	ssyncset.done $0x0  }
0x2c2: {  	s11 =	simm.s32 $0x0;
	s12 =	simm.s32 $0x0;
	[sflag:s24] =	ssyncadd.s32 $0xFFFFC000  }
.LBB2_34:
0x2c3: {  	s13 =	sand.u32 $0x7, s11  }
0x2c4: {  	s13 =	sshll.u32 s13, $0x9  }
0x2c5: {  	s13 =	sshrl.u32 s13, $0x2  }
0x2c6: {  	v3 =	vmov s13;
	_ =	sdelay $0x2  }
0x2c7: {  	s14 =	sand.u32 $0x3FFFE000, s5  }
0x2c8: {  	s16 =	sadd.s32 $0x14240, s14  }
0x2c9: {  	v4 =	vld.idx.msk [tilespmem:v3+s16+$0x30 ss:$0x1], $0xffff  }
0x2ca: {  	v5 =	vld.idx.msk [tilespmem:v3+s16+$0xFFFFFFD0 ss:$0x1], $0xffff  }
0x2cb: {  	v6 =	vld.idx.msk [tilespmem:v3+s16+$0xFFFFFFE0 ss:$0x1], $0xffff  }
0x2cc: {  	v7 =	vld.idx.msk [tilespmem:v3+s16+$0xFFFFFFF0 ss:$0x1], $0xffff  }
0x2cd: {  	v8 =	vld.idx.msk [tilespmem:v3+s16+$0x0 ss:$0x1], $0xffff  }
0x2ce: {  	s14 =	sadd.s32 $0xC200, s14;
	v9 =	vld.idx.msk [tilespmem:v3+s16+$0x10 ss:$0x1], $0xffff  }
0x2cf: {  	s17 =	sadd.s32 s13, s14;
	v10 =	vld.idx.msk [tilespmem:v3+s16+$0xFFFFFFC0 ss:$0x1], $0xffff  }
0x2d0: {  	[tilespmem:s17+$0x70] =	vst.add.f32.msk $0xffff, v4  }
0x2d1: {  	v4 =	vld.idx.msk [tilespmem:v3+s16+$0x20 ss:$0x1], $0xffff  }
0x2d2: {  	[tilespmem:s17+$0x10] =	vst.add.f32.msk $0xffff, v5  }
0x2d3: {  	[tilespmem:s17+$0x20] =	vst.add.f32.msk $0xffff, v6  }
0x2d4: {  	[tilespmem:s17+$0x30] =	vst.add.f32.msk $0xffff, v7  }
0x2d5: {  	[tilespmem:s17+$0x40] =	vst.add.f32.msk $0xffff, v8  }
0x2d6: {  	[tilespmem:s17+$0x50] =	vst.add.f32.msk $0xffff, v9  }
0x2d7: {  	[tilespmem:s17+$0x0] =	vst.add.f32.msk $0xffff, v10  }
0x2d8: {  	s15 =	simm.s32 $0x0;
	s16 =	sadd.s32 $0x400, s16;
	[tilespmem:s17+$0x60] =	vst.add.f32.msk $0xffff, v4  }
.LBB2_35:
0x2d9: {  	v4 =	vld.idx.msk [tilespmem:v3+s16+$0x30 ss:$0x1], $0xffff;
	s15 =	sadd.s32 $0x8, s15  }
0x2da: {  	v5 =	vld.idx.msk [tilespmem:v3+s16+$0xFFFFFFD0 ss:$0x1], $0xffff;
	p0 =	slt.u32 s15, $0x38  }
0x2db: {  	v6 =	vld.idx.msk [tilespmem:v3+s16+$0xFFFFFFE0 ss:$0x1], $0xffff  }
0x2dc: {  	v7 =	vld.idx.msk [tilespmem:v3+s16+$0xFFFFFFF0 ss:$0x1], $0xffff  }
0x2dd: {  	s14 =	sadd.s32 $0x400, s14;
	v8 =	vld.idx.msk [tilespmem:v3+s16+$0x0 ss:$0x1], $0xffff  }
0x2de: {  	s17 =	sadd.s32 s13, s14;
	v9 =	vld.idx.msk [tilespmem:v3+s16+$0x10 ss:$0x1], $0xffff  }
0x2df: {  	[tilespmem:s17+$0x70] =	vst.add.f32.msk $0xffff, v4  }
0x2e0: {  	v4 =	vld.idx.msk [tilespmem:v3+s16+$0x20 ss:$0x1], $0xffff  }
0x2e1: {  	v10 =	vld.idx.msk [tilespmem:v3+s16+$0xFFFFFFC0 ss:$0x1], $0xffff  }
0x2e2: {  	[tilespmem:s17+$0x10] =	vst.add.f32.msk $0xffff, v5  }
0x2e3: {  	[tilespmem:s17+$0x20] =	vst.add.f32.msk $0xffff, v6  }
.Ltmp16:
0x2e4: {  	[tilespmem:s17+$0x30] =	vst.add.f32.msk $0xffff, v7;
	(pc) =	sbr.rel @p0 .LBB2_35-.Ltmp16, $4  }
0x2e5: {  	[tilespmem:s17+$0x40] =	vst.add.f32.msk $0xffff, v8  }
0x2e6: {  	[tilespmem:s17+$0x50] =	vst.add.f32.msk $0xffff, v9  }
0x2e7: {  	[tilespmem:s17+$0x0] =	vst.add.f32.msk $0xffff, v10  }
0x2e8: {  	s16 =	sadd.s32 $0x400, s16;
	[tilespmem:s17+$0x60] =	vst.add.f32.msk $0xffff, v4  }
0x2e9: {  	s12 =	sadd.s32 $0x1, s12  }
0x2ea: {  	p0 =	sne.s32 s12, $0x10  }
.Ltmp17:
0x2eb: {  	_ = 	snop;
	(pc) =	sbr.rel @p0 .LBB2_34-.Ltmp17, $2  }
0x2ec: {  	_ =	sdelay $0x2  }
0x2ed: {  	s11 =	sadd.s32 $0x1, s11;
	s5 =	sadd.s32 $0x400, s5  }
0x2ee: {  	s5 =	simm.s32 $0x0;
	s11 =	rddreg [dreg:$0xc]  }
0x2ef: {  	[hbm4b:s11+s5] =	stream.linear.scatter [tilespmem:s19], [sflag:$0x9], $0x4000, $0x38;
	[tilespmem:$0x1C200] =	vst v63  }
0x2f0: {  	_ =	swait.ge [sflag:s10], $0x4000  }
0x2f1: {  	[sflag:s10] =	ssyncset.done $0x0  }
0x2f2: {  	[sflag:s10] =	ssyncadd.s32 $0xFFFFC000  }
0x2f3: {  	v3 =	vld [tilespmem:$0x1A0];
	_ =	sdelay $0x4  }
0x2f4: {  	v4 =	vshll.u32 v3, $0x3  }
0x2f5: {  	v3 =	vand.u32 $0x7, v3;
	v4 =	vand.u32 $0xFFFFFFC0, v4  }
0x2f6: {  	v3 =	vor.u32 v3, v4  }
0x2f7: {  	v4 =	vperm.xlane v3, v0;
	_ =	sdelay $0x1  }
0x2f8: {  	v4 =	vadd.s32 v1, v4;
	_ =	sdelay $0x4  }
0x2f9: {  	[tilespmem:s6], [sflag:$0x2] =	stream.indirect_vreg.gather [hbm4b:s1+s5], $0x80, v4, vm0, $0xb8;
	[tilespmem:$0x1C200] =	vst v63  }
0x2fa: {  	s17 =	simm.s32 $0x4A00;
	v3 =	vperm.xlane v3, v2  }
0x2fb: {  	[tilespmem:s17], [sflag:$0x2] =	stream.indirect_vreg.gather [hbm4b:s7+s5], $0x80, v4, vm0, $0xb8;
	[tilespmem:$0x1C200] =	vst v63  }
0x2fc: {  	s12 =	simm.s32 $0x5200;
	v3 =	vadd.s32 v1, v3  }
0x2fd: {  	[tilespmem:s12], [sflag:$0x2] =	stream.indirect_vreg.gather [hbm4b:s8+s5], $0x80, v4, vm0, $0xb8;
	[tilespmem:$0x1C200] =	vst v63  }
0x2fe: {  	s13 =	simm.s32 $0x5A00  }
0x2ff: {  	[tilespmem:s13], [sflag:$0x2] =	stream.indirect_vreg.gather [hbm4b:s9+s5], $0x80, v4, vm0, $0xb8;
	[tilespmem:$0x1C200] =	vst v63  }
0x300: {  	s14 =	simm.s32 $0x6200  }
0x301: {  	[tilespmem:s14], [sflag:$0x2] =	stream.indirect_vreg.gather [hbm4b:s1+s5], $0x80, v3, vm0, $0xb8;
	[tilespmem:$0x1C200] =	vst v63  }
0x302: {  	s15 =	simm.s32 $0x6A00  }
0x303: {  	[tilespmem:s15], [sflag:$0x2] =	stream.indirect_vreg.gather [hbm4b:s7+s5], $0x80, v3, vm0, $0xb8;
	[tilespmem:$0x1C200] =	vst v63  }
0x304: {  	s16 =	simm.s32 $0x7200  }
0x305: {  	[tilespmem:s16], [sflag:$0x2] =	stream.indirect_vreg.gather [hbm4b:s8+s5], $0x80, v3, vm0, $0xb8;
	[tilespmem:$0x1C200] =	vst v63  }
0x306: {  	s17 =	simm.s32 $0x7A00  }
0x307: {  	[tilespmem:s17], [sflag:$0x2] =	stream.indirect_vreg.gather [hbm4b:s9+s5], $0x80, v3, vm0, $0xb8;
	[tilespmem:$0x1C200] =	vst v63  }
0x308: {  	_ =	swait.ge [sflag:s30], $0x4000  }
0x309: {  	[sflag:s30] =	ssyncset.done $0x0  }
0x30a: {  	s11 =	simm.s32 $0x0;
	s12 =	simm.s32 $0x0;
	[sflag:s30] =	ssyncadd.s32 $0xFFFFC000  }
.LBB2_38:
0x30b: {  	s13 =	sand.u32 $0x7, s11  }
0x30c: {  	s13 =	sshll.u32 s13, $0x9  }
0x30d: {  	s13 =	sshrl.u32 s13, $0x2  }
0x30e: {  	v3 =	vmov s13;
	_ =	sdelay $0x2  }
0x30f: {  	s14 =	sand.u32 $0x3FFFE000, s5  }
0x310: {  	s16 =	sadd.s32 $0x14240, s14  }
0x311: {  	v4 =	vld.idx.msk [tilespmem:v3+s16+$0x30 ss:$0x1], $0xffff  }
0x312: {  	v5 =	vld.idx.msk [tilespmem:v3+s16+$0xFFFFFFD0 ss:$0x1], $0xffff  }
0x313: {  	v6 =	vld.idx.msk [tilespmem:v3+s16+$0xFFFFFFE0 ss:$0x1], $0xffff  }
0x314: {  	v7 =	vld.idx.msk [tilespmem:v3+s16+$0xFFFFFFF0 ss:$0x1], $0xffff  }
0x315: {  	v8 =	vld.idx.msk [tilespmem:v3+s16+$0x0 ss:$0x1], $0xffff  }
0x316: {  	s14 =	sadd.s32 $0x10200, s14;
	v9 =	vld.idx.msk [tilespmem:v3+s16+$0x10 ss:$0x1], $0xffff  }
0x317: {  	s17 =	sadd.s32 s13, s14;
	v10 =	vld.idx.msk [tilespmem:v3+s16+$0xFFFFFFC0 ss:$0x1], $0xffff  }
0x318: {  	[tilespmem:s17+$0x70] =	vst.add.f32.msk $0xffff, v4  }
0x319: {  	v4 =	vld.idx.msk [tilespmem:v3+s16+$0x20 ss:$0x1], $0xffff  }
0x31a: {  	[tilespmem:s17+$0x10] =	vst.add.f32.msk $0xffff, v5  }
0x31b: {  	[tilespmem:s17+$0x20] =	vst.add.f32.msk $0xffff, v6  }
0x31c: {  	[tilespmem:s17+$0x30] =	vst.add.f32.msk $0xffff, v7  }
0x31d: {  	[tilespmem:s17+$0x40] =	vst.add.f32.msk $0xffff, v8  }
0x31e: {  	[tilespmem:s17+$0x50] =	vst.add.f32.msk $0xffff, v9  }
0x31f: {  	[tilespmem:s17+$0x0] =	vst.add.f32.msk $0xffff, v10  }
0x320: {  	s15 =	simm.s32 $0x0;
	s16 =	sadd.s32 $0x400, s16;
	[tilespmem:s17+$0x60] =	vst.add.f32.msk $0xffff, v4  }
.LBB2_39:
0x321: {  	v4 =	vld.idx.msk [tilespmem:v3+s16+$0x30 ss:$0x1], $0xffff;
	s15 =	sadd.s32 $0x8, s15  }
0x322: {  	v5 =	vld.idx.msk [tilespmem:v3+s16+$0xFFFFFFD0 ss:$0x1], $0xffff;
	p0 =	slt.u32 s15, $0x38  }
0x323: {  	v6 =	vld.idx.msk [tilespmem:v3+s16+$0xFFFFFFE0 ss:$0x1], $0xffff  }
0x324: {  	v7 =	vld.idx.msk [tilespmem:v3+s16+$0xFFFFFFF0 ss:$0x1], $0xffff  }
0x325: {  	s14 =	sadd.s32 $0x400, s14;
	v8 =	vld.idx.msk [tilespmem:v3+s16+$0x0 ss:$0x1], $0xffff  }
0x326: {  	s17 =	sadd.s32 s13, s14;
	v9 =	vld.idx.msk [tilespmem:v3+s16+$0x10 ss:$0x1], $0xffff  }
0x327: {  	[tilespmem:s17+$0x70] =	vst.add.f32.msk $0xffff, v4  }
0x328: {  	v4 =	vld.idx.msk [tilespmem:v3+s16+$0x20 ss:$0x1], $0xffff  }
0x329: {  	v10 =	vld.idx.msk [tilespmem:v3+s16+$0xFFFFFFC0 ss:$0x1], $0xffff  }
0x32a: {  	[tilespmem:s17+$0x10] =	vst.add.f32.msk $0xffff, v5  }
0x32b: {  	[tilespmem:s17+$0x20] =	vst.add.f32.msk $0xffff, v6  }
.Ltmp18:
0x32c: {  	[tilespmem:s17+$0x30] =	vst.add.f32.msk $0xffff, v7;
	(pc) =	sbr.rel @p0 .LBB2_39-.Ltmp18, $4  }
0x32d: {  	[tilespmem:s17+$0x40] =	vst.add.f32.msk $0xffff, v8  }
0x32e: {  	[tilespmem:s17+$0x50] =	vst.add.f32.msk $0xffff, v9  }
0x32f: {  	[tilespmem:s17+$0x0] =	vst.add.f32.msk $0xffff, v10  }
0x330: {  	s16 =	sadd.s32 $0x400, s16;
	[tilespmem:s17+$0x60] =	vst.add.f32.msk $0xffff, v4  }
0x331: {  	s12 =	sadd.s32 $0x1, s12  }
0x332: {  	p0 =	sne.s32 s12, $0x10  }
.Ltmp19:
0x333: {  	_ = 	snop;
	(pc) =	sbr.rel @p0 .LBB2_38-.Ltmp19, $2  }
0x334: {  	_ =	sdelay $0x2  }
0x335: {  	s11 =	sadd.s32 $0x1, s11;
	s5 =	sadd.s32 $0x400, s5  }
0x336: {  	s5 =	simm.s32 $0x0;
	s11 =	rddreg [dreg:$0x1d]  }
0x337: {  	[hbm4b:s11+s5] =	stream.linear.scatter [tilespmem:s22], [sflag:$0xA], $0x4000, $0x38;
	[tilespmem:$0x1C200] =	vst v63  }
0x338: {  	_ =	swait.ge [sflag:s31], $0x4000  }
0x339: {  	[sflag:s31] =	ssyncset.done $0x0  }
0x33a: {  	[sflag:s31] =	ssyncadd.s32 $0xFFFFC000  }
0x33b: {  	v3 =	vld [tilespmem:$0x30];
	_ =	sdelay $0x4  }
0x33c: {  	v4 =	vshll.u32 v3, $0x3  }
0x33d: {  	v3 =	vand.u32 $0x7, v3;
	v4 =	vand.u32 $0xFFFFFFC0, v4  }
0x33e: {  	v3 =	vor.u32 v3, v4  }
0x33f: {  	v4 =	vperm.xlane v3, v0;
	_ =	sdelay $0x1  }
0x340: {  	v4 =	vadd.s32 v1, v4;
	_ =	sdelay $0x4  }
0x341: {  	[tilespmem:s18], [sflag:$0x3] =	stream.indirect_vreg.gather [hbm4b:s1+s5], $0x80, v4, vm0, $0xb8;
	[tilespmem:$0x1C200] =	vst v63  }
0x342: {  	s17 =	simm.s32 $0x8A00;
	v3 =	vperm.xlane v3, v2  }
0x343: {  	[tilespmem:s17], [sflag:$0x3] =	stream.indirect_vreg.gather [hbm4b:s7+s5], $0x80, v4, vm0, $0xb8;
	[tilespmem:$0x1C200] =	vst v63  }
0x344: {  	s12 =	simm.s32 $0x9200;
	v3 =	vadd.s32 v1, v3  }
0x345: {  	[tilespmem:s12], [sflag:$0x3] =	stream.indirect_vreg.gather [hbm4b:s8+s5], $0x80, v4, vm0, $0xb8;
	[tilespmem:$0x1C200] =	vst v63  }
0x346: {  	s13 =	simm.s32 $0x9A00  }
0x347: {  	[tilespmem:s13], [sflag:$0x3] =	stream.indirect_vreg.gather [hbm4b:s9+s5], $0x80, v4, vm0, $0xb8;
	[tilespmem:$0x1C200] =	vst v63  }
0x348: {  	s14 =	simm.s32 $0xA200  }
0x349: {  	[tilespmem:s14], [sflag:$0x3] =	stream.indirect_vreg.gather [hbm4b:s1+s5], $0x80, v3, vm0, $0xb8;
	[tilespmem:$0x1C200] =	vst v63  }
0x34a: {  	s15 =	simm.s32 $0xAA00  }
0x34b: {  	[tilespmem:s15], [sflag:$0x3] =	stream.indirect_vreg.gather [hbm4b:s7+s5], $0x80, v3, vm0, $0xb8;
	[tilespmem:$0x1C200] =	vst v63  }
0x34c: {  	s16 =	simm.s32 $0xB200  }
0x34d: {  	[tilespmem:s16], [sflag:$0x3] =	stream.indirect_vreg.gather [hbm4b:s8+s5], $0x80, v3, vm0, $0xb8;
	[tilespmem:$0x1C200] =	vst v63  }
0x34e: {  	s17 =	simm.s32 $0xBA00  }
0x34f: {  	[tilespmem:s17], [sflag:$0x3] =	stream.indirect_vreg.gather [hbm4b:s9+s5], $0x80, v3, vm0, $0xb8;
	[tilespmem:$0x1C200] =	vst v63  }
0x350: {  	_ =	swait.ge [sflag:s26], $0x4000  }
0x351: {  	[sflag:s26] =	ssyncset.done $0x0  }
0x352: {  	s11 =	simm.s32 $0x0;
	s12 =	simm.s32 $0x0;
	[sflag:s26] =	ssyncadd.s32 $0xFFFFC000  }
.LBB2_42:
0x353: {  	s13 =	sand.u32 $0x7, s11  }
0x354: {  	s13 =	sshll.u32 s13, $0x9  }
0x355: {  	s13 =	sshrl.u32 s13, $0x2  }
0x356: {  	v3 =	vmov s13;
	_ =	sdelay $0x2  }
0x357: {  	s14 =	sand.u32 $0x3FFFE000, s5  }
0x358: {  	s16 =	sadd.s32 $0x14240, s14  }
0x359: {  	v4 =	vld.idx.msk [tilespmem:v3+s16+$0x30 ss:$0x1], $0xffff  }
0x35a: {  	v5 =	vld.idx.msk [tilespmem:v3+s16+$0xFFFFFFD0 ss:$0x1], $0xffff  }
0x35b: {  	v6 =	vld.idx.msk [tilespmem:v3+s16+$0xFFFFFFE0 ss:$0x1], $0xffff  }
0x35c: {  	v7 =	vld.idx.msk [tilespmem:v3+s16+$0xFFFFFFF0 ss:$0x1], $0xffff  }
0x35d: {  	v8 =	vld.idx.msk [tilespmem:v3+s16+$0x0 ss:$0x1], $0xffff  }
0x35e: {  	s14 =	sor.u32 $0x200, s14;
	v9 =	vld.idx.msk [tilespmem:v3+s16+$0x10 ss:$0x1], $0xffff  }
0x35f: {  	s17 =	sadd.s32 s13, s14;
	v10 =	vld.idx.msk [tilespmem:v3+s16+$0xFFFFFFC0 ss:$0x1], $0xffff  }
0x360: {  	[tilespmem:s17+$0x70] =	vst.add.f32.msk $0xffff, v4  }
0x361: {  	v4 =	vld.idx.msk [tilespmem:v3+s16+$0x20 ss:$0x1], $0xffff  }
0x362: {  	[tilespmem:s17+$0x10] =	vst.add.f32.msk $0xffff, v5  }
0x363: {  	[tilespmem:s17+$0x20] =	vst.add.f32.msk $0xffff, v6  }
0x364: {  	[tilespmem:s17+$0x30] =	vst.add.f32.msk $0xffff, v7  }
0x365: {  	[tilespmem:s17+$0x40] =	vst.add.f32.msk $0xffff, v8  }
0x366: {  	[tilespmem:s17+$0x50] =	vst.add.f32.msk $0xffff, v9  }
0x367: {  	[tilespmem:s17+$0x0] =	vst.add.f32.msk $0xffff, v10  }
0x368: {  	s15 =	simm.s32 $0x0;
	s16 =	sadd.s32 $0x400, s16;
	[tilespmem:s17+$0x60] =	vst.add.f32.msk $0xffff, v4  }
.LBB2_43:
0x369: {  	v4 =	vld.idx.msk [tilespmem:v3+s16+$0x30 ss:$0x1], $0xffff;
	s15 =	sadd.s32 $0x8, s15  }
0x36a: {  	v5 =	vld.idx.msk [tilespmem:v3+s16+$0xFFFFFFD0 ss:$0x1], $0xffff;
	p0 =	slt.u32 s15, $0x38  }
0x36b: {  	v6 =	vld.idx.msk [tilespmem:v3+s16+$0xFFFFFFE0 ss:$0x1], $0xffff  }
0x36c: {  	v7 =	vld.idx.msk [tilespmem:v3+s16+$0xFFFFFFF0 ss:$0x1], $0xffff  }
0x36d: {  	s14 =	sadd.s32 $0x400, s14;
	v8 =	vld.idx.msk [tilespmem:v3+s16+$0x0 ss:$0x1], $0xffff  }
0x36e: {  	s17 =	sadd.s32 s13, s14;
	v9 =	vld.idx.msk [tilespmem:v3+s16+$0x10 ss:$0x1], $0xffff  }
0x36f: {  	[tilespmem:s17+$0x70] =	vst.add.f32.msk $0xffff, v4  }
0x370: {  	v4 =	vld.idx.msk [tilespmem:v3+s16+$0x20 ss:$0x1], $0xffff  }
0x371: {  	v10 =	vld.idx.msk [tilespmem:v3+s16+$0xFFFFFFC0 ss:$0x1], $0xffff  }
0x372: {  	[tilespmem:s17+$0x10] =	vst.add.f32.msk $0xffff, v5  }
0x373: {  	[tilespmem:s17+$0x20] =	vst.add.f32.msk $0xffff, v6  }
.Ltmp20:
0x374: {  	[tilespmem:s17+$0x30] =	vst.add.f32.msk $0xffff, v7;
	(pc) =	sbr.rel @p0 .LBB2_43-.Ltmp20, $4  }
0x375: {  	[tilespmem:s17+$0x40] =	vst.add.f32.msk $0xffff, v8  }
0x376: {  	[tilespmem:s17+$0x50] =	vst.add.f32.msk $0xffff, v9  }
0x377: {  	[tilespmem:s17+$0x0] =	vst.add.f32.msk $0xffff, v10  }
0x378: {  	s16 =	sadd.s32 $0x400, s16;
	[tilespmem:s17+$0x60] =	vst.add.f32.msk $0xffff, v4  }
0x379: {  	s12 =	sadd.s32 $0x1, s12  }
0x37a: {  	p0 =	sne.s32 s12, $0x10  }
.Ltmp21:
0x37b: {  	_ = 	snop;
	(pc) =	sbr.rel @p0 .LBB2_42-.Ltmp21, $2  }
0x37c: {  	_ =	sdelay $0x2  }
0x37d: {  	s11 =	sadd.s32 $0x1, s11;
	s5 =	sadd.s32 $0x400, s5  }
0x37e: {  	s5 =	simm.s32 $0x0;
	s11 =	rddreg [dreg:$0x1e]  }
0x37f: {  	[hbm4b:s11+s5] =	stream.linear.scatter [tilespmem:s28], [sflag:$0x6], $0x4000, $0x38;
	[tilespmem:$0x1C200] =	vst v63  }
0x380: {  	_ =	swait.ge [sflag:s0], $0x4000  }
0x381: {  	[sflag:s0] =	ssyncset.done $0x0  }
0x382: {  	[sflag:s0] =	ssyncadd.s32 $0xFFFFC000  }
0x383: {  	v3 =	vld [tilespmem:$0xB0];
	_ =	sdelay $0x4  }
0x384: {  	v4 =	vshll.u32 v3, $0x3  }
0x385: {  	v3 =	vand.u32 $0x7, v3;
	v4 =	vand.u32 $0xFFFFFFC0, v4  }
0x386: {  	v3 =	vor.u32 v3, v4  }
0x387: {  	v4 =	vperm.xlane v3, v0;
	_ =	sdelay $0x1  }
0x388: {  	v4 =	vadd.s32 v1, v4;
	_ =	sdelay $0x4  }
0x389: {  	[tilespmem:s19], [sflag:$0x4] =	stream.indirect_vreg.gather [hbm4b:s1+s5], $0x80, v4, vm0, $0xb8;
	[tilespmem:$0x1C200] =	vst v63  }
0x38a: {  	s17 =	simm.s32 $0xCA00;
	v3 =	vperm.xlane v3, v2  }
0x38b: {  	[tilespmem:s17], [sflag:$0x4] =	stream.indirect_vreg.gather [hbm4b:s7+s5], $0x80, v4, vm0, $0xb8;
	[tilespmem:$0x1C200] =	vst v63  }
0x38c: {  	s12 =	simm.s32 $0xD200;
	v3 =	vadd.s32 v1, v3  }
0x38d: {  	[tilespmem:s12], [sflag:$0x4] =	stream.indirect_vreg.gather [hbm4b:s8+s5], $0x80, v4, vm0, $0xb8;
	[tilespmem:$0x1C200] =	vst v63  }
0x38e: {  	s13 =	simm.s32 $0xDA00  }
0x38f: {  	[tilespmem:s13], [sflag:$0x4] =	stream.indirect_vreg.gather [hbm4b:s9+s5], $0x80, v4, vm0, $0xb8;
	[tilespmem:$0x1C200] =	vst v63  }
0x390: {  	s14 =	simm.s32 $0xE200  }
0x391: {  	[tilespmem:s14], [sflag:$0x4] =	stream.indirect_vreg.gather [hbm4b:s1+s5], $0x80, v3, vm0, $0xb8;
	[tilespmem:$0x1C200] =	vst v63  }
0x392: {  	s15 =	simm.s32 $0xEA00  }
0x393: {  	[tilespmem:s15], [sflag:$0x4] =	stream.indirect_vreg.gather [hbm4b:s7+s5], $0x80, v3, vm0, $0xb8;
	[tilespmem:$0x1C200] =	vst v63  }
0x394: {  	s16 =	simm.s32 $0xF200  }
0x395: {  	[tilespmem:s16], [sflag:$0x4] =	stream.indirect_vreg.gather [hbm4b:s8+s5], $0x80, v3, vm0, $0xb8;
	[tilespmem:$0x1C200] =	vst v63  }
0x396: {  	s17 =	simm.s32 $0xFA00  }
0x397: {  	[tilespmem:s17], [sflag:$0x4] =	stream.indirect_vreg.gather [hbm4b:s9+s5], $0x80, v3, vm0, $0xb8;
	[tilespmem:$0x1C200] =	vst v63  }
0x398: {  	_ =	swait.ge [sflag:s21], $0x4000  }
0x399: {  	[sflag:s21] =	ssyncset.done $0x0  }
0x39a: {  	s11 =	simm.s32 $0x0;
	s12 =	simm.s32 $0x0;
	[sflag:s21] =	ssyncadd.s32 $0xFFFFC000  }
.LBB2_46:
0x39b: {  	s13 =	sand.u32 $0x7, s11  }
0x39c: {  	s13 =	sshll.u32 s13, $0x9  }
0x39d: {  	s13 =	sshrl.u32 s13, $0x2  }
0x39e: {  	v3 =	vmov s13;
	_ =	sdelay $0x2  }
0x39f: {  	s14 =	sand.u32 $0x3FFFE000, s5  }
0x3a0: {  	s16 =	sadd.s32 $0x14240, s14  }
0x3a1: {  	v4 =	vld.idx.msk [tilespmem:v3+s16+$0x30 ss:$0x1], $0xffff  }
0x3a2: {  	v5 =	vld.idx.msk [tilespmem:v3+s16+$0xFFFFFFD0 ss:$0x1], $0xffff  }
0x3a3: {  	v6 =	vld.idx.msk [tilespmem:v3+s16+$0xFFFFFFE0 ss:$0x1], $0xffff  }
0x3a4: {  	v7 =	vld.idx.msk [tilespmem:v3+s16+$0xFFFFFFF0 ss:$0x1], $0xffff  }
0x3a5: {  	v8 =	vld.idx.msk [tilespmem:v3+s16+$0x0 ss:$0x1], $0xffff  }
0x3a6: {  	s14 =	sadd.s32 $0x4200, s14;
	v9 =	vld.idx.msk [tilespmem:v3+s16+$0x10 ss:$0x1], $0xffff  }
0x3a7: {  	s17 =	sadd.s32 s13, s14;
	v10 =	vld.idx.msk [tilespmem:v3+s16+$0xFFFFFFC0 ss:$0x1], $0xffff  }
0x3a8: {  	[tilespmem:s17+$0x70] =	vst.add.f32.msk $0xffff, v4  }
0x3a9: {  	v4 =	vld.idx.msk [tilespmem:v3+s16+$0x20 ss:$0x1], $0xffff  }
0x3aa: {  	[tilespmem:s17+$0x10] =	vst.add.f32.msk $0xffff, v5  }
0x3ab: {  	[tilespmem:s17+$0x20] =	vst.add.f32.msk $0xffff, v6  }
0x3ac: {  	[tilespmem:s17+$0x30] =	vst.add.f32.msk $0xffff, v7  }
0x3ad: {  	[tilespmem:s17+$0x40] =	vst.add.f32.msk $0xffff, v8  }
0x3ae: {  	[tilespmem:s17+$0x50] =	vst.add.f32.msk $0xffff, v9  }
0x3af: {  	[tilespmem:s17+$0x0] =	vst.add.f32.msk $0xffff, v10  }
0x3b0: {  	s15 =	simm.s32 $0x0;
	s16 =	sadd.s32 $0x400, s16;
	[tilespmem:s17+$0x60] =	vst.add.f32.msk $0xffff, v4  }
.LBB2_47:
0x3b1: {  	v4 =	vld.idx.msk [tilespmem:v3+s16+$0x30 ss:$0x1], $0xffff;
	s15 =	sadd.s32 $0x8, s15  }
0x3b2: {  	v5 =	vld.idx.msk [tilespmem:v3+s16+$0xFFFFFFD0 ss:$0x1], $0xffff;
	p0 =	slt.u32 s15, $0x38  }
0x3b3: {  	v6 =	vld.idx.msk [tilespmem:v3+s16+$0xFFFFFFE0 ss:$0x1], $0xffff  }
0x3b4: {  	v7 =	vld.idx.msk [tilespmem:v3+s16+$0xFFFFFFF0 ss:$0x1], $0xffff  }
0x3b5: {  	s14 =	sadd.s32 $0x400, s14;
	v8 =	vld.idx.msk [tilespmem:v3+s16+$0x0 ss:$0x1], $0xffff  }
0x3b6: {  	s17 =	sadd.s32 s13, s14;
	v9 =	vld.idx.msk [tilespmem:v3+s16+$0x10 ss:$0x1], $0xffff  }
0x3b7: {  	[tilespmem:s17+$0x70] =	vst.add.f32.msk $0xffff, v4  }
0x3b8: {  	v4 =	vld.idx.msk [tilespmem:v3+s16+$0x20 ss:$0x1], $0xffff  }
0x3b9: {  	v10 =	vld.idx.msk [tilespmem:v3+s16+$0xFFFFFFC0 ss:$0x1], $0xffff  }
0x3ba: {  	[tilespmem:s17+$0x10] =	vst.add.f32.msk $0xffff, v5  }
0x3bb: {  	[tilespmem:s17+$0x20] =	vst.add.f32.msk $0xffff, v6  }
.Ltmp22:
0x3bc: {  	[tilespmem:s17+$0x30] =	vst.add.f32.msk $0xffff, v7;
	(pc) =	sbr.rel @p0 .LBB2_47-.Ltmp22, $4  }
0x3bd: {  	[tilespmem:s17+$0x40] =	vst.add.f32.msk $0xffff, v8  }
0x3be: {  	[tilespmem:s17+$0x50] =	vst.add.f32.msk $0xffff, v9  }
0x3bf: {  	[tilespmem:s17+$0x0] =	vst.add.f32.msk $0xffff, v10  }
0x3c0: {  	s16 =	sadd.s32 $0x400, s16;
	[tilespmem:s17+$0x60] =	vst.add.f32.msk $0xffff, v4  }
0x3c1: {  	s12 =	sadd.s32 $0x1, s12  }
0x3c2: {  	p0 =	sne.s32 s12, $0x10  }
.Ltmp23:
0x3c3: {  	_ = 	snop;
	(pc) =	sbr.rel @p0 .LBB2_46-.Ltmp23, $2  }
0x3c4: {  	_ =	sdelay $0x2  }
0x3c5: {  	s11 =	sadd.s32 $0x1, s11;
	s5 =	sadd.s32 $0x400, s5  }
0x3c6: {  	s5 =	simm.s32 $0x0;
	s11 =	rddreg [dreg:$0x1f]  }
0x3c7: {  	[hbm4b:s11+s5] =	stream.linear.scatter [tilespmem:s6], [sflag:$0x7], $0x4000, $0x38;
	[tilespmem:$0x1C200] =	vst v63  }
0x3c8: {  	s16 =	rddreg [dreg:$0xd];
	s12 =	simm.s32 $0x14200  }
0x3c9: {  	[tilespmem:s12], [sflag:$0xB] =	stream.linear.gather [hbm4b:s16+s5], $0x4000, $0x38;
	[tilespmem:$0x1C200] =	vst v63  }
0x3ca: {  	_ =	swait.ge [sflag:s2], $0x4000  }
0x3cb: {  	[sflag:s2] =	ssyncset.done $0x0  }
0x3cc: {  	[sflag:s2] =	ssyncadd.s32 $0xFFFFC000  }
0x3cd: {  	v3 =	vld [tilespmem:$0x130];
	_ =	sdelay $0x4  }
0x3ce: {  	v4 =	vshll.u32 v3, $0x3  }
0x3cf: {  	v3 =	vand.u32 $0x7, v3;
	v4 =	vand.u32 $0xFFFFFFC0, v4  }
0x3d0: {  	v3 =	vor.u32 v3, v4  }
0x3d1: {  	v4 =	vperm.xlane v3, v0;
	_ =	sdelay $0x1  }
0x3d2: {  	v4 =	vadd.s32 v1, v4;
	_ =	sdelay $0x4  }
0x3d3: {  	[tilespmem:s22], [sflag:$0x5] =	stream.indirect_vreg.gather [hbm4b:s1+s5], $0x80, v4, vm0, $0xb8;
	[tilespmem:$0x1C200] =	vst v63  }
0x3d4: {  	s17 =	simm.s32 $0x10A00;
	v3 =	vperm.xlane v3, v2  }
0x3d5: {  	[tilespmem:s17], [sflag:$0x5] =	stream.indirect_vreg.gather [hbm4b:s7+s5], $0x80, v4, vm0, $0xb8;
	[tilespmem:$0x1C200] =	vst v63  }
0x3d6: {  	s12 =	simm.s32 $0x11200;
	v3 =	vadd.s32 v1, v3  }
0x3d7: {  	[tilespmem:s12], [sflag:$0x5] =	stream.indirect_vreg.gather [hbm4b:s8+s5], $0x80, v4, vm0, $0xb8;
	[tilespmem:$0x1C200] =	vst v63  }
0x3d8: {  	s13 =	simm.s32 $0x11A00  }
0x3d9: {  	[tilespmem:s13], [sflag:$0x5] =	stream.indirect_vreg.gather [hbm4b:s9+s5], $0x80, v4, vm0, $0xb8;
	[tilespmem:$0x1C200] =	vst v63  }
0x3da: {  	s14 =	simm.s32 $0x12200  }
0x3db: {  	[tilespmem:s14], [sflag:$0x5] =	stream.indirect_vreg.gather [hbm4b:s1+s5], $0x80, v3, vm0, $0xb8;
	[tilespmem:$0x1C200] =	vst v63  }
0x3dc: {  	s15 =	simm.s32 $0x12A00  }
0x3dd: {  	[tilespmem:s15], [sflag:$0x5] =	stream.indirect_vreg.gather [hbm4b:s7+s5], $0x80, v3, vm0, $0xb8;
	[tilespmem:$0x1C200] =	vst v63  }
0x3de: {  	s16 =	simm.s32 $0x13200  }
0x3df: {  	[tilespmem:s16], [sflag:$0x5] =	stream.indirect_vreg.gather [hbm4b:s8+s5], $0x80, v3, vm0, $0xb8;
	[tilespmem:$0x1C200] =	vst v63  }
0x3e0: {  	s17 =	simm.s32 $0x13A00  }
0x3e1: {  	[tilespmem:s17], [sflag:$0x5] =	stream.indirect_vreg.gather [hbm4b:s9+s5], $0x80, v3, vm0, $0xb8;
	[tilespmem:$0x1C200] =	vst v63  }
0x3e2: {  	_ =	swait.ge [sflag:s29], $0x4000  }
0x3e3: {  	[sflag:s29] =	ssyncset.done $0x0  }
0x3e4: {  	[sflag:s29] =	ssyncadd.s32 $0xFFFFC000  }
0x3e5: {  	_ =	swait.ge [sflag:s20], $0x4000  }
0x3e6: {  	[sflag:s20] =	ssyncset.done $0x0  }
0x3e7: {  	s11 =	simm.s32 $0x0;
	s12 =	simm.s32 $0x0;
	[sflag:s20] =	ssyncadd.s32 $0xFFFFC000  }
.LBB2_50:
0x3e8: {  	s13 =	sand.u32 $0x7, s11  }
0x3e9: {  	s13 =	sshll.u32 s13, $0x9  }
0x3ea: {  	s13 =	sshrl.u32 s13, $0x2  }
0x3eb: {  	v3 =	vmov s13;
	_ =	sdelay $0x2  }
0x3ec: {  	s14 =	sand.u32 $0x3FFFE000, s5  }
0x3ed: {  	s16 =	sadd.s32 $0x18240, s14  }
0x3ee: {  	v4 =	vld.idx.msk [tilespmem:v3+s16+$0x30 ss:$0x1], $0xffff  }
0x3ef: {  	v5 =	vld.idx.msk [tilespmem:v3+s16+$0xFFFFFFD0 ss:$0x1], $0xffff  }
0x3f0: {  	v6 =	vld.idx.msk [tilespmem:v3+s16+$0xFFFFFFE0 ss:$0x1], $0xffff  }
0x3f1: {  	v7 =	vld.idx.msk [tilespmem:v3+s16+$0xFFFFFFF0 ss:$0x1], $0xffff  }
0x3f2: {  	v8 =	vld.idx.msk [tilespmem:v3+s16+$0x0 ss:$0x1], $0xffff  }
0x3f3: {  	s14 =	sadd.s32 $0x8200, s14;
	v9 =	vld.idx.msk [tilespmem:v3+s16+$0x10 ss:$0x1], $0xffff  }
0x3f4: {  	s17 =	sadd.s32 s13, s14;
	v10 =	vld.idx.msk [tilespmem:v3+s16+$0xFFFFFFC0 ss:$0x1], $0xffff  }
0x3f5: {  	[tilespmem:s17+$0x70] =	vst.add.f32.msk $0xffff, v4  }
0x3f6: {  	v4 =	vld.idx.msk [tilespmem:v3+s16+$0x20 ss:$0x1], $0xffff  }
0x3f7: {  	[tilespmem:s17+$0x10] =	vst.add.f32.msk $0xffff, v5  }
0x3f8: {  	[tilespmem:s17+$0x20] =	vst.add.f32.msk $0xffff, v6  }
0x3f9: {  	[tilespmem:s17+$0x30] =	vst.add.f32.msk $0xffff, v7  }
0x3fa: {  	[tilespmem:s17+$0x40] =	vst.add.f32.msk $0xffff, v8  }
0x3fb: {  	[tilespmem:s17+$0x50] =	vst.add.f32.msk $0xffff, v9  }
0x3fc: {  	[tilespmem:s17+$0x0] =	vst.add.f32.msk $0xffff, v10  }
0x3fd: {  	s15 =	simm.s32 $0x0;
	s16 =	sadd.s32 $0x400, s16;
	[tilespmem:s17+$0x60] =	vst.add.f32.msk $0xffff, v4  }
.LBB2_51:
0x3fe: {  	v4 =	vld.idx.msk [tilespmem:v3+s16+$0x30 ss:$0x1], $0xffff;
	s15 =	sadd.s32 $0x8, s15  }
0x3ff: {  	v5 =	vld.idx.msk [tilespmem:v3+s16+$0xFFFFFFD0 ss:$0x1], $0xffff;
	p0 =	slt.u32 s15, $0x38  }
0x400: {  	v6 =	vld.idx.msk [tilespmem:v3+s16+$0xFFFFFFE0 ss:$0x1], $0xffff  }
0x401: {  	v7 =	vld.idx.msk [tilespmem:v3+s16+$0xFFFFFFF0 ss:$0x1], $0xffff  }
0x402: {  	s14 =	sadd.s32 $0x400, s14;
	v8 =	vld.idx.msk [tilespmem:v3+s16+$0x0 ss:$0x1], $0xffff  }
0x403: {  	s17 =	sadd.s32 s13, s14;
	v9 =	vld.idx.msk [tilespmem:v3+s16+$0x10 ss:$0x1], $0xffff  }
0x404: {  	[tilespmem:s17+$0x70] =	vst.add.f32.msk $0xffff, v4  }
0x405: {  	v4 =	vld.idx.msk [tilespmem:v3+s16+$0x20 ss:$0x1], $0xffff  }
0x406: {  	v10 =	vld.idx.msk [tilespmem:v3+s16+$0xFFFFFFC0 ss:$0x1], $0xffff  }
0x407: {  	[tilespmem:s17+$0x10] =	vst.add.f32.msk $0xffff, v5  }
0x408: {  	[tilespmem:s17+$0x20] =	vst.add.f32.msk $0xffff, v6  }
.Ltmp24:
0x409: {  	[tilespmem:s17+$0x30] =	vst.add.f32.msk $0xffff, v7;
	(pc) =	sbr.rel @p0 .LBB2_51-.Ltmp24, $4  }
0x40a: {  	[tilespmem:s17+$0x40] =	vst.add.f32.msk $0xffff, v8  }
0x40b: {  	[tilespmem:s17+$0x50] =	vst.add.f32.msk $0xffff, v9  }
0x40c: {  	[tilespmem:s17+$0x0] =	vst.add.f32.msk $0xffff, v10  }
0x40d: {  	s16 =	sadd.s32 $0x400, s16;
	[tilespmem:s17+$0x60] =	vst.add.f32.msk $0xffff, v4  }
0x40e: {  	s12 =	sadd.s32 $0x1, s12  }
0x40f: {  	p0 =	sne.s32 s12, $0x10  }
.Ltmp25:
0x410: {  	_ = 	snop;
	(pc) =	sbr.rel @p0 .LBB2_50-.Ltmp25, $2  }
0x411: {  	_ =	sdelay $0x2  }
0x412: {  	s11 =	sadd.s32 $0x1, s11;
	s5 =	sadd.s32 $0x400, s5  }
0x413: {  	s5 =	simm.s32 $0x0;
	s11 =	rddreg [dreg:$0xe]  }
0x414: {  	[hbm4b:s11+s5] =	stream.linear.scatter [tilespmem:s18], [sflag:$0x8], $0x4000, $0x38;
	[tilespmem:$0x1C200] =	vst v63  }
0x415: {  	_ =	swait.ge [sflag:s23], $0x4000  }
0x416: {  	[sflag:s23] =	ssyncset.done $0x0  }
0x417: {  	[sflag:s23] =	ssyncadd.s32 $0xFFFFC000  }
0x418: {  	v3 =	vld [tilespmem:$0x1B0];
	_ =	sdelay $0x4  }
0x419: {  	v4 =	vshll.u32 v3, $0x3  }
0x41a: {  	v3 =	vand.u32 $0x7, v3;
	v4 =	vand.u32 $0xFFFFFFC0, v4  }
0x41b: {  	v3 =	vor.u32 v3, v4  }
0x41c: {  	v4 =	vperm.xlane v3, v0;
	_ =	sdelay $0x1  }
0x41d: {  	v4 =	vadd.s32 v1, v4;
	_ =	sdelay $0x4  }
0x41e: {  	[tilespmem:s28], [sflag:$0x1] =	stream.indirect_vreg.gather [hbm4b:s1+s5], $0x80, v4, vm0, $0xb8;
	[tilespmem:$0x1C200] =	vst v63  }
0x41f: {  	s17 =	simm.s32 $0xA00;
	v3 =	vperm.xlane v3, v2  }
0x420: {  	[tilespmem:s17], [sflag:$0x1] =	stream.indirect_vreg.gather [hbm4b:s7+s5], $0x80, v4, vm0, $0xb8;
	[tilespmem:$0x1C200] =	vst v63  }
0x421: {  	s12 =	simm.s32 $0x1200;
	v3 =	vadd.s32 v1, v3  }
0x422: {  	[tilespmem:s12], [sflag:$0x1] =	stream.indirect_vreg.gather [hbm4b:s8+s5], $0x80, v4, vm0, $0xb8;
	[tilespmem:$0x1C200] =	vst v63  }
0x423: {  	s13 =	simm.s32 $0x1A00  }
0x424: {  	[tilespmem:s13], [sflag:$0x1] =	stream.indirect_vreg.gather [hbm4b:s9+s5], $0x80, v4, vm0, $0xb8;
	[tilespmem:$0x1C200] =	vst v63  }
0x425: {  	s14 =	simm.s32 $0x2200  }
0x426: {  	[tilespmem:s14], [sflag:$0x1] =	stream.indirect_vreg.gather [hbm4b:s1+s5], $0x80, v3, vm0, $0xb8;
	[tilespmem:$0x1C200] =	vst v63  }
0x427: {  	s15 =	simm.s32 $0x2A00  }
0x428: {  	[tilespmem:s15], [sflag:$0x1] =	stream.indirect_vreg.gather [hbm4b:s7+s5], $0x80, v3, vm0, $0xb8;
	[tilespmem:$0x1C200] =	vst v63  }
0x429: {  	s16 =	simm.s32 $0x3200  }
0x42a: {  	[tilespmem:s16], [sflag:$0x1] =	stream.indirect_vreg.gather [hbm4b:s8+s5], $0x80, v3, vm0, $0xb8;
	[tilespmem:$0x1C200] =	vst v63  }
0x42b: {  	s17 =	simm.s32 $0x3A00  }
0x42c: {  	[tilespmem:s17], [sflag:$0x1] =	stream.indirect_vreg.gather [hbm4b:s9+s5], $0x80, v3, vm0, $0xb8;
	[tilespmem:$0x1C200] =	vst v63  }
0x42d: {  	_ =	swait.ge [sflag:s24], $0x4000  }
0x42e: {  	[sflag:s24] =	ssyncset.done $0x0  }
0x42f: {  	s11 =	simm.s32 $0x0;
	s12 =	simm.s32 $0x0;
	[sflag:s24] =	ssyncadd.s32 $0xFFFFC000  }
.LBB2_54:
0x430: {  	s13 =	sand.u32 $0x7, s11  }
0x431: {  	s13 =	sshll.u32 s13, $0x9  }
0x432: {  	s13 =	sshrl.u32 s13, $0x2  }
0x433: {  	v3 =	vmov s13;
	_ =	sdelay $0x2  }
0x434: {  	s14 =	sand.u32 $0x3FFFE000, s5  }
0x435: {  	s16 =	sadd.s32 $0x18240, s14  }
0x436: {  	v4 =	vld.idx.msk [tilespmem:v3+s16+$0x30 ss:$0x1], $0xffff  }
0x437: {  	v5 =	vld.idx.msk [tilespmem:v3+s16+$0xFFFFFFD0 ss:$0x1], $0xffff  }
0x438: {  	v6 =	vld.idx.msk [tilespmem:v3+s16+$0xFFFFFFE0 ss:$0x1], $0xffff  }
0x439: {  	v7 =	vld.idx.msk [tilespmem:v3+s16+$0xFFFFFFF0 ss:$0x1], $0xffff  }
0x43a: {  	v8 =	vld.idx.msk [tilespmem:v3+s16+$0x0 ss:$0x1], $0xffff  }
0x43b: {  	s14 =	sadd.s32 $0xC200, s14;
	v9 =	vld.idx.msk [tilespmem:v3+s16+$0x10 ss:$0x1], $0xffff  }
0x43c: {  	s17 =	sadd.s32 s13, s14;
	v10 =	vld.idx.msk [tilespmem:v3+s16+$0xFFFFFFC0 ss:$0x1], $0xffff  }
0x43d: {  	[tilespmem:s17+$0x70] =	vst.add.f32.msk $0xffff, v4  }
0x43e: {  	v4 =	vld.idx.msk [tilespmem:v3+s16+$0x20 ss:$0x1], $0xffff  }
0x43f: {  	[tilespmem:s17+$0x10] =	vst.add.f32.msk $0xffff, v5  }
0x440: {  	[tilespmem:s17+$0x20] =	vst.add.f32.msk $0xffff, v6  }
0x441: {  	[tilespmem:s17+$0x30] =	vst.add.f32.msk $0xffff, v7  }
0x442: {  	[tilespmem:s17+$0x40] =	vst.add.f32.msk $0xffff, v8  }
0x443: {  	[tilespmem:s17+$0x50] =	vst.add.f32.msk $0xffff, v9  }
0x444: {  	[tilespmem:s17+$0x0] =	vst.add.f32.msk $0xffff, v10  }
0x445: {  	s15 =	simm.s32 $0x0;
	s16 =	sadd.s32 $0x400, s16;
	[tilespmem:s17+$0x60] =	vst.add.f32.msk $0xffff, v4  }
.LBB2_55:
0x446: {  	v4 =	vld.idx.msk [tilespmem:v3+s16+$0x30 ss:$0x1], $0xffff;
	s15 =	sadd.s32 $0x8, s15  }
0x447: {  	v5 =	vld.idx.msk [tilespmem:v3+s16+$0xFFFFFFD0 ss:$0x1], $0xffff;
	p0 =	slt.u32 s15, $0x38  }
0x448: {  	v6 =	vld.idx.msk [tilespmem:v3+s16+$0xFFFFFFE0 ss:$0x1], $0xffff  }
0x449: {  	v7 =	vld.idx.msk [tilespmem:v3+s16+$0xFFFFFFF0 ss:$0x1], $0xffff  }
0x44a: {  	s14 =	sadd.s32 $0x400, s14;
	v8 =	vld.idx.msk [tilespmem:v3+s16+$0x0 ss:$0x1], $0xffff  }
0x44b: {  	s17 =	sadd.s32 s13, s14;
	v9 =	vld.idx.msk [tilespmem:v3+s16+$0x10 ss:$0x1], $0xffff  }
0x44c: {  	[tilespmem:s17+$0x70] =	vst.add.f32.msk $0xffff, v4  }
0x44d: {  	v4 =	vld.idx.msk [tilespmem:v3+s16+$0x20 ss:$0x1], $0xffff  }
0x44e: {  	v10 =	vld.idx.msk [tilespmem:v3+s16+$0xFFFFFFC0 ss:$0x1], $0xffff  }
0x44f: {  	[tilespmem:s17+$0x10] =	vst.add.f32.msk $0xffff, v5  }
0x450: {  	[tilespmem:s17+$0x20] =	vst.add.f32.msk $0xffff, v6  }
.Ltmp26:
0x451: {  	[tilespmem:s17+$0x30] =	vst.add.f32.msk $0xffff, v7;
	(pc) =	sbr.rel @p0 .LBB2_55-.Ltmp26, $4  }
0x452: {  	[tilespmem:s17+$0x40] =	vst.add.f32.msk $0xffff, v8  }
0x453: {  	[tilespmem:s17+$0x50] =	vst.add.f32.msk $0xffff, v9  }
0x454: {  	[tilespmem:s17+$0x0] =	vst.add.f32.msk $0xffff, v10  }
0x455: {  	s16 =	sadd.s32 $0x400, s16;
	[tilespmem:s17+$0x60] =	vst.add.f32.msk $0xffff, v4  }
0x456: {  	s12 =	sadd.s32 $0x1, s12  }
0x457: {  	p0 =	sne.s32 s12, $0x10  }
.Ltmp27:
0x458: {  	_ = 	snop;
	(pc) =	sbr.rel @p0 .LBB2_54-.Ltmp27, $2  }
0x459: {  	_ =	sdelay $0x2  }
0x45a: {  	s11 =	sadd.s32 $0x1, s11;
	s5 =	sadd.s32 $0x400, s5  }
0x45b: {  	s11 =	sld [smem:$0x7EF];
	_ =	sdelay $0x1  }
0x45c: {  	s5 =	simm.s32 $0x0  }
0x45d: {  	[hbm4b:s11+s5] =	stream.linear.scatter [tilespmem:s19], [sflag:$0x9], $0x4000, $0x38;
	[tilespmem:$0x1C200] =	vst v63  }
0x45e: {  	_ =	swait.ge [sflag:s10], $0x4000  }
0x45f: {  	[sflag:s10] =	ssyncset.done $0x0  }
0x460: {  	[sflag:s10] =	ssyncadd.s32 $0xFFFFC000  }
0x461: {  	v3 =	vld [tilespmem:$0x40];
	_ =	sdelay $0x4  }
0x462: {  	v4 =	vshll.u32 v3, $0x3  }
0x463: {  	v3 =	vand.u32 $0x7, v3;
	v4 =	vand.u32 $0xFFFFFFC0, v4  }
0x464: {  	v3 =	vor.u32 v3, v4  }
0x465: {  	v4 =	vperm.xlane v3, v0;
	_ =	sdelay $0x1  }
0x466: {  	v4 =	vadd.s32 v1, v4;
	_ =	sdelay $0x4  }
0x467: {  	[tilespmem:s6], [sflag:$0x2] =	stream.indirect_vreg.gather [hbm4b:s1+s5], $0x80, v4, vm0, $0xb8;
	[tilespmem:$0x1C200] =	vst v63  }
0x468: {  	s17 =	simm.s32 $0x4A00;
	v3 =	vperm.xlane v3, v2  }
0x469: {  	[tilespmem:s17], [sflag:$0x2] =	stream.indirect_vreg.gather [hbm4b:s7+s5], $0x80, v4, vm0, $0xb8;
	[tilespmem:$0x1C200] =	vst v63  }
0x46a: {  	s12 =	simm.s32 $0x5200;
	v3 =	vadd.s32 v1, v3  }
0x46b: {  	[tilespmem:s12], [sflag:$0x2] =	stream.indirect_vreg.gather [hbm4b:s8+s5], $0x80, v4, vm0, $0xb8;
	[tilespmem:$0x1C200] =	vst v63  }
0x46c: {  	s13 =	simm.s32 $0x5A00  }
0x46d: {  	[tilespmem:s13], [sflag:$0x2] =	stream.indirect_vreg.gather [hbm4b:s9+s5], $0x80, v4, vm0, $0xb8;
	[tilespmem:$0x1C200] =	vst v63  }
0x46e: {  	s14 =	simm.s32 $0x6200  }
0x46f: {  	[tilespmem:s14], [sflag:$0x2] =	stream.indirect_vreg.gather [hbm4b:s1+s5], $0x80, v3, vm0, $0xb8;
	[tilespmem:$0x1C200] =	vst v63  }
0x470: {  	s15 =	simm.s32 $0x6A00  }
0x471: {  	[tilespmem:s15], [sflag:$0x2] =	stream.indirect_vreg.gather [hbm4b:s7+s5], $0x80, v3, vm0, $0xb8;
	[tilespmem:$0x1C200] =	vst v63  }
0x472: {  	s16 =	simm.s32 $0x7200  }
0x473: {  	[tilespmem:s16], [sflag:$0x2] =	stream.indirect_vreg.gather [hbm4b:s8+s5], $0x80, v3, vm0, $0xb8;
	[tilespmem:$0x1C200] =	vst v63  }
0x474: {  	s17 =	simm.s32 $0x7A00  }
0x475: {  	[tilespmem:s17], [sflag:$0x2] =	stream.indirect_vreg.gather [hbm4b:s9+s5], $0x80, v3, vm0, $0xb8;
	[tilespmem:$0x1C200] =	vst v63  }
0x476: {  	_ =	swait.ge [sflag:s30], $0x4000  }
0x477: {  	[sflag:s30] =	ssyncset.done $0x0  }
0x478: {  	s11 =	simm.s32 $0x0;
	s12 =	simm.s32 $0x0;
	[sflag:s30] =	ssyncadd.s32 $0xFFFFC000  }
.LBB2_58:
0x479: {  	s13 =	sand.u32 $0x7, s11  }
0x47a: {  	s13 =	sshll.u32 s13, $0x9  }
0x47b: {  	s13 =	sshrl.u32 s13, $0x2  }
0x47c: {  	v3 =	vmov s13;
	_ =	sdelay $0x2  }
0x47d: {  	s14 =	sand.u32 $0x3FFFE000, s5  }
0x47e: {  	s16 =	sadd.s32 $0x18240, s14  }
0x47f: {  	v4 =	vld.idx.msk [tilespmem:v3+s16+$0x30 ss:$0x1], $0xffff  }
0x480: {  	v5 =	vld.idx.msk [tilespmem:v3+s16+$0xFFFFFFD0 ss:$0x1], $0xffff  }
0x481: {  	v6 =	vld.idx.msk [tilespmem:v3+s16+$0xFFFFFFE0 ss:$0x1], $0xffff  }
0x482: {  	v7 =	vld.idx.msk [tilespmem:v3+s16+$0xFFFFFFF0 ss:$0x1], $0xffff  }
0x483: {  	v8 =	vld.idx.msk [tilespmem:v3+s16+$0x0 ss:$0x1], $0xffff  }
0x484: {  	s14 =	sadd.s32 $0x10200, s14;
	v9 =	vld.idx.msk [tilespmem:v3+s16+$0x10 ss:$0x1], $0xffff  }
0x485: {  	s17 =	sadd.s32 s13, s14;
	v10 =	vld.idx.msk [tilespmem:v3+s16+$0xFFFFFFC0 ss:$0x1], $0xffff  }
0x486: {  	[tilespmem:s17+$0x70] =	vst.add.f32.msk $0xffff, v4  }
0x487: {  	v4 =	vld.idx.msk [tilespmem:v3+s16+$0x20 ss:$0x1], $0xffff  }
0x488: {  	[tilespmem:s17+$0x10] =	vst.add.f32.msk $0xffff, v5  }
0x489: {  	[tilespmem:s17+$0x20] =	vst.add.f32.msk $0xffff, v6  }
0x48a: {  	[tilespmem:s17+$0x30] =	vst.add.f32.msk $0xffff, v7  }
0x48b: {  	[tilespmem:s17+$0x40] =	vst.add.f32.msk $0xffff, v8  }
0x48c: {  	[tilespmem:s17+$0x50] =	vst.add.f32.msk $0xffff, v9  }
0x48d: {  	[tilespmem:s17+$0x0] =	vst.add.f32.msk $0xffff, v10  }
0x48e: {  	s15 =	simm.s32 $0x0;
	s16 =	sadd.s32 $0x400, s16;
	[tilespmem:s17+$0x60] =	vst.add.f32.msk $0xffff, v4  }
.LBB2_59:
0x48f: {  	v4 =	vld.idx.msk [tilespmem:v3+s16+$0x30 ss:$0x1], $0xffff;
	s15 =	sadd.s32 $0x8, s15  }
0x490: {  	v5 =	vld.idx.msk [tilespmem:v3+s16+$0xFFFFFFD0 ss:$0x1], $0xffff;
	p0 =	slt.u32 s15, $0x38  }
0x491: {  	v6 =	vld.idx.msk [tilespmem:v3+s16+$0xFFFFFFE0 ss:$0x1], $0xffff  }
0x492: {  	v7 =	vld.idx.msk [tilespmem:v3+s16+$0xFFFFFFF0 ss:$0x1], $0xffff  }
0x493: {  	s14 =	sadd.s32 $0x400, s14;
	v8 =	vld.idx.msk [tilespmem:v3+s16+$0x0 ss:$0x1], $0xffff  }
0x494: {  	s17 =	sadd.s32 s13, s14;
	v9 =	vld.idx.msk [tilespmem:v3+s16+$0x10 ss:$0x1], $0xffff  }
0x495: {  	[tilespmem:s17+$0x70] =	vst.add.f32.msk $0xffff, v4  }
0x496: {  	v4 =	vld.idx.msk [tilespmem:v3+s16+$0x20 ss:$0x1], $0xffff  }
0x497: {  	v10 =	vld.idx.msk [tilespmem:v3+s16+$0xFFFFFFC0 ss:$0x1], $0xffff  }
0x498: {  	[tilespmem:s17+$0x10] =	vst.add.f32.msk $0xffff, v5  }
0x499: {  	[tilespmem:s17+$0x20] =	vst.add.f32.msk $0xffff, v6  }
.Ltmp28:
0x49a: {  	[tilespmem:s17+$0x30] =	vst.add.f32.msk $0xffff, v7;
	(pc) =	sbr.rel @p0 .LBB2_59-.Ltmp28, $4  }
0x49b: {  	[tilespmem:s17+$0x40] =	vst.add.f32.msk $0xffff, v8  }
0x49c: {  	[tilespmem:s17+$0x50] =	vst.add.f32.msk $0xffff, v9  }
0x49d: {  	[tilespmem:s17+$0x0] =	vst.add.f32.msk $0xffff, v10  }
0x49e: {  	s16 =	sadd.s32 $0x400, s16;
	[tilespmem:s17+$0x60] =	vst.add.f32.msk $0xffff, v4  }
0x49f: {  	s12 =	sadd.s32 $0x1, s12  }
0x4a0: {  	p0 =	sne.s32 s12, $0x10  }
.Ltmp29:
0x4a1: {  	_ = 	snop;
	(pc) =	sbr.rel @p0 .LBB2_58-.Ltmp29, $2  }
0x4a2: {  	_ =	sdelay $0x2  }
0x4a3: {  	s11 =	sadd.s32 $0x1, s11;
	s5 =	sadd.s32 $0x400, s5  }
0x4a4: {  	s11 =	sld [smem:$0x7F0];
	_ =	sdelay $0x1  }
0x4a5: {  	s5 =	simm.s32 $0x0  }
0x4a6: {  	[hbm4b:s11+s5] =	stream.linear.scatter [tilespmem:s22], [sflag:$0xA], $0x4000, $0x38;
	[tilespmem:$0x1C200] =	vst v63  }
0x4a7: {  	_ =	swait.ge [sflag:s31], $0x4000  }
0x4a8: {  	[sflag:s31] =	ssyncset.done $0x0  }
0x4a9: {  	[sflag:s31] =	ssyncadd.s32 $0xFFFFC000  }
0x4aa: {  	v3 =	vld [tilespmem:$0xC0];
	_ =	sdelay $0x4  }
0x4ab: {  	v4 =	vshll.u32 v3, $0x3  }
0x4ac: {  	v3 =	vand.u32 $0x7, v3;
	v4 =	vand.u32 $0xFFFFFFC0, v4  }
0x4ad: {  	v3 =	vor.u32 v3, v4  }
0x4ae: {  	v4 =	vperm.xlane v3, v0;
	_ =	sdelay $0x1  }
0x4af: {  	v4 =	vadd.s32 v1, v4;
	_ =	sdelay $0x4  }
0x4b0: {  	[tilespmem:s18], [sflag:$0x3] =	stream.indirect_vreg.gather [hbm4b:s1+s5], $0x80, v4, vm0, $0xb8;
	[tilespmem:$0x1C200] =	vst v63  }
0x4b1: {  	s17 =	simm.s32 $0x8A00;
	v3 =	vperm.xlane v3, v2  }
0x4b2: {  	[tilespmem:s17], [sflag:$0x3] =	stream.indirect_vreg.gather [hbm4b:s7+s5], $0x80, v4, vm0, $0xb8;
	[tilespmem:$0x1C200] =	vst v63  }
0x4b3: {  	s12 =	simm.s32 $0x9200;
	v3 =	vadd.s32 v1, v3  }
0x4b4: {  	[tilespmem:s12], [sflag:$0x3] =	stream.indirect_vreg.gather [hbm4b:s8+s5], $0x80, v4, vm0, $0xb8;
	[tilespmem:$0x1C200] =	vst v63  }
0x4b5: {  	s13 =	simm.s32 $0x9A00  }
0x4b6: {  	[tilespmem:s13], [sflag:$0x3] =	stream.indirect_vreg.gather [hbm4b:s9+s5], $0x80, v4, vm0, $0xb8;
	[tilespmem:$0x1C200] =	vst v63  }
0x4b7: {  	s14 =	simm.s32 $0xA200  }
0x4b8: {  	[tilespmem:s14], [sflag:$0x3] =	stream.indirect_vreg.gather [hbm4b:s1+s5], $0x80, v3, vm0, $0xb8;
	[tilespmem:$0x1C200] =	vst v63  }
0x4b9: {  	s15 =	simm.s32 $0xAA00  }
0x4ba: {  	[tilespmem:s15], [sflag:$0x3] =	stream.indirect_vreg.gather [hbm4b:s7+s5], $0x80, v3, vm0, $0xb8;
	[tilespmem:$0x1C200] =	vst v63  }
0x4bb: {  	s16 =	simm.s32 $0xB200  }
0x4bc: {  	[tilespmem:s16], [sflag:$0x3] =	stream.indirect_vreg.gather [hbm4b:s8+s5], $0x80, v3, vm0, $0xb8;
	[tilespmem:$0x1C200] =	vst v63  }
0x4bd: {  	s17 =	simm.s32 $0xBA00  }
0x4be: {  	[tilespmem:s17], [sflag:$0x3] =	stream.indirect_vreg.gather [hbm4b:s9+s5], $0x80, v3, vm0, $0xb8;
	[tilespmem:$0x1C200] =	vst v63  }
0x4bf: {  	_ =	swait.ge [sflag:s26], $0x4000  }
0x4c0: {  	[sflag:s26] =	ssyncset.done $0x0  }
0x4c1: {  	s11 =	simm.s32 $0x0;
	s12 =	simm.s32 $0x0;
	[sflag:s26] =	ssyncadd.s32 $0xFFFFC000  }
.LBB2_62:
0x4c2: {  	s13 =	sand.u32 $0x7, s11  }
0x4c3: {  	s13 =	sshll.u32 s13, $0x9  }
0x4c4: {  	s13 =	sshrl.u32 s13, $0x2  }
0x4c5: {  	v3 =	vmov s13;
	_ =	sdelay $0x2  }
0x4c6: {  	s14 =	sand.u32 $0x3FFFE000, s5  }
0x4c7: {  	s16 =	sadd.s32 $0x18240, s14  }
0x4c8: {  	v4 =	vld.idx.msk [tilespmem:v3+s16+$0x30 ss:$0x1], $0xffff  }
0x4c9: {  	v5 =	vld.idx.msk [tilespmem:v3+s16+$0xFFFFFFD0 ss:$0x1], $0xffff  }
0x4ca: {  	v6 =	vld.idx.msk [tilespmem:v3+s16+$0xFFFFFFE0 ss:$0x1], $0xffff  }
0x4cb: {  	v7 =	vld.idx.msk [tilespmem:v3+s16+$0xFFFFFFF0 ss:$0x1], $0xffff  }
0x4cc: {  	v8 =	vld.idx.msk [tilespmem:v3+s16+$0x0 ss:$0x1], $0xffff  }
0x4cd: {  	s14 =	sor.u32 $0x200, s14;
	v9 =	vld.idx.msk [tilespmem:v3+s16+$0x10 ss:$0x1], $0xffff  }
0x4ce: {  	s17 =	sadd.s32 s13, s14;
	v10 =	vld.idx.msk [tilespmem:v3+s16+$0xFFFFFFC0 ss:$0x1], $0xffff  }
0x4cf: {  	[tilespmem:s17+$0x70] =	vst.add.f32.msk $0xffff, v4  }
0x4d0: {  	v4 =	vld.idx.msk [tilespmem:v3+s16+$0x20 ss:$0x1], $0xffff  }
0x4d1: {  	[tilespmem:s17+$0x10] =	vst.add.f32.msk $0xffff, v5  }
0x4d2: {  	[tilespmem:s17+$0x20] =	vst.add.f32.msk $0xffff, v6  }
0x4d3: {  	[tilespmem:s17+$0x30] =	vst.add.f32.msk $0xffff, v7  }
0x4d4: {  	[tilespmem:s17+$0x40] =	vst.add.f32.msk $0xffff, v8  }
0x4d5: {  	[tilespmem:s17+$0x50] =	vst.add.f32.msk $0xffff, v9  }
0x4d6: {  	[tilespmem:s17+$0x0] =	vst.add.f32.msk $0xffff, v10  }
0x4d7: {  	s15 =	simm.s32 $0x0;
	s16 =	sadd.s32 $0x400, s16;
	[tilespmem:s17+$0x60] =	vst.add.f32.msk $0xffff, v4  }
.LBB2_63:
0x4d8: {  	v4 =	vld.idx.msk [tilespmem:v3+s16+$0x30 ss:$0x1], $0xffff;
	s15 =	sadd.s32 $0x8, s15  }
0x4d9: {  	v5 =	vld.idx.msk [tilespmem:v3+s16+$0xFFFFFFD0 ss:$0x1], $0xffff;
	p0 =	slt.u32 s15, $0x38  }
0x4da: {  	v6 =	vld.idx.msk [tilespmem:v3+s16+$0xFFFFFFE0 ss:$0x1], $0xffff  }
0x4db: {  	v7 =	vld.idx.msk [tilespmem:v3+s16+$0xFFFFFFF0 ss:$0x1], $0xffff  }
0x4dc: {  	s14 =	sadd.s32 $0x400, s14;
	v8 =	vld.idx.msk [tilespmem:v3+s16+$0x0 ss:$0x1], $0xffff  }
0x4dd: {  	s17 =	sadd.s32 s13, s14;
	v9 =	vld.idx.msk [tilespmem:v3+s16+$0x10 ss:$0x1], $0xffff  }
0x4de: {  	[tilespmem:s17+$0x70] =	vst.add.f32.msk $0xffff, v4  }
0x4df: {  	v4 =	vld.idx.msk [tilespmem:v3+s16+$0x20 ss:$0x1], $0xffff  }
0x4e0: {  	v10 =	vld.idx.msk [tilespmem:v3+s16+$0xFFFFFFC0 ss:$0x1], $0xffff  }
0x4e1: {  	[tilespmem:s17+$0x10] =	vst.add.f32.msk $0xffff, v5  }
0x4e2: {  	[tilespmem:s17+$0x20] =	vst.add.f32.msk $0xffff, v6  }
.Ltmp30:
0x4e3: {  	[tilespmem:s17+$0x30] =	vst.add.f32.msk $0xffff, v7;
	(pc) =	sbr.rel @p0 .LBB2_63-.Ltmp30, $4  }
0x4e4: {  	[tilespmem:s17+$0x40] =	vst.add.f32.msk $0xffff, v8  }
0x4e5: {  	[tilespmem:s17+$0x50] =	vst.add.f32.msk $0xffff, v9  }
0x4e6: {  	[tilespmem:s17+$0x0] =	vst.add.f32.msk $0xffff, v10  }
0x4e7: {  	s16 =	sadd.s32 $0x400, s16;
	[tilespmem:s17+$0x60] =	vst.add.f32.msk $0xffff, v4  }
0x4e8: {  	s12 =	sadd.s32 $0x1, s12  }
0x4e9: {  	p0 =	sne.s32 s12, $0x10  }
.Ltmp31:
0x4ea: {  	_ = 	snop;
	(pc) =	sbr.rel @p0 .LBB2_62-.Ltmp31, $2  }
0x4eb: {  	_ =	sdelay $0x2  }
0x4ec: {  	s11 =	sadd.s32 $0x1, s11;
	s5 =	sadd.s32 $0x400, s5  }
0x4ed: {  	s11 =	sld [smem:$0x7F1];
	_ =	sdelay $0x1  }
0x4ee: {  	s5 =	simm.s32 $0x0  }
0x4ef: {  	[hbm4b:s11+s5] =	stream.linear.scatter [tilespmem:s28], [sflag:$0x6], $0x4000, $0x38;
	[tilespmem:$0x1C200] =	vst v63  }
0x4f0: {  	s16 =	rddreg [dreg:$0xf];
	s12 =	simm.s32 $0x18200  }
0x4f1: {  	[tilespmem:s12], [sflag:$0xC] =	stream.linear.gather [hbm4b:s16+s5], $0x4000, $0x38;
	[tilespmem:$0x1C200] =	vst v63  }
0x4f2: {  	_ =	swait.ge [sflag:s0], $0x4000  }
0x4f3: {  	[sflag:s0] =	ssyncset.done $0x0  }
0x4f4: {  	[sflag:s0] =	ssyncadd.s32 $0xFFFFC000  }
0x4f5: {  	v3 =	vld [tilespmem:$0x140];
	_ =	sdelay $0x4  }
0x4f6: {  	v4 =	vshll.u32 v3, $0x3  }
0x4f7: {  	v3 =	vand.u32 $0x7, v3;
	v4 =	vand.u32 $0xFFFFFFC0, v4  }
0x4f8: {  	v3 =	vor.u32 v3, v4  }
0x4f9: {  	v4 =	vperm.xlane v3, v0;
	_ =	sdelay $0x1  }
0x4fa: {  	v4 =	vadd.s32 v1, v4;
	_ =	sdelay $0x4  }
0x4fb: {  	[tilespmem:s19], [sflag:$0x4] =	stream.indirect_vreg.gather [hbm4b:s1+s5], $0x80, v4, vm0, $0xb8;
	[tilespmem:$0x1C200] =	vst v63  }
0x4fc: {  	s17 =	simm.s32 $0xCA00;
	v3 =	vperm.xlane v3, v2  }
0x4fd: {  	[tilespmem:s17], [sflag:$0x4] =	stream.indirect_vreg.gather [hbm4b:s7+s5], $0x80, v4, vm0, $0xb8;
	[tilespmem:$0x1C200] =	vst v63  }
0x4fe: {  	s12 =	simm.s32 $0xD200;
	v3 =	vadd.s32 v1, v3  }
0x4ff: {  	[tilespmem:s12], [sflag:$0x4] =	stream.indirect_vreg.gather [hbm4b:s8+s5], $0x80, v4, vm0, $0xb8;
	[tilespmem:$0x1C200] =	vst v63  }
0x500: {  	s13 =	simm.s32 $0xDA00  }
0x501: {  	[tilespmem:s13], [sflag:$0x4] =	stream.indirect_vreg.gather [hbm4b:s9+s5], $0x80, v4, vm0, $0xb8;
	[tilespmem:$0x1C200] =	vst v63  }
0x502: {  	s14 =	simm.s32 $0xE200  }
0x503: {  	[tilespmem:s14], [sflag:$0x4] =	stream.indirect_vreg.gather [hbm4b:s1+s5], $0x80, v3, vm0, $0xb8;
	[tilespmem:$0x1C200] =	vst v63  }
0x504: {  	s15 =	simm.s32 $0xEA00  }
0x505: {  	[tilespmem:s15], [sflag:$0x4] =	stream.indirect_vreg.gather [hbm4b:s7+s5], $0x80, v3, vm0, $0xb8;
	[tilespmem:$0x1C200] =	vst v63  }
0x506: {  	s16 =	simm.s32 $0xF200  }
0x507: {  	[tilespmem:s16], [sflag:$0x4] =	stream.indirect_vreg.gather [hbm4b:s8+s5], $0x80, v3, vm0, $0xb8;
	[tilespmem:$0x1C200] =	vst v63  }
0x508: {  	s17 =	simm.s32 $0xFA00  }
0x509: {  	[tilespmem:s17], [sflag:$0x4] =	stream.indirect_vreg.gather [hbm4b:s9+s5], $0x80, v3, vm0, $0xb8;
	[tilespmem:$0x1C200] =	vst v63  }
0x50a: {  	_ =	swait.ge [sflag:s25], $0x4000  }
0x50b: {  	[sflag:s25] =	ssyncset.done $0x0  }
0x50c: {  	[sflag:s25] =	ssyncadd.s32 $0xFFFFC000  }
0x50d: {  	_ =	swait.ge [sflag:s21], $0x4000  }
0x50e: {  	[sflag:s21] =	ssyncset.done $0x0  }
0x50f: {  	s11 =	simm.s32 $0x0;
	s12 =	simm.s32 $0x0;
	[sflag:s21] =	ssyncadd.s32 $0xFFFFC000  }
.LBB2_66:
0x510: {  	s13 =	sand.u32 $0x7, s11  }
0x511: {  	s13 =	sshll.u32 s13, $0x9  }
0x512: {  	s13 =	sshrl.u32 s13, $0x2  }
0x513: {  	v3 =	vmov s13;
	_ =	sdelay $0x2  }
0x514: {  	s14 =	sand.u32 $0x3FFFE000, s5  }
0x515: {  	s16 =	sadd.s32 $0x14240, s14  }
0x516: {  	v4 =	vld.idx.msk [tilespmem:v3+s16+$0x30 ss:$0x1], $0xffff  }
0x517: {  	v5 =	vld.idx.msk [tilespmem:v3+s16+$0xFFFFFFD0 ss:$0x1], $0xffff  }
0x518: {  	v6 =	vld.idx.msk [tilespmem:v3+s16+$0xFFFFFFE0 ss:$0x1], $0xffff  }
0x519: {  	v7 =	vld.idx.msk [tilespmem:v3+s16+$0xFFFFFFF0 ss:$0x1], $0xffff  }
0x51a: {  	v8 =	vld.idx.msk [tilespmem:v3+s16+$0x0 ss:$0x1], $0xffff  }
0x51b: {  	s14 =	sadd.s32 $0x4200, s14;
	v9 =	vld.idx.msk [tilespmem:v3+s16+$0x10 ss:$0x1], $0xffff  }
0x51c: {  	s17 =	sadd.s32 s13, s14;
	v10 =	vld.idx.msk [tilespmem:v3+s16+$0xFFFFFFC0 ss:$0x1], $0xffff  }
0x51d: {  	[tilespmem:s17+$0x70] =	vst.add.f32.msk $0xffff, v4  }
0x51e: {  	v4 =	vld.idx.msk [tilespmem:v3+s16+$0x20 ss:$0x1], $0xffff  }
0x51f: {  	[tilespmem:s17+$0x10] =	vst.add.f32.msk $0xffff, v5  }
0x520: {  	[tilespmem:s17+$0x20] =	vst.add.f32.msk $0xffff, v6  }
0x521: {  	[tilespmem:s17+$0x30] =	vst.add.f32.msk $0xffff, v7  }
0x522: {  	[tilespmem:s17+$0x40] =	vst.add.f32.msk $0xffff, v8  }
0x523: {  	[tilespmem:s17+$0x50] =	vst.add.f32.msk $0xffff, v9  }
0x524: {  	[tilespmem:s17+$0x0] =	vst.add.f32.msk $0xffff, v10  }
0x525: {  	s15 =	simm.s32 $0x0;
	s16 =	sadd.s32 $0x400, s16;
	[tilespmem:s17+$0x60] =	vst.add.f32.msk $0xffff, v4  }
.LBB2_67:
0x526: {  	v4 =	vld.idx.msk [tilespmem:v3+s16+$0x30 ss:$0x1], $0xffff;
	s15 =	sadd.s32 $0x8, s15  }
0x527: {  	v5 =	vld.idx.msk [tilespmem:v3+s16+$0xFFFFFFD0 ss:$0x1], $0xffff;
	p0 =	slt.u32 s15, $0x38  }
0x528: {  	v6 =	vld.idx.msk [tilespmem:v3+s16+$0xFFFFFFE0 ss:$0x1], $0xffff  }
0x529: {  	v7 =	vld.idx.msk [tilespmem:v3+s16+$0xFFFFFFF0 ss:$0x1], $0xffff  }
0x52a: {  	s14 =	sadd.s32 $0x400, s14;
	v8 =	vld.idx.msk [tilespmem:v3+s16+$0x0 ss:$0x1], $0xffff  }
0x52b: {  	s17 =	sadd.s32 s13, s14;
	v9 =	vld.idx.msk [tilespmem:v3+s16+$0x10 ss:$0x1], $0xffff  }
0x52c: {  	[tilespmem:s17+$0x70] =	vst.add.f32.msk $0xffff, v4  }
0x52d: {  	v4 =	vld.idx.msk [tilespmem:v3+s16+$0x20 ss:$0x1], $0xffff  }
0x52e: {  	v10 =	vld.idx.msk [tilespmem:v3+s16+$0xFFFFFFC0 ss:$0x1], $0xffff  }
0x52f: {  	[tilespmem:s17+$0x10] =	vst.add.f32.msk $0xffff, v5  }
0x530: {  	[tilespmem:s17+$0x20] =	vst.add.f32.msk $0xffff, v6  }
.Ltmp32:
0x531: {  	[tilespmem:s17+$0x30] =	vst.add.f32.msk $0xffff, v7;
	(pc) =	sbr.rel @p0 .LBB2_67-.Ltmp32, $4  }
0x532: {  	[tilespmem:s17+$0x40] =	vst.add.f32.msk $0xffff, v8  }
0x533: {  	[tilespmem:s17+$0x50] =	vst.add.f32.msk $0xffff, v9  }
0x534: {  	[tilespmem:s17+$0x0] =	vst.add.f32.msk $0xffff, v10  }
0x535: {  	s16 =	sadd.s32 $0x400, s16;
	[tilespmem:s17+$0x60] =	vst.add.f32.msk $0xffff, v4  }
0x536: {  	s12 =	sadd.s32 $0x1, s12  }
0x537: {  	p0 =	sne.s32 s12, $0x10  }
.Ltmp33:
0x538: {  	_ = 	snop;
	(pc) =	sbr.rel @p0 .LBB2_66-.Ltmp33, $2  }
0x539: {  	_ =	sdelay $0x2  }
0x53a: {  	s11 =	sadd.s32 $0x1, s11;
	s5 =	sadd.s32 $0x400, s5  }
0x53b: {  	s5 =	simm.s32 $0x0;
	s11 =	rddreg [dreg:$0x10]  }
0x53c: {  	[hbm4b:s11+s5] =	stream.linear.scatter [tilespmem:s6], [sflag:$0x7], $0x4000, $0x38;
	[tilespmem:$0x1C200] =	vst v63  }
0x53d: {  	_ =	swait.ge [sflag:s2], $0x4000  }
0x53e: {  	[sflag:s2] =	ssyncset.done $0x0  }
0x53f: {  	[sflag:s2] =	ssyncadd.s32 $0xFFFFC000  }
0x540: {  	v3 =	vld [tilespmem:$0x1C0];
	_ =	sdelay $0x4  }
0x541: {  	v4 =	vshll.u32 v3, $0x3  }
0x542: {  	v3 =	vand.u32 $0x7, v3;
	v4 =	vand.u32 $0xFFFFFFC0, v4  }
0x543: {  	v3 =	vor.u32 v3, v4  }
0x544: {  	v4 =	vperm.xlane v3, v0;
	_ =	sdelay $0x1  }
0x545: {  	v4 =	vadd.s32 v1, v4;
	_ =	sdelay $0x4  }
0x546: {  	[tilespmem:s22], [sflag:$0x5] =	stream.indirect_vreg.gather [hbm4b:s1+s5], $0x80, v4, vm0, $0xb8;
	[tilespmem:$0x1C200] =	vst v63  }
0x547: {  	s17 =	simm.s32 $0x10A00;
	v3 =	vperm.xlane v3, v2  }
0x548: {  	[tilespmem:s17], [sflag:$0x5] =	stream.indirect_vreg.gather [hbm4b:s7+s5], $0x80, v4, vm0, $0xb8;
	[tilespmem:$0x1C200] =	vst v63  }
0x549: {  	s12 =	simm.s32 $0x11200;
	v3 =	vadd.s32 v1, v3  }
0x54a: {  	[tilespmem:s12], [sflag:$0x5] =	stream.indirect_vreg.gather [hbm4b:s8+s5], $0x80, v4, vm0, $0xb8;
	[tilespmem:$0x1C200] =	vst v63  }
0x54b: {  	s13 =	simm.s32 $0x11A00  }
0x54c: {  	[tilespmem:s13], [sflag:$0x5] =	stream.indirect_vreg.gather [hbm4b:s9+s5], $0x80, v4, vm0, $0xb8;
	[tilespmem:$0x1C200] =	vst v63  }
0x54d: {  	s14 =	simm.s32 $0x12200  }
0x54e: {  	[tilespmem:s14], [sflag:$0x5] =	stream.indirect_vreg.gather [hbm4b:s1+s5], $0x80, v3, vm0, $0xb8;
	[tilespmem:$0x1C200] =	vst v63  }
0x54f: {  	s15 =	simm.s32 $0x12A00  }
0x550: {  	[tilespmem:s15], [sflag:$0x5] =	stream.indirect_vreg.gather [hbm4b:s7+s5], $0x80, v3, vm0, $0xb8;
	[tilespmem:$0x1C200] =	vst v63  }
0x551: {  	s16 =	simm.s32 $0x13200  }
0x552: {  	[tilespmem:s16], [sflag:$0x5] =	stream.indirect_vreg.gather [hbm4b:s8+s5], $0x80, v3, vm0, $0xb8;
	[tilespmem:$0x1C200] =	vst v63  }
0x553: {  	s17 =	simm.s32 $0x13A00  }
0x554: {  	[tilespmem:s17], [sflag:$0x5] =	stream.indirect_vreg.gather [hbm4b:s9+s5], $0x80, v3, vm0, $0xb8;
	[tilespmem:$0x1C200] =	vst v63  }
0x555: {  	_ =	swait.ge [sflag:s20], $0x4000  }
0x556: {  	[sflag:s20] =	ssyncset.done $0x0  }
0x557: {  	s11 =	simm.s32 $0x0;
	s12 =	simm.s32 $0x0;
	[sflag:s20] =	ssyncadd.s32 $0xFFFFC000  }
.LBB2_70:
0x558: {  	s13 =	sand.u32 $0x7, s11  }
0x559: {  	s13 =	sshll.u32 s13, $0x9  }
0x55a: {  	s13 =	sshrl.u32 s13, $0x2  }
0x55b: {  	v3 =	vmov s13;
	_ =	sdelay $0x2  }
0x55c: {  	s14 =	sand.u32 $0x3FFFE000, s5  }
0x55d: {  	s16 =	sadd.s32 $0x14240, s14  }
0x55e: {  	v4 =	vld.idx.msk [tilespmem:v3+s16+$0x30 ss:$0x1], $0xffff  }
0x55f: {  	v5 =	vld.idx.msk [tilespmem:v3+s16+$0xFFFFFFD0 ss:$0x1], $0xffff  }
0x560: {  	v6 =	vld.idx.msk [tilespmem:v3+s16+$0xFFFFFFE0 ss:$0x1], $0xffff  }
0x561: {  	v7 =	vld.idx.msk [tilespmem:v3+s16+$0xFFFFFFF0 ss:$0x1], $0xffff  }
0x562: {  	v8 =	vld.idx.msk [tilespmem:v3+s16+$0x0 ss:$0x1], $0xffff  }
0x563: {  	s14 =	sadd.s32 $0x8200, s14;
	v9 =	vld.idx.msk [tilespmem:v3+s16+$0x10 ss:$0x1], $0xffff  }
0x564: {  	s17 =	sadd.s32 s13, s14;
	v10 =	vld.idx.msk [tilespmem:v3+s16+$0xFFFFFFC0 ss:$0x1], $0xffff  }
0x565: {  	[tilespmem:s17+$0x70] =	vst.add.f32.msk $0xffff, v4  }
0x566: {  	v4 =	vld.idx.msk [tilespmem:v3+s16+$0x20 ss:$0x1], $0xffff  }
0x567: {  	[tilespmem:s17+$0x10] =	vst.add.f32.msk $0xffff, v5  }
0x568: {  	[tilespmem:s17+$0x20] =	vst.add.f32.msk $0xffff, v6  }
0x569: {  	[tilespmem:s17+$0x30] =	vst.add.f32.msk $0xffff, v7  }
0x56a: {  	[tilespmem:s17+$0x40] =	vst.add.f32.msk $0xffff, v8  }
0x56b: {  	[tilespmem:s17+$0x50] =	vst.add.f32.msk $0xffff, v9  }
0x56c: {  	[tilespmem:s17+$0x0] =	vst.add.f32.msk $0xffff, v10  }
0x56d: {  	s15 =	simm.s32 $0x0;
	s16 =	sadd.s32 $0x400, s16;
	[tilespmem:s17+$0x60] =	vst.add.f32.msk $0xffff, v4  }
.LBB2_71:
0x56e: {  	v4 =	vld.idx.msk [tilespmem:v3+s16+$0x30 ss:$0x1], $0xffff;
	s15 =	sadd.s32 $0x8, s15  }
0x56f: {  	v5 =	vld.idx.msk [tilespmem:v3+s16+$0xFFFFFFD0 ss:$0x1], $0xffff;
	p0 =	slt.u32 s15, $0x38  }
0x570: {  	v6 =	vld.idx.msk [tilespmem:v3+s16+$0xFFFFFFE0 ss:$0x1], $0xffff  }
0x571: {  	v7 =	vld.idx.msk [tilespmem:v3+s16+$0xFFFFFFF0 ss:$0x1], $0xffff  }
0x572: {  	s14 =	sadd.s32 $0x400, s14;
	v8 =	vld.idx.msk [tilespmem:v3+s16+$0x0 ss:$0x1], $0xffff  }
0x573: {  	s17 =	sadd.s32 s13, s14;
	v9 =	vld.idx.msk [tilespmem:v3+s16+$0x10 ss:$0x1], $0xffff  }
0x574: {  	[tilespmem:s17+$0x70] =	vst.add.f32.msk $0xffff, v4  }
0x575: {  	v4 =	vld.idx.msk [tilespmem:v3+s16+$0x20 ss:$0x1], $0xffff  }
0x576: {  	v10 =	vld.idx.msk [tilespmem:v3+s16+$0xFFFFFFC0 ss:$0x1], $0xffff  }
0x577: {  	[tilespmem:s17+$0x10] =	vst.add.f32.msk $0xffff, v5  }
0x578: {  	[tilespmem:s17+$0x20] =	vst.add.f32.msk $0xffff, v6  }
.Ltmp34:
0x579: {  	[tilespmem:s17+$0x30] =	vst.add.f32.msk $0xffff, v7;
	(pc) =	sbr.rel @p0 .LBB2_71-.Ltmp34, $4  }
0x57a: {  	[tilespmem:s17+$0x40] =	vst.add.f32.msk $0xffff, v8  }
0x57b: {  	[tilespmem:s17+$0x50] =	vst.add.f32.msk $0xffff, v9  }
0x57c: {  	[tilespmem:s17+$0x0] =	vst.add.f32.msk $0xffff, v10  }
0x57d: {  	s16 =	sadd.s32 $0x400, s16;
	[tilespmem:s17+$0x60] =	vst.add.f32.msk $0xffff, v4  }
0x57e: {  	s12 =	sadd.s32 $0x1, s12  }
0x57f: {  	p0 =	sne.s32 s12, $0x10  }
.Ltmp35:
0x580: {  	_ = 	snop;
	(pc) =	sbr.rel @p0 .LBB2_70-.Ltmp35, $2  }
0x581: {  	_ =	sdelay $0x2  }
0x582: {  	s11 =	sadd.s32 $0x1, s11;
	s5 =	sadd.s32 $0x400, s5  }
0x583: {  	s11 =	sld [smem:$0x7F2];
	_ =	sdelay $0x1  }
0x584: {  	s5 =	simm.s32 $0x0  }
0x585: {  	[hbm4b:s11+s5] =	stream.linear.scatter [tilespmem:s18], [sflag:$0x8], $0x4000, $0x38;
	[tilespmem:$0x1C200] =	vst v63  }
0x586: {  	_ =	swait.ge [sflag:s23], $0x4000  }
0x587: {  	[sflag:s23] =	ssyncset.done $0x0  }
0x588: {  	[sflag:s23] =	ssyncadd.s32 $0xFFFFC000  }
0x589: {  	v3 =	vld [tilespmem:$0x50];
	_ =	sdelay $0x4  }
0x58a: {  	v4 =	vshll.u32 v3, $0x3  }
0x58b: {  	v3 =	vand.u32 $0x7, v3;
	v4 =	vand.u32 $0xFFFFFFC0, v4  }
0x58c: {  	v3 =	vor.u32 v3, v4  }
0x58d: {  	v4 =	vperm.xlane v3, v0;
	_ =	sdelay $0x1  }
0x58e: {  	v4 =	vadd.s32 v1, v4;
	_ =	sdelay $0x4  }
0x58f: {  	[tilespmem:s28], [sflag:$0x1] =	stream.indirect_vreg.gather [hbm4b:s1+s5], $0x80, v4, vm0, $0xb8;
	[tilespmem:$0x1C200] =	vst v63  }
0x590: {  	s17 =	simm.s32 $0xA00;
	v3 =	vperm.xlane v3, v2  }
0x591: {  	[tilespmem:s17], [sflag:$0x1] =	stream.indirect_vreg.gather [hbm4b:s7+s5], $0x80, v4, vm0, $0xb8;
	[tilespmem:$0x1C200] =	vst v63  }
0x592: {  	s12 =	simm.s32 $0x1200;
	v3 =	vadd.s32 v1, v3  }
0x593: {  	[tilespmem:s12], [sflag:$0x1] =	stream.indirect_vreg.gather [hbm4b:s8+s5], $0x80, v4, vm0, $0xb8;
	[tilespmem:$0x1C200] =	vst v63  }
0x594: {  	s13 =	simm.s32 $0x1A00  }
0x595: {  	[tilespmem:s13], [sflag:$0x1] =	stream.indirect_vreg.gather [hbm4b:s9+s5], $0x80, v4, vm0, $0xb8;
	[tilespmem:$0x1C200] =	vst v63  }
0x596: {  	s14 =	simm.s32 $0x2200  }
0x597: {  	[tilespmem:s14], [sflag:$0x1] =	stream.indirect_vreg.gather [hbm4b:s1+s5], $0x80, v3, vm0, $0xb8;
	[tilespmem:$0x1C200] =	vst v63  }
0x598: {  	s15 =	simm.s32 $0x2A00  }
0x599: {  	[tilespmem:s15], [sflag:$0x1] =	stream.indirect_vreg.gather [hbm4b:s7+s5], $0x80, v3, vm0, $0xb8;
	[tilespmem:$0x1C200] =	vst v63  }
0x59a: {  	s16 =	simm.s32 $0x3200  }
0x59b: {  	[tilespmem:s16], [sflag:$0x1] =	stream.indirect_vreg.gather [hbm4b:s8+s5], $0x80, v3, vm0, $0xb8;
	[tilespmem:$0x1C200] =	vst v63  }
0x59c: {  	s17 =	simm.s32 $0x3A00  }
0x59d: {  	[tilespmem:s17], [sflag:$0x1] =	stream.indirect_vreg.gather [hbm4b:s9+s5], $0x80, v3, vm0, $0xb8;
	[tilespmem:$0x1C200] =	vst v63  }
0x59e: {  	_ =	swait.ge [sflag:s24], $0x4000  }
0x59f: {  	[sflag:s24] =	ssyncset.done $0x0  }
0x5a0: {  	s11 =	simm.s32 $0x0;
	s12 =	simm.s32 $0x0;
	[sflag:s24] =	ssyncadd.s32 $0xFFFFC000  }
.LBB2_74:
0x5a1: {  	s13 =	sand.u32 $0x7, s11  }
0x5a2: {  	s13 =	sshll.u32 s13, $0x9  }
0x5a3: {  	s13 =	sshrl.u32 s13, $0x2  }
0x5a4: {  	v3 =	vmov s13;
	_ =	sdelay $0x2  }
0x5a5: {  	s14 =	sand.u32 $0x3FFFE000, s5  }
0x5a6: {  	s16 =	sadd.s32 $0x14240, s14  }
0x5a7: {  	v4 =	vld.idx.msk [tilespmem:v3+s16+$0x30 ss:$0x1], $0xffff  }
0x5a8: {  	v5 =	vld.idx.msk [tilespmem:v3+s16+$0xFFFFFFD0 ss:$0x1], $0xffff  }
0x5a9: {  	v6 =	vld.idx.msk [tilespmem:v3+s16+$0xFFFFFFE0 ss:$0x1], $0xffff  }
0x5aa: {  	v7 =	vld.idx.msk [tilespmem:v3+s16+$0xFFFFFFF0 ss:$0x1], $0xffff  }
0x5ab: {  	v8 =	vld.idx.msk [tilespmem:v3+s16+$0x0 ss:$0x1], $0xffff  }
0x5ac: {  	s14 =	sadd.s32 $0xC200, s14;
	v9 =	vld.idx.msk [tilespmem:v3+s16+$0x10 ss:$0x1], $0xffff  }
0x5ad: {  	s17 =	sadd.s32 s13, s14;
	v10 =	vld.idx.msk [tilespmem:v3+s16+$0xFFFFFFC0 ss:$0x1], $0xffff  }
0x5ae: {  	[tilespmem:s17+$0x70] =	vst.add.f32.msk $0xffff, v4  }
0x5af: {  	v4 =	vld.idx.msk [tilespmem:v3+s16+$0x20 ss:$0x1], $0xffff  }
0x5b0: {  	[tilespmem:s17+$0x10] =	vst.add.f32.msk $0xffff, v5  }
0x5b1: {  	[tilespmem:s17+$0x20] =	vst.add.f32.msk $0xffff, v6  }
0x5b2: {  	[tilespmem:s17+$0x30] =	vst.add.f32.msk $0xffff, v7  }
0x5b3: {  	[tilespmem:s17+$0x40] =	vst.add.f32.msk $0xffff, v8  }
0x5b4: {  	[tilespmem:s17+$0x50] =	vst.add.f32.msk $0xffff, v9  }
0x5b5: {  	[tilespmem:s17+$0x0] =	vst.add.f32.msk $0xffff, v10  }
0x5b6: {  	s15 =	simm.s32 $0x0;
	s16 =	sadd.s32 $0x400, s16;
	[tilespmem:s17+$0x60] =	vst.add.f32.msk $0xffff, v4  }
.LBB2_75:
0x5b7: {  	v4 =	vld.idx.msk [tilespmem:v3+s16+$0x30 ss:$0x1], $0xffff;
	s15 =	sadd.s32 $0x8, s15  }
0x5b8: {  	v5 =	vld.idx.msk [tilespmem:v3+s16+$0xFFFFFFD0 ss:$0x1], $0xffff;
	p0 =	slt.u32 s15, $0x38  }
0x5b9: {  	v6 =	vld.idx.msk [tilespmem:v3+s16+$0xFFFFFFE0 ss:$0x1], $0xffff  }
0x5ba: {  	v7 =	vld.idx.msk [tilespmem:v3+s16+$0xFFFFFFF0 ss:$0x1], $0xffff  }
0x5bb: {  	s14 =	sadd.s32 $0x400, s14;
	v8 =	vld.idx.msk [tilespmem:v3+s16+$0x0 ss:$0x1], $0xffff  }
0x5bc: {  	s17 =	sadd.s32 s13, s14;
	v9 =	vld.idx.msk [tilespmem:v3+s16+$0x10 ss:$0x1], $0xffff  }
0x5bd: {  	[tilespmem:s17+$0x70] =	vst.add.f32.msk $0xffff, v4  }
0x5be: {  	v4 =	vld.idx.msk [tilespmem:v3+s16+$0x20 ss:$0x1], $0xffff  }
0x5bf: {  	v10 =	vld.idx.msk [tilespmem:v3+s16+$0xFFFFFFC0 ss:$0x1], $0xffff  }
0x5c0: {  	[tilespmem:s17+$0x10] =	vst.add.f32.msk $0xffff, v5  }
0x5c1: {  	[tilespmem:s17+$0x20] =	vst.add.f32.msk $0xffff, v6  }
.Ltmp36:
0x5c2: {  	[tilespmem:s17+$0x30] =	vst.add.f32.msk $0xffff, v7;
	(pc) =	sbr.rel @p0 .LBB2_75-.Ltmp36, $4  }
0x5c3: {  	[tilespmem:s17+$0x40] =	vst.add.f32.msk $0xffff, v8  }
0x5c4: {  	[tilespmem:s17+$0x50] =	vst.add.f32.msk $0xffff, v9  }
0x5c5: {  	[tilespmem:s17+$0x0] =	vst.add.f32.msk $0xffff, v10  }
0x5c6: {  	s16 =	sadd.s32 $0x400, s16;
	[tilespmem:s17+$0x60] =	vst.add.f32.msk $0xffff, v4  }
0x5c7: {  	s12 =	sadd.s32 $0x1, s12  }
0x5c8: {  	p0 =	sne.s32 s12, $0x10  }
.Ltmp37:
0x5c9: {  	_ = 	snop;
	(pc) =	sbr.rel @p0 .LBB2_74-.Ltmp37, $2  }
0x5ca: {  	_ =	sdelay $0x2  }
0x5cb: {  	s11 =	sadd.s32 $0x1, s11;
	s5 =	sadd.s32 $0x400, s5  }
0x5cc: {  	s11 =	sld [smem:$0x7F3];
	_ =	sdelay $0x1  }
0x5cd: {  	s5 =	simm.s32 $0x0  }
0x5ce: {  	[hbm4b:s11+s5] =	stream.linear.scatter [tilespmem:s19], [sflag:$0x9], $0x4000, $0x38;
	[tilespmem:$0x1C200] =	vst v63  }
0x5cf: {  	_ =	swait.ge [sflag:s10], $0x4000  }
0x5d0: {  	[sflag:s10] =	ssyncset.done $0x0  }
0x5d1: {  	[sflag:s10] =	ssyncadd.s32 $0xFFFFC000  }
0x5d2: {  	v3 =	vld [tilespmem:$0xD0];
	_ =	sdelay $0x4  }
0x5d3: {  	v4 =	vshll.u32 v3, $0x3  }
0x5d4: {  	v3 =	vand.u32 $0x7, v3;
	v4 =	vand.u32 $0xFFFFFFC0, v4  }
0x5d5: {  	v3 =	vor.u32 v3, v4  }
0x5d6: {  	v4 =	vperm.xlane v3, v0;
	_ =	sdelay $0x1  }
0x5d7: {  	v4 =	vadd.s32 v1, v4;
	_ =	sdelay $0x4  }
0x5d8: {  	[tilespmem:s6], [sflag:$0x2] =	stream.indirect_vreg.gather [hbm4b:s1+s5], $0x80, v4, vm0, $0xb8;
	[tilespmem:$0x1C200] =	vst v63  }
0x5d9: {  	s17 =	simm.s32 $0x4A00;
	v3 =	vperm.xlane v3, v2  }
0x5da: {  	[tilespmem:s17], [sflag:$0x2] =	stream.indirect_vreg.gather [hbm4b:s7+s5], $0x80, v4, vm0, $0xb8;
	[tilespmem:$0x1C200] =	vst v63  }
0x5db: {  	s12 =	simm.s32 $0x5200;
	v3 =	vadd.s32 v1, v3  }
0x5dc: {  	[tilespmem:s12], [sflag:$0x2] =	stream.indirect_vreg.gather [hbm4b:s8+s5], $0x80, v4, vm0, $0xb8;
	[tilespmem:$0x1C200] =	vst v63  }
0x5dd: {  	s13 =	simm.s32 $0x5A00  }
0x5de: {  	[tilespmem:s13], [sflag:$0x2] =	stream.indirect_vreg.gather [hbm4b:s9+s5], $0x80, v4, vm0, $0xb8;
	[tilespmem:$0x1C200] =	vst v63  }
0x5df: {  	s14 =	simm.s32 $0x6200  }
0x5e0: {  	[tilespmem:s14], [sflag:$0x2] =	stream.indirect_vreg.gather [hbm4b:s1+s5], $0x80, v3, vm0, $0xb8;
	[tilespmem:$0x1C200] =	vst v63  }
0x5e1: {  	s15 =	simm.s32 $0x6A00  }
0x5e2: {  	[tilespmem:s15], [sflag:$0x2] =	stream.indirect_vreg.gather [hbm4b:s7+s5], $0x80, v3, vm0, $0xb8;
	[tilespmem:$0x1C200] =	vst v63  }
0x5e3: {  	s16 =	simm.s32 $0x7200  }
0x5e4: {  	[tilespmem:s16], [sflag:$0x2] =	stream.indirect_vreg.gather [hbm4b:s8+s5], $0x80, v3, vm0, $0xb8;
	[tilespmem:$0x1C200] =	vst v63  }
0x5e5: {  	s17 =	simm.s32 $0x7A00  }
0x5e6: {  	[tilespmem:s17], [sflag:$0x2] =	stream.indirect_vreg.gather [hbm4b:s9+s5], $0x80, v3, vm0, $0xb8;
	[tilespmem:$0x1C200] =	vst v63  }
0x5e7: {  	_ =	swait.ge [sflag:s30], $0x4000  }
0x5e8: {  	[sflag:s30] =	ssyncset.done $0x0  }
0x5e9: {  	s11 =	simm.s32 $0x0;
	s12 =	simm.s32 $0x0;
	[sflag:s30] =	ssyncadd.s32 $0xFFFFC000  }
.LBB2_78:
0x5ea: {  	s13 =	sand.u32 $0x7, s11  }
0x5eb: {  	s13 =	sshll.u32 s13, $0x9  }
0x5ec: {  	s13 =	sshrl.u32 s13, $0x2  }
0x5ed: {  	v3 =	vmov s13;
	_ =	sdelay $0x2  }
0x5ee: {  	s14 =	sand.u32 $0x3FFFE000, s5  }
0x5ef: {  	s16 =	sadd.s32 $0x14240, s14  }
0x5f0: {  	v4 =	vld.idx.msk [tilespmem:v3+s16+$0x30 ss:$0x1], $0xffff  }
0x5f1: {  	v5 =	vld.idx.msk [tilespmem:v3+s16+$0xFFFFFFD0 ss:$0x1], $0xffff  }
0x5f2: {  	v6 =	vld.idx.msk [tilespmem:v3+s16+$0xFFFFFFE0 ss:$0x1], $0xffff  }
0x5f3: {  	v7 =	vld.idx.msk [tilespmem:v3+s16+$0xFFFFFFF0 ss:$0x1], $0xffff  }
0x5f4: {  	v8 =	vld.idx.msk [tilespmem:v3+s16+$0x0 ss:$0x1], $0xffff  }
0x5f5: {  	s14 =	sadd.s32 $0x10200, s14;
	v9 =	vld.idx.msk [tilespmem:v3+s16+$0x10 ss:$0x1], $0xffff  }
0x5f6: {  	s17 =	sadd.s32 s13, s14;
	v10 =	vld.idx.msk [tilespmem:v3+s16+$0xFFFFFFC0 ss:$0x1], $0xffff  }
0x5f7: {  	[tilespmem:s17+$0x70] =	vst.add.f32.msk $0xffff, v4  }
0x5f8: {  	v4 =	vld.idx.msk [tilespmem:v3+s16+$0x20 ss:$0x1], $0xffff  }
0x5f9: {  	[tilespmem:s17+$0x10] =	vst.add.f32.msk $0xffff, v5  }
0x5fa: {  	[tilespmem:s17+$0x20] =	vst.add.f32.msk $0xffff, v6  }
0x5fb: {  	[tilespmem:s17+$0x30] =	vst.add.f32.msk $0xffff, v7  }
0x5fc: {  	[tilespmem:s17+$0x40] =	vst.add.f32.msk $0xffff, v8  }
0x5fd: {  	[tilespmem:s17+$0x50] =	vst.add.f32.msk $0xffff, v9  }
0x5fe: {  	[tilespmem:s17+$0x0] =	vst.add.f32.msk $0xffff, v10  }
0x5ff: {  	s15 =	simm.s32 $0x0;
	s16 =	sadd.s32 $0x400, s16;
	[tilespmem:s17+$0x60] =	vst.add.f32.msk $0xffff, v4  }
.LBB2_79:
0x600: {  	v4 =	vld.idx.msk [tilespmem:v3+s16+$0x30 ss:$0x1], $0xffff;
	s15 =	sadd.s32 $0x8, s15  }
0x601: {  	v5 =	vld.idx.msk [tilespmem:v3+s16+$0xFFFFFFD0 ss:$0x1], $0xffff;
	p0 =	slt.u32 s15, $0x38  }
0x602: {  	v6 =	vld.idx.msk [tilespmem:v3+s16+$0xFFFFFFE0 ss:$0x1], $0xffff  }
0x603: {  	v7 =	vld.idx.msk [tilespmem:v3+s16+$0xFFFFFFF0 ss:$0x1], $0xffff  }
0x604: {  	s14 =	sadd.s32 $0x400, s14;
	v8 =	vld.idx.msk [tilespmem:v3+s16+$0x0 ss:$0x1], $0xffff  }
0x605: {  	s17 =	sadd.s32 s13, s14;
	v9 =	vld.idx.msk [tilespmem:v3+s16+$0x10 ss:$0x1], $0xffff  }
0x606: {  	[tilespmem:s17+$0x70] =	vst.add.f32.msk $0xffff, v4  }
0x607: {  	v4 =	vld.idx.msk [tilespmem:v3+s16+$0x20 ss:$0x1], $0xffff  }
0x608: {  	v10 =	vld.idx.msk [tilespmem:v3+s16+$0xFFFFFFC0 ss:$0x1], $0xffff  }
0x609: {  	[tilespmem:s17+$0x10] =	vst.add.f32.msk $0xffff, v5  }
0x60a: {  	[tilespmem:s17+$0x20] =	vst.add.f32.msk $0xffff, v6  }
.Ltmp38:
0x60b: {  	[tilespmem:s17+$0x30] =	vst.add.f32.msk $0xffff, v7;
	(pc) =	sbr.rel @p0 .LBB2_79-.Ltmp38, $4  }
0x60c: {  	[tilespmem:s17+$0x40] =	vst.add.f32.msk $0xffff, v8  }
0x60d: {  	[tilespmem:s17+$0x50] =	vst.add.f32.msk $0xffff, v9  }
0x60e: {  	[tilespmem:s17+$0x0] =	vst.add.f32.msk $0xffff, v10  }
0x60f: {  	s16 =	sadd.s32 $0x400, s16;
	[tilespmem:s17+$0x60] =	vst.add.f32.msk $0xffff, v4  }
0x610: {  	s12 =	sadd.s32 $0x1, s12  }
0x611: {  	p0 =	sne.s32 s12, $0x10  }
.Ltmp39:
0x612: {  	_ = 	snop;
	(pc) =	sbr.rel @p0 .LBB2_78-.Ltmp39, $2  }
0x613: {  	_ =	sdelay $0x2  }
0x614: {  	s11 =	sadd.s32 $0x1, s11;
	s5 =	sadd.s32 $0x400, s5  }
0x615: {  	s11 =	sld [smem:$0x7F4];
	_ =	sdelay $0x1  }
0x616: {  	s5 =	simm.s32 $0x0  }
0x617: {  	[hbm4b:s11+s5] =	stream.linear.scatter [tilespmem:s22], [sflag:$0xA], $0x4000, $0x38;
	[tilespmem:$0x1C200] =	vst v63  }
0x618: {  	s16 =	rddreg [dreg:$0x11];
	s12 =	simm.s32 $0x14200  }
0x619: {  	[tilespmem:s12], [sflag:$0xB] =	stream.linear.gather [hbm4b:s16+s5], $0x4000, $0x38;
	[tilespmem:$0x1C200] =	vst v63  }
0x61a: {  	_ =	swait.ge [sflag:s31], $0x4000  }
0x61b: {  	[sflag:s31] =	ssyncset.done $0x0  }
0x61c: {  	[sflag:s31] =	ssyncadd.s32 $0xFFFFC000  }
0x61d: {  	v3 =	vld [tilespmem:$0x150];
	_ =	sdelay $0x4  }
0x61e: {  	v4 =	vshll.u32 v3, $0x3  }
0x61f: {  	v3 =	vand.u32 $0x7, v3;
	v4 =	vand.u32 $0xFFFFFFC0, v4  }
0x620: {  	v3 =	vor.u32 v3, v4  }
0x621: {  	v4 =	vperm.xlane v3, v0;
	_ =	sdelay $0x1  }
0x622: {  	v4 =	vadd.s32 v1, v4;
	_ =	sdelay $0x4  }
0x623: {  	[tilespmem:s18], [sflag:$0x3] =	stream.indirect_vreg.gather [hbm4b:s1+s5], $0x80, v4, vm0, $0xb8;
	[tilespmem:$0x1C200] =	vst v63  }
0x624: {  	s17 =	simm.s32 $0x8A00;
	v3 =	vperm.xlane v3, v2  }
0x625: {  	[tilespmem:s17], [sflag:$0x3] =	stream.indirect_vreg.gather [hbm4b:s7+s5], $0x80, v4, vm0, $0xb8;
	[tilespmem:$0x1C200] =	vst v63  }
0x626: {  	s12 =	simm.s32 $0x9200;
	v3 =	vadd.s32 v1, v3  }
0x627: {  	[tilespmem:s12], [sflag:$0x3] =	stream.indirect_vreg.gather [hbm4b:s8+s5], $0x80, v4, vm0, $0xb8;
	[tilespmem:$0x1C200] =	vst v63  }
0x628: {  	s13 =	simm.s32 $0x9A00  }
0x629: {  	[tilespmem:s13], [sflag:$0x3] =	stream.indirect_vreg.gather [hbm4b:s9+s5], $0x80, v4, vm0, $0xb8;
	[tilespmem:$0x1C200] =	vst v63  }
0x62a: {  	s14 =	simm.s32 $0xA200  }
0x62b: {  	[tilespmem:s14], [sflag:$0x3] =	stream.indirect_vreg.gather [hbm4b:s1+s5], $0x80, v3, vm0, $0xb8;
	[tilespmem:$0x1C200] =	vst v63  }
0x62c: {  	s15 =	simm.s32 $0xAA00  }
0x62d: {  	[tilespmem:s15], [sflag:$0x3] =	stream.indirect_vreg.gather [hbm4b:s7+s5], $0x80, v3, vm0, $0xb8;
	[tilespmem:$0x1C200] =	vst v63  }
0x62e: {  	s16 =	simm.s32 $0xB200  }
0x62f: {  	[tilespmem:s16], [sflag:$0x3] =	stream.indirect_vreg.gather [hbm4b:s8+s5], $0x80, v3, vm0, $0xb8;
	[tilespmem:$0x1C200] =	vst v63  }
0x630: {  	s17 =	simm.s32 $0xBA00  }
0x631: {  	[tilespmem:s17], [sflag:$0x3] =	stream.indirect_vreg.gather [hbm4b:s9+s5], $0x80, v3, vm0, $0xb8;
	[tilespmem:$0x1C200] =	vst v63  }
0x632: {  	_ =	swait.ge [sflag:s29], $0x4000  }
0x633: {  	[sflag:s29] =	ssyncset.done $0x0  }
0x634: {  	[sflag:s29] =	ssyncadd.s32 $0xFFFFC000  }
0x635: {  	_ =	swait.ge [sflag:s26], $0x4000  }
0x636: {  	[sflag:s26] =	ssyncset.done $0x0  }
0x637: {  	s11 =	simm.s32 $0x0;
	s12 =	simm.s32 $0x0;
	[sflag:s26] =	ssyncadd.s32 $0xFFFFC000  }
.LBB2_82:
0x638: {  	s13 =	sand.u32 $0x7, s11  }
0x639: {  	s13 =	sshll.u32 s13, $0x9  }
0x63a: {  	s13 =	sshrl.u32 s13, $0x2  }
0x63b: {  	v3 =	vmov s13;
	_ =	sdelay $0x2  }
0x63c: {  	s14 =	sand.u32 $0x3FFFE000, s5  }
0x63d: {  	s16 =	sadd.s32 $0x18240, s14  }
0x63e: {  	v4 =	vld.idx.msk [tilespmem:v3+s16+$0x30 ss:$0x1], $0xffff  }
0x63f: {  	v5 =	vld.idx.msk [tilespmem:v3+s16+$0xFFFFFFD0 ss:$0x1], $0xffff  }
0x640: {  	v6 =	vld.idx.msk [tilespmem:v3+s16+$0xFFFFFFE0 ss:$0x1], $0xffff  }
0x641: {  	v7 =	vld.idx.msk [tilespmem:v3+s16+$0xFFFFFFF0 ss:$0x1], $0xffff  }
0x642: {  	v8 =	vld.idx.msk [tilespmem:v3+s16+$0x0 ss:$0x1], $0xffff  }
0x643: {  	s14 =	sor.u32 $0x200, s14;
	v9 =	vld.idx.msk [tilespmem:v3+s16+$0x10 ss:$0x1], $0xffff  }
0x644: {  	s17 =	sadd.s32 s13, s14;
	v10 =	vld.idx.msk [tilespmem:v3+s16+$0xFFFFFFC0 ss:$0x1], $0xffff  }
0x645: {  	[tilespmem:s17+$0x70] =	vst.add.f32.msk $0xffff, v4  }
0x646: {  	v4 =	vld.idx.msk [tilespmem:v3+s16+$0x20 ss:$0x1], $0xffff  }
0x647: {  	[tilespmem:s17+$0x10] =	vst.add.f32.msk $0xffff, v5  }
0x648: {  	[tilespmem:s17+$0x20] =	vst.add.f32.msk $0xffff, v6  }
0x649: {  	[tilespmem:s17+$0x30] =	vst.add.f32.msk $0xffff, v7  }
0x64a: {  	[tilespmem:s17+$0x40] =	vst.add.f32.msk $0xffff, v8  }
0x64b: {  	[tilespmem:s17+$0x50] =	vst.add.f32.msk $0xffff, v9  }
0x64c: {  	[tilespmem:s17+$0x0] =	vst.add.f32.msk $0xffff, v10  }
0x64d: {  	s15 =	simm.s32 $0x0;
	s16 =	sadd.s32 $0x400, s16;
	[tilespmem:s17+$0x60] =	vst.add.f32.msk $0xffff, v4  }
.LBB2_83:
0x64e: {  	v4 =	vld.idx.msk [tilespmem:v3+s16+$0x30 ss:$0x1], $0xffff;
	s15 =	sadd.s32 $0x8, s15  }
0x64f: {  	v5 =	vld.idx.msk [tilespmem:v3+s16+$0xFFFFFFD0 ss:$0x1], $0xffff;
	p0 =	slt.u32 s15, $0x38  }
0x650: {  	v6 =	vld.idx.msk [tilespmem:v3+s16+$0xFFFFFFE0 ss:$0x1], $0xffff  }
0x651: {  	v7 =	vld.idx.msk [tilespmem:v3+s16+$0xFFFFFFF0 ss:$0x1], $0xffff  }
0x652: {  	s14 =	sadd.s32 $0x400, s14;
	v8 =	vld.idx.msk [tilespmem:v3+s16+$0x0 ss:$0x1], $0xffff  }
0x653: {  	s17 =	sadd.s32 s13, s14;
	v9 =	vld.idx.msk [tilespmem:v3+s16+$0x10 ss:$0x1], $0xffff  }
0x654: {  	[tilespmem:s17+$0x70] =	vst.add.f32.msk $0xffff, v4  }
0x655: {  	v4 =	vld.idx.msk [tilespmem:v3+s16+$0x20 ss:$0x1], $0xffff  }
0x656: {  	v10 =	vld.idx.msk [tilespmem:v3+s16+$0xFFFFFFC0 ss:$0x1], $0xffff  }
0x657: {  	[tilespmem:s17+$0x10] =	vst.add.f32.msk $0xffff, v5  }
0x658: {  	[tilespmem:s17+$0x20] =	vst.add.f32.msk $0xffff, v6  }
.Ltmp40:
0x659: {  	[tilespmem:s17+$0x30] =	vst.add.f32.msk $0xffff, v7;
	(pc) =	sbr.rel @p0 .LBB2_83-.Ltmp40, $4  }
0x65a: {  	[tilespmem:s17+$0x40] =	vst.add.f32.msk $0xffff, v8  }
0x65b: {  	[tilespmem:s17+$0x50] =	vst.add.f32.msk $0xffff, v9  }
0x65c: {  	[tilespmem:s17+$0x0] =	vst.add.f32.msk $0xffff, v10  }
0x65d: {  	s16 =	sadd.s32 $0x400, s16;
	[tilespmem:s17+$0x60] =	vst.add.f32.msk $0xffff, v4  }
0x65e: {  	s12 =	sadd.s32 $0x1, s12  }
0x65f: {  	p0 =	sne.s32 s12, $0x10  }
.Ltmp41:
0x660: {  	_ = 	snop;
	(pc) =	sbr.rel @p0 .LBB2_82-.Ltmp41, $2  }
0x661: {  	_ =	sdelay $0x2  }
0x662: {  	s11 =	sadd.s32 $0x1, s11;
	s5 =	sadd.s32 $0x400, s5  }
0x663: {  	s5 =	simm.s32 $0x0;
	s11 =	rddreg [dreg:$0x12]  }
0x664: {  	[hbm4b:s11+s5] =	stream.linear.scatter [tilespmem:s28], [sflag:$0x6], $0x4000, $0x38;
	[tilespmem:$0x1C200] =	vst v63  }
0x665: {  	_ =	swait.ge [sflag:s0], $0x4000  }
0x666: {  	[sflag:s0] =	ssyncset.done $0x0  }
0x667: {  	[sflag:s0] =	ssyncadd.s32 $0xFFFFC000  }
0x668: {  	v3 =	vld [tilespmem:$0x1D0];
	_ =	sdelay $0x4  }
0x669: {  	v4 =	vshll.u32 v3, $0x3  }
0x66a: {  	v3 =	vand.u32 $0x7, v3;
	v4 =	vand.u32 $0xFFFFFFC0, v4  }
0x66b: {  	v3 =	vor.u32 v3, v4  }
0x66c: {  	v4 =	vperm.xlane v3, v0;
	_ =	sdelay $0x1  }
0x66d: {  	v4 =	vadd.s32 v1, v4;
	_ =	sdelay $0x4  }
0x66e: {  	[tilespmem:s19], [sflag:$0x4] =	stream.indirect_vreg.gather [hbm4b:s1+s5], $0x80, v4, vm0, $0xb8;
	[tilespmem:$0x1C200] =	vst v63  }
0x66f: {  	s17 =	simm.s32 $0xCA00;
	v3 =	vperm.xlane v3, v2  }
0x670: {  	[tilespmem:s17], [sflag:$0x4] =	stream.indirect_vreg.gather [hbm4b:s7+s5], $0x80, v4, vm0, $0xb8;
	[tilespmem:$0x1C200] =	vst v63  }
0x671: {  	s12 =	simm.s32 $0xD200;
	v3 =	vadd.s32 v1, v3  }
0x672: {  	[tilespmem:s12], [sflag:$0x4] =	stream.indirect_vreg.gather [hbm4b:s8+s5], $0x80, v4, vm0, $0xb8;
	[tilespmem:$0x1C200] =	vst v63  }
0x673: {  	s13 =	simm.s32 $0xDA00  }
0x674: {  	[tilespmem:s13], [sflag:$0x4] =	stream.indirect_vreg.gather [hbm4b:s9+s5], $0x80, v4, vm0, $0xb8;
	[tilespmem:$0x1C200] =	vst v63  }
0x675: {  	s14 =	simm.s32 $0xE200  }
0x676: {  	[tilespmem:s14], [sflag:$0x4] =	stream.indirect_vreg.gather [hbm4b:s1+s5], $0x80, v3, vm0, $0xb8;
	[tilespmem:$0x1C200] =	vst v63  }
0x677: {  	s15 =	simm.s32 $0xEA00  }
0x678: {  	[tilespmem:s15], [sflag:$0x4] =	stream.indirect_vreg.gather [hbm4b:s7+s5], $0x80, v3, vm0, $0xb8;
	[tilespmem:$0x1C200] =	vst v63  }
0x679: {  	s16 =	simm.s32 $0xF200  }
0x67a: {  	[tilespmem:s16], [sflag:$0x4] =	stream.indirect_vreg.gather [hbm4b:s8+s5], $0x80, v3, vm0, $0xb8;
	[tilespmem:$0x1C200] =	vst v63  }
0x67b: {  	s17 =	simm.s32 $0xFA00  }
0x67c: {  	[tilespmem:s17], [sflag:$0x4] =	stream.indirect_vreg.gather [hbm4b:s9+s5], $0x80, v3, vm0, $0xb8;
	[tilespmem:$0x1C200] =	vst v63  }
0x67d: {  	_ =	swait.ge [sflag:s21], $0x4000  }
0x67e: {  	[sflag:s21] =	ssyncset.done $0x0  }
0x67f: {  	s11 =	simm.s32 $0x0;
	s12 =	simm.s32 $0x0;
	[sflag:s21] =	ssyncadd.s32 $0xFFFFC000  }
.LBB2_86:
0x680: {  	s13 =	sand.u32 $0x7, s11  }
0x681: {  	s13 =	sshll.u32 s13, $0x9  }
0x682: {  	s13 =	sshrl.u32 s13, $0x2  }
0x683: {  	v3 =	vmov s13;
	_ =	sdelay $0x2  }
0x684: {  	s14 =	sand.u32 $0x3FFFE000, s5  }
0x685: {  	s16 =	sadd.s32 $0x18240, s14  }
0x686: {  	v4 =	vld.idx.msk [tilespmem:v3+s16+$0x30 ss:$0x1], $0xffff  }
0x687: {  	v5 =	vld.idx.msk [tilespmem:v3+s16+$0xFFFFFFD0 ss:$0x1], $0xffff  }
0x688: {  	v6 =	vld.idx.msk [tilespmem:v3+s16+$0xFFFFFFE0 ss:$0x1], $0xffff  }
0x689: {  	v7 =	vld.idx.msk [tilespmem:v3+s16+$0xFFFFFFF0 ss:$0x1], $0xffff  }
0x68a: {  	v8 =	vld.idx.msk [tilespmem:v3+s16+$0x0 ss:$0x1], $0xffff  }
0x68b: {  	s14 =	sadd.s32 $0x4200, s14;
	v9 =	vld.idx.msk [tilespmem:v3+s16+$0x10 ss:$0x1], $0xffff  }
0x68c: {  	s17 =	sadd.s32 s13, s14;
	v10 =	vld.idx.msk [tilespmem:v3+s16+$0xFFFFFFC0 ss:$0x1], $0xffff  }
0x68d: {  	[tilespmem:s17+$0x70] =	vst.add.f32.msk $0xffff, v4  }
0x68e: {  	v4 =	vld.idx.msk [tilespmem:v3+s16+$0x20 ss:$0x1], $0xffff  }
0x68f: {  	[tilespmem:s17+$0x10] =	vst.add.f32.msk $0xffff, v5  }
0x690: {  	[tilespmem:s17+$0x20] =	vst.add.f32.msk $0xffff, v6  }
0x691: {  	[tilespmem:s17+$0x30] =	vst.add.f32.msk $0xffff, v7  }
0x692: {  	[tilespmem:s17+$0x40] =	vst.add.f32.msk $0xffff, v8  }
0x693: {  	[tilespmem:s17+$0x50] =	vst.add.f32.msk $0xffff, v9  }
0x694: {  	[tilespmem:s17+$0x0] =	vst.add.f32.msk $0xffff, v10  }
0x695: {  	s15 =	simm.s32 $0x0;
	s16 =	sadd.s32 $0x400, s16;
	[tilespmem:s17+$0x60] =	vst.add.f32.msk $0xffff, v4  }
.LBB2_87:
0x696: {  	v4 =	vld.idx.msk [tilespmem:v3+s16+$0x30 ss:$0x1], $0xffff;
	s15 =	sadd.s32 $0x8, s15  }
0x697: {  	v5 =	vld.idx.msk [tilespmem:v3+s16+$0xFFFFFFD0 ss:$0x1], $0xffff;
	p0 =	slt.u32 s15, $0x38  }
0x698: {  	v6 =	vld.idx.msk [tilespmem:v3+s16+$0xFFFFFFE0 ss:$0x1], $0xffff  }
0x699: {  	v7 =	vld.idx.msk [tilespmem:v3+s16+$0xFFFFFFF0 ss:$0x1], $0xffff  }
0x69a: {  	s14 =	sadd.s32 $0x400, s14;
	v8 =	vld.idx.msk [tilespmem:v3+s16+$0x0 ss:$0x1], $0xffff  }
0x69b: {  	s17 =	sadd.s32 s13, s14;
	v9 =	vld.idx.msk [tilespmem:v3+s16+$0x10 ss:$0x1], $0xffff  }
0x69c: {  	[tilespmem:s17+$0x70] =	vst.add.f32.msk $0xffff, v4  }
0x69d: {  	v4 =	vld.idx.msk [tilespmem:v3+s16+$0x20 ss:$0x1], $0xffff  }
0x69e: {  	v10 =	vld.idx.msk [tilespmem:v3+s16+$0xFFFFFFC0 ss:$0x1], $0xffff  }
0x69f: {  	[tilespmem:s17+$0x10] =	vst.add.f32.msk $0xffff, v5  }
0x6a0: {  	[tilespmem:s17+$0x20] =	vst.add.f32.msk $0xffff, v6  }
.Ltmp42:
0x6a1: {  	[tilespmem:s17+$0x30] =	vst.add.f32.msk $0xffff, v7;
	(pc) =	sbr.rel @p0 .LBB2_87-.Ltmp42, $4  }
0x6a2: {  	[tilespmem:s17+$0x40] =	vst.add.f32.msk $0xffff, v8  }
0x6a3: {  	[tilespmem:s17+$0x50] =	vst.add.f32.msk $0xffff, v9  }
0x6a4: {  	[tilespmem:s17+$0x0] =	vst.add.f32.msk $0xffff, v10  }
0x6a5: {  	s16 =	sadd.s32 $0x400, s16;
	[tilespmem:s17+$0x60] =	vst.add.f32.msk $0xffff, v4  }
0x6a6: {  	s12 =	sadd.s32 $0x1, s12  }
0x6a7: {  	p0 =	sne.s32 s12, $0x10  }
.Ltmp43:
0x6a8: {  	_ = 	snop;
	(pc) =	sbr.rel @p0 .LBB2_86-.Ltmp43, $2  }
0x6a9: {  	_ =	sdelay $0x2  }
0x6aa: {  	s11 =	sadd.s32 $0x1, s11;
	s5 =	sadd.s32 $0x400, s5  }
0x6ab: {  	s11 =	sld [smem:$0x7F5];
	_ =	sdelay $0x1  }
0x6ac: {  	s5 =	simm.s32 $0x0  }
0x6ad: {  	[hbm4b:s11+s5] =	stream.linear.scatter [tilespmem:s6], [sflag:$0x7], $0x4000, $0x38;
	[tilespmem:$0x1C200] =	vst v63  }
0x6ae: {  	_ =	swait.ge [sflag:s2], $0x4000  }
0x6af: {  	[sflag:s2] =	ssyncset.done $0x0  }
0x6b0: {  	[sflag:s2] =	ssyncadd.s32 $0xFFFFC000  }
0x6b1: {  	v3 =	vld [tilespmem:$0x60];
	_ =	sdelay $0x4  }
0x6b2: {  	v4 =	vshll.u32 v3, $0x3  }
0x6b3: {  	v3 =	vand.u32 $0x7, v3;
	v4 =	vand.u32 $0xFFFFFFC0, v4  }
0x6b4: {  	v3 =	vor.u32 v3, v4  }
0x6b5: {  	v4 =	vperm.xlane v3, v0;
	_ =	sdelay $0x1  }
0x6b6: {  	v4 =	vadd.s32 v1, v4;
	_ =	sdelay $0x4  }
0x6b7: {  	[tilespmem:s22], [sflag:$0x5] =	stream.indirect_vreg.gather [hbm4b:s1+s5], $0x80, v4, vm0, $0xb8;
	[tilespmem:$0x1C200] =	vst v63  }
0x6b8: {  	s17 =	simm.s32 $0x10A00;
	v3 =	vperm.xlane v3, v2  }
0x6b9: {  	[tilespmem:s17], [sflag:$0x5] =	stream.indirect_vreg.gather [hbm4b:s7+s5], $0x80, v4, vm0, $0xb8;
	[tilespmem:$0x1C200] =	vst v63  }
0x6ba: {  	s12 =	simm.s32 $0x11200;
	v3 =	vadd.s32 v1, v3  }
0x6bb: {  	[tilespmem:s12], [sflag:$0x5] =	stream.indirect_vreg.gather [hbm4b:s8+s5], $0x80, v4, vm0, $0xb8;
	[tilespmem:$0x1C200] =	vst v63  }
0x6bc: {  	s13 =	simm.s32 $0x11A00  }
0x6bd: {  	[tilespmem:s13], [sflag:$0x5] =	stream.indirect_vreg.gather [hbm4b:s9+s5], $0x80, v4, vm0, $0xb8;
	[tilespmem:$0x1C200] =	vst v63  }
0x6be: {  	s14 =	simm.s32 $0x12200  }
0x6bf: {  	[tilespmem:s14], [sflag:$0x5] =	stream.indirect_vreg.gather [hbm4b:s1+s5], $0x80, v3, vm0, $0xb8;
	[tilespmem:$0x1C200] =	vst v63  }
0x6c0: {  	s15 =	simm.s32 $0x12A00  }
0x6c1: {  	[tilespmem:s15], [sflag:$0x5] =	stream.indirect_vreg.gather [hbm4b:s7+s5], $0x80, v3, vm0, $0xb8;
	[tilespmem:$0x1C200] =	vst v63  }
0x6c2: {  	s16 =	simm.s32 $0x13200  }
0x6c3: {  	[tilespmem:s16], [sflag:$0x5] =	stream.indirect_vreg.gather [hbm4b:s8+s5], $0x80, v3, vm0, $0xb8;
	[tilespmem:$0x1C200] =	vst v63  }
0x6c4: {  	s17 =	simm.s32 $0x13A00  }
0x6c5: {  	[tilespmem:s17], [sflag:$0x5] =	stream.indirect_vreg.gather [hbm4b:s9+s5], $0x80, v3, vm0, $0xb8;
	[tilespmem:$0x1C200] =	vst v63  }
0x6c6: {  	_ =	swait.ge [sflag:s20], $0x4000  }
0x6c7: {  	[sflag:s20] =	ssyncset.done $0x0  }
0x6c8: {  	s11 =	simm.s32 $0x0;
	s12 =	simm.s32 $0x0;
	[sflag:s20] =	ssyncadd.s32 $0xFFFFC000  }
.LBB2_90:
0x6c9: {  	s13 =	sand.u32 $0x7, s11  }
0x6ca: {  	s13 =	sshll.u32 s13, $0x9  }
0x6cb: {  	s13 =	sshrl.u32 s13, $0x2  }
0x6cc: {  	v3 =	vmov s13;
	_ =	sdelay $0x2  }
0x6cd: {  	s14 =	sand.u32 $0x3FFFE000, s5  }
0x6ce: {  	s16 =	sadd.s32 $0x18240, s14  }
0x6cf: {  	v4 =	vld.idx.msk [tilespmem:v3+s16+$0x30 ss:$0x1], $0xffff  }
0x6d0: {  	v5 =	vld.idx.msk [tilespmem:v3+s16+$0xFFFFFFD0 ss:$0x1], $0xffff  }
0x6d1: {  	v6 =	vld.idx.msk [tilespmem:v3+s16+$0xFFFFFFE0 ss:$0x1], $0xffff  }
0x6d2: {  	v7 =	vld.idx.msk [tilespmem:v3+s16+$0xFFFFFFF0 ss:$0x1], $0xffff  }
0x6d3: {  	v8 =	vld.idx.msk [tilespmem:v3+s16+$0x0 ss:$0x1], $0xffff  }
0x6d4: {  	s14 =	sadd.s32 $0x8200, s14;
	v9 =	vld.idx.msk [tilespmem:v3+s16+$0x10 ss:$0x1], $0xffff  }
0x6d5: {  	s17 =	sadd.s32 s13, s14;
	v10 =	vld.idx.msk [tilespmem:v3+s16+$0xFFFFFFC0 ss:$0x1], $0xffff  }
0x6d6: {  	[tilespmem:s17+$0x70] =	vst.add.f32.msk $0xffff, v4  }
0x6d7: {  	v4 =	vld.idx.msk [tilespmem:v3+s16+$0x20 ss:$0x1], $0xffff  }
0x6d8: {  	[tilespmem:s17+$0x10] =	vst.add.f32.msk $0xffff, v5  }
0x6d9: {  	[tilespmem:s17+$0x20] =	vst.add.f32.msk $0xffff, v6  }
0x6da: {  	[tilespmem:s17+$0x30] =	vst.add.f32.msk $0xffff, v7  }
0x6db: {  	[tilespmem:s17+$0x40] =	vst.add.f32.msk $0xffff, v8  }
0x6dc: {  	[tilespmem:s17+$0x50] =	vst.add.f32.msk $0xffff, v9  }
0x6dd: {  	[tilespmem:s17+$0x0] =	vst.add.f32.msk $0xffff, v10  }
0x6de: {  	s15 =	simm.s32 $0x0;
	s16 =	sadd.s32 $0x400, s16;
	[tilespmem:s17+$0x60] =	vst.add.f32.msk $0xffff, v4  }
.LBB2_91:
0x6df: {  	v4 =	vld.idx.msk [tilespmem:v3+s16+$0x30 ss:$0x1], $0xffff;
	s15 =	sadd.s32 $0x8, s15  }
0x6e0: {  	v5 =	vld.idx.msk [tilespmem:v3+s16+$0xFFFFFFD0 ss:$0x1], $0xffff;
	p0 =	slt.u32 s15, $0x38  }
0x6e1: {  	v6 =	vld.idx.msk [tilespmem:v3+s16+$0xFFFFFFE0 ss:$0x1], $0xffff  }
0x6e2: {  	v7 =	vld.idx.msk [tilespmem:v3+s16+$0xFFFFFFF0 ss:$0x1], $0xffff  }
0x6e3: {  	s14 =	sadd.s32 $0x400, s14;
	v8 =	vld.idx.msk [tilespmem:v3+s16+$0x0 ss:$0x1], $0xffff  }
0x6e4: {  	s17 =	sadd.s32 s13, s14;
	v9 =	vld.idx.msk [tilespmem:v3+s16+$0x10 ss:$0x1], $0xffff  }
0x6e5: {  	[tilespmem:s17+$0x70] =	vst.add.f32.msk $0xffff, v4  }
0x6e6: {  	v4 =	vld.idx.msk [tilespmem:v3+s16+$0x20 ss:$0x1], $0xffff  }
0x6e7: {  	v10 =	vld.idx.msk [tilespmem:v3+s16+$0xFFFFFFC0 ss:$0x1], $0xffff  }
0x6e8: {  	[tilespmem:s17+$0x10] =	vst.add.f32.msk $0xffff, v5  }
0x6e9: {  	[tilespmem:s17+$0x20] =	vst.add.f32.msk $0xffff, v6  }
.Ltmp44:
0x6ea: {  	[tilespmem:s17+$0x30] =	vst.add.f32.msk $0xffff, v7;
	(pc) =	sbr.rel @p0 .LBB2_91-.Ltmp44, $4  }
0x6eb: {  	[tilespmem:s17+$0x40] =	vst.add.f32.msk $0xffff, v8  }
0x6ec: {  	[tilespmem:s17+$0x50] =	vst.add.f32.msk $0xffff, v9  }
0x6ed: {  	[tilespmem:s17+$0x0] =	vst.add.f32.msk $0xffff, v10  }
0x6ee: {  	s16 =	sadd.s32 $0x400, s16;
	[tilespmem:s17+$0x60] =	vst.add.f32.msk $0xffff, v4  }
0x6ef: {  	s12 =	sadd.s32 $0x1, s12  }
0x6f0: {  	p0 =	sne.s32 s12, $0x10  }
.Ltmp45:
0x6f1: {  	_ = 	snop;
	(pc) =	sbr.rel @p0 .LBB2_90-.Ltmp45, $2  }
0x6f2: {  	_ =	sdelay $0x2  }
0x6f3: {  	s11 =	sadd.s32 $0x1, s11;
	s5 =	sadd.s32 $0x400, s5  }
0x6f4: {  	s11 =	sld [smem:$0x7F6];
	_ =	sdelay $0x1  }
0x6f5: {  	s5 =	simm.s32 $0x0  }
0x6f6: {  	[hbm4b:s11+s5] =	stream.linear.scatter [tilespmem:s18], [sflag:$0x8], $0x4000, $0x38;
	[tilespmem:$0x1C200] =	vst v63  }
0x6f7: {  	_ =	swait.ge [sflag:s23], $0x4000  }
0x6f8: {  	[sflag:s23] =	ssyncset.done $0x0  }
0x6f9: {  	[sflag:s23] =	ssyncadd.s32 $0xFFFFC000  }
0x6fa: {  	v3 =	vld [tilespmem:$0xE0];
	_ =	sdelay $0x4  }
0x6fb: {  	v4 =	vshll.u32 v3, $0x3  }
0x6fc: {  	v3 =	vand.u32 $0x7, v3;
	v4 =	vand.u32 $0xFFFFFFC0, v4  }
0x6fd: {  	v3 =	vor.u32 v3, v4  }
0x6fe: {  	v4 =	vperm.xlane v3, v0;
	_ =	sdelay $0x1  }
0x6ff: {  	v4 =	vadd.s32 v1, v4;
	_ =	sdelay $0x4  }
0x700: {  	[tilespmem:s28], [sflag:$0x1] =	stream.indirect_vreg.gather [hbm4b:s1+s5], $0x80, v4, vm0, $0xb8;
	[tilespmem:$0x1C200] =	vst v63  }
0x701: {  	s17 =	simm.s32 $0xA00;
	v3 =	vperm.xlane v3, v2  }
0x702: {  	[tilespmem:s17], [sflag:$0x1] =	stream.indirect_vreg.gather [hbm4b:s7+s5], $0x80, v4, vm0, $0xb8;
	[tilespmem:$0x1C200] =	vst v63  }
0x703: {  	s12 =	simm.s32 $0x1200;
	v3 =	vadd.s32 v1, v3  }
0x704: {  	[tilespmem:s12], [sflag:$0x1] =	stream.indirect_vreg.gather [hbm4b:s8+s5], $0x80, v4, vm0, $0xb8;
	[tilespmem:$0x1C200] =	vst v63  }
0x705: {  	s13 =	simm.s32 $0x1A00  }
0x706: {  	[tilespmem:s13], [sflag:$0x1] =	stream.indirect_vreg.gather [hbm4b:s9+s5], $0x80, v4, vm0, $0xb8;
	[tilespmem:$0x1C200] =	vst v63  }
0x707: {  	s14 =	simm.s32 $0x2200  }
0x708: {  	[tilespmem:s14], [sflag:$0x1] =	stream.indirect_vreg.gather [hbm4b:s1+s5], $0x80, v3, vm0, $0xb8;
	[tilespmem:$0x1C200] =	vst v63  }
0x709: {  	s15 =	simm.s32 $0x2A00  }
0x70a: {  	[tilespmem:s15], [sflag:$0x1] =	stream.indirect_vreg.gather [hbm4b:s7+s5], $0x80, v3, vm0, $0xb8;
	[tilespmem:$0x1C200] =	vst v63  }
0x70b: {  	s16 =	simm.s32 $0x3200  }
0x70c: {  	[tilespmem:s16], [sflag:$0x1] =	stream.indirect_vreg.gather [hbm4b:s8+s5], $0x80, v3, vm0, $0xb8;
	[tilespmem:$0x1C200] =	vst v63  }
0x70d: {  	s17 =	simm.s32 $0x3A00  }
0x70e: {  	[tilespmem:s17], [sflag:$0x1] =	stream.indirect_vreg.gather [hbm4b:s9+s5], $0x80, v3, vm0, $0xb8;
	[tilespmem:$0x1C200] =	vst v63  }
0x70f: {  	_ =	swait.ge [sflag:s24], $0x4000  }
0x710: {  	[sflag:s24] =	ssyncset.done $0x0  }
0x711: {  	s11 =	simm.s32 $0x0;
	s12 =	simm.s32 $0x0;
	[sflag:s24] =	ssyncadd.s32 $0xFFFFC000  }
.LBB2_94:
0x712: {  	s13 =	sand.u32 $0x7, s11  }
0x713: {  	s13 =	sshll.u32 s13, $0x9  }
0x714: {  	s13 =	sshrl.u32 s13, $0x2  }
0x715: {  	v3 =	vmov s13;
	_ =	sdelay $0x2  }
0x716: {  	s14 =	sand.u32 $0x3FFFE000, s5  }
0x717: {  	s16 =	sadd.s32 $0x18240, s14  }
0x718: {  	v4 =	vld.idx.msk [tilespmem:v3+s16+$0x30 ss:$0x1], $0xffff  }
0x719: {  	v5 =	vld.idx.msk [tilespmem:v3+s16+$0xFFFFFFD0 ss:$0x1], $0xffff  }
0x71a: {  	v6 =	vld.idx.msk [tilespmem:v3+s16+$0xFFFFFFE0 ss:$0x1], $0xffff  }
0x71b: {  	v7 =	vld.idx.msk [tilespmem:v3+s16+$0xFFFFFFF0 ss:$0x1], $0xffff  }
0x71c: {  	v8 =	vld.idx.msk [tilespmem:v3+s16+$0x0 ss:$0x1], $0xffff  }
0x71d: {  	s14 =	sadd.s32 $0xC200, s14;
	v9 =	vld.idx.msk [tilespmem:v3+s16+$0x10 ss:$0x1], $0xffff  }
0x71e: {  	s17 =	sadd.s32 s13, s14;
	v10 =	vld.idx.msk [tilespmem:v3+s16+$0xFFFFFFC0 ss:$0x1], $0xffff  }
0x71f: {  	[tilespmem:s17+$0x70] =	vst.add.f32.msk $0xffff, v4  }
0x720: {  	v4 =	vld.idx.msk [tilespmem:v3+s16+$0x20 ss:$0x1], $0xffff  }
0x721: {  	[tilespmem:s17+$0x10] =	vst.add.f32.msk $0xffff, v5  }
0x722: {  	[tilespmem:s17+$0x20] =	vst.add.f32.msk $0xffff, v6  }
0x723: {  	[tilespmem:s17+$0x30] =	vst.add.f32.msk $0xffff, v7  }
0x724: {  	[tilespmem:s17+$0x40] =	vst.add.f32.msk $0xffff, v8  }
0x725: {  	[tilespmem:s17+$0x50] =	vst.add.f32.msk $0xffff, v9  }
0x726: {  	[tilespmem:s17+$0x0] =	vst.add.f32.msk $0xffff, v10  }
0x727: {  	s15 =	simm.s32 $0x0;
	s16 =	sadd.s32 $0x400, s16;
	[tilespmem:s17+$0x60] =	vst.add.f32.msk $0xffff, v4  }
.LBB2_95:
0x728: {  	v4 =	vld.idx.msk [tilespmem:v3+s16+$0x30 ss:$0x1], $0xffff;
	s15 =	sadd.s32 $0x8, s15  }
0x729: {  	v5 =	vld.idx.msk [tilespmem:v3+s16+$0xFFFFFFD0 ss:$0x1], $0xffff;
	p0 =	slt.u32 s15, $0x38  }
0x72a: {  	v6 =	vld.idx.msk [tilespmem:v3+s16+$0xFFFFFFE0 ss:$0x1], $0xffff  }
0x72b: {  	v7 =	vld.idx.msk [tilespmem:v3+s16+$0xFFFFFFF0 ss:$0x1], $0xffff  }
0x72c: {  	s14 =	sadd.s32 $0x400, s14;
	v8 =	vld.idx.msk [tilespmem:v3+s16+$0x0 ss:$0x1], $0xffff  }
0x72d: {  	s17 =	sadd.s32 s13, s14;
	v9 =	vld.idx.msk [tilespmem:v3+s16+$0x10 ss:$0x1], $0xffff  }
0x72e: {  	[tilespmem:s17+$0x70] =	vst.add.f32.msk $0xffff, v4  }
0x72f: {  	v4 =	vld.idx.msk [tilespmem:v3+s16+$0x20 ss:$0x1], $0xffff  }
0x730: {  	v10 =	vld.idx.msk [tilespmem:v3+s16+$0xFFFFFFC0 ss:$0x1], $0xffff  }
0x731: {  	[tilespmem:s17+$0x10] =	vst.add.f32.msk $0xffff, v5  }
0x732: {  	[tilespmem:s17+$0x20] =	vst.add.f32.msk $0xffff, v6  }
.Ltmp46:
0x733: {  	[tilespmem:s17+$0x30] =	vst.add.f32.msk $0xffff, v7;
	(pc) =	sbr.rel @p0 .LBB2_95-.Ltmp46, $4  }
0x734: {  	[tilespmem:s17+$0x40] =	vst.add.f32.msk $0xffff, v8  }
0x735: {  	[tilespmem:s17+$0x50] =	vst.add.f32.msk $0xffff, v9  }
0x736: {  	[tilespmem:s17+$0x0] =	vst.add.f32.msk $0xffff, v10  }
0x737: {  	s16 =	sadd.s32 $0x400, s16;
	[tilespmem:s17+$0x60] =	vst.add.f32.msk $0xffff, v4  }
0x738: {  	s12 =	sadd.s32 $0x1, s12  }
0x739: {  	p0 =	sne.s32 s12, $0x10  }
.Ltmp47:
0x73a: {  	_ = 	snop;
	(pc) =	sbr.rel @p0 .LBB2_94-.Ltmp47, $2  }
0x73b: {  	_ =	sdelay $0x2  }
0x73c: {  	s11 =	sadd.s32 $0x1, s11;
	s5 =	sadd.s32 $0x400, s5  }
0x73d: {  	s11 =	sld [smem:$0x7F7];
	_ =	sdelay $0x1  }
0x73e: {  	s5 =	simm.s32 $0x0  }
0x73f: {  	[hbm4b:s11+s5] =	stream.linear.scatter [tilespmem:s19], [sflag:$0x9], $0x4000, $0x38;
	[tilespmem:$0x1C200] =	vst v63  }
0x740: {  	s16 =	rddreg [dreg:$0x13];
	s12 =	simm.s32 $0x18200  }
0x741: {  	[tilespmem:s12], [sflag:$0xC] =	stream.linear.gather [hbm4b:s16+s5], $0x4000, $0x38;
	[tilespmem:$0x1C200] =	vst v63  }
0x742: {  	_ =	swait.ge [sflag:s10], $0x4000  }
0x743: {  	[sflag:s10] =	ssyncset.done $0x0  }
0x744: {  	[sflag:s10] =	ssyncadd.s32 $0xFFFFC000  }
0x745: {  	v3 =	vld [tilespmem:$0x160];
	_ =	sdelay $0x4  }
0x746: {  	v4 =	vshll.u32 v3, $0x3  }
0x747: {  	v3 =	vand.u32 $0x7, v3;
	v4 =	vand.u32 $0xFFFFFFC0, v4  }
0x748: {  	v3 =	vor.u32 v3, v4  }
0x749: {  	v4 =	vperm.xlane v3, v0;
	_ =	sdelay $0x1  }
0x74a: {  	v4 =	vadd.s32 v1, v4;
	_ =	sdelay $0x4  }
0x74b: {  	[tilespmem:s6], [sflag:$0x2] =	stream.indirect_vreg.gather [hbm4b:s1+s5], $0x80, v4, vm0, $0xb8;
	[tilespmem:$0x1C200] =	vst v63  }
0x74c: {  	s17 =	simm.s32 $0x4A00;
	v3 =	vperm.xlane v3, v2  }
0x74d: {  	[tilespmem:s17], [sflag:$0x2] =	stream.indirect_vreg.gather [hbm4b:s7+s5], $0x80, v4, vm0, $0xb8;
	[tilespmem:$0x1C200] =	vst v63  }
0x74e: {  	s12 =	simm.s32 $0x5200;
	v3 =	vadd.s32 v1, v3  }
0x74f: {  	[tilespmem:s12], [sflag:$0x2] =	stream.indirect_vreg.gather [hbm4b:s8+s5], $0x80, v4, vm0, $0xb8;
	[tilespmem:$0x1C200] =	vst v63  }
0x750: {  	s13 =	simm.s32 $0x5A00  }
0x751: {  	[tilespmem:s13], [sflag:$0x2] =	stream.indirect_vreg.gather [hbm4b:s9+s5], $0x80, v4, vm0, $0xb8;
	[tilespmem:$0x1C200] =	vst v63  }
0x752: {  	s14 =	simm.s32 $0x6200  }
0x753: {  	[tilespmem:s14], [sflag:$0x2] =	stream.indirect_vreg.gather [hbm4b:s1+s5], $0x80, v3, vm0, $0xb8;
	[tilespmem:$0x1C200] =	vst v63  }
0x754: {  	s15 =	simm.s32 $0x6A00  }
0x755: {  	[tilespmem:s15], [sflag:$0x2] =	stream.indirect_vreg.gather [hbm4b:s7+s5], $0x80, v3, vm0, $0xb8;
	[tilespmem:$0x1C200] =	vst v63  }
0x756: {  	s16 =	simm.s32 $0x7200  }
0x757: {  	[tilespmem:s16], [sflag:$0x2] =	stream.indirect_vreg.gather [hbm4b:s8+s5], $0x80, v3, vm0, $0xb8;
	[tilespmem:$0x1C200] =	vst v63  }
0x758: {  	s17 =	simm.s32 $0x7A00  }
0x759: {  	[tilespmem:s17], [sflag:$0x2] =	stream.indirect_vreg.gather [hbm4b:s9+s5], $0x80, v3, vm0, $0xb8;
	[tilespmem:$0x1C200] =	vst v63  }
0x75a: {  	_ =	swait.ge [sflag:s25], $0x4000  }
0x75b: {  	[sflag:s25] =	ssyncset.done $0x0  }
0x75c: {  	[sflag:s25] =	ssyncadd.s32 $0xFFFFC000  }
0x75d: {  	_ =	swait.ge [sflag:s30], $0x4000  }
0x75e: {  	[sflag:s30] =	ssyncset.done $0x0  }
0x75f: {  	s11 =	simm.s32 $0x0;
	s12 =	simm.s32 $0x0;
	[sflag:s30] =	ssyncadd.s32 $0xFFFFC000  }
.LBB2_98:
0x760: {  	s13 =	sand.u32 $0x7, s11  }
0x761: {  	s13 =	sshll.u32 s13, $0x9  }
0x762: {  	s13 =	sshrl.u32 s13, $0x2  }
0x763: {  	v3 =	vmov s13;
	_ =	sdelay $0x2  }
0x764: {  	s14 =	sand.u32 $0x3FFFE000, s5  }
0x765: {  	s16 =	sadd.s32 $0x14240, s14  }
0x766: {  	v4 =	vld.idx.msk [tilespmem:v3+s16+$0x30 ss:$0x1], $0xffff  }
0x767: {  	v5 =	vld.idx.msk [tilespmem:v3+s16+$0xFFFFFFD0 ss:$0x1], $0xffff  }
0x768: {  	v6 =	vld.idx.msk [tilespmem:v3+s16+$0xFFFFFFE0 ss:$0x1], $0xffff  }
0x769: {  	v7 =	vld.idx.msk [tilespmem:v3+s16+$0xFFFFFFF0 ss:$0x1], $0xffff  }
0x76a: {  	v8 =	vld.idx.msk [tilespmem:v3+s16+$0x0 ss:$0x1], $0xffff  }
0x76b: {  	s14 =	sadd.s32 $0x10200, s14;
	v9 =	vld.idx.msk [tilespmem:v3+s16+$0x10 ss:$0x1], $0xffff  }
0x76c: {  	s17 =	sadd.s32 s13, s14;
	v10 =	vld.idx.msk [tilespmem:v3+s16+$0xFFFFFFC0 ss:$0x1], $0xffff  }
0x76d: {  	[tilespmem:s17+$0x70] =	vst.add.f32.msk $0xffff, v4  }
0x76e: {  	v4 =	vld.idx.msk [tilespmem:v3+s16+$0x20 ss:$0x1], $0xffff  }
0x76f: {  	[tilespmem:s17+$0x10] =	vst.add.f32.msk $0xffff, v5  }
0x770: {  	[tilespmem:s17+$0x20] =	vst.add.f32.msk $0xffff, v6  }
0x771: {  	[tilespmem:s17+$0x30] =	vst.add.f32.msk $0xffff, v7  }
0x772: {  	[tilespmem:s17+$0x40] =	vst.add.f32.msk $0xffff, v8  }
0x773: {  	[tilespmem:s17+$0x50] =	vst.add.f32.msk $0xffff, v9  }
0x774: {  	[tilespmem:s17+$0x0] =	vst.add.f32.msk $0xffff, v10  }
0x775: {  	s15 =	simm.s32 $0x0;
	s16 =	sadd.s32 $0x400, s16;
	[tilespmem:s17+$0x60] =	vst.add.f32.msk $0xffff, v4  }
.LBB2_99:
0x776: {  	v4 =	vld.idx.msk [tilespmem:v3+s16+$0x30 ss:$0x1], $0xffff;
	s15 =	sadd.s32 $0x8, s15  }
0x777: {  	v5 =	vld.idx.msk [tilespmem:v3+s16+$0xFFFFFFD0 ss:$0x1], $0xffff;
	p0 =	slt.u32 s15, $0x38  }
0x778: {  	v6 =	vld.idx.msk [tilespmem:v3+s16+$0xFFFFFFE0 ss:$0x1], $0xffff  }
0x779: {  	v7 =	vld.idx.msk [tilespmem:v3+s16+$0xFFFFFFF0 ss:$0x1], $0xffff  }
0x77a: {  	s14 =	sadd.s32 $0x400, s14;
	v8 =	vld.idx.msk [tilespmem:v3+s16+$0x0 ss:$0x1], $0xffff  }
0x77b: {  	s17 =	sadd.s32 s13, s14;
	v9 =	vld.idx.msk [tilespmem:v3+s16+$0x10 ss:$0x1], $0xffff  }
0x77c: {  	[tilespmem:s17+$0x70] =	vst.add.f32.msk $0xffff, v4  }
0x77d: {  	v4 =	vld.idx.msk [tilespmem:v3+s16+$0x20 ss:$0x1], $0xffff  }
0x77e: {  	v10 =	vld.idx.msk [tilespmem:v3+s16+$0xFFFFFFC0 ss:$0x1], $0xffff  }
0x77f: {  	[tilespmem:s17+$0x10] =	vst.add.f32.msk $0xffff, v5  }
0x780: {  	[tilespmem:s17+$0x20] =	vst.add.f32.msk $0xffff, v6  }
.Ltmp48:
0x781: {  	[tilespmem:s17+$0x30] =	vst.add.f32.msk $0xffff, v7;
	(pc) =	sbr.rel @p0 .LBB2_99-.Ltmp48, $4  }
0x782: {  	[tilespmem:s17+$0x40] =	vst.add.f32.msk $0xffff, v8  }
0x783: {  	[tilespmem:s17+$0x50] =	vst.add.f32.msk $0xffff, v9  }
0x784: {  	[tilespmem:s17+$0x0] =	vst.add.f32.msk $0xffff, v10  }
0x785: {  	s16 =	sadd.s32 $0x400, s16;
	[tilespmem:s17+$0x60] =	vst.add.f32.msk $0xffff, v4  }
0x786: {  	s12 =	sadd.s32 $0x1, s12  }
0x787: {  	p0 =	sne.s32 s12, $0x10  }
.Ltmp49:
0x788: {  	_ = 	snop;
	(pc) =	sbr.rel @p0 .LBB2_98-.Ltmp49, $2  }
0x789: {  	_ =	sdelay $0x2  }
0x78a: {  	s11 =	sadd.s32 $0x1, s11;
	s5 =	sadd.s32 $0x400, s5  }
0x78b: {  	s5 =	simm.s32 $0x0;
	s11 =	rddreg [dreg:$0x14]  }
0x78c: {  	[hbm4b:s11+s5] =	stream.linear.scatter [tilespmem:s22], [sflag:$0xA], $0x4000, $0x38;
	[tilespmem:$0x1C200] =	vst v63  }
0x78d: {  	_ =	swait.ge [sflag:s31], $0x4000  }
0x78e: {  	[sflag:s31] =	ssyncset.done $0x0  }
0x78f: {  	[sflag:s31] =	ssyncadd.s32 $0xFFFFC000  }
0x790: {  	v3 =	vld [tilespmem:$0x1E0];
	_ =	sdelay $0x4  }
0x791: {  	v4 =	vshll.u32 v3, $0x3  }
0x792: {  	v3 =	vand.u32 $0x7, v3;
	v4 =	vand.u32 $0xFFFFFFC0, v4  }
0x793: {  	v3 =	vor.u32 v3, v4  }
0x794: {  	v4 =	vperm.xlane v3, v0;
	_ =	sdelay $0x1  }
0x795: {  	v4 =	vadd.s32 v1, v4;
	_ =	sdelay $0x4  }
0x796: {  	[tilespmem:s18], [sflag:$0x3] =	stream.indirect_vreg.gather [hbm4b:s1+s5], $0x80, v4, vm0, $0xb8;
	[tilespmem:$0x1C200] =	vst v63  }
0x797: {  	s17 =	simm.s32 $0x8A00;
	v3 =	vperm.xlane v3, v2  }
0x798: {  	[tilespmem:s17], [sflag:$0x3] =	stream.indirect_vreg.gather [hbm4b:s7+s5], $0x80, v4, vm0, $0xb8;
	[tilespmem:$0x1C200] =	vst v63  }
0x799: {  	s12 =	simm.s32 $0x9200;
	v3 =	vadd.s32 v1, v3  }
0x79a: {  	[tilespmem:s12], [sflag:$0x3] =	stream.indirect_vreg.gather [hbm4b:s8+s5], $0x80, v4, vm0, $0xb8;
	[tilespmem:$0x1C200] =	vst v63  }
0x79b: {  	s13 =	simm.s32 $0x9A00  }
0x79c: {  	[tilespmem:s13], [sflag:$0x3] =	stream.indirect_vreg.gather [hbm4b:s9+s5], $0x80, v4, vm0, $0xb8;
	[tilespmem:$0x1C200] =	vst v63  }
0x79d: {  	s14 =	simm.s32 $0xA200  }
0x79e: {  	[tilespmem:s14], [sflag:$0x3] =	stream.indirect_vreg.gather [hbm4b:s1+s5], $0x80, v3, vm0, $0xb8;
	[tilespmem:$0x1C200] =	vst v63  }
0x79f: {  	s15 =	simm.s32 $0xAA00  }
0x7a0: {  	[tilespmem:s15], [sflag:$0x3] =	stream.indirect_vreg.gather [hbm4b:s7+s5], $0x80, v3, vm0, $0xb8;
	[tilespmem:$0x1C200] =	vst v63  }
0x7a1: {  	s16 =	simm.s32 $0xB200  }
0x7a2: {  	[tilespmem:s16], [sflag:$0x3] =	stream.indirect_vreg.gather [hbm4b:s8+s5], $0x80, v3, vm0, $0xb8;
	[tilespmem:$0x1C200] =	vst v63  }
0x7a3: {  	s17 =	simm.s32 $0xBA00  }
0x7a4: {  	[tilespmem:s17], [sflag:$0x3] =	stream.indirect_vreg.gather [hbm4b:s9+s5], $0x80, v3, vm0, $0xb8;
	[tilespmem:$0x1C200] =	vst v63  }
0x7a5: {  	_ =	swait.ge [sflag:s26], $0x4000  }
0x7a6: {  	[sflag:s26] =	ssyncset.done $0x0  }
0x7a7: {  	s11 =	simm.s32 $0x0;
	s12 =	simm.s32 $0x0;
	[sflag:s26] =	ssyncadd.s32 $0xFFFFC000  }
.LBB2_102:
0x7a8: {  	s13 =	sand.u32 $0x7, s11  }
0x7a9: {  	s13 =	sshll.u32 s13, $0x9  }
0x7aa: {  	s13 =	sshrl.u32 s13, $0x2  }
0x7ab: {  	v3 =	vmov s13;
	_ =	sdelay $0x2  }
0x7ac: {  	s14 =	sand.u32 $0x3FFFE000, s5  }
0x7ad: {  	s16 =	sadd.s32 $0x14240, s14  }
0x7ae: {  	v4 =	vld.idx.msk [tilespmem:v3+s16+$0x30 ss:$0x1], $0xffff  }
0x7af: {  	v5 =	vld.idx.msk [tilespmem:v3+s16+$0xFFFFFFD0 ss:$0x1], $0xffff  }
0x7b0: {  	v6 =	vld.idx.msk [tilespmem:v3+s16+$0xFFFFFFE0 ss:$0x1], $0xffff  }
0x7b1: {  	v7 =	vld.idx.msk [tilespmem:v3+s16+$0xFFFFFFF0 ss:$0x1], $0xffff  }
0x7b2: {  	v8 =	vld.idx.msk [tilespmem:v3+s16+$0x0 ss:$0x1], $0xffff  }
0x7b3: {  	s14 =	sor.u32 $0x200, s14;
	v9 =	vld.idx.msk [tilespmem:v3+s16+$0x10 ss:$0x1], $0xffff  }
0x7b4: {  	s17 =	sadd.s32 s13, s14;
	v10 =	vld.idx.msk [tilespmem:v3+s16+$0xFFFFFFC0 ss:$0x1], $0xffff  }
0x7b5: {  	[tilespmem:s17+$0x70] =	vst.add.f32.msk $0xffff, v4  }
0x7b6: {  	v4 =	vld.idx.msk [tilespmem:v3+s16+$0x20 ss:$0x1], $0xffff  }
0x7b7: {  	[tilespmem:s17+$0x10] =	vst.add.f32.msk $0xffff, v5  }
0x7b8: {  	[tilespmem:s17+$0x20] =	vst.add.f32.msk $0xffff, v6  }
0x7b9: {  	[tilespmem:s17+$0x30] =	vst.add.f32.msk $0xffff, v7  }
0x7ba: {  	[tilespmem:s17+$0x40] =	vst.add.f32.msk $0xffff, v8  }
0x7bb: {  	[tilespmem:s17+$0x50] =	vst.add.f32.msk $0xffff, v9  }
0x7bc: {  	[tilespmem:s17+$0x0] =	vst.add.f32.msk $0xffff, v10  }
0x7bd: {  	s15 =	simm.s32 $0x0;
	s16 =	sadd.s32 $0x400, s16;
	[tilespmem:s17+$0x60] =	vst.add.f32.msk $0xffff, v4  }
.LBB2_103:
0x7be: {  	v4 =	vld.idx.msk [tilespmem:v3+s16+$0x30 ss:$0x1], $0xffff;
	s15 =	sadd.s32 $0x8, s15  }
0x7bf: {  	v5 =	vld.idx.msk [tilespmem:v3+s16+$0xFFFFFFD0 ss:$0x1], $0xffff;
	p0 =	slt.u32 s15, $0x38  }
0x7c0: {  	v6 =	vld.idx.msk [tilespmem:v3+s16+$0xFFFFFFE0 ss:$0x1], $0xffff  }
0x7c1: {  	v7 =	vld.idx.msk [tilespmem:v3+s16+$0xFFFFFFF0 ss:$0x1], $0xffff  }
0x7c2: {  	s14 =	sadd.s32 $0x400, s14;
	v8 =	vld.idx.msk [tilespmem:v3+s16+$0x0 ss:$0x1], $0xffff  }
0x7c3: {  	s17 =	sadd.s32 s13, s14;
	v9 =	vld.idx.msk [tilespmem:v3+s16+$0x10 ss:$0x1], $0xffff  }
0x7c4: {  	[tilespmem:s17+$0x70] =	vst.add.f32.msk $0xffff, v4  }
0x7c5: {  	v4 =	vld.idx.msk [tilespmem:v3+s16+$0x20 ss:$0x1], $0xffff  }
0x7c6: {  	v10 =	vld.idx.msk [tilespmem:v3+s16+$0xFFFFFFC0 ss:$0x1], $0xffff  }
0x7c7: {  	[tilespmem:s17+$0x10] =	vst.add.f32.msk $0xffff, v5  }
0x7c8: {  	[tilespmem:s17+$0x20] =	vst.add.f32.msk $0xffff, v6  }
.Ltmp50:
0x7c9: {  	[tilespmem:s17+$0x30] =	vst.add.f32.msk $0xffff, v7;
	(pc) =	sbr.rel @p0 .LBB2_103-.Ltmp50, $4  }
0x7ca: {  	[tilespmem:s17+$0x40] =	vst.add.f32.msk $0xffff, v8  }
0x7cb: {  	[tilespmem:s17+$0x50] =	vst.add.f32.msk $0xffff, v9  }
0x7cc: {  	[tilespmem:s17+$0x0] =	vst.add.f32.msk $0xffff, v10  }
0x7cd: {  	s16 =	sadd.s32 $0x400, s16;
	[tilespmem:s17+$0x60] =	vst.add.f32.msk $0xffff, v4  }
0x7ce: {  	s12 =	sadd.s32 $0x1, s12  }
0x7cf: {  	p0 =	sne.s32 s12, $0x10  }
.Ltmp51:
0x7d0: {  	_ = 	snop;
	(pc) =	sbr.rel @p0 .LBB2_102-.Ltmp51, $2  }
0x7d1: {  	_ =	sdelay $0x2  }
0x7d2: {  	s11 =	sadd.s32 $0x1, s11;
	s5 =	sadd.s32 $0x400, s5  }
0x7d3: {  	s11 =	sld [smem:$0x7F8];
	_ =	sdelay $0x1  }
0x7d4: {  	s5 =	simm.s32 $0x0  }
0x7d5: {  	[hbm4b:s11+s5] =	stream.linear.scatter [tilespmem:s28], [sflag:$0x6], $0x4000, $0x38;
	[tilespmem:$0x1C200] =	vst v63  }
0x7d6: {  	_ =	swait.ge [sflag:s0], $0x4000  }
0x7d7: {  	[sflag:s0] =	ssyncset.done $0x0  }
0x7d8: {  	[sflag:s0] =	ssyncadd.s32 $0xFFFFC000  }
0x7d9: {  	v3 =	vld [tilespmem:$0x70];
	_ =	sdelay $0x4  }
0x7da: {  	v4 =	vshll.u32 v3, $0x3  }
0x7db: {  	v3 =	vand.u32 $0x7, v3;
	v4 =	vand.u32 $0xFFFFFFC0, v4  }
0x7dc: {  	v3 =	vor.u32 v3, v4  }
0x7dd: {  	v4 =	vperm.xlane v3, v0;
	_ =	sdelay $0x1  }
0x7de: {  	v4 =	vadd.s32 v1, v4;
	_ =	sdelay $0x4  }
0x7df: {  	[tilespmem:s19], [sflag:$0x4] =	stream.indirect_vreg.gather [hbm4b:s1+s5], $0x80, v4, vm0, $0xb8;
	[tilespmem:$0x1C200] =	vst v63  }
0x7e0: {  	s17 =	simm.s32 $0xCA00;
	v3 =	vperm.xlane v3, v2  }
0x7e1: {  	[tilespmem:s17], [sflag:$0x4] =	stream.indirect_vreg.gather [hbm4b:s7+s5], $0x80, v4, vm0, $0xb8;
	[tilespmem:$0x1C200] =	vst v63  }
0x7e2: {  	s12 =	simm.s32 $0xD200;
	v3 =	vadd.s32 v1, v3  }
0x7e3: {  	[tilespmem:s12], [sflag:$0x4] =	stream.indirect_vreg.gather [hbm4b:s8+s5], $0x80, v4, vm0, $0xb8;
	[tilespmem:$0x1C200] =	vst v63  }
0x7e4: {  	s13 =	simm.s32 $0xDA00  }
0x7e5: {  	[tilespmem:s13], [sflag:$0x4] =	stream.indirect_vreg.gather [hbm4b:s9+s5], $0x80, v4, vm0, $0xb8;
	[tilespmem:$0x1C200] =	vst v63  }
0x7e6: {  	s14 =	simm.s32 $0xE200  }
0x7e7: {  	[tilespmem:s14], [sflag:$0x4] =	stream.indirect_vreg.gather [hbm4b:s1+s5], $0x80, v3, vm0, $0xb8;
	[tilespmem:$0x1C200] =	vst v63  }
0x7e8: {  	s15 =	simm.s32 $0xEA00  }
0x7e9: {  	[tilespmem:s15], [sflag:$0x4] =	stream.indirect_vreg.gather [hbm4b:s7+s5], $0x80, v3, vm0, $0xb8;
	[tilespmem:$0x1C200] =	vst v63  }
0x7ea: {  	s16 =	simm.s32 $0xF200  }
0x7eb: {  	[tilespmem:s16], [sflag:$0x4] =	stream.indirect_vreg.gather [hbm4b:s8+s5], $0x80, v3, vm0, $0xb8;
	[tilespmem:$0x1C200] =	vst v63  }
0x7ec: {  	s17 =	simm.s32 $0xFA00  }
0x7ed: {  	[tilespmem:s17], [sflag:$0x4] =	stream.indirect_vreg.gather [hbm4b:s9+s5], $0x80, v3, vm0, $0xb8;
	[tilespmem:$0x1C200] =	vst v63  }
0x7ee: {  	_ =	swait.ge [sflag:s21], $0x4000  }
0x7ef: {  	[sflag:s21] =	ssyncset.done $0x0  }
0x7f0: {  	s11 =	simm.s32 $0x0;
	s12 =	simm.s32 $0x0;
	[sflag:s21] =	ssyncadd.s32 $0xFFFFC000  }
.LBB2_106:
0x7f1: {  	s13 =	sand.u32 $0x7, s11  }
0x7f2: {  	s13 =	sshll.u32 s13, $0x9  }
0x7f3: {  	s13 =	sshrl.u32 s13, $0x2  }
0x7f4: {  	v3 =	vmov s13;
	_ =	sdelay $0x2  }
0x7f5: {  	s14 =	sand.u32 $0x3FFFE000, s5  }
0x7f6: {  	s16 =	sadd.s32 $0x14240, s14  }
0x7f7: {  	v4 =	vld.idx.msk [tilespmem:v3+s16+$0x30 ss:$0x1], $0xffff  }
0x7f8: {  	v5 =	vld.idx.msk [tilespmem:v3+s16+$0xFFFFFFD0 ss:$0x1], $0xffff  }
0x7f9: {  	v6 =	vld.idx.msk [tilespmem:v3+s16+$0xFFFFFFE0 ss:$0x1], $0xffff  }
0x7fa: {  	v7 =	vld.idx.msk [tilespmem:v3+s16+$0xFFFFFFF0 ss:$0x1], $0xffff  }
0x7fb: {  	v8 =	vld.idx.msk [tilespmem:v3+s16+$0x0 ss:$0x1], $0xffff  }
0x7fc: {  	s14 =	sadd.s32 $0x4200, s14;
	v9 =	vld.idx.msk [tilespmem:v3+s16+$0x10 ss:$0x1], $0xffff  }
0x7fd: {  	s17 =	sadd.s32 s13, s14;
	v10 =	vld.idx.msk [tilespmem:v3+s16+$0xFFFFFFC0 ss:$0x1], $0xffff  }
0x7fe: {  	[tilespmem:s17+$0x70] =	vst.add.f32.msk $0xffff, v4  }
0x7ff: {  	v4 =	vld.idx.msk [tilespmem:v3+s16+$0x20 ss:$0x1], $0xffff  }
0x800: {  	[tilespmem:s17+$0x10] =	vst.add.f32.msk $0xffff, v5  }
0x801: {  	[tilespmem:s17+$0x20] =	vst.add.f32.msk $0xffff, v6  }
0x802: {  	[tilespmem:s17+$0x30] =	vst.add.f32.msk $0xffff, v7  }
0x803: {  	[tilespmem:s17+$0x40] =	vst.add.f32.msk $0xffff, v8  }
0x804: {  	[tilespmem:s17+$0x50] =	vst.add.f32.msk $0xffff, v9  }
0x805: {  	[tilespmem:s17+$0x0] =	vst.add.f32.msk $0xffff, v10  }
0x806: {  	s15 =	simm.s32 $0x0;
	s16 =	sadd.s32 $0x400, s16;
	[tilespmem:s17+$0x60] =	vst.add.f32.msk $0xffff, v4  }
.LBB2_107:
0x807: {  	v4 =	vld.idx.msk [tilespmem:v3+s16+$0x30 ss:$0x1], $0xffff;
	s15 =	sadd.s32 $0x8, s15  }
0x808: {  	v5 =	vld.idx.msk [tilespmem:v3+s16+$0xFFFFFFD0 ss:$0x1], $0xffff;
	p0 =	slt.u32 s15, $0x38  }
0x809: {  	v6 =	vld.idx.msk [tilespmem:v3+s16+$0xFFFFFFE0 ss:$0x1], $0xffff  }
0x80a: {  	v7 =	vld.idx.msk [tilespmem:v3+s16+$0xFFFFFFF0 ss:$0x1], $0xffff  }
0x80b: {  	s14 =	sadd.s32 $0x400, s14;
	v8 =	vld.idx.msk [tilespmem:v3+s16+$0x0 ss:$0x1], $0xffff  }
0x80c: {  	s17 =	sadd.s32 s13, s14;
	v9 =	vld.idx.msk [tilespmem:v3+s16+$0x10 ss:$0x1], $0xffff  }
0x80d: {  	[tilespmem:s17+$0x70] =	vst.add.f32.msk $0xffff, v4  }
0x80e: {  	v4 =	vld.idx.msk [tilespmem:v3+s16+$0x20 ss:$0x1], $0xffff  }
0x80f: {  	v10 =	vld.idx.msk [tilespmem:v3+s16+$0xFFFFFFC0 ss:$0x1], $0xffff  }
0x810: {  	[tilespmem:s17+$0x10] =	vst.add.f32.msk $0xffff, v5  }
0x811: {  	[tilespmem:s17+$0x20] =	vst.add.f32.msk $0xffff, v6  }
.Ltmp52:
0x812: {  	[tilespmem:s17+$0x30] =	vst.add.f32.msk $0xffff, v7;
	(pc) =	sbr.rel @p0 .LBB2_107-.Ltmp52, $4  }
0x813: {  	[tilespmem:s17+$0x40] =	vst.add.f32.msk $0xffff, v8  }
0x814: {  	[tilespmem:s17+$0x50] =	vst.add.f32.msk $0xffff, v9  }
0x815: {  	[tilespmem:s17+$0x0] =	vst.add.f32.msk $0xffff, v10  }
0x816: {  	s16 =	sadd.s32 $0x400, s16;
	[tilespmem:s17+$0x60] =	vst.add.f32.msk $0xffff, v4  }
0x817: {  	s12 =	sadd.s32 $0x1, s12  }
0x818: {  	p0 =	sne.s32 s12, $0x10  }
.Ltmp53:
0x819: {  	_ = 	snop;
	(pc) =	sbr.rel @p0 .LBB2_106-.Ltmp53, $2  }
0x81a: {  	_ =	sdelay $0x2  }
0x81b: {  	s11 =	sadd.s32 $0x1, s11;
	s5 =	sadd.s32 $0x400, s5  }
0x81c: {  	s11 =	sld [smem:$0x7F9];
	_ =	sdelay $0x1  }
0x81d: {  	s5 =	simm.s32 $0x0  }
0x81e: {  	[hbm4b:s11+s5] =	stream.linear.scatter [tilespmem:s6], [sflag:$0x7], $0x4000, $0x38;
	[tilespmem:$0x1C200] =	vst v63  }
0x81f: {  	_ =	swait.ge [sflag:s2], $0x4000  }
0x820: {  	[sflag:s2] =	ssyncset.done $0x0  }
0x821: {  	[sflag:s2] =	ssyncadd.s32 $0xFFFFC000  }
0x822: {  	v3 =	vld [tilespmem:$0xF0];
	_ =	sdelay $0x4  }
0x823: {  	v4 =	vshll.u32 v3, $0x3  }
0x824: {  	v3 =	vand.u32 $0x7, v3;
	v4 =	vand.u32 $0xFFFFFFC0, v4  }
0x825: {  	v3 =	vor.u32 v3, v4  }
0x826: {  	v4 =	vperm.xlane v3, v0;
	_ =	sdelay $0x1  }
0x827: {  	v4 =	vadd.s32 v1, v4;
	_ =	sdelay $0x4  }
0x828: {  	[tilespmem:s22], [sflag:$0x5] =	stream.indirect_vreg.gather [hbm4b:s1+s5], $0x80, v4, vm0, $0xb8;
	[tilespmem:$0x1C200] =	vst v63  }
0x829: {  	s17 =	simm.s32 $0x10A00;
	v3 =	vperm.xlane v3, v2  }
0x82a: {  	[tilespmem:s17], [sflag:$0x5] =	stream.indirect_vreg.gather [hbm4b:s7+s5], $0x80, v4, vm0, $0xb8;
	[tilespmem:$0x1C200] =	vst v63  }
0x82b: {  	s12 =	simm.s32 $0x11200;
	v3 =	vadd.s32 v1, v3  }
0x82c: {  	[tilespmem:s12], [sflag:$0x5] =	stream.indirect_vreg.gather [hbm4b:s8+s5], $0x80, v4, vm0, $0xb8;
	[tilespmem:$0x1C200] =	vst v63  }
0x82d: {  	s13 =	simm.s32 $0x11A00  }
0x82e: {  	[tilespmem:s13], [sflag:$0x5] =	stream.indirect_vreg.gather [hbm4b:s9+s5], $0x80, v4, vm0, $0xb8;
	[tilespmem:$0x1C200] =	vst v63  }
0x82f: {  	s14 =	simm.s32 $0x12200  }
0x830: {  	[tilespmem:s14], [sflag:$0x5] =	stream.indirect_vreg.gather [hbm4b:s1+s5], $0x80, v3, vm0, $0xb8;
	[tilespmem:$0x1C200] =	vst v63  }
0x831: {  	s15 =	simm.s32 $0x12A00  }
0x832: {  	[tilespmem:s15], [sflag:$0x5] =	stream.indirect_vreg.gather [hbm4b:s7+s5], $0x80, v3, vm0, $0xb8;
	[tilespmem:$0x1C200] =	vst v63  }
0x833: {  	s16 =	simm.s32 $0x13200  }
0x834: {  	[tilespmem:s16], [sflag:$0x5] =	stream.indirect_vreg.gather [hbm4b:s8+s5], $0x80, v3, vm0, $0xb8;
	[tilespmem:$0x1C200] =	vst v63  }
0x835: {  	s17 =	simm.s32 $0x13A00  }
0x836: {  	[tilespmem:s17], [sflag:$0x5] =	stream.indirect_vreg.gather [hbm4b:s9+s5], $0x80, v3, vm0, $0xb8;
	[tilespmem:$0x1C200] =	vst v63  }
0x837: {  	_ =	swait.ge [sflag:s20], $0x4000  }
0x838: {  	[sflag:s20] =	ssyncset.done $0x0  }
0x839: {  	s11 =	simm.s32 $0x0;
	s12 =	simm.s32 $0x0;
	[sflag:s20] =	ssyncadd.s32 $0xFFFFC000  }
.LBB2_110:
0x83a: {  	s13 =	sand.u32 $0x7, s11  }
0x83b: {  	s13 =	sshll.u32 s13, $0x9  }
0x83c: {  	s13 =	sshrl.u32 s13, $0x2  }
0x83d: {  	v3 =	vmov s13;
	_ =	sdelay $0x2  }
0x83e: {  	s14 =	sand.u32 $0x3FFFE000, s5  }
0x83f: {  	s16 =	sadd.s32 $0x14240, s14  }
0x840: {  	v4 =	vld.idx.msk [tilespmem:v3+s16+$0x30 ss:$0x1], $0xffff  }
0x841: {  	v5 =	vld.idx.msk [tilespmem:v3+s16+$0xFFFFFFD0 ss:$0x1], $0xffff  }
0x842: {  	v6 =	vld.idx.msk [tilespmem:v3+s16+$0xFFFFFFE0 ss:$0x1], $0xffff  }
0x843: {  	v7 =	vld.idx.msk [tilespmem:v3+s16+$0xFFFFFFF0 ss:$0x1], $0xffff  }
0x844: {  	v8 =	vld.idx.msk [tilespmem:v3+s16+$0x0 ss:$0x1], $0xffff  }
0x845: {  	s14 =	sadd.s32 $0x8200, s14;
	v9 =	vld.idx.msk [tilespmem:v3+s16+$0x10 ss:$0x1], $0xffff  }
0x846: {  	s17 =	sadd.s32 s13, s14;
	v10 =	vld.idx.msk [tilespmem:v3+s16+$0xFFFFFFC0 ss:$0x1], $0xffff  }
0x847: {  	[tilespmem:s17+$0x70] =	vst.add.f32.msk $0xffff, v4  }
0x848: {  	v4 =	vld.idx.msk [tilespmem:v3+s16+$0x20 ss:$0x1], $0xffff  }
0x849: {  	[tilespmem:s17+$0x10] =	vst.add.f32.msk $0xffff, v5  }
0x84a: {  	[tilespmem:s17+$0x20] =	vst.add.f32.msk $0xffff, v6  }
0x84b: {  	[tilespmem:s17+$0x30] =	vst.add.f32.msk $0xffff, v7  }
0x84c: {  	[tilespmem:s17+$0x40] =	vst.add.f32.msk $0xffff, v8  }
0x84d: {  	[tilespmem:s17+$0x50] =	vst.add.f32.msk $0xffff, v9  }
0x84e: {  	[tilespmem:s17+$0x0] =	vst.add.f32.msk $0xffff, v10  }
0x84f: {  	s15 =	simm.s32 $0x0;
	s16 =	sadd.s32 $0x400, s16;
	[tilespmem:s17+$0x60] =	vst.add.f32.msk $0xffff, v4  }
.LBB2_111:
0x850: {  	v4 =	vld.idx.msk [tilespmem:v3+s16+$0x30 ss:$0x1], $0xffff;
	s15 =	sadd.s32 $0x8, s15  }
0x851: {  	v5 =	vld.idx.msk [tilespmem:v3+s16+$0xFFFFFFD0 ss:$0x1], $0xffff;
	p0 =	slt.u32 s15, $0x38  }
0x852: {  	v6 =	vld.idx.msk [tilespmem:v3+s16+$0xFFFFFFE0 ss:$0x1], $0xffff  }
0x853: {  	v7 =	vld.idx.msk [tilespmem:v3+s16+$0xFFFFFFF0 ss:$0x1], $0xffff  }
0x854: {  	s14 =	sadd.s32 $0x400, s14;
	v8 =	vld.idx.msk [tilespmem:v3+s16+$0x0 ss:$0x1], $0xffff  }
0x855: {  	s17 =	sadd.s32 s13, s14;
	v9 =	vld.idx.msk [tilespmem:v3+s16+$0x10 ss:$0x1], $0xffff  }
0x856: {  	[tilespmem:s17+$0x70] =	vst.add.f32.msk $0xffff, v4  }
0x857: {  	v4 =	vld.idx.msk [tilespmem:v3+s16+$0x20 ss:$0x1], $0xffff  }
0x858: {  	v10 =	vld.idx.msk [tilespmem:v3+s16+$0xFFFFFFC0 ss:$0x1], $0xffff  }
0x859: {  	[tilespmem:s17+$0x10] =	vst.add.f32.msk $0xffff, v5  }
0x85a: {  	[tilespmem:s17+$0x20] =	vst.add.f32.msk $0xffff, v6  }
.Ltmp54:
0x85b: {  	[tilespmem:s17+$0x30] =	vst.add.f32.msk $0xffff, v7;
	(pc) =	sbr.rel @p0 .LBB2_111-.Ltmp54, $4  }
0x85c: {  	[tilespmem:s17+$0x40] =	vst.add.f32.msk $0xffff, v8  }
0x85d: {  	[tilespmem:s17+$0x50] =	vst.add.f32.msk $0xffff, v9  }
0x85e: {  	[tilespmem:s17+$0x0] =	vst.add.f32.msk $0xffff, v10  }
0x85f: {  	s16 =	sadd.s32 $0x400, s16;
	[tilespmem:s17+$0x60] =	vst.add.f32.msk $0xffff, v4  }
0x860: {  	s12 =	sadd.s32 $0x1, s12  }
0x861: {  	p0 =	sne.s32 s12, $0x10  }
.Ltmp55:
0x862: {  	_ = 	snop;
	(pc) =	sbr.rel @p0 .LBB2_110-.Ltmp55, $2  }
0x863: {  	_ =	sdelay $0x2  }
0x864: {  	s11 =	sadd.s32 $0x1, s11;
	s5 =	sadd.s32 $0x400, s5  }
0x865: {  	s11 =	sld [smem:$0x7FA];
	_ =	sdelay $0x1  }
0x866: {  	s5 =	simm.s32 $0x0  }
0x867: {  	[hbm4b:s11+s5] =	stream.linear.scatter [tilespmem:s18], [sflag:$0x8], $0x4000, $0x38;
	[tilespmem:$0x1C200] =	vst v63  }
0x868: {  	_ =	swait.ge [sflag:s23], $0x4000  }
0x869: {  	[sflag:s23] =	ssyncset.done $0x0  }
0x86a: {  	[sflag:s23] =	ssyncadd.s32 $0xFFFFC000  }
0x86b: {  	v3 =	vld [tilespmem:$0x170];
	_ =	sdelay $0x4  }
0x86c: {  	v4 =	vshll.u32 v3, $0x3  }
0x86d: {  	v3 =	vand.u32 $0x7, v3;
	v4 =	vand.u32 $0xFFFFFFC0, v4  }
0x86e: {  	v3 =	vor.u32 v3, v4  }
0x86f: {  	v4 =	vperm.xlane v3, v0;
	_ =	sdelay $0x1  }
0x870: {  	v4 =	vadd.s32 v1, v4;
	_ =	sdelay $0x4  }
0x871: {  	[tilespmem:s28], [sflag:$0x1] =	stream.indirect_vreg.gather [hbm4b:s1+s5], $0x80, v4, vm0, $0xb8;
	[tilespmem:$0x1C200] =	vst v63  }
0x872: {  	s17 =	simm.s32 $0xA00;
	v3 =	vperm.xlane v3, v2  }
0x873: {  	[tilespmem:s17], [sflag:$0x1] =	stream.indirect_vreg.gather [hbm4b:s7+s5], $0x80, v4, vm0, $0xb8;
	[tilespmem:$0x1C200] =	vst v63  }
0x874: {  	s12 =	simm.s32 $0x1200;
	v3 =	vadd.s32 v1, v3  }
0x875: {  	[tilespmem:s12], [sflag:$0x1] =	stream.indirect_vreg.gather [hbm4b:s8+s5], $0x80, v4, vm0, $0xb8;
	[tilespmem:$0x1C200] =	vst v63  }
0x876: {  	s13 =	simm.s32 $0x1A00  }
0x877: {  	[tilespmem:s13], [sflag:$0x1] =	stream.indirect_vreg.gather [hbm4b:s9+s5], $0x80, v4, vm0, $0xb8;
	[tilespmem:$0x1C200] =	vst v63  }
0x878: {  	s14 =	simm.s32 $0x2200  }
0x879: {  	[tilespmem:s14], [sflag:$0x1] =	stream.indirect_vreg.gather [hbm4b:s1+s5], $0x80, v3, vm0, $0xb8;
	[tilespmem:$0x1C200] =	vst v63  }
0x87a: {  	s15 =	simm.s32 $0x2A00  }
0x87b: {  	[tilespmem:s15], [sflag:$0x1] =	stream.indirect_vreg.gather [hbm4b:s7+s5], $0x80, v3, vm0, $0xb8;
	[tilespmem:$0x1C200] =	vst v63  }
0x87c: {  	s16 =	simm.s32 $0x3200  }
0x87d: {  	[tilespmem:s16], [sflag:$0x1] =	stream.indirect_vreg.gather [hbm4b:s8+s5], $0x80, v3, vm0, $0xb8;
	[tilespmem:$0x1C200] =	vst v63  }
0x87e: {  	s17 =	simm.s32 $0x3A00  }
0x87f: {  	[tilespmem:s17], [sflag:$0x1] =	stream.indirect_vreg.gather [hbm4b:s9+s5], $0x80, v3, vm0, $0xb8;
	[tilespmem:$0x1C200] =	vst v63  }
0x880: {  	_ =	swait.ge [sflag:s29], $0x4000  }
0x881: {  	[sflag:s29] =	ssyncset.done $0x0  }
0x882: {  	[sflag:s29] =	ssyncadd.s32 $0xFFFFC000  }
0x883: {  	_ =	swait.ge [sflag:s24], $0x4000  }
0x884: {  	[sflag:s24] =	ssyncset.done $0x0  }
0x885: {  	s11 =	simm.s32 $0x0;
	s12 =	simm.s32 $0x0;
	[sflag:s24] =	ssyncadd.s32 $0xFFFFC000  }
.LBB2_114:
0x886: {  	s13 =	sand.u32 $0x7, s11  }
0x887: {  	s13 =	sshll.u32 s13, $0x9  }
0x888: {  	s13 =	sshrl.u32 s13, $0x2  }
0x889: {  	v3 =	vmov s13;
	_ =	sdelay $0x2  }
0x88a: {  	s14 =	sand.u32 $0x3FFFE000, s5  }
0x88b: {  	s16 =	sadd.s32 $0x18240, s14  }
0x88c: {  	v4 =	vld.idx.msk [tilespmem:v3+s16+$0x30 ss:$0x1], $0xffff  }
0x88d: {  	v5 =	vld.idx.msk [tilespmem:v3+s16+$0xFFFFFFD0 ss:$0x1], $0xffff  }
0x88e: {  	v6 =	vld.idx.msk [tilespmem:v3+s16+$0xFFFFFFE0 ss:$0x1], $0xffff  }
0x88f: {  	v7 =	vld.idx.msk [tilespmem:v3+s16+$0xFFFFFFF0 ss:$0x1], $0xffff  }
0x890: {  	v8 =	vld.idx.msk [tilespmem:v3+s16+$0x0 ss:$0x1], $0xffff  }
0x891: {  	s14 =	sadd.s32 $0xC200, s14;
	v9 =	vld.idx.msk [tilespmem:v3+s16+$0x10 ss:$0x1], $0xffff  }
0x892: {  	s17 =	sadd.s32 s13, s14;
	v10 =	vld.idx.msk [tilespmem:v3+s16+$0xFFFFFFC0 ss:$0x1], $0xffff  }
0x893: {  	[tilespmem:s17+$0x70] =	vst.add.f32.msk $0xffff, v4  }
0x894: {  	v4 =	vld.idx.msk [tilespmem:v3+s16+$0x20 ss:$0x1], $0xffff  }
0x895: {  	[tilespmem:s17+$0x10] =	vst.add.f32.msk $0xffff, v5  }
0x896: {  	[tilespmem:s17+$0x20] =	vst.add.f32.msk $0xffff, v6  }
0x897: {  	[tilespmem:s17+$0x30] =	vst.add.f32.msk $0xffff, v7  }
0x898: {  	[tilespmem:s17+$0x40] =	vst.add.f32.msk $0xffff, v8  }
0x899: {  	[tilespmem:s17+$0x50] =	vst.add.f32.msk $0xffff, v9  }
0x89a: {  	[tilespmem:s17+$0x0] =	vst.add.f32.msk $0xffff, v10  }
0x89b: {  	s15 =	simm.s32 $0x0;
	s16 =	sadd.s32 $0x400, s16;
	[tilespmem:s17+$0x60] =	vst.add.f32.msk $0xffff, v4  }
.LBB2_115:
0x89c: {  	v4 =	vld.idx.msk [tilespmem:v3+s16+$0x30 ss:$0x1], $0xffff;
	s15 =	sadd.s32 $0x8, s15  }
0x89d: {  	v5 =	vld.idx.msk [tilespmem:v3+s16+$0xFFFFFFD0 ss:$0x1], $0xffff;
	p0 =	slt.u32 s15, $0x38  }
0x89e: {  	v6 =	vld.idx.msk [tilespmem:v3+s16+$0xFFFFFFE0 ss:$0x1], $0xffff  }
0x89f: {  	v7 =	vld.idx.msk [tilespmem:v3+s16+$0xFFFFFFF0 ss:$0x1], $0xffff  }
0x8a0: {  	s14 =	sadd.s32 $0x400, s14;
	v8 =	vld.idx.msk [tilespmem:v3+s16+$0x0 ss:$0x1], $0xffff  }
0x8a1: {  	s17 =	sadd.s32 s13, s14;
	v9 =	vld.idx.msk [tilespmem:v3+s16+$0x10 ss:$0x1], $0xffff  }
0x8a2: {  	[tilespmem:s17+$0x70] =	vst.add.f32.msk $0xffff, v4  }
0x8a3: {  	v4 =	vld.idx.msk [tilespmem:v3+s16+$0x20 ss:$0x1], $0xffff  }
0x8a4: {  	v10 =	vld.idx.msk [tilespmem:v3+s16+$0xFFFFFFC0 ss:$0x1], $0xffff  }
0x8a5: {  	[tilespmem:s17+$0x10] =	vst.add.f32.msk $0xffff, v5  }
0x8a6: {  	[tilespmem:s17+$0x20] =	vst.add.f32.msk $0xffff, v6  }
.Ltmp56:
0x8a7: {  	[tilespmem:s17+$0x30] =	vst.add.f32.msk $0xffff, v7;
	(pc) =	sbr.rel @p0 .LBB2_115-.Ltmp56, $4  }
0x8a8: {  	[tilespmem:s17+$0x40] =	vst.add.f32.msk $0xffff, v8  }
0x8a9: {  	[tilespmem:s17+$0x50] =	vst.add.f32.msk $0xffff, v9  }
0x8aa: {  	[tilespmem:s17+$0x0] =	vst.add.f32.msk $0xffff, v10  }
0x8ab: {  	s16 =	sadd.s32 $0x400, s16;
	[tilespmem:s17+$0x60] =	vst.add.f32.msk $0xffff, v4  }
0x8ac: {  	s12 =	sadd.s32 $0x1, s12  }
0x8ad: {  	p0 =	sne.s32 s12, $0x10  }
.Ltmp57:
0x8ae: {  	_ = 	snop;
	(pc) =	sbr.rel @p0 .LBB2_114-.Ltmp57, $2  }
0x8af: {  	_ =	sdelay $0x2  }
0x8b0: {  	s11 =	sadd.s32 $0x1, s11;
	s5 =	sadd.s32 $0x400, s5  }
0x8b1: {  	s5 =	simm.s32 $0x0;
	s11 =	rddreg [dreg:$0x15]  }
0x8b2: {  	[hbm4b:s11+s5] =	stream.linear.scatter [tilespmem:s19], [sflag:$0x9], $0x4000, $0x38;
	[tilespmem:$0x1C200] =	vst v63  }
0x8b3: {  	_ =	swait.ge [sflag:s10], $0x4000  }
0x8b4: {  	[sflag:s10] =	ssyncset.done $0x0  }
0x8b5: {  	[sflag:s10] =	ssyncadd.s32 $0xFFFFC000  }
0x8b6: {  	v3 =	vld [tilespmem:$0x1F0];
	_ =	sdelay $0x4  }
0x8b7: {  	v4 =	vshll.u32 v3, $0x3  }
0x8b8: {  	v3 =	vand.u32 $0x7, v3;
	v4 =	vand.u32 $0xFFFFFFC0, v4  }
0x8b9: {  	v3 =	vor.u32 v3, v4  }
0x8ba: {  	v4 =	vperm.xlane v3, v0;
	_ =	sdelay $0x1  }
0x8bb: {  	v4 =	vadd.s32 v1, v4;
	_ =	sdelay $0x4  }
0x8bc: {  	[tilespmem:s6], [sflag:$0x2] =	stream.indirect_vreg.gather [hbm4b:s1+s5], $0x80, v4, vm0, $0xb8;
	[tilespmem:$0x1C200] =	vst v63  }
0x8bd: {  	s17 =	simm.s32 $0x4A00;
	v3 =	vperm.xlane v3, v2  }
0x8be: {  	[tilespmem:s17], [sflag:$0x2] =	stream.indirect_vreg.gather [hbm4b:s7+s5], $0x80, v4, vm0, $0xb8;
	[tilespmem:$0x1C200] =	vst v63  }
0x8bf: {  	s12 =	simm.s32 $0x5200;
	v3 =	vadd.s32 v1, v3  }
0x8c0: {  	[tilespmem:s12], [sflag:$0x2] =	stream.indirect_vreg.gather [hbm4b:s8+s5], $0x80, v4, vm0, $0xb8;
	[tilespmem:$0x1C200] =	vst v63  }
0x8c1: {  	s13 =	simm.s32 $0x5A00  }
0x8c2: {  	[tilespmem:s13], [sflag:$0x2] =	stream.indirect_vreg.gather [hbm4b:s9+s5], $0x80, v4, vm0, $0xb8;
	[tilespmem:$0x1C200] =	vst v63  }
0x8c3: {  	s14 =	simm.s32 $0x6200  }
0x8c4: {  	[tilespmem:s14], [sflag:$0x2] =	stream.indirect_vreg.gather [hbm4b:s1+s5], $0x80, v3, vm0, $0xb8;
	[tilespmem:$0x1C200] =	vst v63  }
0x8c5: {  	s15 =	simm.s32 $0x6A00  }
0x8c6: {  	[tilespmem:s15], [sflag:$0x2] =	stream.indirect_vreg.gather [hbm4b:s7+s5], $0x80, v3, vm0, $0xb8;
	[tilespmem:$0x1C200] =	vst v63  }
0x8c7: {  	s16 =	simm.s32 $0x7200  }
0x8c8: {  	[tilespmem:s16], [sflag:$0x2] =	stream.indirect_vreg.gather [hbm4b:s8+s5], $0x80, v3, vm0, $0xb8;
	[tilespmem:$0x1C200] =	vst v63  }
0x8c9: {  	s17 =	simm.s32 $0x7A00  }
0x8ca: {  	[tilespmem:s17], [sflag:$0x2] =	stream.indirect_vreg.gather [hbm4b:s9+s5], $0x80, v3, vm0, $0xb8;
	[tilespmem:$0x1C200] =	vst v63  }
0x8cb: {  	_ =	swait.ge [sflag:s30], $0x4000  }
0x8cc: {  	[sflag:s30] =	ssyncset.done $0x0  }
0x8cd: {  	s11 =	simm.s32 $0x0;
	s12 =	simm.s32 $0x0;
	[sflag:s30] =	ssyncadd.s32 $0xFFFFC000  }
.LBB2_118:
0x8ce: {  	s13 =	sand.u32 $0x7, s11  }
0x8cf: {  	s13 =	sshll.u32 s13, $0x9  }
0x8d0: {  	s13 =	sshrl.u32 s13, $0x2  }
0x8d1: {  	v3 =	vmov s13;
	_ =	sdelay $0x2  }
0x8d2: {  	s14 =	sand.u32 $0x3FFFE000, s5  }
0x8d3: {  	s16 =	sadd.s32 $0x18240, s14  }
0x8d4: {  	v4 =	vld.idx.msk [tilespmem:v3+s16+$0x30 ss:$0x1], $0xffff  }
0x8d5: {  	v5 =	vld.idx.msk [tilespmem:v3+s16+$0xFFFFFFD0 ss:$0x1], $0xffff  }
0x8d6: {  	v6 =	vld.idx.msk [tilespmem:v3+s16+$0xFFFFFFE0 ss:$0x1], $0xffff  }
0x8d7: {  	v7 =	vld.idx.msk [tilespmem:v3+s16+$0xFFFFFFF0 ss:$0x1], $0xffff  }
0x8d8: {  	v8 =	vld.idx.msk [tilespmem:v3+s16+$0x0 ss:$0x1], $0xffff  }
0x8d9: {  	s14 =	sadd.s32 $0x10200, s14;
	v9 =	vld.idx.msk [tilespmem:v3+s16+$0x10 ss:$0x1], $0xffff  }
0x8da: {  	s17 =	sadd.s32 s13, s14;
	v10 =	vld.idx.msk [tilespmem:v3+s16+$0xFFFFFFC0 ss:$0x1], $0xffff  }
0x8db: {  	[tilespmem:s17+$0x70] =	vst.add.f32.msk $0xffff, v4  }
0x8dc: {  	v4 =	vld.idx.msk [tilespmem:v3+s16+$0x20 ss:$0x1], $0xffff  }
0x8dd: {  	[tilespmem:s17+$0x10] =	vst.add.f32.msk $0xffff, v5  }
0x8de: {  	[tilespmem:s17+$0x20] =	vst.add.f32.msk $0xffff, v6  }
0x8df: {  	[tilespmem:s17+$0x30] =	vst.add.f32.msk $0xffff, v7  }
0x8e0: {  	[tilespmem:s17+$0x40] =	vst.add.f32.msk $0xffff, v8  }
0x8e1: {  	[tilespmem:s17+$0x50] =	vst.add.f32.msk $0xffff, v9  }
0x8e2: {  	[tilespmem:s17+$0x0] =	vst.add.f32.msk $0xffff, v10  }
0x8e3: {  	s15 =	simm.s32 $0x0;
	s16 =	sadd.s32 $0x400, s16;
	[tilespmem:s17+$0x60] =	vst.add.f32.msk $0xffff, v4  }
.LBB2_119:
0x8e4: {  	v4 =	vld.idx.msk [tilespmem:v3+s16+$0x30 ss:$0x1], $0xffff;
	s15 =	sadd.s32 $0x8, s15  }
0x8e5: {  	v5 =	vld.idx.msk [tilespmem:v3+s16+$0xFFFFFFD0 ss:$0x1], $0xffff;
	p0 =	slt.u32 s15, $0x38  }
0x8e6: {  	v6 =	vld.idx.msk [tilespmem:v3+s16+$0xFFFFFFE0 ss:$0x1], $0xffff  }
0x8e7: {  	v7 =	vld.idx.msk [tilespmem:v3+s16+$0xFFFFFFF0 ss:$0x1], $0xffff  }
0x8e8: {  	s14 =	sadd.s32 $0x400, s14;
	v8 =	vld.idx.msk [tilespmem:v3+s16+$0x0 ss:$0x1], $0xffff  }
0x8e9: {  	s17 =	sadd.s32 s13, s14;
	v9 =	vld.idx.msk [tilespmem:v3+s16+$0x10 ss:$0x1], $0xffff  }
0x8ea: {  	[tilespmem:s17+$0x70] =	vst.add.f32.msk $0xffff, v4  }
0x8eb: {  	v4 =	vld.idx.msk [tilespmem:v3+s16+$0x20 ss:$0x1], $0xffff  }
0x8ec: {  	v10 =	vld.idx.msk [tilespmem:v3+s16+$0xFFFFFFC0 ss:$0x1], $0xffff  }
0x8ed: {  	[tilespmem:s17+$0x10] =	vst.add.f32.msk $0xffff, v5  }
0x8ee: {  	[tilespmem:s17+$0x20] =	vst.add.f32.msk $0xffff, v6  }
.Ltmp58:
0x8ef: {  	[tilespmem:s17+$0x30] =	vst.add.f32.msk $0xffff, v7;
	(pc) =	sbr.rel @p0 .LBB2_119-.Ltmp58, $4  }
0x8f0: {  	[tilespmem:s17+$0x40] =	vst.add.f32.msk $0xffff, v8  }
0x8f1: {  	[tilespmem:s17+$0x50] =	vst.add.f32.msk $0xffff, v9  }
0x8f2: {  	[tilespmem:s17+$0x0] =	vst.add.f32.msk $0xffff, v10  }
0x8f3: {  	s16 =	sadd.s32 $0x400, s16;
	[tilespmem:s17+$0x60] =	vst.add.f32.msk $0xffff, v4  }
0x8f4: {  	s12 =	sadd.s32 $0x1, s12  }
0x8f5: {  	p0 =	sne.s32 s12, $0x10  }
.Ltmp59:
0x8f6: {  	_ = 	snop;
	(pc) =	sbr.rel @p0 .LBB2_118-.Ltmp59, $2  }
0x8f7: {  	_ =	sdelay $0x2  }
0x8f8: {  	s11 =	sadd.s32 $0x1, s11;
	s5 =	sadd.s32 $0x400, s5  }
0x8f9: {  	s11 =	sld [smem:$0x7FB];
	_ =	sdelay $0x1  }
0x8fa: {  	s5 =	simm.s32 $0x0  }
0x8fb: {  	[hbm4b:s11+s5] =	stream.linear.scatter [tilespmem:s22], [sflag:$0xA], $0x4000, $0x38;
	[tilespmem:$0x1C200] =	vst v63  }
0x8fc: {  	_ =	swait.ge [sflag:s26], $0x4000  }
0x8fd: {  	[sflag:s26] =	ssyncset.done $0x0  }
0x8fe: {  	s12 =	simm.s32 $0x0;
	s11 =	simm.s32 $0x0;
	[sflag:s26] =	ssyncadd.s32 $0xFFFFC000  }
.LBB2_122:
0x8ff: {  	s13 =	sand.u32 $0x7, s11  }
0x900: {  	s13 =	sshll.u32 s13, $0x9  }
0x901: {  	s13 =	sshrl.u32 s13, $0x2  }
0x902: {  	v3 =	vmov s13;
	_ =	sdelay $0x2  }
0x903: {  	s14 =	sand.u32 $0x3FFFE000, s5  }
0x904: {  	s16 =	sadd.s32 $0x18240, s14  }
0x905: {  	v4 =	vld.idx.msk [tilespmem:v3+s16+$0x30 ss:$0x1], $0xffff  }
0x906: {  	v5 =	vld.idx.msk [tilespmem:v3+s16+$0xFFFFFFD0 ss:$0x1], $0xffff  }
0x907: {  	v6 =	vld.idx.msk [tilespmem:v3+s16+$0xFFFFFFE0 ss:$0x1], $0xffff  }
0x908: {  	v7 =	vld.idx.msk [tilespmem:v3+s16+$0xFFFFFFF0 ss:$0x1], $0xffff  }
0x909: {  	v8 =	vld.idx.msk [tilespmem:v3+s16+$0x0 ss:$0x1], $0xffff  }
0x90a: {  	s14 =	sor.u32 $0x200, s14;
	v9 =	vld.idx.msk [tilespmem:v3+s16+$0x10 ss:$0x1], $0xffff  }
0x90b: {  	s17 =	sadd.s32 s13, s14;
	v10 =	vld.idx.msk [tilespmem:v3+s16+$0xFFFFFFC0 ss:$0x1], $0xffff  }
0x90c: {  	[tilespmem:s17+$0x70] =	vst.add.f32.msk $0xffff, v4  }
0x90d: {  	v4 =	vld.idx.msk [tilespmem:v3+s16+$0x20 ss:$0x1], $0xffff  }
0x90e: {  	[tilespmem:s17+$0x10] =	vst.add.f32.msk $0xffff, v5  }
0x90f: {  	[tilespmem:s17+$0x20] =	vst.add.f32.msk $0xffff, v6  }
0x910: {  	[tilespmem:s17+$0x30] =	vst.add.f32.msk $0xffff, v7  }
0x911: {  	[tilespmem:s17+$0x40] =	vst.add.f32.msk $0xffff, v8  }
0x912: {  	[tilespmem:s17+$0x50] =	vst.add.f32.msk $0xffff, v9  }
0x913: {  	[tilespmem:s17+$0x0] =	vst.add.f32.msk $0xffff, v10  }
0x914: {  	s15 =	simm.s32 $0x0;
	s16 =	sadd.s32 $0x400, s16;
	[tilespmem:s17+$0x60] =	vst.add.f32.msk $0xffff, v4  }
.LBB2_123:
0x915: {  	v4 =	vld.idx.msk [tilespmem:v3+s16+$0x30 ss:$0x1], $0xffff;
	s15 =	sadd.s32 $0x8, s15  }
0x916: {  	v5 =	vld.idx.msk [tilespmem:v3+s16+$0xFFFFFFD0 ss:$0x1], $0xffff;
	p0 =	slt.u32 s15, $0x38  }
0x917: {  	v6 =	vld.idx.msk [tilespmem:v3+s16+$0xFFFFFFE0 ss:$0x1], $0xffff  }
0x918: {  	v7 =	vld.idx.msk [tilespmem:v3+s16+$0xFFFFFFF0 ss:$0x1], $0xffff  }
0x919: {  	s14 =	sadd.s32 $0x400, s14;
	v8 =	vld.idx.msk [tilespmem:v3+s16+$0x0 ss:$0x1], $0xffff  }
0x91a: {  	s17 =	sadd.s32 s13, s14;
	v9 =	vld.idx.msk [tilespmem:v3+s16+$0x10 ss:$0x1], $0xffff  }
0x91b: {  	[tilespmem:s17+$0x70] =	vst.add.f32.msk $0xffff, v4  }
0x91c: {  	v4 =	vld.idx.msk [tilespmem:v3+s16+$0x20 ss:$0x1], $0xffff  }
0x91d: {  	v10 =	vld.idx.msk [tilespmem:v3+s16+$0xFFFFFFC0 ss:$0x1], $0xffff  }
0x91e: {  	[tilespmem:s17+$0x10] =	vst.add.f32.msk $0xffff, v5  }
0x91f: {  	[tilespmem:s17+$0x20] =	vst.add.f32.msk $0xffff, v6  }
.Ltmp60:
0x920: {  	[tilespmem:s17+$0x30] =	vst.add.f32.msk $0xffff, v7;
	(pc) =	sbr.rel @p0 .LBB2_123-.Ltmp60, $4  }
0x921: {  	[tilespmem:s17+$0x40] =	vst.add.f32.msk $0xffff, v8  }
0x922: {  	[tilespmem:s17+$0x50] =	vst.add.f32.msk $0xffff, v9  }
0x923: {  	[tilespmem:s17+$0x0] =	vst.add.f32.msk $0xffff, v10  }
0x924: {  	s16 =	sadd.s32 $0x400, s16;
	[tilespmem:s17+$0x60] =	vst.add.f32.msk $0xffff, v4  }
0x925: {  	s12 =	sadd.s32 $0x1, s12  }
0x926: {  	p0 =	sne.s32 s12, $0x10  }
.Ltmp61:
0x927: {  	_ = 	snop;
	(pc) =	sbr.rel @p0 .LBB2_122-.Ltmp61, $2  }
0x928: {  	_ =	sdelay $0x2  }
0x929: {  	s11 =	sadd.s32 $0x1, s11;
	s5 =	sadd.s32 $0x400, s5  }
0x92a: {  	s11 =	sld [smem:$0x7FC];
	_ =	sdelay $0x1  }
0x92b: {  	s5 =	simm.s32 $0x0  }
0x92c: {  	[hbm4b:s11+s5] =	stream.linear.scatter [tilespmem:s28], [sflag:$0x6], $0x4000, $0x38;
	[tilespmem:$0x1C200] =	vst v63  }
0x92d: {  	_ =	swait.ge [sflag:s21], $0x4000  }
0x92e: {  	[sflag:s21] =	ssyncset.done $0x0  }
0x92f: {  	s12 =	simm.s32 $0x0;
	s11 =	simm.s32 $0x0;
	[sflag:s21] =	ssyncadd.s32 $0xFFFFC000  }
.LBB2_126:
0x930: {  	s13 =	sand.u32 $0x7, s11  }
0x931: {  	s13 =	sshll.u32 s13, $0x9  }
0x932: {  	s13 =	sshrl.u32 s13, $0x2  }
0x933: {  	v3 =	vmov s13;
	_ =	sdelay $0x2  }
0x934: {  	s14 =	sand.u32 $0x3FFFE000, s5  }
0x935: {  	s16 =	sadd.s32 $0x18240, s14  }
0x936: {  	v4 =	vld.idx.msk [tilespmem:v3+s16+$0x30 ss:$0x1], $0xffff  }
0x937: {  	v5 =	vld.idx.msk [tilespmem:v3+s16+$0xFFFFFFD0 ss:$0x1], $0xffff  }
0x938: {  	v6 =	vld.idx.msk [tilespmem:v3+s16+$0xFFFFFFE0 ss:$0x1], $0xffff  }
0x939: {  	v7 =	vld.idx.msk [tilespmem:v3+s16+$0xFFFFFFF0 ss:$0x1], $0xffff  }
0x93a: {  	v8 =	vld.idx.msk [tilespmem:v3+s16+$0x0 ss:$0x1], $0xffff  }
0x93b: {  	s14 =	sadd.s32 $0x4200, s14;
	v9 =	vld.idx.msk [tilespmem:v3+s16+$0x10 ss:$0x1], $0xffff  }
0x93c: {  	s17 =	sadd.s32 s13, s14;
	v10 =	vld.idx.msk [tilespmem:v3+s16+$0xFFFFFFC0 ss:$0x1], $0xffff  }
0x93d: {  	[tilespmem:s17+$0x70] =	vst.add.f32.msk $0xffff, v4  }
0x93e: {  	v4 =	vld.idx.msk [tilespmem:v3+s16+$0x20 ss:$0x1], $0xffff  }
0x93f: {  	[tilespmem:s17+$0x10] =	vst.add.f32.msk $0xffff, v5  }
0x940: {  	[tilespmem:s17+$0x20] =	vst.add.f32.msk $0xffff, v6  }
0x941: {  	[tilespmem:s17+$0x30] =	vst.add.f32.msk $0xffff, v7  }
0x942: {  	[tilespmem:s17+$0x40] =	vst.add.f32.msk $0xffff, v8  }
0x943: {  	[tilespmem:s17+$0x50] =	vst.add.f32.msk $0xffff, v9  }
0x944: {  	[tilespmem:s17+$0x0] =	vst.add.f32.msk $0xffff, v10  }
0x945: {  	s15 =	simm.s32 $0x0;
	s16 =	sadd.s32 $0x400, s16;
	[tilespmem:s17+$0x60] =	vst.add.f32.msk $0xffff, v4  }
.LBB2_127:
0x946: {  	v4 =	vld.idx.msk [tilespmem:v3+s16+$0x30 ss:$0x1], $0xffff;
	s15 =	sadd.s32 $0x8, s15  }
0x947: {  	v5 =	vld.idx.msk [tilespmem:v3+s16+$0xFFFFFFD0 ss:$0x1], $0xffff;
	p0 =	slt.u32 s15, $0x38  }
0x948: {  	v6 =	vld.idx.msk [tilespmem:v3+s16+$0xFFFFFFE0 ss:$0x1], $0xffff  }
0x949: {  	v7 =	vld.idx.msk [tilespmem:v3+s16+$0xFFFFFFF0 ss:$0x1], $0xffff  }
0x94a: {  	s14 =	sadd.s32 $0x400, s14;
	v8 =	vld.idx.msk [tilespmem:v3+s16+$0x0 ss:$0x1], $0xffff  }
0x94b: {  	s17 =	sadd.s32 s13, s14;
	v9 =	vld.idx.msk [tilespmem:v3+s16+$0x10 ss:$0x1], $0xffff  }
0x94c: {  	[tilespmem:s17+$0x70] =	vst.add.f32.msk $0xffff, v4  }
0x94d: {  	v4 =	vld.idx.msk [tilespmem:v3+s16+$0x20 ss:$0x1], $0xffff  }
0x94e: {  	v10 =	vld.idx.msk [tilespmem:v3+s16+$0xFFFFFFC0 ss:$0x1], $0xffff  }
0x94f: {  	[tilespmem:s17+$0x10] =	vst.add.f32.msk $0xffff, v5  }
0x950: {  	[tilespmem:s17+$0x20] =	vst.add.f32.msk $0xffff, v6  }
.Ltmp62:
0x951: {  	[tilespmem:s17+$0x30] =	vst.add.f32.msk $0xffff, v7;
	(pc) =	sbr.rel @p0 .LBB2_127-.Ltmp62, $4  }
0x952: {  	[tilespmem:s17+$0x40] =	vst.add.f32.msk $0xffff, v8  }
0x953: {  	[tilespmem:s17+$0x50] =	vst.add.f32.msk $0xffff, v9  }
0x954: {  	[tilespmem:s17+$0x0] =	vst.add.f32.msk $0xffff, v10  }
0x955: {  	s16 =	sadd.s32 $0x400, s16;
	[tilespmem:s17+$0x60] =	vst.add.f32.msk $0xffff, v4  }
0x956: {  	s12 =	sadd.s32 $0x1, s12  }
0x957: {  	p0 =	sne.s32 s12, $0x10  }
.Ltmp63:
0x958: {  	_ = 	snop;
	(pc) =	sbr.rel @p0 .LBB2_126-.Ltmp63, $2  }
0x959: {  	_ =	sdelay $0x2  }
0x95a: {  	s11 =	sadd.s32 $0x1, s11;
	s5 =	sadd.s32 $0x400, s5  }
0x95b: {  	s5 =	sld [smem:$0x7FD];
	_ =	sdelay $0x2  }
0x95c: {  	[hbm4b:s5+s3] =	stream.linear.scatter [tilespmem:s6], [sflag:$0x7], $0x4000, $0x38;
	[tilespmem:$0x1C200] =	vst v63  }
0x95d: {  	_ =	swait.ge [sflag:s31], $0x4000  }
0x95e: {  	[sflag:s31] =	ssyncset.done $0x0  }
0x95f: {  	[sflag:s31] =	ssyncadd.s32 $0xFFFFC000  }
0x960: {  	_ =	swait.ge [sflag:s0], $0x4000  }
0x961: {  	[sflag:s0] =	ssyncset.done $0x0  }
0x962: {  	[sflag:s0] =	ssyncadd.s32 $0xFFFFC000  }
0x963: {  	_ =	swait.ge [sflag:s2], $0x4000  }
0x964: {  	[sflag:s2] =	ssyncset.done $0x0  }
0x965: {  	[sflag:s2] =	ssyncadd.s32 $0xFFFFC000  }
0x966: {  	_ =	swait.ge [sflag:s23], $0x4000  }
0x967: {  	[sflag:s23] =	ssyncset.done $0x0  }
0x968: {  	[sflag:s23] =	ssyncadd.s32 $0xFFFFC000  }
0x969: {  	_ =	swait.ge [sflag:s10], $0x4000  }
0x96a: {  	s4 =	sadd.s32 $0x1, s4;
	s17 =	rddreg [dreg:$0x17]  }
0x96b: {  	p0 =	sne.s32 s4, s17  }
.Ltmp64:
0x96c: {  	_ = 	snop;
	(pc) =	sbr.rel @p0 .LBB2_1-.Ltmp64, $3  }
0x96d: {  	_ =	sdelay $0x1  }
0x96e: {  	[sflag:s10] =	ssyncset.done $0x0  }
0x96f: {  	[sflag:s10] =	ssyncadd.s32 $0xFFFFC000  }
0x970: {  	_ =	sfence.sel $0x180000  }
0x971: {  	[bflag:$0x0] =	sbarrier.arrive $0xFFFF  }
0x972: {  	_ =	strace $0x90000047  }
0x973: {  	s0 =	stileid.u32;
	[bflag:$0x2] =	sbarrier.arrive $0xFFFF  }
0x974: {  	p0 =	sne.s32 s0, $0x0;
	s0 =	rddreg [dreg:$0x4]  }
0x975: {  	s0 =	sadd.s32 @!p0 $0x100000, s0  }
0x976: {  	[sflag:s0] =	ssyncadd.tile.s32 @!p0 $0x1;
	_ =	shalt  }
.Lfunc_end2:
_tile_overlayer_lowered:
.L_overlay_start_2:
0x977: {  	(tag) =	ssettag $0x2  }
0x978: {  	s0 =	rddreg [dreg:$0x0];
	s2 =	stileid.u32  }
0x979: {  	s1 =	rddreg [dreg:$0x1];
	p0 =	sne.s32 s2, $0x0  }
0x97a: {  	s3 =	rddreg [dreg:$0x2];
	[bflag:$0x3] =	sbarrier.arrive $0xFFFF;
	s2 =	simm.s32 @!p0 $0x1C0D  }
0x97b: {  	[timem:s3], [sflag:s2] =	dma.local @!p0 [hbm:s0], s1  }
0x97c: {  	s0 =	simm.s32 @!p0 $0xD  }
0x97d: {  	_ =	swait.ge @!p0 [sflag:s0], s1  }
0x97e: {  	s1 =	ssub.s32 @!p0 $0x0, s1;
	[sflag:s0] =	ssyncset.done @!p0 $0x0  }
0x97f: {  	[sflag:s0] =	ssyncadd.s32 @!p0 s1  }
0x980: {  	[bflag:$0x3] =	sbarrier.arrive $0xFFFF  }
0x981: {  	_ =	shalt  }

</sc_bundles>
